<compile_context>
chip_gen: v7x
topology: tpu7x:2x2x1
jax: 0.10.2.dev20260603
libtpu: 0.0.44.dev20260713+nightly
codegen_flags: <defaults>
</compile_context>

<pallas_src>
import functools

import jax
import jax.numpy as jnp
from jax import lax
from jax.experimental import pallas as pl
from jax.experimental.pallas import tpu as pltpu
from jax.experimental.pallas import tpu_sc as plsc

N_CIRC = 271
N_DRUG = 218
N_NODES = 489
N_EDGES = 20000
N_PAIRS = 59078

E_PAD = 20480
P_PAD = 59392
C_PAD = 272
D_PAD = 224
CB = 8
N_CBLK = C_PAD // CB
ROWS_BLK = CB * D_PAD


def _mm(a, b):
    return jax.lax.dot_general(a, b, (((1,), (0,)), ((), ())),
                               preferred_element_type=jnp.float32)


def _mega_kernel(nodes_ref, cnt_ref, wrow_ref,
                 bn0g_ref, bn0b_ref, ln0g_ref, ln0b_ref,
                 W1_ref, as1_ref, ad1T_ref, b1_ref,
                 W2_ref, as2_ref, ad2T_ref, b2_ref,
                 bn1g_ref, bn1b_ref, ln1g_ref, ln1b_ref,
                 Wd0a_ref, Wd0b_ref, bd0_ref,
                 Wd1_ref, bd1_ref, g1_ref, bb1_ref,
                 g2_ref, bb2_ref, woutT_ref, bout_ref,
                 R_ref, a_scr, b_scr, r2_scr):
    f32 = jnp.float32
    nodes = nodes_ref[...]
    m = jnp.mean(nodes, axis=0, keepdims=True)
    xc = nodes - m
    v = jnp.mean(xc * xc, axis=0, keepdims=True)
    nodes = xc / jnp.sqrt(v + 1e-5) * bn0g_ref[...] + bn0b_ref[...]
    mr = jnp.mean(nodes, axis=1, keepdims=True)
    xr = nodes - mr
    vr = jnp.mean(xr * xr, axis=1, keepdims=True)
    nodes = xr / jnp.sqrt(vr + 1e-5) * ln0g_ref[...] + ln0b_ref[...]

    ii = lax.broadcasted_iota(jnp.int32, (N_NODES, N_NODES), 0)
    jj = lax.broadcasted_iota(jnp.int32, (N_NODES, N_NODES), 1)
    cv = cnt_ref[...]
    Cnt = cv[0, :, :N_NODES] + cv[1, :, :N_NODES] + (ii == jj).astype(f32)
    mask = Cnt > 0.0

    def gat(x, W_ref_, as_ref_, adT_ref_, b_ref_, heads, out_ch):
        h = _mm(x, W_ref_[...])
        outs = []
        for hh in range(heads):
            hv = h[:, hh * out_ch:(hh + 1) * out_ch]
            hvT = hv.T
            as_row = _mm(as_ref_[hh:hh + 1, :], hvT)
            ad_col = _mm(hv, adT_ref_[:, hh:hh + 1])
            E = ad_col + as_row
            E = jnp.where(E >= 0.0, E, 0.2 * E)
            emax = jnp.max(jnp.where(mask, E, -jnp.inf), axis=1, keepdims=True)
            ex = jnp.where(mask, jnp.exp(E - emax), 0.0)
            exC = Cnt * ex
            den = jnp.sum(exC, axis=1, keepdims=True)
            Wt = exC / (den + 1e-16)
            outs.append(_mm(Wt, hv))
        o = outs[0] if heads == 1 else jnp.concatenate(outs, axis=1)
        return o + b_ref_[...]

    x1 = jax.nn.relu(gat(nodes, W1_ref, as1_ref, ad1T_ref, b1_ref, 8, 64))
    x2 = jax.nn.relu(gat(x1, W2_ref, as2_ref, ad2T_ref, b2_ref, 1, 256))

    m2 = jnp.mean(x2, axis=0, keepdims=True)
    xc2 = x2 - m2
    v2 = jnp.mean(xc2 * xc2, axis=0, keepdims=True)
    x2 = xc2 / jnp.sqrt(v2 + 1e-5) * bn1g_ref[...] + bn1b_ref[...]
    mr2 = jnp.mean(x2, axis=1, keepdims=True)
    xr2 = x2 - mr2
    vr2 = jnp.mean(xr2 * xr2, axis=1, keepdims=True)
    x = xr2 / jnp.sqrt(vr2 + 1e-5) * ln1g_ref[...] + ln1b_ref[...]

    zc = jnp.zeros((C_PAD - N_CIRC, 256), f32)
    zd = jnp.zeros((D_PAD - N_DRUG, 256), f32)
    xc_pad = jnp.concatenate([x[:N_CIRC], zc], axis=0)
    xd_pad = jnp.concatenate([x[N_CIRC:], zd], axis=0)
    bf16 = jnp.bfloat16
    a_scr[...] = _mm(xc_pad, Wd0a_ref[...]) + bd0_ref[...]
    b_scr[...] = _mm(xd_pad, Wd0b_ref[...])

    def blk(i):
        c0 = pl.multiple_of(i * CB, CB)
        r0 = pl.multiple_of(i * ROWS_BLK, ROWS_BLK)
        z = a_scr[pl.ds(c0, CB), :][:, None, :] + b_scr[...][None, :, :]
        wr = (wrow_ref[0:1, pl.ds(r0, ROWS_BLK)]
              + wrow_ref[1:2, pl.ds(r0, ROWS_BLK)])
        return z, wr, r0

    def s1_body(i, carry):
        su, sq = carry
        z, wr, _ = blk(i)
        r = jnp.maximum(z, 0.0).reshape(ROWS_BLK, 512)
        return su + _mm(wr, r), sq + _mm(wr, r * r)

    zr = jnp.zeros((1, 512), f32)
    sum1, sq1 = lax.fori_loop(0, N_CBLK, s1_body, (zr, zr))
    m1 = sum1 / N_PAIRS
    v1 = sq1 / N_PAIRS - m1 * m1
    s1 = g1_ref[...] / jnp.sqrt(v1 + 1e-5)
    t1 = bb1_ref[...] - m1 * s1
    st = jnp.concatenate([s1, t1, s1, s1, s1, s1, s1, s1], axis=0)
    s1_col = st.T[:, 0:1]
    W1s = (s1_col * Wd1_ref[...]).astype(bf16)
    c1 = _mm(t1, Wd1_ref[...]) + bd1_ref[...]

    def s2_body(i, carry):
        su, sq = carry
        z, wr, r0 = blk(i)
        yb = jnp.maximum(z, 0.0).astype(bf16).reshape(ROWS_BLK, 512)
        h2 = _mm(yb, W1s) + c1
        r2 = jnp.maximum(h2, 0.0)
        r2_scr[pl.ds(r0, ROWS_BLK), :] = r2.astype(bf16)
        return su + _mm(wr, r2), sq + _mm(wr, r2 * r2)

    zr2 = jnp.zeros((1, 128), f32)
    sum2, sq2 = lax.fori_loop(0, N_CBLK, s2_body, (zr2, zr2))
    m2 = sum2 / N_PAIRS
    v2 = sq2 / N_PAIRS - m2 * m2
    s2 = g2_ref[...] / jnp.sqrt(v2 + 1e-5)
    t2 = bb2_ref[...] - m2 * s2
    wv = s2 * woutT_ref[...]
    const = jnp.sum(t2 * woutT_ref[...], axis=1, keepdims=True) + bout_ref[...]
    def out_body(i, carry):
        c0 = pl.multiple_of(i * CB, CB)
        r0 = pl.multiple_of(i * ROWS_BLK, ROWS_BLK)
        r3 = r2_scr[pl.ds(r0, ROWS_BLK), :].astype(f32).reshape(CB, D_PAD, 128)
        logit = jnp.sum(r3 * wv[None, :, :], axis=-1) + const
        R_ref[pl.ds(c0, CB), :] = 1.0 / (1.0 + jnp.exp(-logit))
        return carry

    lax.fori_loop(0, N_CBLK, out_body, 0)


SC_NC = 2
SC_NS = 16
SC_NW = SC_NC * SC_NS
SC_BPW = P_PAD // SC_NW

CNT_N = N_NODES * 512
CNT_CH = CNT_N // SC_NS
W_N = C_PAD * D_PAD + 256
W_CH = W_N // SC_NS
PH_PAD = 61440
E_ROWS = E_PAD // 128 // SC_NW
P_ROWS = PH_PAD // 128 // SC_NW


def _sc_hist_body(src_hbm, dst_hbm, ciw_hbm, dikw_hbm,
                  cnt_hbm, w_hbm, es_v, ed_v, pc_v, pd_v, e2_v, p2_v, ones_v,
                  zb_v, sem, cnt_sh, w_sh):
    cid = lax.axis_index("c")
    sid = lax.axis_index("s")
    wid = sid * SC_NC + cid
    ne = E_ROWS * 128
    np_ = P_ROWS * 128
    pltpu.sync_copy(src_hbm.at[pl.ds(wid * ne, ne)], es_v)
    pltpu.sync_copy(dst_hbm.at[pl.ds(wid * ne, ne)], ed_v)
    pltpu.sync_copy(ciw_hbm.at[pl.ds(wid * np_, np_)], pc_v)
    pltpu.sync_copy(dikw_hbm.at[pl.ds(wid * np_, np_)], pd_v)
    for k in range(8):
        ones_v[pl.ds(k * 16, 16)] = jnp.ones((16,), jnp.float32)

    def zbody(i, c):
        zb_v[pl.ds(i * 16, 16)] = jnp.zeros((16,), jnp.float32)
        return c

    lax.fori_loop(0, (CNT_CH // 2) // 16, zbody, 0)
    pltpu.sync_copy(zb_v, cnt_sh.at[pl.ds(sid * CNT_CH, CNT_CH // 2)])
    pltpu.sync_copy(zb_v, cnt_sh.at[pl.ds(sid * CNT_CH + CNT_CH // 2,
                                          CNT_CH // 2)])
    pltpu.sync_copy(zb_v.at[pl.ds(0, W_CH)],
                    w_sh.at[pl.ds(sid * W_CH, W_CH)])
    for j in range(E_ROWS):
        for k in range(8):
            s = pl.ds(j * 128 + k * 16, 16)
            e2_v[j, pl.ds(k * 16, 16)] = ed_v[s] * 512 + es_v[s]
    for j in range(P_ROWS):
        for k in range(8):
            s = pl.ds(j * 128 + k * 16, 16)
            p2_v[j, pl.ds(k * 16, 16)] = pc_v[s] * D_PAD + pd_v[s]
    plsc.subcore_barrier()
    copies = []
    for j in range(E_ROWS):
        copies.append(pltpu.async_copy(ones_v, cnt_sh.at[e2_v.at[j]], sem,
                                       add=True))
    for j in range(P_ROWS):
        copies.append(pltpu.async_copy(ones_v, w_sh.at[p2_v.at[j]], sem,
                                       add=True))
    for c in copies:
        c.wait()
    plsc.subcore_barrier()
    half = CNT_CH // 2
    base = cid * CNT_N + sid * CNT_CH
    for part in range(2):
        off = sid * CNT_CH + part * half
        pltpu.sync_copy(cnt_sh.at[pl.ds(off, half)], zb_v)
        pltpu.sync_copy(zb_v, cnt_hbm.at[pl.ds(base + part * half, half)])
    pltpu.sync_copy(w_sh.at[pl.ds(sid * W_CH, W_CH)],
                    zb_v.at[pl.ds(0, W_CH)])
    pltpu.sync_copy(zb_v.at[pl.ds(0, W_CH)],
                    w_hbm.at[pl.ds(cid * W_N + sid * W_CH, W_CH)])


def _sc_gather_body(ci_hbm, dik_hbm, R_hbm, out_hbm, idx_v, dik_v, rows_v, sem):
    wid = lax.axis_index("s") * SC_NC + lax.axis_index("c")
    base = wid * SC_BPW
    pltpu.sync_copy(ci_hbm.at[pl.ds(base, SC_BPW)], idx_v)
    pltpu.sync_copy(dik_hbm.at[pl.ds(base, SC_BPW)], dik_v)

    def body(i, carry):
        s = pl.ds(i * 16, 16)
        idx_v[s] = idx_v[s] * D_PAD + dik_v[s]
        return carry

    lax.fori_loop(0, SC_BPW // 16, body, 0)
    pltpu.async_copy(R_hbm.at[idx_v], rows_v, sem).wait()
    pltpu.sync_copy(rows_v, out_hbm.at[pl.ds(base, SC_BPW)])


def kernel(epoch, CircRNAs, Drugs, edge_index, circRNA_index, drug_index,
           edge_weight, drugdata, params):
    p = params
    f32 = jnp.float32
    i32 = jnp.int32

    nodes_raw = jnp.concatenate([CircRNAs[:, :N_NODES], Drugs[:, :N_NODES]], axis=0)
    srce = jnp.pad(edge_index[0].astype(i32), (0, E_PAD - N_EDGES),
                   constant_values=500)
    dste = jnp.pad(edge_index[1].astype(i32), (0, E_PAD - N_EDGES))
    ph = PH_PAD - N_PAIRS
    ciw = jnp.concatenate([circRNA_index.astype(i32),
                           jnp.full((ph,), C_PAD, i32)])
    dikw = jnp.concatenate([drug_index.astype(i32) - N_CIRC,
                            jnp.arange(ph, dtype=i32) % 128])

    cnt_flat, w_flat = pl.kernel(
        _sc_hist_body,
        out_type=[jax.ShapeDtypeStruct((SC_NC * CNT_N,), f32),
                  jax.ShapeDtypeStruct((SC_NC * W_N,), f32)],
        mesh=plsc.VectorSubcoreMesh(core_axis_name="c", subcore_axis_name="s",
                                    num_cores=SC_NC, num_subcores=SC_NS),
        scratch_types=[
            pltpu.VMEM((E_ROWS * 128,), i32),
            pltpu.VMEM((E_ROWS * 128,), i32),
            pltpu.VMEM((P_ROWS * 128,), i32),
            pltpu.VMEM((P_ROWS * 128,), i32),
            pltpu.VMEM((E_ROWS, 128), i32),
            pltpu.VMEM((P_ROWS, 128), i32),
            pltpu.VMEM((128,), f32),
            pltpu.VMEM((CNT_CH // 2,), f32),
            pltpu.SemaphoreType.DMA,
            pltpu.VMEM_SHARED((CNT_N,), f32),
            pltpu.VMEM_SHARED((W_N,), f32),
        ],
    )(srce, dste, ciw, dikw)

    cnt2d = cnt_flat.reshape(SC_NC, N_NODES, 512)
    wrow = jnp.stack([w_flat[:C_PAD * D_PAD],
                      w_flat[W_N:W_N + C_PAD * D_PAD]])

    row = lambda a: a.reshape(1, -1).astype(f32)

    R = pl.pallas_call(
        _mega_kernel,
        out_shape=jax.ShapeDtypeStruct((C_PAD, D_PAD), f32),
        scratch_shapes=[
            pltpu.VMEM((C_PAD, 512), f32),
            pltpu.VMEM((D_PAD, 512), f32),
            pltpu.VMEM((C_PAD * D_PAD, 128), jnp.bfloat16),
        ],
    )(nodes_raw, cnt2d, wrow,
      row(p["bn0_g"]), row(p["bn0_b"]), row(p["ln0_g"]), row(p["ln0_b"]),
      p["W1"], p["a_src1"], p["a_dst1"].T, row(p["b1"]),
      p["W2"], p["a_src2"], p["a_dst2"].T, row(p["b2"]),
      row(p["bn1_g"]), row(p["bn1_b"]), row(p["ln1_g"]), row(p["ln1_b"]),
      p["Wd0"][:256], p["Wd0"][256:], row(p["bd0"]),
      p["Wd1"], row(p["bd1"]), row(p["bnd0_g"]), row(p["bnd0_b"]),
      row(p["bnd1_g"]), row(p["bnd1_b"]), p["Wout"].T, p["bout"].reshape(1, 1))

    ci_sc = jnp.pad(circRNA_index.astype(i32), (0, P_PAD - N_PAIRS))
    dik_sc = jnp.pad(drug_index.astype(i32), (0, P_PAD - N_PAIRS),
                     constant_values=N_CIRC) - N_CIRC
    out1d = pl.kernel(
        _sc_gather_body,
        out_type=jax.ShapeDtypeStruct((P_PAD,), f32),
        mesh=plsc.VectorSubcoreMesh(core_axis_name="c", subcore_axis_name="s",
                                    num_cores=SC_NC, num_subcores=SC_NS),
        scratch_types=[
            pltpu.VMEM((SC_BPW,), i32),
            pltpu.VMEM((SC_BPW,), i32),
            pltpu.VMEM((SC_BPW,), f32),
            pltpu.SemaphoreType.DMA,
        ],
    )(ci_sc, dik_sc, R.reshape(-1))

    return out1d[:N_PAIRS]

# --- scband reference (transcript-rebuilt; emitter-appended) ---
"""Pipeline reference for scband-dti-graph-71451075936457 (READ-ONLY COPY).

The authoritative reference and input builder live on the scoring server;
editing this copy changes nothing except your own understanding.
"""

import jax, jax.numpy as jnp
import numpy as np

N_CIRC = 271
N_DRUG = 218
N_NODES = 489
N_EDGES = 20000
N_PAIRS = 59078


def _leaky_relu(x, s):
    return jnp.where(x >= 0, x, s * x)


def _batch_norm(x, g, b):
    m = x.mean(axis=0)
    v = x.var(axis=0)
    return (x - m) / jnp.sqrt(v + 1e-5) * g + b


def _layer_norm(x, g, b):
    m = x.mean(axis=-1, keepdims=True)
    v = x.var(axis=-1, keepdims=True)
    return (x - m) / jnp.sqrt(v + 1e-5) * g + b


def _gat_conv(x, src, dst, W, a_src, a_dst, bias, heads, out_ch, concat, neg):
    N = x.shape[0]
    h = (x @ W).reshape(N, heads, out_ch)
    e = _leaky_relu((h * a_src).sum(-1)[src] + (h * a_dst).sum(-1)[dst], neg)
    emax = jax.ops.segment_max(e, dst, num_segments=N)
    ex = jnp.exp(e - emax[dst])
    den = jax.ops.segment_sum(ex, dst, num_segments=N)
    alpha = ex / (den[dst] + 1e-16)
    out = jax.ops.segment_sum(h[src] * alpha[:, :, None], dst, num_segments=N)
    out = out.reshape(N, heads * out_ch) if concat else out.mean(axis=1)
    return out + bias


def _forward(CircRNAs, Drugs, edge_weight, drugdata, params, edge_index, circRNA_index, drug_index):
    p = params
    D = Drugs[:, :489]
    C = CircRNAs[:, :489]
    # smiles_gcn acts as identity passthrough on drug features (drugdata unused)
    nodes = jnp.concatenate([C, D], axis=0)
    nodes = _batch_norm(nodes, p["bn0_g"], p["bn0_b"])
    nodes = _layer_norm(nodes, p["ln0_g"], p["ln0_b"])
    N = nodes.shape[0]
    loop = jnp.arange(N, dtype=edge_index.dtype)
    src = jnp.concatenate([edge_index[0], loop])
    dst = jnp.concatenate([edge_index[1], loop])
    x = jax.nn.relu(_gat_conv(nodes, src, dst, p["W1"], p["a_src1"], p["a_dst1"], p["b1"], 8, 64, True, 0.2))
    x = jax.nn.relu(_gat_conv(x, src, dst, p["W2"], p["a_src2"], p["a_dst2"], p["b2"], 1, 256, False, 0.2))
    x = _batch_norm(x, p["bn1_g"], p["bn1_b"])
    x = _layer_norm(x, p["ln1_g"], p["ln1_b"])
    pf = x[circRNA_index]
    df = x[drug_index]
    pf_ori = C[circRNA_index]  # computed in original decoder but unused
    df_ori = D[drug_index - 271]  # computed in original decoder but unused
    pair = jnp.concatenate([pf, df], axis=1)
    pair = _batch_norm(jax.nn.relu(pair @ p["Wd0"] + p["bd0"]), p["bnd0_g"], p["bnd0_b"])
    pair = _batch_norm(jax.nn.relu(pair @ p["Wd1"] + p["bd1"]), p["bnd1_g"], p["bnd1_b"])
    out = jax.nn.sigmoid(pair @ p["Wout"] + p["bout"])
    return out.reshape(-1)


def setup_inputs(seed: int = 0) -> dict:
    key = jax.random.key(seed)
    ks = jax.random.split(key, 16)
    CircRNAs = jax.random.normal(ks[0], (N_CIRC, 489), dtype=jnp.float32)
    Drugs = jax.random.normal(ks[1], (N_DRUG, 489), dtype=jnp.float32)
    edge_index = jax.random.randint(ks[2], (2, N_EDGES), 0, N_NODES)
    circRNA_index = jax.random.randint(ks[3], (N_PAIRS,), 0, N_CIRC)
    drug_index = jax.random.randint(ks[4], (N_PAIRS,), 0, N_DRUG) + 271
    edge_weight = jax.random.uniform(ks[5], (N_EDGES,), dtype=jnp.float32)
    drugdata = jax.random.normal(ks[6], (N_DRUG, 64), dtype=jnp.float32)
    params = {
        "bn0_g": jnp.ones((489,), jnp.float32), "bn0_b": jnp.zeros((489,), jnp.float32),
        "ln0_g": jnp.ones((489,), jnp.float32), "ln0_b": jnp.zeros((489,), jnp.float32),
        "W1": jax.random.normal(ks[7], (489, 8 * 64), jnp.float32) * 0.05,
        "a_src1": jax.random.normal(ks[8], (8, 64), jnp.float32) * 0.05,
        "a_dst1": jax.random.normal(ks[9], (8, 64), jnp.float32) * 0.05,
        "b1": jnp.zeros((8 * 64,), jnp.float32),
        "W2": jax.random.normal(ks[10], (512, 256), jnp.float32) * 0.05,
        "a_src2": jax.random.normal(ks[11], (1, 256), jnp.float32) * 0.05,
        "a_dst2": jax.random.normal(ks[12], (1, 256), jnp.float32) * 0.05,
        "b2": jnp.zeros((256,), jnp.float32),
        "bn1_g": jnp.ones((256,), jnp.float32), "bn1_b": jnp.zeros((256,), jnp.float32),
        "ln1_g": jnp.ones((256,), jnp.float32), "ln1_b": jnp.zeros((256,), jnp.float32),
        "Wd0": jax.random.normal(ks[13], (512, 512), jnp.float32) * 0.05,
        "bd0": jnp.zeros((512,), jnp.float32),
        "bnd0_g": jnp.ones((512,), jnp.float32), "bnd0_b": jnp.zeros((512,), jnp.float32),
        "Wd1": jax.random.normal(ks[14], (512, 128), jnp.float32) * 0.05,
        "bd1": jnp.zeros((128,), jnp.float32),
        "bnd1_g": jnp.ones((128,), jnp.float32), "bnd1_b": jnp.zeros((128,), jnp.float32),
        "Wout": jax.random.normal(ks[15], (128, 1), jnp.float32) * 0.05,
        "bout": jnp.zeros((1,), jnp.float32),
    }
    return {"epoch": 1, "CircRNAs": CircRNAs, "Drugs": Drugs, "edge_index": edge_index,
            "circRNA_index": circRNA_index, "drug_index": drug_index,
            "edge_weight": edge_weight, "drugdata": drugdata, "params": params}


def reference(epoch, CircRNAs, Drugs, edge_index, circRNA_index, drug_index, edge_weight, drugdata, params):
    return _forward(CircRNAs, Drugs, edge_weight, drugdata, params, edge_index, circRNA_index, drug_index)

if __name__ == "__main__":
    import jax
    _d = setup_inputs()
    print(jax.jit(kernel)(*tuple(_d.values())))

</pallas_src>

<mosaic_0001>
#map = affine_map<(d0, d1) -> (0)>
module attributes {stable_mosaic.version = 14 : i64} {
  func.func @_sc_gather_body(%arg0: i32, %arg1: i32, %arg2: memref<59392xi32, #tpu.memory_space<hbm>>, %arg3: memref<59392xi32, #tpu.memory_space<hbm>>, %arg4: memref<60928xf32, #tpu.memory_space<hbm>>, %arg5: memref<59392xf32, #tpu.memory_space<hbm>>, %arg6: memref<1856xi32, #tpu.memory_space<vmem>>, %arg7: memref<1856xi32, #tpu.memory_space<vmem>>, %arg8: memref<1856xf32, #tpu.memory_space<vmem>>, %arg9: memref<!tpu.dma_semaphore, #tpu.memory_space<semaphore_mem>>) attributes {dimension_semantics = [#tpu.dimension_semantics<core_parallel>, #tpu.dimension_semantics<subcore_parallel>], iteration_bounds = array<i64: 2, 16>, scalar_prefetch = 0 : i64, scratch_operands = 4 : i64, tpu.core_type = #tpu.core_type<sc_vector_subcore>, window_params = [{transform_indices = #map}, {transform_indices = #map}, {transform_indices = #map}, {transform_indices = #map}]} {
    %mul3A = arith.constant 2 : i32
    %mul3A_0 = arith.muli %arg1, %mul3A : i32
    %add3A = arith.addi %mul3A_0, %arg0 : i32
    %mul3A_1 = arith.constant 1856 : i32
    %mul3A_2 = arith.muli %add3A, %mul3A_1 : i32
    "tpu.region"() ({
      %run_scoped3A = tpu.sem_alloc : memref<!tpu.dma_semaphore, #tpu.memory_space<semaphore_mem>>
      %dma_start3A_10 = tpu.memref_slice %arg2[%mul3A_2] : memref<59392xi32, #tpu.memory_space<hbm>> -> memref<1856xi32, #tpu.memory_space<hbm>>
      %dma_start3A_11 = tpu.memref_slice %arg2[%mul3A_2] : memref<59392xi32, #tpu.memory_space<hbm>> -> memref<1856xi32, #tpu.memory_space<hbm>>
      tpu.enqueue_dma source(%dma_start3A_11 : memref<1856xi32, #tpu.memory_space<hbm>>) target(%arg6 : memref<1856xi32, #tpu.memory_space<vmem>>) target_semaphore(%run_scoped3A : memref<!tpu.dma_semaphore, #tpu.memory_space<semaphore_mem>>)
      %dma_wait3A_12 = tpu.memref_slice %arg2[%mul3A_2] : memref<59392xi32, #tpu.memory_space<hbm>> -> memref<1856xi32, #tpu.memory_space<hbm>>
      %dma_wait3A_13 = tpu.memref_slice %arg2[%mul3A_2] : memref<59392xi32, #tpu.memory_space<hbm>> -> memref<1856xi32, #tpu.memory_space<hbm>>
      tpu.wait_dma2 semaphore(%run_scoped3A : memref<!tpu.dma_semaphore, #tpu.memory_space<semaphore_mem>>) src(%dma_wait3A_13 : memref<1856xi32, #tpu.memory_space<hbm>>) dst(%arg6 : memref<1856xi32, #tpu.memory_space<vmem>>)
      tpu.yield
    }) : () -> ()
    "tpu.region"() ({
      %run_scoped3A = tpu.sem_alloc : memref<!tpu.dma_semaphore, #tpu.memory_space<semaphore_mem>>
      %dma_start3A_10 = tpu.memref_slice %arg3[%mul3A_2] : memref<59392xi32, #tpu.memory_space<hbm>> -> memref<1856xi32, #tpu.memory_space<hbm>>
      %dma_start3A_11 = tpu.memref_slice %arg3[%mul3A_2] : memref<59392xi32, #tpu.memory_space<hbm>> -> memref<1856xi32, #tpu.memory_space<hbm>>
      tpu.enqueue_dma source(%dma_start3A_11 : memref<1856xi32, #tpu.memory_space<hbm>>) target(%arg7 : memref<1856xi32, #tpu.memory_space<vmem>>) target_semaphore(%run_scoped3A : memref<!tpu.dma_semaphore, #tpu.memory_space<semaphore_mem>>)
      %dma_wait3A_12 = tpu.memref_slice %arg3[%mul3A_2] : memref<59392xi32, #tpu.memory_space<hbm>> -> memref<1856xi32, #tpu.memory_space<hbm>>
      %dma_wait3A_13 = tpu.memref_slice %arg3[%mul3A_2] : memref<59392xi32, #tpu.memory_space<hbm>> -> memref<1856xi32, #tpu.memory_space<hbm>>
      tpu.wait_dma2 semaphore(%run_scoped3A : memref<!tpu.dma_semaphore, #tpu.memory_space<semaphore_mem>>) src(%dma_wait3A_13 : memref<1856xi32, #tpu.memory_space<hbm>>) dst(%arg7 : memref<1856xi32, #tpu.memory_space<vmem>>)
      tpu.yield
    }) : () -> ()
    %scan3A = arith.constant 0 : i32
    %scan3A_3 = arith.constant 0 : i32
    %scan3A_4 = arith.constant 116 : i32
    %scan3A_5 = arith.addi %scan3A_3, %scan3A_4 : i32
    %scan3A_6 = arith.constant 1 : i32
    scf.for %scan3A_10 = %scan3A_3 to %scan3A_5 step %scan3A_6  : i32 {
      %mul3A_11 = arith.constant 16 : i32
      %mul3A_12 = arith.muli %scan3A_10, %mul3A_11 : i32
      %get3A = arith.index_cast %mul3A_12 : i32 to index
      %get3A_13 = tpu.vector_load %arg6[%get3A] {strides = array<i32>} : memref<1856xi32, #tpu.memory_space<vmem>>, vector<16xi32>,
      %get3A_14 = vector.shape_cast %get3A_13 : vector<16xi32> to vector<16xi32>
      %mul3A_15 = arith.constant 224 : i32
      %mul3A_16 = vector.broadcast %mul3A_15 : i32 to vector<16xi32>
      %mul3A_17 = arith.muli %get3A_14, %mul3A_16 : vector<16xi32>
      %get3A_18 = arith.index_cast %mul3A_12 : i32 to index
      %get3A_19 = tpu.vector_load %arg7[%get3A_18] {strides = array<i32>} : memref<1856xi32, #tpu.memory_space<vmem>>, vector<16xi32>,
      %get3A_20 = vector.shape_cast %get3A_19 : vector<16xi32> to vector<16xi32>
      %add3A_21 = arith.addi %mul3A_17, %get3A_20 : vector<16xi32>
      %swap3A = arith.index_cast %mul3A_12 : i32 to index
      %swap3A_22 = tpu.vector_load %arg6[%swap3A] {strides = array<i32>} : memref<1856xi32, #tpu.memory_space<vmem>>, vector<16xi32>,
      %swap3A_23 = vector.shape_cast %swap3A_22 : vector<16xi32> to vector<16xi32>
      %swap3A_24 = vector.shape_cast %add3A_21 : vector<16xi32> to vector<16xi32>
      tpu.vector_store %arg6[%swap3A], %swap3A_24 {strides = array<i32>} : memref<1856xi32, #tpu.memory_space<vmem>>, vector<16xi32>,
    }
    %scan3A_7 = arith.constant 116 : i32
    %dma_start3A = arith.constant 0 : i32
    %dma_start3A_8 = tpu.memref_slice %arg4[%dma_start3A] : memref<60928xf32, #tpu.memory_space<hbm>> -> memref<60928xf32, #tpu.memory_space<hbm>>
    tpu.enqueue_indirect_dma source(%dma_start3A_8 : memref<60928xf32, #tpu.memory_space<hbm>>) target(%arg8 : memref<1856xf32, #tpu.memory_space<vmem>>) offsets(%arg6 : memref<1856xi32, #tpu.memory_space<vmem>>) semaphore(%arg9 : memref<!tpu.dma_semaphore, #tpu.memory_space<semaphore_mem>>)
    %dma_wait3A = arith.constant 0 : i32
    %dma_wait3A_9 = tpu.memref_slice %arg4[%dma_wait3A] : memref<60928xf32, #tpu.memory_space<hbm>> -> memref<60928xf32, #tpu.memory_space<hbm>>
    tpu.wait_indirect_dma semaphore(%arg9 : memref<!tpu.dma_semaphore, #tpu.memory_space<semaphore_mem>>) src(%dma_wait3A_9 : memref<60928xf32, #tpu.memory_space<hbm>>) dst(%arg8 : memref<1856xf32, #tpu.memory_space<vmem>>)
    "tpu.region"() ({
      %run_scoped3A = tpu.sem_alloc : memref<!tpu.dma_semaphore, #tpu.memory_space<semaphore_mem>>
      %dma_start3A_10 = tpu.memref_slice %arg5[%mul3A_2] : memref<59392xf32, #tpu.memory_space<hbm>> -> memref<1856xf32, #tpu.memory_space<hbm>>
      %dma_start3A_11 = tpu.memref_slice %arg5[%mul3A_2] : memref<59392xf32, #tpu.memory_space<hbm>> -> memref<1856xf32, #tpu.memory_space<hbm>>
      tpu.enqueue_dma source(%arg8 : memref<1856xf32, #tpu.memory_space<vmem>>) target(%dma_start3A_11 : memref<1856xf32, #tpu.memory_space<hbm>>) target_semaphore(%run_scoped3A : memref<!tpu.dma_semaphore, #tpu.memory_space<semaphore_mem>>)
      %dma_wait3A_12 = tpu.memref_slice %arg5[%mul3A_2] : memref<59392xf32, #tpu.memory_space<hbm>> -> memref<1856xf32, #tpu.memory_space<hbm>>
      %dma_wait3A_13 = tpu.memref_slice %arg5[%mul3A_2] : memref<59392xf32, #tpu.memory_space<hbm>> -> memref<1856xf32, #tpu.memory_space<hbm>>
      tpu.wait_dma2 semaphore(%run_scoped3A : memref<!tpu.dma_semaphore, #tpu.memory_space<semaphore_mem>>) src(%arg8 : memref<1856xf32, #tpu.memory_space<vmem>>) dst(%dma_wait3A_13 : memref<1856xf32, #tpu.memory_space<hbm>>)
      tpu.yield
    }) : () -> ()
    return
  }
}

#map = affine_map<(d0, d1) -> (0)>
module attributes {stable_mosaic.version = 14 : i64} {
  func.func @_sc_hist_body(%arg0: i32, %arg1: i32, %arg2: memref<20480xi32, #tpu.memory_space<hbm>>, %arg3: memref<20480xi32, #tpu.memory_space<hbm>>, %arg4: memref<61440xi32, #tpu.memory_space<hbm>>, %arg5: memref<61440xi32, #tpu.memory_space<hbm>>, %arg6: memref<500736xf32, #tpu.memory_space<hbm>>, %arg7: memref<122368xf32, #tpu.memory_space<hbm>>, %arg8: memref<640xi32, #tpu.memory_space<vmem>>, %arg9: memref<640xi32, #tpu.memory_space<vmem>>, %arg10: memref<1920xi32, #tpu.memory_space<vmem>>, %arg11: memref<1920xi32, #tpu.memory_space<vmem>>, %arg12: memref<5x128xi32, #tpu.memory_space<vmem>>, %arg13: memref<15x128xi32, #tpu.memory_space<vmem>>, %arg14: memref<128xf32, #tpu.memory_space<vmem>>, %arg15: memref<7824xf32, #tpu.memory_space<vmem>>, %arg16: memref<!tpu.dma_semaphore, #tpu.memory_space<semaphore_mem>>, %arg17: memref<250368xf32, #tpu.memory_space<vmem_shared>>, %arg18: memref<61184xf32, #tpu.memory_space<vmem_shared>>) attributes {dimension_semantics = [#tpu.dimension_semantics<core_parallel>, #tpu.dimension_semantics<subcore_parallel>], iteration_bounds = array<i64: 2, 16>, scalar_prefetch = 0 : i64, scratch_operands = 11 : i64, tpu.core_type = #tpu.core_type<sc_vector_subcore>, window_params = [{transform_indices = #map}, {transform_indices = #map}, {transform_indices = #map}, {transform_indices = #map}, {transform_indices = #map}, {transform_indices = #map}]} {
    %mul3A = arith.constant 2 : i32
    %mul3A_0 = arith.muli %arg1, %mul3A : i32
    %add3A = arith.addi %mul3A_0, %arg0 : i32
    %mul3A_1 = arith.constant 640 : i32
    %mul3A_2 = arith.muli %add3A, %mul3A_1 : i32
    "tpu.region"() ({
      %run_scoped3A = tpu.sem_alloc : memref<!tpu.dma_semaphore, #tpu.memory_space<semaphore_mem>>
      %dma_start3A_2890 = tpu.memref_slice %arg2[%mul3A_2] : memref<20480xi32, #tpu.memory_space<hbm>> -> memref<640xi32, #tpu.memory_space<hbm>>
      %dma_start3A_2891 = tpu.memref_slice %arg2[%mul3A_2] : memref<20480xi32, #tpu.memory_space<hbm>> -> memref<640xi32, #tpu.memory_space<hbm>>
      tpu.enqueue_dma source(%dma_start3A_2891 : memref<640xi32, #tpu.memory_space<hbm>>) target(%arg8 : memref<640xi32, #tpu.memory_space<vmem>>) target_semaphore(%run_scoped3A : memref<!tpu.dma_semaphore, #tpu.memory_space<semaphore_mem>>)
      %dma_wait3A_2892 = tpu.memref_slice %arg2[%mul3A_2] : memref<20480xi32, #tpu.memory_space<hbm>> -> memref<640xi32, #tpu.memory_space<hbm>>
      %dma_wait3A_2893 = tpu.memref_slice %arg2[%mul3A_2] : memref<20480xi32, #tpu.memory_space<hbm>> -> memref<640xi32, #tpu.memory_space<hbm>>
      tpu.wait_dma2 semaphore(%run_scoped3A : memref<!tpu.dma_semaphore, #tpu.memory_space<semaphore_mem>>) src(%dma_wait3A_2893 : memref<640xi32, #tpu.memory_space<hbm>>) dst(%arg8 : memref<640xi32, #tpu.memory_space<vmem>>)
      tpu.yield
    }) : () -> ()
    %mul3A_3 = arith.constant 640 : i32
    %mul3A_4 = arith.muli %add3A, %mul3A_3 : i32
    "tpu.region"() ({
      %run_scoped3A = tpu.sem_alloc : memref<!tpu.dma_semaphore, #tpu.memory_space<semaphore_mem>>
      %dma_start3A_2890 = tpu.memref_slice %arg3[%mul3A_4] : memref<20480xi32, #tpu.memory_space<hbm>> -> memref<640xi32, #tpu.memory_space<hbm>>
      %dma_start3A_2891 = tpu.memref_slice %arg3[%mul3A_4] : memref<20480xi32, #tpu.memory_space<hbm>> -> memref<640xi32, #tpu.memory_space<hbm>>
      tpu.enqueue_dma source(%dma_start3A_2891 : memref<640xi32, #tpu.memory_space<hbm>>) target(%arg9 : memref<640xi32, #tpu.memory_space<vmem>>) target_semaphore(%run_scoped3A : memref<!tpu.dma_semaphore, #tpu.memory_space<semaphore_mem>>)
      %dma_wait3A_2892 = tpu.memref_slice %arg3[%mul3A_4] : memref<20480xi32, #tpu.memory_space<hbm>> -> memref<640xi32, #tpu.memory_space<hbm>>
      %dma_wait3A_2893 = tpu.memref_slice %arg3[%mul3A_4] : memref<20480xi32, #tpu.memory_space<hbm>> -> memref<640xi32, #tpu.memory_space<hbm>>
      tpu.wait_dma2 semaphore(%run_scoped3A : memref<!tpu.dma_semaphore, #tpu.memory_space<semaphore_mem>>) src(%dma_wait3A_2893 : memref<640xi32, #tpu.memory_space<hbm>>) dst(%arg9 : memref<640xi32, #tpu.memory_space<vmem>>)
      tpu.yield
    }) : () -> ()
    %mul3A_5 = arith.constant 1920 : i32
    %mul3A_6 = arith.muli %add3A, %mul3A_5 : i32
    "tpu.region"() ({
      %run_scoped3A = tpu.sem_alloc : memref<!tpu.dma_semaphore, #tpu.memory_space<semaphore_mem>>
      %dma_start3A_2890 = tpu.memref_slice %arg4[%mul3A_6] : memref<61440xi32, #tpu.memory_space<hbm>> -> memref<1920xi32, #tpu.memory_space<hbm>>
      %dma_start3A_2891 = tpu.memref_slice %arg4[%mul3A_6] : memref<61440xi32, #tpu.memory_space<hbm>> -> memref<1920xi32, #tpu.memory_space<hbm>>
      tpu.enqueue_dma source(%dma_start3A_2891 : memref<1920xi32, #tpu.memory_space<hbm>>) target(%arg10 : memref<1920xi32, #tpu.memory_space<vmem>>) target_semaphore(%run_scoped3A : memref<!tpu.dma_semaphore, #tpu.memory_space<semaphore_mem>>)
      %dma_wait3A_2892 = tpu.memref_slice %arg4[%mul3A_6] : memref<61440xi32, #tpu.memory_space<hbm>> -> memref<1920xi32, #tpu.memory_space<hbm>>
      %dma_wait3A_2893 = tpu.memref_slice %arg4[%mul3A_6] : memref<61440xi32, #tpu.memory_space<hbm>> -> memref<1920xi32, #tpu.memory_space<hbm>>
      tpu.wait_dma2 semaphore(%run_scoped3A : memref<!tpu.dma_semaphore, #tpu.memory_space<semaphore_mem>>) src(%dma_wait3A_2893 : memref<1920xi32, #tpu.memory_space<hbm>>) dst(%arg10 : memref<1920xi32, #tpu.memory_space<vmem>>)
      tpu.yield
    }) : () -> ()
    %mul3A_7 = arith.constant 1920 : i32
    %mul3A_8 = arith.muli %add3A, %mul3A_7 : i32
    "tpu.region"() ({
      %run_scoped3A = tpu.sem_alloc : memref<!tpu.dma_semaphore, #tpu.memory_space<semaphore_mem>>
      %dma_start3A_2890 = tpu.memref_slice %arg5[%mul3A_8] : memref<61440xi32, #tpu.memory_space<hbm>> -> memref<1920xi32, #tpu.memory_space<hbm>>
      %dma_start3A_2891 = tpu.memref_slice %arg5[%mul3A_8] : memref<61440xi32, #tpu.memory_space<hbm>> -> memref<1920xi32, #tpu.memory_space<hbm>>
      tpu.enqueue_dma source(%dma_start3A_2891 : memref<1920xi32, #tpu.memory_space<hbm>>) target(%arg11 : memref<1920xi32, #tpu.memory_space<vmem>>) target_semaphore(%run_scoped3A : memref<!tpu.dma_semaphore, #tpu.memory_space<semaphore_mem>>)
      %dma_wait3A_2892 = tpu.memref_slice %arg5[%mul3A_8] : memref<61440xi32, #tpu.memory_space<hbm>> -> memref<1920xi32, #tpu.memory_space<hbm>>
      %dma_wait3A_2893 = tpu.memref_slice %arg5[%mul3A_8] : memref<61440xi32, #tpu.memory_space<hbm>> -> memref<1920xi32, #tpu.memory_space<hbm>>
      tpu.wait_dma2 semaphore(%run_scoped3A : memref<!tpu.dma_semaphore, #tpu.memory_space<semaphore_mem>>) src(%dma_wait3A_2893 : memref<1920xi32, #tpu.memory_space<hbm>>) dst(%arg11 : memref<1920xi32, #tpu.memory_space<vmem>>)
      tpu.yield
    }) : () -> ()
    %broadcast_in_dim3A = arith.constant 1.000000e+00 : f32
    %broadcast_in_dim3A_9 = vector.broadcast %broadcast_in_dim3A : f32 to vector<16xf32>
    %swap3A = arith.constant 0 : index
    %swap3A_10 = tpu.vector_load %arg14[%swap3A] {strides = array<i32>} : memref<128xf32, #tpu.memory_space<vmem>>, vector<16xf32>,
    %swap3A_11 = vector.shape_cast %swap3A_10 : vector<16xf32> to vector<16xf32>
    %swap3A_12 = vector.shape_cast %broadcast_in_dim3A_9 : vector<16xf32> to vector<16xf32>
    tpu.vector_store %arg14[%swap3A], %swap3A_12 {strides = array<i32>} : memref<128xf32, #tpu.memory_space<vmem>>, vector<16xf32>,
    %broadcast_in_dim3A_13 = arith.constant 1.000000e+00 : f32
    %broadcast_in_dim3A_14 = vector.broadcast %broadcast_in_dim3A_13 : f32 to vector<16xf32>
    %swap3A_15 = arith.constant 16 : index
    %swap3A_16 = tpu.vector_load %arg14[%swap3A_15] {strides = array<i32>} : memref<128xf32, #tpu.memory_space<vmem>>, vector<16xf32>,
    %swap3A_17 = vector.shape_cast %swap3A_16 : vector<16xf32> to vector<16xf32>
    %swap3A_18 = vector.shape_cast %broadcast_in_dim3A_14 : vector<16xf32> to vector<16xf32>
    tpu.vector_store %arg14[%swap3A_15], %swap3A_18 {strides = array<i32>} : memref<128xf32, #tpu.memory_space<vmem>>, vector<16xf32>,
    %broadcast_in_dim3A_19 = arith.constant 1.000000e+00 : f32
    %broadcast_in_dim3A_20 = vector.broadcast %broadcast_in_dim3A_19 : f32 to vector<16xf32>
    %swap3A_21 = arith.constant 32 : index
    %swap3A_22 = tpu.vector_load %arg14[%swap3A_21] {strides = array<i32>} : memref<128xf32, #tpu.memory_space<vmem>>, vector<16xf32>,
    %swap3A_23 = vector.shape_cast %swap3A_22 : vector<16xf32> to vector<16xf32>
    %swap3A_24 = vector.shape_cast %broadcast_in_dim3A_20 : vector<16xf32> to vector<16xf32>
    tpu.vector_store %arg14[%swap3A_21], %swap3A_24 {strides = array<i32>} : memref<128xf32, #tpu.memory_space<vmem>>, vector<16xf32>,
    %broadcast_in_dim3A_25 = arith.constant 1.000000e+00 : f32
    %broadcast_in_dim3A_26 = vector.broadcast %broadcast_in_dim3A_25 : f32 to vector<16xf32>
    %swap3A_27 = arith.constant 48 : index
    %swap3A_28 = tpu.vector_load %arg14[%swap3A_27] {strides = array<i32>} : memref<128xf32, #tpu.memory_space<vmem>>, vector<16xf32>,
    %swap3A_29 = vector.shape_cast %swap3A_28 : vector<16xf32> to vector<16xf32>
    %swap3A_30 = vector.shape_cast %broadcast_in_dim3A_26 : vector<16xf32> to vector<16xf32>
    tpu.vector_store %arg14[%swap3A_27], %swap3A_30 {strides = array<i32>} : memref<128xf32, #tpu.memory_space<vmem>>, vector<16xf32>,
    %broadcast_in_dim3A_31 = arith.constant 1.000000e+00 : f32
    %broadcast_in_dim3A_32 = vector.broadcast %broadcast_in_dim3A_31 : f32 to vector<16xf32>
    %swap3A_33 = arith.constant 64 : index
    %swap3A_34 = tpu.vector_load %arg14[%swap3A_33] {strides = array<i32>} : memref<128xf32, #tpu.memory_space<vmem>>, vector<16xf32>,
    %swap3A_35 = vector.shape_cast %swap3A_34 : vector<16xf32> to vector<16xf32>
    %swap3A_36 = vector.shape_cast %broadcast_in_dim3A_32 : vector<16xf32> to vector<16xf32>
    tpu.vector_store %arg14[%swap3A_33], %swap3A_36 {strides = array<i32>} : memref<128xf32, #tpu.memory_space<vmem>>, vector<16xf32>,
    %broadcast_in_dim3A_37 = arith.constant 1.000000e+00 : f32
    %broadcast_in_dim3A_38 = vector.broadcast %broadcast_in_dim3A_37 : f32 to vector<16xf32>
    %swap3A_39 = arith.constant 80 : index
    %swap3A_40 = tpu.vector_load %arg14[%swap3A_39] {strides = array<i32>} : memref<128xf32, #tpu.memory_space<vmem>>, vector<16xf32>,
    %swap3A_41 = vector.shape_cast %swap3A_40 : vector<16xf32> to vector<16xf32>
    %swap3A_42 = vector.shape_cast %broadcast_in_dim3A_38 : vector<16xf32> to vector<16xf32>
    tpu.vector_store %arg14[%swap3A_39], %swap3A_42 {strides = array<i32>} : memref<128xf32, #tpu.memory_space<vmem>>, vector<16xf32>,
    %broadcast_in_dim3A_43 = arith.constant 1.000000e+00 : f32
    %broadcast_in_dim3A_44 = vector.broadcast %broadcast_in_dim3A_43 : f32 to vector<16xf32>
    %swap3A_45 = arith.constant 96 : index
    %swap3A_46 = tpu.vector_load %arg14[%swap3A_45] {strides = array<i32>} : memref<128xf32, #tpu.memory_space<vmem>>, vector<16xf32>,
    %swap3A_47 = vector.shape_cast %swap3A_46 : vector<16xf32> to vector<16xf32>
    %swap3A_48 = vector.shape_cast %broadcast_in_dim3A_44 : vector<16xf32> to vector<16xf32>
    tpu.vector_store %arg14[%swap3A_45], %swap3A_48 {strides = array<i32>} : memref<128xf32, #tpu.memory_space<vmem>>, vector<16xf32>,
    %broadcast_in_dim3A_49 = arith.constant 1.000000e+00 : f32
    %broadcast_in_dim3A_50 = vector.broadcast %broadcast_in_dim3A_49 : f32 to vector<16xf32>
    %swap3A_51 = arith.constant 112 : index
    %swap3A_52 = tpu.vector_load %arg14[%swap3A_51] {strides = array<i32>} : memref<128xf32, #tpu.memory_space<vmem>>, vector<16xf32>,
    %swap3A_53 = vector.shape_cast %swap3A_52 : vector<16xf32> to vector<16xf32>
    %swap3A_54 = vector.shape_cast %broadcast_in_dim3A_50 : vector<16xf32> to vector<16xf32>
    tpu.vector_store %arg14[%swap3A_51], %swap3A_54 {strides = array<i32>} : memref<128xf32, #tpu.memory_space<vmem>>, vector<16xf32>,
    %scan3A = arith.constant 0 : i32
    %scan3A_55 = arith.constant 0 : i32
    %scan3A_56 = arith.constant 489 : i32
    %scan3A_57 = arith.addi %scan3A_55, %scan3A_56 : i32
    %scan3A_58 = arith.constant 1 : i32
    scf.for %scan3A_2890 = %scan3A_55 to %scan3A_57 step %scan3A_58  : i32 {
      %broadcast_in_dim3A_2891 = arith.constant 0.000000e+00 : f32
      %broadcast_in_dim3A_2892 = vector.broadcast %broadcast_in_dim3A_2891 : f32 to vector<16xf32>
      %mul3A_2893 = arith.constant 16 : i32
      %mul3A_2894 = arith.muli %scan3A_2890, %mul3A_2893 : i32
      %swap3A_2895 = arith.index_cast %mul3A_2894 : i32 to index
      %swap3A_2896 = tpu.vector_load %arg15[%swap3A_2895] {strides = array<i32>} : memref<7824xf32, #tpu.memory_space<vmem>>, vector<16xf32>,
      %swap3A_2897 = vector.shape_cast %swap3A_2896 : vector<16xf32> to vector<16xf32>
      %swap3A_2898 = vector.shape_cast %broadcast_in_dim3A_2892 : vector<16xf32> to vector<16xf32>
      tpu.vector_store %arg15[%swap3A_2895], %swap3A_2898 {strides = array<i32>} : memref<7824xf32, #tpu.memory_space<vmem>>, vector<16xf32>,
    }
    %scan3A_59 = arith.constant 489 : i32
    %mul3A_60 = arith.constant 15648 : i32
    %mul3A_61 = arith.muli %arg1, %mul3A_60 : i32
    "tpu.region"() ({
      %run_scoped3A = tpu.sem_alloc : memref<!tpu.dma_semaphore, #tpu.memory_space<semaphore_mem>>
      %dma_start3A_2890 = tpu.memref_slice %arg17[%mul3A_61] : memref<250368xf32, #tpu.memory_space<vmem_shared>> -> memref<7824xf32, #tpu.memory_space<vmem_shared>>
      %dma_start3A_2891 = tpu.memref_slice %arg17[%mul3A_61] : memref<250368xf32, #tpu.memory_space<vmem_shared>> -> memref<7824xf32, #tpu.memory_space<vmem_shared>>
      tpu.enqueue_dma source(%arg15 : memref<7824xf32, #tpu.memory_space<vmem>>) target(%dma_start3A_2891 : memref<7824xf32, #tpu.memory_space<vmem_shared>>) target_semaphore(%run_scoped3A : memref<!tpu.dma_semaphore, #tpu.memory_space<semaphore_mem>>)
      %dma_wait3A_2892 = tpu.memref_slice %arg17[%mul3A_61] : memref<250368xf32, #tpu.memory_space<vmem_shared>> -> memref<7824xf32, #tpu.memory_space<vmem_shared>>
      %dma_wait3A_2893 = tpu.memref_slice %arg17[%mul3A_61] : memref<250368xf32, #tpu.memory_space<vmem_shared>> -> memref<7824xf32, #tpu.memory_space<vmem_shared>>
      tpu.wait_dma2 semaphore(%run_scoped3A : memref<!tpu.dma_semaphore, #tpu.memory_space<semaphore_mem>>) src(%arg15 : memref<7824xf32, #tpu.memory_space<vmem>>) dst(%dma_wait3A_2893 : memref<7824xf32, #tpu.memory_space<vmem_shared>>)
      tpu.yield
    }) : () -> ()
    %mul3A_62 = arith.constant 15648 : i32
    %mul3A_63 = arith.muli %arg1, %mul3A_62 : i32
    %add3A_64 = arith.constant 7824 : i32
    %add3A_65 = arith.addi %mul3A_63, %add3A_64 : i32
    "tpu.region"() ({
      %run_scoped3A = tpu.sem_alloc : memref<!tpu.dma_semaphore, #tpu.memory_space<semaphore_mem>>
      %dma_start3A_2890 = tpu.memref_slice %arg17[%add3A_65] : memref<250368xf32, #tpu.memory_space<vmem_shared>> -> memref<7824xf32, #tpu.memory_space<vmem_shared>>
      %dma_start3A_2891 = tpu.memref_slice %arg17[%add3A_65] : memref<250368xf32, #tpu.memory_space<vmem_shared>> -> memref<7824xf32, #tpu.memory_space<vmem_shared>>
      tpu.enqueue_dma source(%arg15 : memref<7824xf32, #tpu.memory_space<vmem>>) target(%dma_start3A_2891 : memref<7824xf32, #tpu.memory_space<vmem_shared>>) target_semaphore(%run_scoped3A : memref<!tpu.dma_semaphore, #tpu.memory_space<semaphore_mem>>)
      %dma_wait3A_2892 = tpu.memref_slice %arg17[%add3A_65] : memref<250368xf32, #tpu.memory_space<vmem_shared>> -> memref<7824xf32, #tpu.memory_space<vmem_shared>>
      %dma_wait3A_2893 = tpu.memref_slice %arg17[%add3A_65] : memref<250368xf32, #tpu.memory_space<vmem_shared>> -> memref<7824xf32, #tpu.memory_space<vmem_shared>>
      tpu.wait_dma2 semaphore(%run_scoped3A : memref<!tpu.dma_semaphore, #tpu.memory_space<semaphore_mem>>) src(%arg15 : memref<7824xf32, #tpu.memory_space<vmem>>) dst(%dma_wait3A_2893 : memref<7824xf32, #tpu.memory_space<vmem_shared>>)
      tpu.yield
    }) : () -> ()
    %mul3A_66 = arith.constant 3824 : i32
    %mul3A_67 = arith.muli %arg1, %mul3A_66 : i32
    "tpu.region"() ({
      %run_scoped3A = tpu.sem_alloc : memref<!tpu.dma_semaphore, #tpu.memory_space<semaphore_mem>>
      %dma_start3A_2890 = arith.constant 0 : i32
      %dma_start3A_2891 = tpu.memref_slice %arg15[%dma_start3A_2890] : memref<7824xf32, #tpu.memory_space<vmem>> -> memref<3824xf32, #tpu.memory_space<vmem>>
      %dma_start3A_2892 = tpu.memref_slice %arg18[%mul3A_67] : memref<61184xf32, #tpu.memory_space<vmem_shared>> -> memref<3824xf32, #tpu.memory_space<vmem_shared>>
      %dma_start3A_2893 = tpu.memref_slice %arg18[%mul3A_67] : memref<61184xf32, #tpu.memory_space<vmem_shared>> -> memref<3824xf32, #tpu.memory_space<vmem_shared>>
      %dma_start3A_2894 = arith.constant 0 : i32
      %dma_start3A_2895 = tpu.memref_slice %arg15[%dma_start3A_2894] : memref<7824xf32, #tpu.memory_space<vmem>> -> memref<3824xf32, #tpu.memory_space<vmem>>
      tpu.enqueue_dma source(%dma_start3A_2895 : memref<3824xf32, #tpu.memory_space<vmem>>) target(%dma_start3A_2893 : memref<3824xf32, #tpu.memory_space<vmem_shared>>) target_semaphore(%run_scoped3A : memref<!tpu.dma_semaphore, #tpu.memory_space<semaphore_mem>>)
      %dma_wait3A_2896 = arith.constant 0 : i32
      %dma_wait3A_2897 = tpu.memref_slice %arg15[%dma_wait3A_2896] : memref<7824xf32, #tpu.memory_space<vmem>> -> memref<3824xf32, #tpu.memory_space<vmem>>
      %dma_wait3A_2898 = tpu.memref_slice %arg18[%mul3A_67] : memref<61184xf32, #tpu.memory_space<vmem_shared>> -> memref<3824xf32, #tpu.memory_space<vmem_shared>>
      %dma_wait3A_2899 = tpu.memref_slice %arg18[%mul3A_67] : memref<61184xf32, #tpu.memory_space<vmem_shared>> -> memref<3824xf32, #tpu.memory_space<vmem_shared>>
      %dma_wait3A_2900 = arith.constant 0 : i32
      %dma_wait3A_2901 = tpu.memref_slice %arg15[%dma_wait3A_2900] : memref<7824xf32, #tpu.memory_space<vmem>> -> memref<3824xf32, #tpu.memory_space<vmem>>
      tpu.wait_dma2 semaphore(%run_scoped3A : memref<!tpu.dma_semaphore, #tpu.memory_space<semaphore_mem>>) src(%dma_wait3A_2901 : memref<3824xf32, #tpu.memory_space<vmem>>) dst(%dma_wait3A_2899 : memref<3824xf32, #tpu.memory_space<vmem_shared>>)
      tpu.yield
    }) : () -> ()
    %get3A = arith.constant 0 : index
    %get3A_68 = tpu.vector_load %arg9[%get3A] {strides = array<i32>} : memref<640xi32, #tpu.memory_space<vmem>>, vector<16xi32>,
    %get3A_69 = vector.shape_cast %get3A_68 : vector<16xi32> to vector<16xi32>
    %mul3A_70 = arith.constant 512 : i32
    %mul3A_71 = vector.broadcast %mul3A_70 : i32 to vector<16xi32>
    %mul3A_72 = arith.muli %get3A_69, %mul3A_71 : vector<16xi32>
    %get3A_73 = arith.constant 0 : index
    %get3A_74 = tpu.vector_load %arg8[%get3A_73] {strides = array<i32>} : memref<640xi32, #tpu.memory_space<vmem>>, vector<16xi32>,
    %get3A_75 = vector.shape_cast %get3A_74 : vector<16xi32> to vector<16xi32>
    %add3A_76 = arith.addi %mul3A_72, %get3A_75 : vector<16xi32>
    %swap3A_77 = arith.constant 0 : i32
    %swap3A_78 = arith.index_cast %swap3A_77 : i32 to index
    %swap3A_79 = arith.constant 0 : index
    %swap3A_80 = tpu.vector_load %arg12[%swap3A_78, %swap3A_79] {strides = array<i32>} : memref<5x128xi32, #tpu.memory_space<vmem>>, vector<1x16xi32>,
    %swap3A_81 = vector.shape_cast %swap3A_80 : vector<1x16xi32> to vector<16xi32>
    %swap3A_82 = vector.shape_cast %add3A_76 : vector<16xi32> to vector<1x16xi32>
    tpu.vector_store %arg12[%swap3A_78, %swap3A_79], %swap3A_82 {strides = array<i32>} : memref<5x128xi32, #tpu.memory_space<vmem>>, vector<1x16xi32>,
    %get3A_83 = arith.constant 16 : index
    %get3A_84 = tpu.vector_load %arg9[%get3A_83] {strides = array<i32>} : memref<640xi32, #tpu.memory_space<vmem>>, vector<16xi32>,
    %get3A_85 = vector.shape_cast %get3A_84 : vector<16xi32> to vector<16xi32>
    %mul3A_86 = arith.constant 512 : i32
    %mul3A_87 = vector.broadcast %mul3A_86 : i32 to vector<16xi32>
    %mul3A_88 = arith.muli %get3A_85, %mul3A_87 : vector<16xi32>
    %get3A_89 = arith.constant 16 : index
    %get3A_90 = tpu.vector_load %arg8[%get3A_89] {strides = array<i32>} : memref<640xi32, #tpu.memory_space<vmem>>, vector<16xi32>,
    %get3A_91 = vector.shape_cast %get3A_90 : vector<16xi32> to vector<16xi32>
    %add3A_92 = arith.addi %mul3A_88, %get3A_91 : vector<16xi32>
    %swap3A_93 = arith.constant 0 : i32
    %swap3A_94 = arith.index_cast %swap3A_93 : i32 to index
    %swap3A_95 = arith.constant 16 : index
    %swap3A_96 = tpu.vector_load %arg12[%swap3A_94, %swap3A_95] {strides = array<i32>} : memref<5x128xi32, #tpu.memory_space<vmem>>, vector<1x16xi32>,
    %swap3A_97 = vector.shape_cast %swap3A_96 : vector<1x16xi32> to vector<16xi32>
    %swap3A_98 = vector.shape_cast %add3A_92 : vector<16xi32> to vector<1x16xi32>
    tpu.vector_store %arg12[%swap3A_94, %swap3A_95], %swap3A_98 {strides = array<i32>} : memref<5x128xi32, #tpu.memory_space<vmem>>, vector<1x16xi32>,
    %get3A_99 = arith.constant 32 : index
    %get3A_100 = tpu.vector_load %arg9[%get3A_99] {strides = array<i32>} : memref<640xi32, #tpu.memory_space<vmem>>, vector<16xi32>,
    %get3A_101 = vector.shape_cast %get3A_100 : vector<16xi32> to vector<16xi32>
    %mul3A_102 = arith.constant 512 : i32
    %mul3A_103 = vector.broadcast %mul3A_102 : i32 to vector<16xi32>
    %mul3A_104 = arith.muli %get3A_101, %mul3A_103 : vector<16xi32>
    %get3A_105 = arith.constant 32 : index
    %get3A_106 = tpu.vector_load %arg8[%get3A_105] {strides = array<i32>} : memref<640xi32, #tpu.memory_space<vmem>>, vector<16xi32>,
    %get3A_107 = vector.shape_cast %get3A_106 : vector<16xi32> to vector<16xi32>
    %add3A_108 = arith.addi %mul3A_104, %get3A_107 : vector<16xi32>
    %swap3A_109 = arith.constant 0 : i32
    %swap3A_110 = arith.index_cast %swap3A_109 : i32 to index
    %swap3A_111 = arith.constant 32 : index
    %swap3A_112 = tpu.vector_load %arg12[%swap3A_110, %swap3A_111] {strides = array<i32>} : memref<5x128xi32, #tpu.memory_space<vmem>>, vector<1x16xi32>,
    %swap3A_113 = vector.shape_cast %swap3A_112 : vector<1x16xi32> to vector<16xi32>
    %swap3A_114 = vector.shape_cast %add3A_108 : vector<16xi32> to vector<1x16xi32>
    tpu.vector_store %arg12[%swap3A_110, %swap3A_111], %swap3A_114 {strides = array<i32>} : memref<5x128xi32, #tpu.memory_space<vmem>>, vector<1x16xi32>,
    %get3A_115 = arith.constant 48 : index
    %get3A_116 = tpu.vector_load %arg9[%get3A_115] {strides = array<i32>} : memref<640xi32, #tpu.memory_space<vmem>>, vector<16xi32>,
    %get3A_117 = vector.shape_cast %get3A_116 : vector<16xi32> to vector<16xi32>
    %mul3A_118 = arith.constant 512 : i32
    %mul3A_119 = vector.broadcast %mul3A_118 : i32 to vector<16xi32>
    %mul3A_120 = arith.muli %get3A_117, %mul3A_119 : vector<16xi32>
    %get3A_121 = arith.constant 48 : index
    %get3A_122 = tpu.vector_load %arg8[%get3A_121] {strides = array<i32>} : memref<640xi32, #tpu.memory_space<vmem>>, vector<16xi32>,
    %get3A_123 = vector.shape_cast %get3A_122 : vector<16xi32> to vector<16xi32>
    %add3A_124 = arith.addi %mul3A_120, %get3A_123 : vector<16xi32>
    %swap3A_125 = arith.constant 0 : i32
    %swap3A_126 = arith.index_cast %swap3A_125 : i32 to index
    %swap3A_127 = arith.constant 48 : index
    %swap3A_128 = tpu.vector_load %arg12[%swap3A_126, %swap3A_127] {strides = array<i32>} : memref<5x128xi32, #tpu.memory_space<vmem>>, vector<1x16xi32>,
    %swap3A_129 = vector.shape_cast %swap3A_128 : vector<1x16xi32> to vector<16xi32>
    %swap3A_130 = vector.shape_cast %add3A_124 : vector<16xi32> to vector<1x16xi32>
    tpu.vector_store %arg12[%swap3A_126, %swap3A_127], %swap3A_130 {strides = array<i32>} : memref<5x128xi32, #tpu.memory_space<vmem>>, vector<1x16xi32>,
    %get3A_131 = arith.constant 64 : index
    %get3A_132 = tpu.vector_load %arg9[%get3A_131] {strides = array<i32>} : memref<640xi32, #tpu.memory_space<vmem>>, vector<16xi32>,
    %get3A_133 = vector.shape_cast %get3A_132 : vector<16xi32> to vector<16xi32>
    %mul3A_134 = arith.constant 512 : i32
    %mul3A_135 = vector.broadcast %mul3A_134 : i32 to vector<16xi32>
    %mul3A_136 = arith.muli %get3A_133, %mul3A_135 : vector<16xi32>
    %get3A_137 = arith.constant 64 : index
    %get3A_138 = tpu.vector_load %arg8[%get3A_137] {strides = array<i32>} : memref<640xi32, #tpu.memory_space<vmem>>, vector<16xi32>,
    %get3A_139 = vector.shape_cast %get3A_138 : vector<16xi32> to vector<16xi32>
    %add3A_140 = arith.addi %mul3A_136, %get3A_139 : vector<16xi32>
    %swap3A_141 = arith.constant 0 : i32
    %swap3A_142 = arith.index_cast %swap3A_141 : i32 to index
    %swap3A_143 = arith.constant 64 : index
    %swap3A_144 = tpu.vector_load %arg12[%swap3A_142, %swap3A_143] {strides = array<i32>} : memref<5x128xi32, #tpu.memory_space<vmem>>, vector<1x16xi32>,
    %swap3A_145 = vector.shape_cast %swap3A_144 : vector<1x16xi32> to vector<16xi32>
    %swap3A_146 = vector.shape_cast %add3A_140 : vector<16xi32> to vector<1x16xi32>
    tpu.vector_store %arg12[%swap3A_142, %swap3A_143], %swap3A_146 {strides = array<i32>} : memref<5x128xi32, #tpu.memory_space<vmem>>, vector<1x16xi32>,
    %get3A_147 = arith.constant 80 : index
    %get3A_148 = tpu.vector_load %arg9[%get3A_147] {strides = array<i32>} : memref<640xi32, #tpu.memory_space<vmem>>, vector<16xi32>,
    %get3A_149 = vector.shape_cast %get3A_148 : vector<16xi32> to vector<16xi32>
    %mul3A_150 = arith.constant 512 : i32
    %mul3A_151 = vector.broadcast %mul3A_150 : i32 to vector<16xi32>
    %mul3A_152 = arith.muli %get3A_149, %mul3A_151 : vector<16xi32>
    %get3A_153 = arith.constant 80 : index
    %get3A_154 = tpu.vector_load %arg8[%get3A_153] {strides = array<i32>} : memref<640xi32, #tpu.memory_space<vmem>>, vector<16xi32>,
    %get3A_155 = vector.shape_cast %get3A_154 : vector<16xi32> to vector<16xi32>
    %add3A_156 = arith.addi %mul3A_152, %get3A_155 : vector<16xi32>
    %swap3A_157 = arith.constant 0 : i32
    %swap3A_158 = arith.index_cast %swap3A_157 : i32 to index
    %swap3A_159 = arith.constant 80 : index
    %swap3A_160 = tpu.vector_load %arg12[%swap3A_158, %swap3A_159] {strides = array<i32>} : memref<5x128xi32, #tpu.memory_space<vmem>>, vector<1x16xi32>,
    %swap3A_161 = vector.shape_cast %swap3A_160 : vector<1x16xi32> to vector<16xi32>
    %swap3A_162 = vector.shape_cast %add3A_156 : vector<16xi32> to vector<1x16xi32>
    tpu.vector_store %arg12[%swap3A_158, %swap3A_159], %swap3A_162 {strides = array<i32>} : memref<5x128xi32, #tpu.memory_space<vmem>>, vector<1x16xi32>,
    %get3A_163 = arith.constant 96 : index
    %get3A_164 = tpu.vector_load %arg9[%get3A_163] {strides = array<i32>} : memref<640xi32, #tpu.memory_space<vmem>>, vector<16xi32>,
    %get3A_165 = vector.shape_cast %get3A_164 : vector<16xi32> to vector<16xi32>
    %mul3A_166 = arith.constant 512 : i32
    %mul3A_167 = vector.broadcast %mul3A_166 : i32 to vector<16xi32>
    %mul3A_168 = arith.muli %get3A_165, %mul3A_167 : vector<16xi32>
    %get3A_169 = arith.constant 96 : index
    %get3A_170 = tpu.vector_load %arg8[%get3A_169] {strides = array<i32>} : memref<640xi32, #tpu.memory_space<vmem>>, vector<16xi32>,
    %get3A_171 = vector.shape_cast %get3A_170 : vector<16xi32> to vector<16xi32>
    %add3A_172 = arith.addi %mul3A_168, %get3A_171 : vector<16xi32>
    %swap3A_173 = arith.constant 0 : i32
    %swap3A_174 = arith.index_cast %swap3A_173 : i32 to index
    %swap3A_175 = arith.constant 96 : index
    %swap3A_176 = tpu.vector_load %arg12[%swap3A_174, %swap3A_175] {strides = array<i32>} : memref<5x128xi32, #tpu.memory_space<vmem>>, vector<1x16xi32>,
    %swap3A_177 = vector.shape_cast %swap3A_176 : vector<1x16xi32> to vector<16xi32>
    %swap3A_178 = vector.shape_cast %add3A_172 : vector<16xi32> to vector<1x16xi32>
    tpu.vector_store %arg12[%swap3A_174, %swap3A_175], %swap3A_178 {strides = array<i32>} : memref<5x128xi32, #tpu.memory_space<vmem>>, vector<1x16xi32>,
    %get3A_179 = arith.constant 112 : index
    %get3A_180 = tpu.vector_load %arg9[%get3A_179] {strides = array<i32>} : memref<640xi32, #tpu.memory_space<vmem>>, vector<16xi32>,
    %get3A_181 = vector.shape_cast %get3A_180 : vector<16xi32> to vector<16xi32>
    %mul3A_182 = arith.constant 512 : i32
    %mul3A_183 = vector.broadcast %mul3A_182 : i32 to vector<16xi32>
    %mul3A_184 = arith.muli %get3A_181, %mul3A_183 : vector<16xi32>
    %get3A_185 = arith.constant 112 : index
    %get3A_186 = tpu.vector_load %arg8[%get3A_185] {strides = array<i32>} : memref<640xi32, #tpu.memory_space<vmem>>, vector<16xi32>,
    %get3A_187 = vector.shape_cast %get3A_186 : vector<16xi32> to vector<16xi32>
    %add3A_188 = arith.addi %mul3A_184, %get3A_187 : vector<16xi32>
    %swap3A_189 = arith.constant 0 : i32
    %swap3A_190 = arith.index_cast %swap3A_189 : i32 to index
    %swap3A_191 = arith.constant 112 : index
    %swap3A_192 = tpu.vector_load %arg12[%swap3A_190, %swap3A_191] {strides = array<i32>} : memref<5x128xi32, #tpu.memory_space<vmem>>, vector<1x16xi32>,
    %swap3A_193 = vector.shape_cast %swap3A_192 : vector<1x16xi32> to vector<16xi32>
    %swap3A_194 = vector.shape_cast %add3A_188 : vector<16xi32> to vector<1x16xi32>
    tpu.vector_store %arg12[%swap3A_190, %swap3A_191], %swap3A_194 {strides = array<i32>} : memref<5x128xi32, #tpu.memory_space<vmem>>, vector<1x16xi32>,
    %get3A_195 = arith.constant 128 : index
    %get3A_196 = tpu.vector_load %arg9[%get3A_195] {strides = array<i32>} : memref<640xi32, #tpu.memory_space<vmem>>, vector<16xi32>,
    %get3A_197 = vector.shape_cast %get3A_196 : vector<16xi32> to vector<16xi32>
    %mul3A_198 = arith.constant 512 : i32
    %mul3A_199 = vector.broadcast %mul3A_198 : i32 to vector<16xi32>
    %mul3A_200 = arith.muli %get3A_197, %mul3A_199 : vector<16xi32>
    %get3A_201 = arith.constant 128 : index
    %get3A_202 = tpu.vector_load %arg8[%get3A_201] {strides = array<i32>} : memref<640xi32, #tpu.memory_space<vmem>>, vector<16xi32>,
    %get3A_203 = vector.shape_cast %get3A_202 : vector<16xi32> to vector<16xi32>
    %add3A_204 = arith.addi %mul3A_200, %get3A_203 : vector<16xi32>
    %swap3A_205 = arith.constant 1 : i32
    %swap3A_206 = arith.index_cast %swap3A_205 : i32 to index
    %swap3A_207 = arith.constant 0 : index
    %swap3A_208 = tpu.vector_load %arg12[%swap3A_206, %swap3A_207] {strides = array<i32>} : memref<5x128xi32, #tpu.memory_space<vmem>>, vector<1x16xi32>,
    %swap3A_209 = vector.shape_cast %swap3A_208 : vector<1x16xi32> to vector<16xi32>
    %swap3A_210 = vector.shape_cast %add3A_204 : vector<16xi32> to vector<1x16xi32>
    tpu.vector_store %arg12[%swap3A_206, %swap3A_207], %swap3A_210 {strides = array<i32>} : memref<5x128xi32, #tpu.memory_space<vmem>>, vector<1x16xi32>,
    %get3A_211 = arith.constant 144 : index
    %get3A_212 = tpu.vector_load %arg9[%get3A_211] {strides = array<i32>} : memref<640xi32, #tpu.memory_space<vmem>>, vector<16xi32>,
    %get3A_213 = vector.shape_cast %get3A_212 : vector<16xi32> to vector<16xi32>
    %mul3A_214 = arith.constant 512 : i32
    %mul3A_215 = vector.broadcast %mul3A_214 : i32 to vector<16xi32>
    %mul3A_216 = arith.muli %get3A_213, %mul3A_215 : vector<16xi32>
    %get3A_217 = arith.constant 144 : index
    %get3A_218 = tpu.vector_load %arg8[%get3A_217] {strides = array<i32>} : memref<640xi32, #tpu.memory_space<vmem>>, vector<16xi32>,
    %get3A_219 = vector.shape_cast %get3A_218 : vector<16xi32> to vector<16xi32>
    %add3A_220 = arith.addi %mul3A_216, %get3A_219 : vector<16xi32>
    %swap3A_221 = arith.constant 1 : i32
    %swap3A_222 = arith.index_cast %swap3A_221 : i32 to index
    %swap3A_223 = arith.constant 16 : index
    %swap3A_224 = tpu.vector_load %arg12[%swap3A_222, %swap3A_223] {strides = array<i32>} : memref<5x128xi32, #tpu.memory_space<vmem>>, vector<1x16xi32>,
    %swap3A_225 = vector.shape_cast %swap3A_224 : vector<1x16xi32> to vector<16xi32>
    %swap3A_226 = vector.shape_cast %add3A_220 : vector<16xi32> to vector<1x16xi32>
    tpu.vector_store %arg12[%swap3A_222, %swap3A_223], %swap3A_226 {strides = array<i32>} : memref<5x128xi32, #tpu.memory_space<vmem>>, vector<1x16xi32>,
    %get3A_227 = arith.constant 160 : index
    %get3A_228 = tpu.vector_load %arg9[%get3A_227] {strides = array<i32>} : memref<640xi32, #tpu.memory_space<vmem>>, vector<16xi32>,
    %get3A_229 = vector.shape_cast %get3A_228 : vector<16xi32> to vector<16xi32>
    %mul3A_230 = arith.constant 512 : i32
    %mul3A_231 = vector.broadcast %mul3A_230 : i32 to vector<16xi32>
    %mul3A_232 = arith.muli %get3A_229, %mul3A_231 : vector<16xi32>
    %get3A_233 = arith.constant 160 : index
    %get3A_234 = tpu.vector_load %arg8[%get3A_233] {strides = array<i32>} : memref<640xi32, #tpu.memory_space<vmem>>, vector<16xi32>,
    %get3A_235 = vector.shape_cast %get3A_234 : vector<16xi32> to vector<16xi32>
    %add3A_236 = arith.addi %mul3A_232, %get3A_235 : vector<16xi32>
    %swap3A_237 = arith.constant 1 : i32
    %swap3A_238 = arith.index_cast %swap3A_237 : i32 to index
    %swap3A_239 = arith.constant 32 : index
    %swap3A_240 = tpu.vector_load %arg12[%swap3A_238, %swap3A_239] {strides = array<i32>} : memref<5x128xi32, #tpu.memory_space<vmem>>, vector<1x16xi32>,
    %swap3A_241 = vector.shape_cast %swap3A_240 : vector<1x16xi32> to vector<16xi32>
    %swap3A_242 = vector.shape_cast %add3A_236 : vector<16xi32> to vector<1x16xi32>
    tpu.vector_store %arg12[%swap3A_238, %swap3A_239], %swap3A_242 {strides = array<i32>} : memref<5x128xi32, #tpu.memory_space<vmem>>, vector<1x16xi32>,
    %get3A_243 = arith.constant 176 : index
    %get3A_244 = tpu.vector_load %arg9[%get3A_243] {strides = array<i32>} : memref<640xi32, #tpu.memory_space<vmem>>, vector<16xi32>,
    %get3A_245 = vector.shape_cast %get3A_244 : vector<16xi32> to vector<16xi32>
    %mul3A_246 = arith.constant 512 : i32
    %mul3A_247 = vector.broadcast %mul3A_246 : i32 to vector<16xi32>
    %mul3A_248 = arith.muli %get3A_245, %mul3A_247 : vector<16xi32>
    %get3A_249 = arith.constant 176 : index
    %get3A_250 = tpu.vector_load %arg8[%get3A_249] {strides = array<i32>} : memref<640xi32, #tpu.memory_space<vmem>>, vector<16xi32>,
    %get3A_251 = vector.shape_cast %get3A_250 : vector<16xi32> to vector<16xi32>
    %add3A_252 = arith.addi %mul3A_248, %get3A_251 : vector<16xi32>
    %swap3A_253 = arith.constant 1 : i32
    %swap3A_254 = arith.index_cast %swap3A_253 : i32 to index
    %swap3A_255 = arith.constant 48 : index
    %swap3A_256 = tpu.vector_load %arg12[%swap3A_254, %swap3A_255] {strides = array<i32>} : memref<5x128xi32, #tpu.memory_space<vmem>>, vector<1x16xi32>,
    %swap3A_257 = vector.shape_cast %swap3A_256 : vector<1x16xi32> to vector<16xi32>
    %swap3A_258 = vector.shape_cast %add3A_252 : vector<16xi32> to vector<1x16xi32>
    tpu.vector_store %arg12[%swap3A_254, %swap3A_255], %swap3A_258 {strides = array<i32>} : memref<5x128xi32, #tpu.memory_space<vmem>>, vector<1x16xi32>,
    %get3A_259 = arith.constant 192 : index
    %get3A_260 = tpu.vector_load %arg9[%get3A_259] {strides = array<i32>} : memref<640xi32, #tpu.memory_space<vmem>>, vector<16xi32>,
    %get3A_261 = vector.shape_cast %get3A_260 : vector<16xi32> to vector<16xi32>
    %mul3A_262 = arith.constant 512 : i32
    %mul3A_263 = vector.broadcast %mul3A_262 : i32 to vector<16xi32>
    %mul3A_264 = arith.muli %get3A_261, %mul3A_263 : vector<16xi32>
    %get3A_265 = arith.constant 192 : index
    %get3A_266 = tpu.vector_load %arg8[%get3A_265] {strides = array<i32>} : memref<640xi32, #tpu.memory_space<vmem>>, vector<16xi32>,
    %get3A_267 = vector.shape_cast %get3A_266 : vector<16xi32> to vector<16xi32>
    %add3A_268 = arith.addi %mul3A_264, %get3A_267 : vector<16xi32>
    %swap3A_269 = arith.constant 1 : i32
    %swap3A_270 = arith.index_cast %swap3A_269 : i32 to index
    %swap3A_271 = arith.constant 64 : index
    %swap3A_272 = tpu.vector_load %arg12[%swap3A_270, %swap3A_271] {strides = array<i32>} : memref<5x128xi32, #tpu.memory_space<vmem>>, vector<1x16xi32>,
    %swap3A_273 = vector.shape_cast %swap3A_272 : vector<1x16xi32> to vector<16xi32>
    %swap3A_274 = vector.shape_cast %add3A_268 : vector<16xi32> to vector<1x16xi32>
    tpu.vector_store %arg12[%swap3A_270, %swap3A_271], %swap3A_274 {strides = array<i32>} : memref<5x128xi32, #tpu.memory_space<vmem>>, vector<1x16xi32>,
    %get3A_275 = arith.constant 208 : index
    %get3A_276 = tpu.vector_load %arg9[%get3A_275] {strides = array<i32>} : memref<640xi32, #tpu.memory_space<vmem>>, vector<16xi32>,
    %get3A_277 = vector.shape_cast %get3A_276 : vector<16xi32> to vector<16xi32>
    %mul3A_278 = arith.constant 512 : i32
    %mul3A_279 = vector.broadcast %mul3A_278 : i32 to vector<16xi32>
    %mul3A_280 = arith.muli %get3A_277, %mul3A_279 : vector<16xi32>
    %get3A_281 = arith.constant 208 : index
    %get3A_282 = tpu.vector_load %arg8[%get3A_281] {strides = array<i32>} : memref<640xi32, #tpu.memory_space<vmem>>, vector<16xi32>,
    %get3A_283 = vector.shape_cast %get3A_282 : vector<16xi32> to vector<16xi32>
    %add3A_284 = arith.addi %mul3A_280, %get3A_283 : vector<16xi32>
    %swap3A_285 = arith.constant 1 : i32
    %swap3A_286 = arith.index_cast %swap3A_285 : i32 to index
    %swap3A_287 = arith.constant 80 : index
    %swap3A_288 = tpu.vector_load %arg12[%swap3A_286, %swap3A_287] {strides = array<i32>} : memref<5x128xi32, #tpu.memory_space<vmem>>, vector<1x16xi32>,
    %swap3A_289 = vector.shape_cast %swap3A_288 : vector<1x16xi32> to vector<16xi32>
    %swap3A_290 = vector.shape_cast %add3A_284 : vector<16xi32> to vector<1x16xi32>
    tpu.vector_store %arg12[%swap3A_286, %swap3A_287], %swap3A_290 {strides = array<i32>} : memref<5x128xi32, #tpu.memory_space<vmem>>, vector<1x16xi32>,
    %get3A_291 = arith.constant 224 : index
    %get3A_292 = tpu.vector_load %arg9[%get3A_291] {strides = array<i32>} : memref<640xi32, #tpu.memory_space<vmem>>, vector<16xi32>,
    %get3A_293 = vector.shape_cast %get3A_292 : vector<16xi32> to vector<16xi32>
    %mul3A_294 = arith.constant 512 : i32
    %mul3A_295 = vector.broadcast %mul3A_294 : i32 to vector<16xi32>
    %mul3A_296 = arith.muli %get3A_293, %mul3A_295 : vector<16xi32>
    %get3A_297 = arith.constant 224 : index
    %get3A_298 = tpu.vector_load %arg8[%get3A_297] {strides = array<i32>} : memref<640xi32, #tpu.memory_space<vmem>>, vector<16xi32>,
    %get3A_299 = vector.shape_cast %get3A_298 : vector<16xi32> to vector<16xi32>
    %add3A_300 = arith.addi %mul3A_296, %get3A_299 : vector<16xi32>
    %swap3A_301 = arith.constant 1 : i32
    %swap3A_302 = arith.index_cast %swap3A_301 : i32 to index
    %swap3A_303 = arith.constant 96 : index
    %swap3A_304 = tpu.vector_load %arg12[%swap3A_302, %swap3A_303] {strides = array<i32>} : memref<5x128xi32, #tpu.memory_space<vmem>>, vector<1x16xi32>,
    %swap3A_305 = vector.shape_cast %swap3A_304 : vector<1x16xi32> to vector<16xi32>
    %swap3A_306 = vector.shape_cast %add3A_300 : vector<16xi32> to vector<1x16xi32>
    tpu.vector_store %arg12[%swap3A_302, %swap3A_303], %swap3A_306 {strides = array<i32>} : memref<5x128xi32, #tpu.memory_space<vmem>>, vector<1x16xi32>,
    %get3A_307 = arith.constant 240 : index
    %get3A_308 = tpu.vector_load %arg9[%get3A_307] {strides = array<i32>} : memref<640xi32, #tpu.memory_space<vmem>>, vector<16xi32>,
    %get3A_309 = vector.shape_cast %get3A_308 : vector<16xi32> to vector<16xi32>
    %mul3A_310 = arith.constant 512 : i32
    %mul3A_311 = vector.broadcast %mul3A_310 : i32 to vector<16xi32>
    %mul3A_312 = arith.muli %get3A_309, %mul3A_311 : vector<16xi32>
    %get3A_313 = arith.constant 240 : index
    %get3A_314 = tpu.vector_load %arg8[%get3A_313] {strides = array<i32>} : memref<640xi32, #tpu.memory_space<vmem>>, vector<16xi32>,
    %get3A_315 = vector.shape_cast %get3A_314 : vector<16xi32> to vector<16xi32>
    %add3A_316 = arith.addi %mul3A_312, %get3A_315 : vector<16xi32>
    %swap3A_317 = arith.constant 1 : i32
    %swap3A_318 = arith.index_cast %swap3A_317 : i32 to index
    %swap3A_319 = arith.constant 112 : index
    %swap3A_320 = tpu.vector_load %arg12[%swap3A_318, %swap3A_319] {strides = array<i32>} : memref<5x128xi32, #tpu.memory_space<vmem>>, vector<1x16xi32>,
    %swap3A_321 = vector.shape_cast %swap3A_320 : vector<1x16xi32> to vector<16xi32>
    %swap3A_322 = vector.shape_cast %add3A_316 : vector<16xi32> to vector<1x16xi32>
    tpu.vector_store %arg12[%swap3A_318, %swap3A_319], %swap3A_322 {strides = array<i32>} : memref<5x128xi32, #tpu.memory_space<vmem>>, vector<1x16xi32>,
    %get3A_323 = arith.constant 256 : index
    %get3A_324 = tpu.vector_load %arg9[%get3A_323] {strides = array<i32>} : memref<640xi32, #tpu.memory_space<vmem>>, vector<16xi32>,
    %get3A_325 = vector.shape_cast %get3A_324 : vector<16xi32> to vector<16xi32>
    %mul3A_326 = arith.constant 512 : i32
    %mul3A_327 = vector.broadcast %mul3A_326 : i32 to vector<16xi32>
    %mul3A_328 = arith.muli %get3A_325, %mul3A_327 : vector<16xi32>
    %get3A_329 = arith.constant 256 : index
    %get3A_330 = tpu.vector_load %arg8[%get3A_329] {strides = array<i32>} : memref<640xi32, #tpu.memory_space<vmem>>, vector<16xi32>,
    %get3A_331 = vector.shape_cast %get3A_330 : vector<16xi32> to vector<16xi32>
    %add3A_332 = arith.addi %mul3A_328, %get3A_331 : vector<16xi32>
    %swap3A_333 = arith.constant 2 : i32
    %swap3A_334 = arith.index_cast %swap3A_333 : i32 to index
    %swap3A_335 = arith.constant 0 : index
    %swap3A_336 = tpu.vector_load %arg12[%swap3A_334, %swap3A_335] {strides = array<i32>} : memref<5x128xi32, #tpu.memory_space<vmem>>, vector<1x16xi32>,
    %swap3A_337 = vector.shape_cast %swap3A_336 : vector<1x16xi32> to vector<16xi32>
    %swap3A_338 = vector.shape_cast %add3A_332 : vector<16xi32> to vector<1x16xi32>
    tpu.vector_store %arg12[%swap3A_334, %swap3A_335], %swap3A_338 {strides = array<i32>} : memref<5x128xi32, #tpu.memory_space<vmem>>, vector<1x16xi32>,
    %get3A_339 = arith.constant 272 : index
    %get3A_340 = tpu.vector_load %arg9[%get3A_339] {strides = array<i32>} : memref<640xi32, #tpu.memory_space<vmem>>, vector<16xi32>,
    %get3A_341 = vector.shape_cast %get3A_340 : vector<16xi32> to vector<16xi32>
    %mul3A_342 = arith.constant 512 : i32
    %mul3A_343 = vector.broadcast %mul3A_342 : i32 to vector<16xi32>
    %mul3A_344 = arith.muli %get3A_341, %mul3A_343 : vector<16xi32>
    %get3A_345 = arith.constant 272 : index
    %get3A_346 = tpu.vector_load %arg8[%get3A_345] {strides = array<i32>} : memref<640xi32, #tpu.memory_space<vmem>>, vector<16xi32>,
    %get3A_347 = vector.shape_cast %get3A_346 : vector<16xi32> to vector<16xi32>
    %add3A_348 = arith.addi %mul3A_344, %get3A_347 : vector<16xi32>
    %swap3A_349 = arith.constant 2 : i32
    %swap3A_350 = arith.index_cast %swap3A_349 : i32 to index
    %swap3A_351 = arith.constant 16 : index
    %swap3A_352 = tpu.vector_load %arg12[%swap3A_350, %swap3A_351] {strides = array<i32>} : memref<5x128xi32, #tpu.memory_space<vmem>>, vector<1x16xi32>,
    %swap3A_353 = vector.shape_cast %swap3A_352 : vector<1x16xi32> to vector<16xi32>
    %swap3A_354 = vector.shape_cast %add3A_348 : vector<16xi32> to vector<1x16xi32>
    tpu.vector_store %arg12[%swap3A_350, %swap3A_351], %swap3A_354 {strides = array<i32>} : memref<5x128xi32, #tpu.memory_space<vmem>>, vector<1x16xi32>,
    %get3A_355 = arith.constant 288 : index
    %get3A_356 = tpu.vector_load %arg9[%get3A_355] {strides = array<i32>} : memref<640xi32, #tpu.memory_space<vmem>>, vector<16xi32>,
    %get3A_357 = vector.shape_cast %get3A_356 : vector<16xi32> to vector<16xi32>
    %mul3A_358 = arith.constant 512 : i32
    %mul3A_359 = vector.broadcast %mul3A_358 : i32 to vector<16xi32>
    %mul3A_360 = arith.muli %get3A_357, %mul3A_359 : vector<16xi32>
    %get3A_361 = arith.constant 288 : index
    %get3A_362 = tpu.vector_load %arg8[%get3A_361] {strides = array<i32>} : memref<640xi32, #tpu.memory_space<vmem>>, vector<16xi32>,
    %get3A_363 = vector.shape_cast %get3A_362 : vector<16xi32> to vector<16xi32>
    %add3A_364 = arith.addi %mul3A_360, %get3A_363 : vector<16xi32>
    %swap3A_365 = arith.constant 2 : i32
    %swap3A_366 = arith.index_cast %swap3A_365 : i32 to index
    %swap3A_367 = arith.constant 32 : index
    %swap3A_368 = tpu.vector_load %arg12[%swap3A_366, %swap3A_367] {strides = array<i32>} : memref<5x128xi32, #tpu.memory_space<vmem>>, vector<1x16xi32>,
    %swap3A_369 = vector.shape_cast %swap3A_368 : vector<1x16xi32> to vector<16xi32>
    %swap3A_370 = vector.shape_cast %add3A_364 : vector<16xi32> to vector<1x16xi32>
    tpu.vector_store %arg12[%swap3A_366, %swap3A_367], %swap3A_370 {strides = array<i32>} : memref<5x128xi32, #tpu.memory_space<vmem>>, vector<1x16xi32>,
    %get3A_371 = arith.constant 304 : index
    %get3A_372 = tpu.vector_load %arg9[%get3A_371] {strides = array<i32>} : memref<640xi32, #tpu.memory_space<vmem>>, vector<16xi32>,
    %get3A_373 = vector.shape_cast %get3A_372 : vector<16xi32> to vector<16xi32>
    %mul3A_374 = arith.constant 512 : i32
    %mul3A_375 = vector.broadcast %mul3A_374 : i32 to vector<16xi32>
    %mul3A_376 = arith.muli %get3A_373, %mul3A_375 : vector<16xi32>
    %get3A_377 = arith.constant 304 : index
    %get3A_378 = tpu.vector_load %arg8[%get3A_377] {strides = array<i32>} : memref<640xi32, #tpu.memory_space<vmem>>, vector<16xi32>,
    %get3A_379 = vector.shape_cast %get3A_378 : vector<16xi32> to vector<16xi32>
    %add3A_380 = arith.addi %mul3A_376, %get3A_379 : vector<16xi32>
    %swap3A_381 = arith.constant 2 : i32
    %swap3A_382 = arith.index_cast %swap3A_381 : i32 to index
    %swap3A_383 = arith.constant 48 : index
    %swap3A_384 = tpu.vector_load %arg12[%swap3A_382, %swap3A_383] {strides = array<i32>} : memref<5x128xi32, #tpu.memory_space<vmem>>, vector<1x16xi32>,
    %swap3A_385 = vector.shape_cast %swap3A_384 : vector<1x16xi32> to vector<16xi32>
    %swap3A_386 = vector.shape_cast %add3A_380 : vector<16xi32> to vector<1x16xi32>
    tpu.vector_store %arg12[%swap3A_382, %swap3A_383], %swap3A_386 {strides = array<i32>} : memref<5x128xi32, #tpu.memory_space<vmem>>, vector<1x16xi32>,
    %get3A_387 = arith.constant 320 : index
    %get3A_388 = tpu.vector_load %arg9[%get3A_387] {strides = array<i32>} : memref<640xi32, #tpu.memory_space<vmem>>, vector<16xi32>,
    %get3A_389 = vector.shape_cast %get3A_388 : vector<16xi32> to vector<16xi32>
    %mul3A_390 = arith.constant 512 : i32
    %mul3A_391 = vector.broadcast %mul3A_390 : i32 to vector<16xi32>
    %mul3A_392 = arith.muli %get3A_389, %mul3A_391 : vector<16xi32>
    %get3A_393 = arith.constant 320 : index
    %get3A_394 = tpu.vector_load %arg8[%get3A_393] {strides = array<i32>} : memref<640xi32, #tpu.memory_space<vmem>>, vector<16xi32>,
    %get3A_395 = vector.shape_cast %get3A_394 : vector<16xi32> to vector<16xi32>
    %add3A_396 = arith.addi %mul3A_392, %get3A_395 : vector<16xi32>
    %swap3A_397 = arith.constant 2 : i32
    %swap3A_398 = arith.index_cast %swap3A_397 : i32 to index
    %swap3A_399 = arith.constant 64 : index
    %swap3A_400 = tpu.vector_load %arg12[%swap3A_398, %swap3A_399] {strides = array<i32>} : memref<5x128xi32, #tpu.memory_space<vmem>>, vector<1x16xi32>,
    %swap3A_401 = vector.shape_cast %swap3A_400 : vector<1x16xi32> to vector<16xi32>
    %swap3A_402 = vector.shape_cast %add3A_396 : vector<16xi32> to vector<1x16xi32>
    tpu.vector_store %arg12[%swap3A_398, %swap3A_399], %swap3A_402 {strides = array<i32>} : memref<5x128xi32, #tpu.memory_space<vmem>>, vector<1x16xi32>,
    %get3A_403 = arith.constant 336 : index
    %get3A_404 = tpu.vector_load %arg9[%get3A_403] {strides = array<i32>} : memref<640xi32, #tpu.memory_space<vmem>>, vector<16xi32>,
    %get3A_405 = vector.shape_cast %get3A_404 : vector<16xi32> to vector<16xi32>
    %mul3A_406 = arith.constant 512 : i32
    %mul3A_407 = vector.broadcast %mul3A_406 : i32 to vector<16xi32>
    %mul3A_408 = arith.muli %get3A_405, %mul3A_407 : vector<16xi32>
    %get3A_409 = arith.constant 336 : index
    %get3A_410 = tpu.vector_load %arg8[%get3A_409] {strides = array<i32>} : memref<640xi32, #tpu.memory_space<vmem>>, vector<16xi32>,
    %get3A_411 = vector.shape_cast %get3A_410 : vector<16xi32> to vector<16xi32>
    %add3A_412 = arith.addi %mul3A_408, %get3A_411 : vector<16xi32>
    %swap3A_413 = arith.constant 2 : i32
    %swap3A_414 = arith.index_cast %swap3A_413 : i32 to index
    %swap3A_415 = arith.constant 80 : index
    %swap3A_416 = tpu.vector_load %arg12[%swap3A_414, %swap3A_415] {strides = array<i32>} : memref<5x128xi32, #tpu.memory_space<vmem>>, vector<1x16xi32>,
    %swap3A_417 = vector.shape_cast %swap3A_416 : vector<1x16xi32> to vector<16xi32>
    %swap3A_418 = vector.shape_cast %add3A_412 : vector<16xi32> to vector<1x16xi32>
    tpu.vector_store %arg12[%swap3A_414, %swap3A_415], %swap3A_418 {strides = array<i32>} : memref<5x128xi32, #tpu.memory_space<vmem>>, vector<1x16xi32>,
    %get3A_419 = arith.constant 352 : index
    %get3A_420 = tpu.vector_load %arg9[%get3A_419] {strides = array<i32>} : memref<640xi32, #tpu.memory_space<vmem>>, vector<16xi32>,
    %get3A_421 = vector.shape_cast %get3A_420 : vector<16xi32> to vector<16xi32>
    %mul3A_422 = arith.constant 512 : i32
    %mul3A_423 = vector.broadcast %mul3A_422 : i32 to vector<16xi32>
    %mul3A_424 = arith.muli %get3A_421, %mul3A_423 : vector<16xi32>
    %get3A_425 = arith.constant 352 : index
    %get3A_426 = tpu.vector_load %arg8[%get3A_425] {strides = array<i32>} : memref<640xi32, #tpu.memory_space<vmem>>, vector<16xi32>,
    %get3A_427 = vector.shape_cast %get3A_426 : vector<16xi32> to vector<16xi32>
    %add3A_428 = arith.addi %mul3A_424, %get3A_427 : vector<16xi32>
    %swap3A_429 = arith.constant 2 : i32
    %swap3A_430 = arith.index_cast %swap3A_429 : i32 to index
    %swap3A_431 = arith.constant 96 : index
    %swap3A_432 = tpu.vector_load %arg12[%swap3A_430, %swap3A_431] {strides = array<i32>} : memref<5x128xi32, #tpu.memory_space<vmem>>, vector<1x16xi32>,
    %swap3A_433 = vector.shape_cast %swap3A_432 : vector<1x16xi32> to vector<16xi32>
    %swap3A_434 = vector.shape_cast %add3A_428 : vector<16xi32> to vector<1x16xi32>
    tpu.vector_store %arg12[%swap3A_430, %swap3A_431], %swap3A_434 {strides = array<i32>} : memref<5x128xi32, #tpu.memory_space<vmem>>, vector<1x16xi32>,
    %get3A_435 = arith.constant 368 : index
    %get3A_436 = tpu.vector_load %arg9[%get3A_435] {strides = array<i32>} : memref<640xi32, #tpu.memory_space<vmem>>, vector<16xi32>,
    %get3A_437 = vector.shape_cast %get3A_436 : vector<16xi32> to vector<16xi32>
    %mul3A_438 = arith.constant 512 : i32
    %mul3A_439 = vector.broadcast %mul3A_438 : i32 to vector<16xi32>
    %mul3A_440 = arith.muli %get3A_437, %mul3A_439 : vector<16xi32>
    %get3A_441 = arith.constant 368 : index
    %get3A_442 = tpu.vector_load %arg8[%get3A_441] {strides = array<i32>} : memref<640xi32, #tpu.memory_space<vmem>>, vector<16xi32>,
    %get3A_443 = vector.shape_cast %get3A_442 : vector<16xi32> to vector<16xi32>
    %add3A_444 = arith.addi %mul3A_440, %get3A_443 : vector<16xi32>
    %swap3A_445 = arith.constant 2 : i32
    %swap3A_446 = arith.index_cast %swap3A_445 : i32 to index
    %swap3A_447 = arith.constant 112 : index
    %swap3A_448 = tpu.vector_load %arg12[%swap3A_446, %swap3A_447] {strides = array<i32>} : memref<5x128xi32, #tpu.memory_space<vmem>>, vector<1x16xi32>,
    %swap3A_449 = vector.shape_cast %swap3A_448 : vector<1x16xi32> to vector<16xi32>
    %swap3A_450 = vector.shape_cast %add3A_444 : vector<16xi32> to vector<1x16xi32>
    tpu.vector_store %arg12[%swap3A_446, %swap3A_447], %swap3A_450 {strides = array<i32>} : memref<5x128xi32, #tpu.memory_space<vmem>>, vector<1x16xi32>,
    %get3A_451 = arith.constant 384 : index
    %get3A_452 = tpu.vector_load %arg9[%get3A_451] {strides = array<i32>} : memref<640xi32, #tpu.memory_space<vmem>>, vector<16xi32>,
    %get3A_453 = vector.shape_cast %get3A_452 : vector<16xi32> to vector<16xi32>
    %mul3A_454 = arith.constant 512 : i32
    %mul3A_455 = vector.broadcast %mul3A_454 : i32 to vector<16xi32>
    %mul3A_456 = arith.muli %get3A_453, %mul3A_455 : vector<16xi32>
    %get3A_457 = arith.constant 384 : index
    %get3A_458 = tpu.vector_load %arg8[%get3A_457] {strides = array<i32>} : memref<640xi32, #tpu.memory_space<vmem>>, vector<16xi32>,
    %get3A_459 = vector.shape_cast %get3A_458 : vector<16xi32> to vector<16xi32>
    %add3A_460 = arith.addi %mul3A_456, %get3A_459 : vector<16xi32>
    %swap3A_461 = arith.constant 3 : i32
    %swap3A_462 = arith.index_cast %swap3A_461 : i32 to index
    %swap3A_463 = arith.constant 0 : index
    %swap3A_464 = tpu.vector_load %arg12[%swap3A_462, %swap3A_463] {strides = array<i32>} : memref<5x128xi32, #tpu.memory_space<vmem>>, vector<1x16xi32>,
    %swap3A_465 = vector.shape_cast %swap3A_464 : vector<1x16xi32> to vector<16xi32>
    %swap3A_466 = vector.shape_cast %add3A_460 : vector<16xi32> to vector<1x16xi32>
    tpu.vector_store %arg12[%swap3A_462, %swap3A_463], %swap3A_466 {strides = array<i32>} : memref<5x128xi32, #tpu.memory_space<vmem>>, vector<1x16xi32>,
    %get3A_467 = arith.constant 400 : index
    %get3A_468 = tpu.vector_load %arg9[%get3A_467] {strides = array<i32>} : memref<640xi32, #tpu.memory_space<vmem>>, vector<16xi32>,
    %get3A_469 = vector.shape_cast %get3A_468 : vector<16xi32> to vector<16xi32>
    %mul3A_470 = arith.constant 512 : i32
    %mul3A_471 = vector.broadcast %mul3A_470 : i32 to vector<16xi32>
    %mul3A_472 = arith.muli %get3A_469, %mul3A_471 : vector<16xi32>
    %get3A_473 = arith.constant 400 : index
    %get3A_474 = tpu.vector_load %arg8[%get3A_473] {strides = array<i32>} : memref<640xi32, #tpu.memory_space<vmem>>, vector<16xi32>,
    %get3A_475 = vector.shape_cast %get3A_474 : vector<16xi32> to vector<16xi32>
    %add3A_476 = arith.addi %mul3A_472, %get3A_475 : vector<16xi32>
    %swap3A_477 = arith.constant 3 : i32
    %swap3A_478 = arith.index_cast %swap3A_477 : i32 to index
    %swap3A_479 = arith.constant 16 : index
    %swap3A_480 = tpu.vector_load %arg12[%swap3A_478, %swap3A_479] {strides = array<i32>} : memref<5x128xi32, #tpu.memory_space<vmem>>, vector<1x16xi32>,
    %swap3A_481 = vector.shape_cast %swap3A_480 : vector<1x16xi32> to vector<16xi32>
    %swap3A_482 = vector.shape_cast %add3A_476 : vector<16xi32> to vector<1x16xi32>
    tpu.vector_store %arg12[%swap3A_478, %swap3A_479], %swap3A_482 {strides = array<i32>} : memref<5x128xi32, #tpu.memory_space<vmem>>, vector<1x16xi32>,
    %get3A_483 = arith.constant 416 : index
    %get3A_484 = tpu.vector_load %arg9[%get3A_483] {strides = array<i32>} : memref<640xi32, #tpu.memory_space<vmem>>, vector<16xi32>,
    %get3A_485 = vector.shape_cast %get3A_484 : vector<16xi32> to vector<16xi32>
    %mul3A_486 = arith.constant 512 : i32
    %mul3A_487 = vector.broadcast %mul3A_486 : i32 to vector<16xi32>
    %mul3A_488 = arith.muli %get3A_485, %mul3A_487 : vector<16xi32>
    %get3A_489 = arith.constant 416 : index
    %get3A_490 = tpu.vector_load %arg8[%get3A_489] {strides = array<i32>} : memref<640xi32, #tpu.memory_space<vmem>>, vector<16xi32>,
    %get3A_491 = vector.shape_cast %get3A_490 : vector<16xi32> to vector<16xi32>
    %add3A_492 = arith.addi %mul3A_488, %get3A_491 : vector<16xi32>
    %swap3A_493 = arith.constant 3 : i32
    %swap3A_494 = arith.index_cast %swap3A_493 : i32 to index
    %swap3A_495 = arith.constant 32 : index
    %swap3A_496 = tpu.vector_load %arg12[%swap3A_494, %swap3A_495] {strides = array<i32>} : memref<5x128xi32, #tpu.memory_space<vmem>>, vector<1x16xi32>,
    %swap3A_497 = vector.shape_cast %swap3A_496 : vector<1x16xi32> to vector<16xi32>
    %swap3A_498 = vector.shape_cast %add3A_492 : vector<16xi32> to vector<1x16xi32>
    tpu.vector_store %arg12[%swap3A_494, %swap3A_495], %swap3A_498 {strides = array<i32>} : memref<5x128xi32, #tpu.memory_space<vmem>>, vector<1x16xi32>,
    %get3A_499 = arith.constant 432 : index
    %get3A_500 = tpu.vector_load %arg9[%get3A_499] {strides = array<i32>} : memref<640xi32, #tpu.memory_space<vmem>>, vector<16xi32>,
    %get3A_501 = vector.shape_cast %get3A_500 : vector<16xi32> to vector<16xi32>
    %mul3A_502 = arith.constant 512 : i32
    %mul3A_503 = vector.broadcast %mul3A_502 : i32 to vector<16xi32>
    %mul3A_504 = arith.muli %get3A_501, %mul3A_503 : vector<16xi32>
    %get3A_505 = arith.constant 432 : index
    %get3A_506 = tpu.vector_load %arg8[%get3A_505] {strides = array<i32>} : memref<640xi32, #tpu.memory_space<vmem>>, vector<16xi32>,
    %get3A_507 = vector.shape_cast %get3A_506 : vector<16xi32> to vector<16xi32>
    %add3A_508 = arith.addi %mul3A_504, %get3A_507 : vector<16xi32>
    %swap3A_509 = arith.constant 3 : i32
    %swap3A_510 = arith.index_cast %swap3A_509 : i32 to index
    %swap3A_511 = arith.constant 48 : index
    %swap3A_512 = tpu.vector_load %arg12[%swap3A_510, %swap3A_511] {strides = array<i32>} : memref<5x128xi32, #tpu.memory_space<vmem>>, vector<1x16xi32>,
    %swap3A_513 = vector.shape_cast %swap3A_512 : vector<1x16xi32> to vector<16xi32>
    %swap3A_514 = vector.shape_cast %add3A_508 : vector<16xi32> to vector<1x16xi32>
    tpu.vector_store %arg12[%swap3A_510, %swap3A_511], %swap3A_514 {strides = array<i32>} : memref<5x128xi32, #tpu.memory_space<vmem>>, vector<1x16xi32>,
    %get3A_515 = arith.constant 448 : index
    %get3A_516 = tpu.vector_load %arg9[%get3A_515] {strides = array<i32>} : memref<640xi32, #tpu.memory_space<vmem>>, vector<16xi32>,
    %get3A_517 = vector.shape_cast %get3A_516 : vector<16xi32> to vector<16xi32>
    %mul3A_518 = arith.constant 512 : i32
    %mul3A_519 = vector.broadcast %mul3A_518 : i32 to vector<16xi32>
    %mul3A_520 = arith.muli %get3A_517, %mul3A_519 : vector<16xi32>
    %get3A_521 = arith.constant 448 : index
    %get3A_522 = tpu.vector_load %arg8[%get3A_521] {strides = array<i32>} : memref<640xi32, #tpu.memory_space<vmem>>, vector<16xi32>,
    %get3A_523 = vector.shape_cast %get3A_522 : vector<16xi32> to vector<16xi32>
    %add3A_524 = arith.addi %mul3A_520, %get3A_523 : vector<16xi32>
    %swap3A_525 = arith.constant 3 : i32
    %swap3A_526 = arith.index_cast %swap3A_525 : i32 to index
    %swap3A_527 = arith.constant 64 : index
    %swap3A_528 = tpu.vector_load %arg12[%swap3A_526, %swap3A_527] {strides = array<i32>} : memref<5x128xi32, #tpu.memory_space<vmem>>, vector<1x16xi32>,
    %swap3A_529 = vector.shape_cast %swap3A_528 : vector<1x16xi32> to vector<16xi32>
    %swap3A_530 = vector.shape_cast %add3A_524 : vector<16xi32> to vector<1x16xi32>
    tpu.vector_store %arg12[%swap3A_526, %swap3A_527], %swap3A_530 {strides = array<i32>} : memref<5x128xi32, #tpu.memory_space<vmem>>, vector<1x16xi32>,
    %get3A_531 = arith.constant 464 : index
    %get3A_532 = tpu.vector_load %arg9[%get3A_531] {strides = array<i32>} : memref<640xi32, #tpu.memory_space<vmem>>, vector<16xi32>,
    %get3A_533 = vector.shape_cast %get3A_532 : vector<16xi32> to vector<16xi32>
    %mul3A_534 = arith.constant 512 : i32
    %mul3A_535 = vector.broadcast %mul3A_534 : i32 to vector<16xi32>
    %mul3A_536 = arith.muli %get3A_533, %mul3A_535 : vector<16xi32>
    %get3A_537 = arith.constant 464 : index
    %get3A_538 = tpu.vector_load %arg8[%get3A_537] {strides = array<i32>} : memref<640xi32, #tpu.memory_space<vmem>>, vector<16xi32>,
    %get3A_539 = vector.shape_cast %get3A_538 : vector<16xi32> to vector<16xi32>
    %add3A_540 = arith.addi %mul3A_536, %get3A_539 : vector<16xi32>
    %swap3A_541 = arith.constant 3 : i32
    %swap3A_542 = arith.index_cast %swap3A_541 : i32 to index
    %swap3A_543 = arith.constant 80 : index
    %swap3A_544 = tpu.vector_load %arg12[%swap3A_542, %swap3A_543] {strides = array<i32>} : memref<5x128xi32, #tpu.memory_space<vmem>>, vector<1x16xi32>,
    %swap3A_545 = vector.shape_cast %swap3A_544 : vector<1x16xi32> to vector<16xi32>
    %swap3A_546 = vector.shape_cast %add3A_540 : vector<16xi32> to vector<1x16xi32>
    tpu.vector_store %arg12[%swap3A_542, %swap3A_543], %swap3A_546 {strides = array<i32>} : memref<5x128xi32, #tpu.memory_space<vmem>>, vector<1x16xi32>,
    %get3A_547 = arith.constant 480 : index
    %get3A_548 = tpu.vector_load %arg9[%get3A_547] {strides = array<i32>} : memref<640xi32, #tpu.memory_space<vmem>>, vector<16xi32>,
    %get3A_549 = vector.shape_cast %get3A_548 : vector<16xi32> to vector<16xi32>
    %mul3A_550 = arith.constant 512 : i32
    %mul3A_551 = vector.broadcast %mul3A_550 : i32 to vector<16xi32>
    %mul3A_552 = arith.muli %get3A_549, %mul3A_551 : vector<16xi32>
    %get3A_553 = arith.constant 480 : index
    %get3A_554 = tpu.vector_load %arg8[%get3A_553] {strides = array<i32>} : memref<640xi32, #tpu.memory_space<vmem>>, vector<16xi32>,
    %get3A_555 = vector.shape_cast %get3A_554 : vector<16xi32> to vector<16xi32>
    %add3A_556 = arith.addi %mul3A_552, %get3A_555 : vector<16xi32>
    %swap3A_557 = arith.constant 3 : i32
    %swap3A_558 = arith.index_cast %swap3A_557 : i32 to index
    %swap3A_559 = arith.constant 96 : index
    %swap3A_560 = tpu.vector_load %arg12[%swap3A_558, %swap3A_559] {strides = array<i32>} : memref<5x128xi32, #tpu.memory_space<vmem>>, vector<1x16xi32>,
    %swap3A_561 = vector.shape_cast %swap3A_560 : vector<1x16xi32> to vector<16xi32>
    %swap3A_562 = vector.shape_cast %add3A_556 : vector<16xi32> to vector<1x16xi32>
    tpu.vector_store %arg12[%swap3A_558, %swap3A_559], %swap3A_562 {strides = array<i32>} : memref<5x128xi32, #tpu.memory_space<vmem>>, vector<1x16xi32>,
    %get3A_563 = arith.constant 496 : index
    %get3A_564 = tpu.vector_load %arg9[%get3A_563] {strides = array<i32>} : memref<640xi32, #tpu.memory_space<vmem>>, vector<16xi32>,
    %get3A_565 = vector.shape_cast %get3A_564 : vector<16xi32> to vector<16xi32>
    %mul3A_566 = arith.constant 512 : i32
    %mul3A_567 = vector.broadcast %mul3A_566 : i32 to vector<16xi32>
    %mul3A_568 = arith.muli %get3A_565, %mul3A_567 : vector<16xi32>
    %get3A_569 = arith.constant 496 : index
    %get3A_570 = tpu.vector_load %arg8[%get3A_569] {strides = array<i32>} : memref<640xi32, #tpu.memory_space<vmem>>, vector<16xi32>,
    %get3A_571 = vector.shape_cast %get3A_570 : vector<16xi32> to vector<16xi32>
    %add3A_572 = arith.addi %mul3A_568, %get3A_571 : vector<16xi32>
    %swap3A_573 = arith.constant 3 : i32
    %swap3A_574 = arith.index_cast %swap3A_573 : i32 to index
    %swap3A_575 = arith.constant 112 : index
    %swap3A_576 = tpu.vector_load %arg12[%swap3A_574, %swap3A_575] {strides = array<i32>} : memref<5x128xi32, #tpu.memory_space<vmem>>, vector<1x16xi32>,
    %swap3A_577 = vector.shape_cast %swap3A_576 : vector<1x16xi32> to vector<16xi32>
    %swap3A_578 = vector.shape_cast %add3A_572 : vector<16xi32> to vector<1x16xi32>
    tpu.vector_store %arg12[%swap3A_574, %swap3A_575], %swap3A_578 {strides = array<i32>} : memref<5x128xi32, #tpu.memory_space<vmem>>, vector<1x16xi32>,
    %get3A_579 = arith.constant 512 : index
    %get3A_580 = tpu.vector_load %arg9[%get3A_579] {strides = array<i32>} : memref<640xi32, #tpu.memory_space<vmem>>, vector<16xi32>,
    %get3A_581 = vector.shape_cast %get3A_580 : vector<16xi32> to vector<16xi32>
    %mul3A_582 = arith.constant 512 : i32
    %mul3A_583 = vector.broadcast %mul3A_582 : i32 to vector<16xi32>
    %mul3A_584 = arith.muli %get3A_581, %mul3A_583 : vector<16xi32>
    %get3A_585 = arith.constant 512 : index
    %get3A_586 = tpu.vector_load %arg8[%get3A_585] {strides = array<i32>} : memref<640xi32, #tpu.memory_space<vmem>>, vector<16xi32>,
    %get3A_587 = vector.shape_cast %get3A_586 : vector<16xi32> to vector<16xi32>
    %add3A_588 = arith.addi %mul3A_584, %get3A_587 : vector<16xi32>
    %swap3A_589 = arith.constant 4 : i32
    %swap3A_590 = arith.index_cast %swap3A_589 : i32 to index
    %swap3A_591 = arith.constant 0 : index
    %swap3A_592 = tpu.vector_load %arg12[%swap3A_590, %swap3A_591] {strides = array<i32>} : memref<5x128xi32, #tpu.memory_space<vmem>>, vector<1x16xi32>,
    %swap3A_593 = vector.shape_cast %swap3A_592 : vector<1x16xi32> to vector<16xi32>
    %swap3A_594 = vector.shape_cast %add3A_588 : vector<16xi32> to vector<1x16xi32>
    tpu.vector_store %arg12[%swap3A_590, %swap3A_591], %swap3A_594 {strides = array<i32>} : memref<5x128xi32, #tpu.memory_space<vmem>>, vector<1x16xi32>,
    %get3A_595 = arith.constant 528 : index
    %get3A_596 = tpu.vector_load %arg9[%get3A_595] {strides = array<i32>} : memref<640xi32, #tpu.memory_space<vmem>>, vector<16xi32>,
    %get3A_597 = vector.shape_cast %get3A_596 : vector<16xi32> to vector<16xi32>
    %mul3A_598 = arith.constant 512 : i32
    %mul3A_599 = vector.broadcast %mul3A_598 : i32 to vector<16xi32>
    %mul3A_600 = arith.muli %get3A_597, %mul3A_599 : vector<16xi32>
    %get3A_601 = arith.constant 528 : index
    %get3A_602 = tpu.vector_load %arg8[%get3A_601] {strides = array<i32>} : memref<640xi32, #tpu.memory_space<vmem>>, vector<16xi32>,
    %get3A_603 = vector.shape_cast %get3A_602 : vector<16xi32> to vector<16xi32>
    %add3A_604 = arith.addi %mul3A_600, %get3A_603 : vector<16xi32>
    %swap3A_605 = arith.constant 4 : i32
    %swap3A_606 = arith.index_cast %swap3A_605 : i32 to index
    %swap3A_607 = arith.constant 16 : index
    %swap3A_608 = tpu.vector_load %arg12[%swap3A_606, %swap3A_607] {strides = array<i32>} : memref<5x128xi32, #tpu.memory_space<vmem>>, vector<1x16xi32>,
    %swap3A_609 = vector.shape_cast %swap3A_608 : vector<1x16xi32> to vector<16xi32>
    %swap3A_610 = vector.shape_cast %add3A_604 : vector<16xi32> to vector<1x16xi32>
    tpu.vector_store %arg12[%swap3A_606, %swap3A_607], %swap3A_610 {strides = array<i32>} : memref<5x128xi32, #tpu.memory_space<vmem>>, vector<1x16xi32>,
    %get3A_611 = arith.constant 544 : index
    %get3A_612 = tpu.vector_load %arg9[%get3A_611] {strides = array<i32>} : memref<640xi32, #tpu.memory_space<vmem>>, vector<16xi32>,
    %get3A_613 = vector.shape_cast %get3A_612 : vector<16xi32> to vector<16xi32>
    %mul3A_614 = arith.constant 512 : i32
    %mul3A_615 = vector.broadcast %mul3A_614 : i32 to vector<16xi32>
    %mul3A_616 = arith.muli %get3A_613, %mul3A_615 : vector<16xi32>
    %get3A_617 = arith.constant 544 : index
    %get3A_618 = tpu.vector_load %arg8[%get3A_617] {strides = array<i32>} : memref<640xi32, #tpu.memory_space<vmem>>, vector<16xi32>,
    %get3A_619 = vector.shape_cast %get3A_618 : vector<16xi32> to vector<16xi32>
    %add3A_620 = arith.addi %mul3A_616, %get3A_619 : vector<16xi32>
    %swap3A_621 = arith.constant 4 : i32
    %swap3A_622 = arith.index_cast %swap3A_621 : i32 to index
    %swap3A_623 = arith.constant 32 : index
    %swap3A_624 = tpu.vector_load %arg12[%swap3A_622, %swap3A_623] {strides = array<i32>} : memref<5x128xi32, #tpu.memory_space<vmem>>, vector<1x16xi32>,
    %swap3A_625 = vector.shape_cast %swap3A_624 : vector<1x16xi32> to vector<16xi32>
    %swap3A_626 = vector.shape_cast %add3A_620 : vector<16xi32> to vector<1x16xi32>
    tpu.vector_store %arg12[%swap3A_622, %swap3A_623], %swap3A_626 {strides = array<i32>} : memref<5x128xi32, #tpu.memory_space<vmem>>, vector<1x16xi32>,
    %get3A_627 = arith.constant 560 : index
    %get3A_628 = tpu.vector_load %arg9[%get3A_627] {strides = array<i32>} : memref<640xi32, #tpu.memory_space<vmem>>, vector<16xi32>,
    %get3A_629 = vector.shape_cast %get3A_628 : vector<16xi32> to vector<16xi32>
    %mul3A_630 = arith.constant 512 : i32
    %mul3A_631 = vector.broadcast %mul3A_630 : i32 to vector<16xi32>
    %mul3A_632 = arith.muli %get3A_629, %mul3A_631 : vector<16xi32>
    %get3A_633 = arith.constant 560 : index
    %get3A_634 = tpu.vector_load %arg8[%get3A_633] {strides = array<i32>} : memref<640xi32, #tpu.memory_space<vmem>>, vector<16xi32>,
    %get3A_635 = vector.shape_cast %get3A_634 : vector<16xi32> to vector<16xi32>
    %add3A_636 = arith.addi %mul3A_632, %get3A_635 : vector<16xi32>
    %swap3A_637 = arith.constant 4 : i32
    %swap3A_638 = arith.index_cast %swap3A_637 : i32 to index
    %swap3A_639 = arith.constant 48 : index
    %swap3A_640 = tpu.vector_load %arg12[%swap3A_638, %swap3A_639] {strides = array<i32>} : memref<5x128xi32, #tpu.memory_space<vmem>>, vector<1x16xi32>,
    %swap3A_641 = vector.shape_cast %swap3A_640 : vector<1x16xi32> to vector<16xi32>
    %swap3A_642 = vector.shape_cast %add3A_636 : vector<16xi32> to vector<1x16xi32>
    tpu.vector_store %arg12[%swap3A_638, %swap3A_639], %swap3A_642 {strides = array<i32>} : memref<5x128xi32, #tpu.memory_space<vmem>>, vector<1x16xi32>,
    %get3A_643 = arith.constant 576 : index
    %get3A_644 = tpu.vector_load %arg9[%get3A_643] {strides = array<i32>} : memref<640xi32, #tpu.memory_space<vmem>>, vector<16xi32>,
    %get3A_645 = vector.shape_cast %get3A_644 : vector<16xi32> to vector<16xi32>
    %mul3A_646 = arith.constant 512 : i32
    %mul3A_647 = vector.broadcast %mul3A_646 : i32 to vector<16xi32>
    %mul3A_648 = arith.muli %get3A_645, %mul3A_647 : vector<16xi32>
    %get3A_649 = arith.constant 576 : index
    %get3A_650 = tpu.vector_load %arg8[%get3A_649] {strides = array<i32>} : memref<640xi32, #tpu.memory_space<vmem>>, vector<16xi32>,
    %get3A_651 = vector.shape_cast %get3A_650 : vector<16xi32> to vector<16xi32>
    %add3A_652 = arith.addi %mul3A_648, %get3A_651 : vector<16xi32>
    %swap3A_653 = arith.constant 4 : i32
    %swap3A_654 = arith.index_cast %swap3A_653 : i32 to index
    %swap3A_655 = arith.constant 64 : index
    %swap3A_656 = tpu.vector_load %arg12[%swap3A_654, %swap3A_655] {strides = array<i32>} : memref<5x128xi32, #tpu.memory_space<vmem>>, vector<1x16xi32>,
    %swap3A_657 = vector.shape_cast %swap3A_656 : vector<1x16xi32> to vector<16xi32>
    %swap3A_658 = vector.shape_cast %add3A_652 : vector<16xi32> to vector<1x16xi32>
    tpu.vector_store %arg12[%swap3A_654, %swap3A_655], %swap3A_658 {strides = array<i32>} : memref<5x128xi32, #tpu.memory_space<vmem>>, vector<1x16xi32>,
    %get3A_659 = arith.constant 592 : index
    %get3A_660 = tpu.vector_load %arg9[%get3A_659] {strides = array<i32>} : memref<640xi32, #tpu.memory_space<vmem>>, vector<16xi32>,
    %get3A_661 = vector.shape_cast %get3A_660 : vector<16xi32> to vector<16xi32>
    %mul3A_662 = arith.constant 512 : i32
    %mul3A_663 = vector.broadcast %mul3A_662 : i32 to vector<16xi32>
    %mul3A_664 = arith.muli %get3A_661, %mul3A_663 : vector<16xi32>
    %get3A_665 = arith.constant 592 : index
    %get3A_666 = tpu.vector_load %arg8[%get3A_665] {strides = array<i32>} : memref<640xi32, #tpu.memory_space<vmem>>, vector<16xi32>,
    %get3A_667 = vector.shape_cast %get3A_666 : vector<16xi32> to vector<16xi32>
    %add3A_668 = arith.addi %mul3A_664, %get3A_667 : vector<16xi32>
    %swap3A_669 = arith.constant 4 : i32
    %swap3A_670 = arith.index_cast %swap3A_669 : i32 to index
    %swap3A_671 = arith.constant 80 : index
    %swap3A_672 = tpu.vector_load %arg12[%swap3A_670, %swap3A_671] {strides = array<i32>} : memref<5x128xi32, #tpu.memory_space<vmem>>, vector<1x16xi32>,
    %swap3A_673 = vector.shape_cast %swap3A_672 : vector<1x16xi32> to vector<16xi32>
    %swap3A_674 = vector.shape_cast %add3A_668 : vector<16xi32> to vector<1x16xi32>
    tpu.vector_store %arg12[%swap3A_670, %swap3A_671], %swap3A_674 {strides = array<i32>} : memref<5x128xi32, #tpu.memory_space<vmem>>, vector<1x16xi32>,
    %get3A_675 = arith.constant 608 : index
    %get3A_676 = tpu.vector_load %arg9[%get3A_675] {strides = array<i32>} : memref<640xi32, #tpu.memory_space<vmem>>, vector<16xi32>,
    %get3A_677 = vector.shape_cast %get3A_676 : vector<16xi32> to vector<16xi32>
    %mul3A_678 = arith.constant 512 : i32
    %mul3A_679 = vector.broadcast %mul3A_678 : i32 to vector<16xi32>
    %mul3A_680 = arith.muli %get3A_677, %mul3A_679 : vector<16xi32>
    %get3A_681 = arith.constant 608 : index
    %get3A_682 = tpu.vector_load %arg8[%get3A_681] {strides = array<i32>} : memref<640xi32, #tpu.memory_space<vmem>>, vector<16xi32>,
    %get3A_683 = vector.shape_cast %get3A_682 : vector<16xi32> to vector<16xi32>
    %add3A_684 = arith.addi %mul3A_680, %get3A_683 : vector<16xi32>
    %swap3A_685 = arith.constant 4 : i32
    %swap3A_686 = arith.index_cast %swap3A_685 : i32 to index
    %swap3A_687 = arith.constant 96 : index
    %swap3A_688 = tpu.vector_load %arg12[%swap3A_686, %swap3A_687] {strides = array<i32>} : memref<5x128xi32, #tpu.memory_space<vmem>>, vector<1x16xi32>,
    %swap3A_689 = vector.shape_cast %swap3A_688 : vector<1x16xi32> to vector<16xi32>
    %swap3A_690 = vector.shape_cast %add3A_684 : vector<16xi32> to vector<1x16xi32>
    tpu.vector_store %arg12[%swap3A_686, %swap3A_687], %swap3A_690 {strides = array<i32>} : memref<5x128xi32, #tpu.memory_space<vmem>>, vector<1x16xi32>,
    %get3A_691 = arith.constant 624 : index
    %get3A_692 = tpu.vector_load %arg9[%get3A_691] {strides = array<i32>} : memref<640xi32, #tpu.memory_space<vmem>>, vector<16xi32>,
    %get3A_693 = vector.shape_cast %get3A_692 : vector<16xi32> to vector<16xi32>
    %mul3A_694 = arith.constant 512 : i32
    %mul3A_695 = vector.broadcast %mul3A_694 : i32 to vector<16xi32>
    %mul3A_696 = arith.muli %get3A_693, %mul3A_695 : vector<16xi32>
    %get3A_697 = arith.constant 624 : index
    %get3A_698 = tpu.vector_load %arg8[%get3A_697] {strides = array<i32>} : memref<640xi32, #tpu.memory_space<vmem>>, vector<16xi32>,
    %get3A_699 = vector.shape_cast %get3A_698 : vector<16xi32> to vector<16xi32>
    %add3A_700 = arith.addi %mul3A_696, %get3A_699 : vector<16xi32>
    %swap3A_701 = arith.constant 4 : i32
    %swap3A_702 = arith.index_cast %swap3A_701 : i32 to index
    %swap3A_703 = arith.constant 112 : index
    %swap3A_704 = tpu.vector_load %arg12[%swap3A_702, %swap3A_703] {strides = array<i32>} : memref<5x128xi32, #tpu.memory_space<vmem>>, vector<1x16xi32>,
    %swap3A_705 = vector.shape_cast %swap3A_704 : vector<1x16xi32> to vector<16xi32>
    %swap3A_706 = vector.shape_cast %add3A_700 : vector<16xi32> to vector<1x16xi32>
    tpu.vector_store %arg12[%swap3A_702, %swap3A_703], %swap3A_706 {strides = array<i32>} : memref<5x128xi32, #tpu.memory_space<vmem>>, vector<1x16xi32>,
    %get3A_707 = arith.constant 0 : index
    %get3A_708 = tpu.vector_load %arg10[%get3A_707] {strides = array<i32>} : memref<1920xi32, #tpu.memory_space<vmem>>, vector<16xi32>,
    %get3A_709 = vector.shape_cast %get3A_708 : vector<16xi32> to vector<16xi32>
    %mul3A_710 = arith.constant 224 : i32
    %mul3A_711 = vector.broadcast %mul3A_710 : i32 to vector<16xi32>
    %mul3A_712 = arith.muli %get3A_709, %mul3A_711 : vector<16xi32>
    %get3A_713 = arith.constant 0 : index
    %get3A_714 = tpu.vector_load %arg11[%get3A_713] {strides = array<i32>} : memref<1920xi32, #tpu.memory_space<vmem>>, vector<16xi32>,
    %get3A_715 = vector.shape_cast %get3A_714 : vector<16xi32> to vector<16xi32>
    %add3A_716 = arith.addi %mul3A_712, %get3A_715 : vector<16xi32>
    %swap3A_717 = arith.constant 0 : i32
    %swap3A_718 = arith.index_cast %swap3A_717 : i32 to index
    %swap3A_719 = arith.constant 0 : index
    %swap3A_720 = tpu.vector_load %arg13[%swap3A_718, %swap3A_719] {strides = array<i32>} : memref<15x128xi32, #tpu.memory_space<vmem>>, vector<1x16xi32>,
    %swap3A_721 = vector.shape_cast %swap3A_720 : vector<1x16xi32> to vector<16xi32>
    %swap3A_722 = vector.shape_cast %add3A_716 : vector<16xi32> to vector<1x16xi32>
    tpu.vector_store %arg13[%swap3A_718, %swap3A_719], %swap3A_722 {strides = array<i32>} : memref<15x128xi32, #tpu.memory_space<vmem>>, vector<1x16xi32>,
    %get3A_723 = arith.constant 16 : index
    %get3A_724 = tpu.vector_load %arg10[%get3A_723] {strides = array<i32>} : memref<1920xi32, #tpu.memory_space<vmem>>, vector<16xi32>,
    %get3A_725 = vector.shape_cast %get3A_724 : vector<16xi32> to vector<16xi32>
    %mul3A_726 = arith.constant 224 : i32
    %mul3A_727 = vector.broadcast %mul3A_726 : i32 to vector<16xi32>
    %mul3A_728 = arith.muli %get3A_725, %mul3A_727 : vector<16xi32>
    %get3A_729 = arith.constant 16 : index
    %get3A_730 = tpu.vector_load %arg11[%get3A_729] {strides = array<i32>} : memref<1920xi32, #tpu.memory_space<vmem>>, vector<16xi32>,
    %get3A_731 = vector.shape_cast %get3A_730 : vector<16xi32> to vector<16xi32>
    %add3A_732 = arith.addi %mul3A_728, %get3A_731 : vector<16xi32>
    %swap3A_733 = arith.constant 0 : i32
    %swap3A_734 = arith.index_cast %swap3A_733 : i32 to index
    %swap3A_735 = arith.constant 16 : index
    %swap3A_736 = tpu.vector_load %arg13[%swap3A_734, %swap3A_735] {strides = array<i32>} : memref<15x128xi32, #tpu.memory_space<vmem>>, vector<1x16xi32>,
    %swap3A_737 = vector.shape_cast %swap3A_736 : vector<1x16xi32> to vector<16xi32>
    %swap3A_738 = vector.shape_cast %add3A_732 : vector<16xi32> to vector<1x16xi32>
    tpu.vector_store %arg13[%swap3A_734, %swap3A_735], %swap3A_738 {strides = array<i32>} : memref<15x128xi32, #tpu.memory_space<vmem>>, vector<1x16xi32>,
    %get3A_739 = arith.constant 32 : index
    %get3A_740 = tpu.vector_load %arg10[%get3A_739] {strides = array<i32>} : memref<1920xi32, #tpu.memory_space<vmem>>, vector<16xi32>,
    %get3A_741 = vector.shape_cast %get3A_740 : vector<16xi32> to vector<16xi32>
    %mul3A_742 = arith.constant 224 : i32
    %mul3A_743 = vector.broadcast %mul3A_742 : i32 to vector<16xi32>
    %mul3A_744 = arith.muli %get3A_741, %mul3A_743 : vector<16xi32>
    %get3A_745 = arith.constant 32 : index
    %get3A_746 = tpu.vector_load %arg11[%get3A_745] {strides = array<i32>} : memref<1920xi32, #tpu.memory_space<vmem>>, vector<16xi32>,
    %get3A_747 = vector.shape_cast %get3A_746 : vector<16xi32> to vector<16xi32>
    %add3A_748 = arith.addi %mul3A_744, %get3A_747 : vector<16xi32>
    %swap3A_749 = arith.constant 0 : i32
    %swap3A_750 = arith.index_cast %swap3A_749 : i32 to index
    %swap3A_751 = arith.constant 32 : index
    %swap3A_752 = tpu.vector_load %arg13[%swap3A_750, %swap3A_751] {strides = array<i32>} : memref<15x128xi32, #tpu.memory_space<vmem>>, vector<1x16xi32>,
    %swap3A_753 = vector.shape_cast %swap3A_752 : vector<1x16xi32> to vector<16xi32>
    %swap3A_754 = vector.shape_cast %add3A_748 : vector<16xi32> to vector<1x16xi32>
    tpu.vector_store %arg13[%swap3A_750, %swap3A_751], %swap3A_754 {strides = array<i32>} : memref<15x128xi32, #tpu.memory_space<vmem>>, vector<1x16xi32>,
    %get3A_755 = arith.constant 48 : index
    %get3A_756 = tpu.vector_load %arg10[%get3A_755] {strides = array<i32>} : memref<1920xi32, #tpu.memory_space<vmem>>, vector<16xi32>,
    %get3A_757 = vector.shape_cast %get3A_756 : vector<16xi32> to vector<16xi32>
    %mul3A_758 = arith.constant 224 : i32
    %mul3A_759 = vector.broadcast %mul3A_758 : i32 to vector<16xi32>
    %mul3A_760 = arith.muli %get3A_757, %mul3A_759 : vector<16xi32>
    %get3A_761 = arith.constant 48 : index
    %get3A_762 = tpu.vector_load %arg11[%get3A_761] {strides = array<i32>} : memref<1920xi32, #tpu.memory_space<vmem>>, vector<16xi32>,
    %get3A_763 = vector.shape_cast %get3A_762 : vector<16xi32> to vector<16xi32>
    %add3A_764 = arith.addi %mul3A_760, %get3A_763 : vector<16xi32>
    %swap3A_765 = arith.constant 0 : i32
    %swap3A_766 = arith.index_cast %swap3A_765 : i32 to index
    %swap3A_767 = arith.constant 48 : index
    %swap3A_768 = tpu.vector_load %arg13[%swap3A_766, %swap3A_767] {strides = array<i32>} : memref<15x128xi32, #tpu.memory_space<vmem>>, vector<1x16xi32>,
    %swap3A_769 = vector.shape_cast %swap3A_768 : vector<1x16xi32> to vector<16xi32>
    %swap3A_770 = vector.shape_cast %add3A_764 : vector<16xi32> to vector<1x16xi32>
    tpu.vector_store %arg13[%swap3A_766, %swap3A_767], %swap3A_770 {strides = array<i32>} : memref<15x128xi32, #tpu.memory_space<vmem>>, vector<1x16xi32>,
    %get3A_771 = arith.constant 64 : index
    %get3A_772 = tpu.vector_load %arg10[%get3A_771] {strides = array<i32>} : memref<1920xi32, #tpu.memory_space<vmem>>, vector<16xi32>,
    %get3A_773 = vector.shape_cast %get3A_772 : vector<16xi32> to vector<16xi32>
    %mul3A_774 = arith.constant 224 : i32
    %mul3A_775 = vector.broadcast %mul3A_774 : i32 to vector<16xi32>
    %mul3A_776 = arith.muli %get3A_773, %mul3A_775 : vector<16xi32>
    %get3A_777 = arith.constant 64 : index
    %get3A_778 = tpu.vector_load %arg11[%get3A_777] {strides = array<i32>} : memref<1920xi32, #tpu.memory_space<vmem>>, vector<16xi32>,
    %get3A_779 = vector.shape_cast %get3A_778 : vector<16xi32> to vector<16xi32>
    %add3A_780 = arith.addi %mul3A_776, %get3A_779 : vector<16xi32>
    %swap3A_781 = arith.constant 0 : i32
    %swap3A_782 = arith.index_cast %swap3A_781 : i32 to index
    %swap3A_783 = arith.constant 64 : index
    %swap3A_784 = tpu.vector_load %arg13[%swap3A_782, %swap3A_783] {strides = array<i32>} : memref<15x128xi32, #tpu.memory_space<vmem>>, vector<1x16xi32>,
    %swap3A_785 = vector.shape_cast %swap3A_784 : vector<1x16xi32> to vector<16xi32>
    %swap3A_786 = vector.shape_cast %add3A_780 : vector<16xi32> to vector<1x16xi32>
    tpu.vector_store %arg13[%swap3A_782, %swap3A_783], %swap3A_786 {strides = array<i32>} : memref<15x128xi32, #tpu.memory_space<vmem>>, vector<1x16xi32>,
    %get3A_787 = arith.constant 80 : index
    %get3A_788 = tpu.vector_load %arg10[%get3A_787] {strides = array<i32>} : memref<1920xi32, #tpu.memory_space<vmem>>, vector<16xi32>,
    %get3A_789 = vector.shape_cast %get3A_788 : vector<16xi32> to vector<16xi32>
    %mul3A_790 = arith.constant 224 : i32
    %mul3A_791 = vector.broadcast %mul3A_790 : i32 to vector<16xi32>
    %mul3A_792 = arith.muli %get3A_789, %mul3A_791 : vector<16xi32>
    %get3A_793 = arith.constant 80 : index
    %get3A_794 = tpu.vector_load %arg11[%get3A_793] {strides = array<i32>} : memref<1920xi32, #tpu.memory_space<vmem>>, vector<16xi32>,
    %get3A_795 = vector.shape_cast %get3A_794 : vector<16xi32> to vector<16xi32>
    %add3A_796 = arith.addi %mul3A_792, %get3A_795 : vector<16xi32>
    %swap3A_797 = arith.constant 0 : i32
    %swap3A_798 = arith.index_cast %swap3A_797 : i32 to index
    %swap3A_799 = arith.constant 80 : index
    %swap3A_800 = tpu.vector_load %arg13[%swap3A_798, %swap3A_799] {strides = array<i32>} : memref<15x128xi32, #tpu.memory_space<vmem>>, vector<1x16xi32>,
    %swap3A_801 = vector.shape_cast %swap3A_800 : vector<1x16xi32> to vector<16xi32>
    %swap3A_802 = vector.shape_cast %add3A_796 : vector<16xi32> to vector<1x16xi32>
    tpu.vector_store %arg13[%swap3A_798, %swap3A_799], %swap3A_802 {strides = array<i32>} : memref<15x128xi32, #tpu.memory_space<vmem>>, vector<1x16xi32>,
    %get3A_803 = arith.constant 96 : index
    %get3A_804 = tpu.vector_load %arg10[%get3A_803] {strides = array<i32>} : memref<1920xi32, #tpu.memory_space<vmem>>, vector<16xi32>,
    %get3A_805 = vector.shape_cast %get3A_804 : vector<16xi32> to vector<16xi32>
    %mul3A_806 = arith.constant 224 : i32
    %mul3A_807 = vector.broadcast %mul3A_806 : i32 to vector<16xi32>
    %mul3A_808 = arith.muli %get3A_805, %mul3A_807 : vector<16xi32>
    %get3A_809 = arith.constant 96 : index
    %get3A_810 = tpu.vector_load %arg11[%get3A_809] {strides = array<i32>} : memref<1920xi32, #tpu.memory_space<vmem>>, vector<16xi32>,
    %get3A_811 = vector.shape_cast %get3A_810 : vector<16xi32> to vector<16xi32>
    %add3A_812 = arith.addi %mul3A_808, %get3A_811 : vector<16xi32>
    %swap3A_813 = arith.constant 0 : i32
    %swap3A_814 = arith.index_cast %swap3A_813 : i32 to index
    %swap3A_815 = arith.constant 96 : index
    %swap3A_816 = tpu.vector_load %arg13[%swap3A_814, %swap3A_815] {strides = array<i32>} : memref<15x128xi32, #tpu.memory_space<vmem>>, vector<1x16xi32>,
    %swap3A_817 = vector.shape_cast %swap3A_816 : vector<1x16xi32> to vector<16xi32>
    %swap3A_818 = vector.shape_cast %add3A_812 : vector<16xi32> to vector<1x16xi32>
    tpu.vector_store %arg13[%swap3A_814, %swap3A_815], %swap3A_818 {strides = array<i32>} : memref<15x128xi32, #tpu.memory_space<vmem>>, vector<1x16xi32>,
    %get3A_819 = arith.constant 112 : index
    %get3A_820 = tpu.vector_load %arg10[%get3A_819] {strides = array<i32>} : memref<1920xi32, #tpu.memory_space<vmem>>, vector<16xi32>,
    %get3A_821 = vector.shape_cast %get3A_820 : vector<16xi32> to vector<16xi32>
    %mul3A_822 = arith.constant 224 : i32
    %mul3A_823 = vector.broadcast %mul3A_822 : i32 to vector<16xi32>
    %mul3A_824 = arith.muli %get3A_821, %mul3A_823 : vector<16xi32>
    %get3A_825 = arith.constant 112 : index
    %get3A_826 = tpu.vector_load %arg11[%get3A_825] {strides = array<i32>} : memref<1920xi32, #tpu.memory_space<vmem>>, vector<16xi32>,
    %get3A_827 = vector.shape_cast %get3A_826 : vector<16xi32> to vector<16xi32>
    %add3A_828 = arith.addi %mul3A_824, %get3A_827 : vector<16xi32>
    %swap3A_829 = arith.constant 0 : i32
    %swap3A_830 = arith.index_cast %swap3A_829 : i32 to index
    %swap3A_831 = arith.constant 112 : index
    %swap3A_832 = tpu.vector_load %arg13[%swap3A_830, %swap3A_831] {strides = array<i32>} : memref<15x128xi32, #tpu.memory_space<vmem>>, vector<1x16xi32>,
    %swap3A_833 = vector.shape_cast %swap3A_832 : vector<1x16xi32> to vector<16xi32>
    %swap3A_834 = vector.shape_cast %add3A_828 : vector<16xi32> to vector<1x16xi32>
    tpu.vector_store %arg13[%swap3A_830, %swap3A_831], %swap3A_834 {strides = array<i32>} : memref<15x128xi32, #tpu.memory_space<vmem>>, vector<1x16xi32>,
    %get3A_835 = arith.constant 128 : index
    %get3A_836 = tpu.vector_load %arg10[%get3A_835] {strides = array<i32>} : memref<1920xi32, #tpu.memory_space<vmem>>, vector<16xi32>,
    %get3A_837 = vector.shape_cast %get3A_836 : vector<16xi32> to vector<16xi32>
    %mul3A_838 = arith.constant 224 : i32
    %mul3A_839 = vector.broadcast %mul3A_838 : i32 to vector<16xi32>
    %mul3A_840 = arith.muli %get3A_837, %mul3A_839 : vector<16xi32>
    %get3A_841 = arith.constant 128 : index
    %get3A_842 = tpu.vector_load %arg11[%get3A_841] {strides = array<i32>} : memref<1920xi32, #tpu.memory_space<vmem>>, vector<16xi32>,
    %get3A_843 = vector.shape_cast %get3A_842 : vector<16xi32> to vector<16xi32>
    %add3A_844 = arith.addi %mul3A_840, %get3A_843 : vector<16xi32>
    %swap3A_845 = arith.constant 1 : i32
    %swap3A_846 = arith.index_cast %swap3A_845 : i32 to index
    %swap3A_847 = arith.constant 0 : index
    %swap3A_848 = tpu.vector_load %arg13[%swap3A_846, %swap3A_847] {strides = array<i32>} : memref<15x128xi32, #tpu.memory_space<vmem>>, vector<1x16xi32>,
    %swap3A_849 = vector.shape_cast %swap3A_848 : vector<1x16xi32> to vector<16xi32>
    %swap3A_850 = vector.shape_cast %add3A_844 : vector<16xi32> to vector<1x16xi32>
    tpu.vector_store %arg13[%swap3A_846, %swap3A_847], %swap3A_850 {strides = array<i32>} : memref<15x128xi32, #tpu.memory_space<vmem>>, vector<1x16xi32>,
    %get3A_851 = arith.constant 144 : index
    %get3A_852 = tpu.vector_load %arg10[%get3A_851] {strides = array<i32>} : memref<1920xi32, #tpu.memory_space<vmem>>, vector<16xi32>,
    %get3A_853 = vector.shape_cast %get3A_852 : vector<16xi32> to vector<16xi32>
    %mul3A_854 = arith.constant 224 : i32
    %mul3A_855 = vector.broadcast %mul3A_854 : i32 to vector<16xi32>
    %mul3A_856 = arith.muli %get3A_853, %mul3A_855 : vector<16xi32>
    %get3A_857 = arith.constant 144 : index
    %get3A_858 = tpu.vector_load %arg11[%get3A_857] {strides = array<i32>} : memref<1920xi32, #tpu.memory_space<vmem>>, vector<16xi32>,
    %get3A_859 = vector.shape_cast %get3A_858 : vector<16xi32> to vector<16xi32>
    %add3A_860 = arith.addi %mul3A_856, %get3A_859 : vector<16xi32>
    %swap3A_861 = arith.constant 1 : i32
    %swap3A_862 = arith.index_cast %swap3A_861 : i32 to index
    %swap3A_863 = arith.constant 16 : index
    %swap3A_864 = tpu.vector_load %arg13[%swap3A_862, %swap3A_863] {strides = array<i32>} : memref<15x128xi32, #tpu.memory_space<vmem>>, vector<1x16xi32>,
    %swap3A_865 = vector.shape_cast %swap3A_864 : vector<1x16xi32> to vector<16xi32>
    %swap3A_866 = vector.shape_cast %add3A_860 : vector<16xi32> to vector<1x16xi32>
    tpu.vector_store %arg13[%swap3A_862, %swap3A_863], %swap3A_866 {strides = array<i32>} : memref<15x128xi32, #tpu.memory_space<vmem>>, vector<1x16xi32>,
    %get3A_867 = arith.constant 160 : index
    %get3A_868 = tpu.vector_load %arg10[%get3A_867] {strides = array<i32>} : memref<1920xi32, #tpu.memory_space<vmem>>, vector<16xi32>,
    %get3A_869 = vector.shape_cast %get3A_868 : vector<16xi32> to vector<16xi32>
    %mul3A_870 = arith.constant 224 : i32
    %mul3A_871 = vector.broadcast %mul3A_870 : i32 to vector<16xi32>
    %mul3A_872 = arith.muli %get3A_869, %mul3A_871 : vector<16xi32>
    %get3A_873 = arith.constant 160 : index
    %get3A_874 = tpu.vector_load %arg11[%get3A_873] {strides = array<i32>} : memref<1920xi32, #tpu.memory_space<vmem>>, vector<16xi32>,
    %get3A_875 = vector.shape_cast %get3A_874 : vector<16xi32> to vector<16xi32>
    %add3A_876 = arith.addi %mul3A_872, %get3A_875 : vector<16xi32>
    %swap3A_877 = arith.constant 1 : i32
    %swap3A_878 = arith.index_cast %swap3A_877 : i32 to index
    %swap3A_879 = arith.constant 32 : index
    %swap3A_880 = tpu.vector_load %arg13[%swap3A_878, %swap3A_879] {strides = array<i32>} : memref<15x128xi32, #tpu.memory_space<vmem>>, vector<1x16xi32>,
    %swap3A_881 = vector.shape_cast %swap3A_880 : vector<1x16xi32> to vector<16xi32>
    %swap3A_882 = vector.shape_cast %add3A_876 : vector<16xi32> to vector<1x16xi32>
    tpu.vector_store %arg13[%swap3A_878, %swap3A_879], %swap3A_882 {strides = array<i32>} : memref<15x128xi32, #tpu.memory_space<vmem>>, vector<1x16xi32>,
    %get3A_883 = arith.constant 176 : index
    %get3A_884 = tpu.vector_load %arg10[%get3A_883] {strides = array<i32>} : memref<1920xi32, #tpu.memory_space<vmem>>, vector<16xi32>,
    %get3A_885 = vector.shape_cast %get3A_884 : vector<16xi32> to vector<16xi32>
    %mul3A_886 = arith.constant 224 : i32
    %mul3A_887 = vector.broadcast %mul3A_886 : i32 to vector<16xi32>
    %mul3A_888 = arith.muli %get3A_885, %mul3A_887 : vector<16xi32>
    %get3A_889 = arith.constant 176 : index
    %get3A_890 = tpu.vector_load %arg11[%get3A_889] {strides = array<i32>} : memref<1920xi32, #tpu.memory_space<vmem>>, vector<16xi32>,
    %get3A_891 = vector.shape_cast %get3A_890 : vector<16xi32> to vector<16xi32>
    %add3A_892 = arith.addi %mul3A_888, %get3A_891 : vector<16xi32>
    %swap3A_893 = arith.constant 1 : i32
    %swap3A_894 = arith.index_cast %swap3A_893 : i32 to index
    %swap3A_895 = arith.constant 48 : index
    %swap3A_896 = tpu.vector_load %arg13[%swap3A_894, %swap3A_895] {strides = array<i32>} : memref<15x128xi32, #tpu.memory_space<vmem>>, vector<1x16xi32>,
    %swap3A_897 = vector.shape_cast %swap3A_896 : vector<1x16xi32> to vector<16xi32>
    %swap3A_898 = vector.shape_cast %add3A_892 : vector<16xi32> to vector<1x16xi32>
    tpu.vector_store %arg13[%swap3A_894, %swap3A_895], %swap3A_898 {strides = array<i32>} : memref<15x128xi32, #tpu.memory_space<vmem>>, vector<1x16xi32>,
    %get3A_899 = arith.constant 192 : index
    %get3A_900 = tpu.vector_load %arg10[%get3A_899] {strides = array<i32>} : memref<1920xi32, #tpu.memory_space<vmem>>, vector<16xi32>,
    %get3A_901 = vector.shape_cast %get3A_900 : vector<16xi32> to vector<16xi32>
    %mul3A_902 = arith.constant 224 : i32
    %mul3A_903 = vector.broadcast %mul3A_902 : i32 to vector<16xi32>
    %mul3A_904 = arith.muli %get3A_901, %mul3A_903 : vector<16xi32>
    %get3A_905 = arith.constant 192 : index
    %get3A_906 = tpu.vector_load %arg11[%get3A_905] {strides = array<i32>} : memref<1920xi32, #tpu.memory_space<vmem>>, vector<16xi32>,
    %get3A_907 = vector.shape_cast %get3A_906 : vector<16xi32> to vector<16xi32>
    %add3A_908 = arith.addi %mul3A_904, %get3A_907 : vector<16xi32>
    %swap3A_909 = arith.constant 1 : i32
    %swap3A_910 = arith.index_cast %swap3A_909 : i32 to index
    %swap3A_911 = arith.constant 64 : index
    %swap3A_912 = tpu.vector_load %arg13[%swap3A_910, %swap3A_911] {strides = array<i32>} : memref<15x128xi32, #tpu.memory_space<vmem>>, vector<1x16xi32>,
    %swap3A_913 = vector.shape_cast %swap3A_912 : vector<1x16xi32> to vector<16xi32>
    %swap3A_914 = vector.shape_cast %add3A_908 : vector<16xi32> to vector<1x16xi32>
    tpu.vector_store %arg13[%swap3A_910, %swap3A_911], %swap3A_914 {strides = array<i32>} : memref<15x128xi32, #tpu.memory_space<vmem>>, vector<1x16xi32>,
    %get3A_915 = arith.constant 208 : index
    %get3A_916 = tpu.vector_load %arg10[%get3A_915] {strides = array<i32>} : memref<1920xi32, #tpu.memory_space<vmem>>, vector<16xi32>,
    %get3A_917 = vector.shape_cast %get3A_916 : vector<16xi32> to vector<16xi32>
    %mul3A_918 = arith.constant 224 : i32
    %mul3A_919 = vector.broadcast %mul3A_918 : i32 to vector<16xi32>
    %mul3A_920 = arith.muli %get3A_917, %mul3A_919 : vector<16xi32>
    %get3A_921 = arith.constant 208 : index
    %get3A_922 = tpu.vector_load %arg11[%get3A_921] {strides = array<i32>} : memref<1920xi32, #tpu.memory_space<vmem>>, vector<16xi32>,
    %get3A_923 = vector.shape_cast %get3A_922 : vector<16xi32> to vector<16xi32>
    %add3A_924 = arith.addi %mul3A_920, %get3A_923 : vector<16xi32>
    %swap3A_925 = arith.constant 1 : i32
    %swap3A_926 = arith.index_cast %swap3A_925 : i32 to index
    %swap3A_927 = arith.constant 80 : index
    %swap3A_928 = tpu.vector_load %arg13[%swap3A_926, %swap3A_927] {strides = array<i32>} : memref<15x128xi32, #tpu.memory_space<vmem>>, vector<1x16xi32>,
    %swap3A_929 = vector.shape_cast %swap3A_928 : vector<1x16xi32> to vector<16xi32>
    %swap3A_930 = vector.shape_cast %add3A_924 : vector<16xi32> to vector<1x16xi32>
    tpu.vector_store %arg13[%swap3A_926, %swap3A_927], %swap3A_930 {strides = array<i32>} : memref<15x128xi32, #tpu.memory_space<vmem>>, vector<1x16xi32>,
    %get3A_931 = arith.constant 224 : index
    %get3A_932 = tpu.vector_load %arg10[%get3A_931] {strides = array<i32>} : memref<1920xi32, #tpu.memory_space<vmem>>, vector<16xi32>,
    %get3A_933 = vector.shape_cast %get3A_932 : vector<16xi32> to vector<16xi32>
    %mul3A_934 = arith.constant 224 : i32
    %mul3A_935 = vector.broadcast %mul3A_934 : i32 to vector<16xi32>
    %mul3A_936 = arith.muli %get3A_933, %mul3A_935 : vector<16xi32>
    %get3A_937 = arith.constant 224 : index
    %get3A_938 = tpu.vector_load %arg11[%get3A_937] {strides = array<i32>} : memref<1920xi32, #tpu.memory_space<vmem>>, vector<16xi32>,
    %get3A_939 = vector.shape_cast %get3A_938 : vector<16xi32> to vector<16xi32>
    %add3A_940 = arith.addi %mul3A_936, %get3A_939 : vector<16xi32>
    %swap3A_941 = arith.constant 1 : i32
    %swap3A_942 = arith.index_cast %swap3A_941 : i32 to index
    %swap3A_943 = arith.constant 96 : index
    %swap3A_944 = tpu.vector_load %arg13[%swap3A_942, %swap3A_943] {strides = array<i32>} : memref<15x128xi32, #tpu.memory_space<vmem>>, vector<1x16xi32>,
    %swap3A_945 = vector.shape_cast %swap3A_944 : vector<1x16xi32> to vector<16xi32>
    %swap3A_946 = vector.shape_cast %add3A_940 : vector<16xi32> to vector<1x16xi32>
    tpu.vector_store %arg13[%swap3A_942, %swap3A_943], %swap3A_946 {strides = array<i32>} : memref<15x128xi32, #tpu.memory_space<vmem>>, vector<1x16xi32>,
    %get3A_947 = arith.constant 240 : index
    %get3A_948 = tpu.vector_load %arg10[%get3A_947] {strides = array<i32>} : memref<1920xi32, #tpu.memory_space<vmem>>, vector<16xi32>,
    %get3A_949 = vector.shape_cast %get3A_948 : vector<16xi32> to vector<16xi32>
    %mul3A_950 = arith.constant 224 : i32
    %mul3A_951 = vector.broadcast %mul3A_950 : i32 to vector<16xi32>
    %mul3A_952 = arith.muli %get3A_949, %mul3A_951 : vector<16xi32>
    %get3A_953 = arith.constant 240 : index
    %get3A_954 = tpu.vector_load %arg11[%get3A_953] {strides = array<i32>} : memref<1920xi32, #tpu.memory_space<vmem>>, vector<16xi32>,
    %get3A_955 = vector.shape_cast %get3A_954 : vector<16xi32> to vector<16xi32>
    %add3A_956 = arith.addi %mul3A_952, %get3A_955 : vector<16xi32>
    %swap3A_957 = arith.constant 1 : i32
    %swap3A_958 = arith.index_cast %swap3A_957 : i32 to index
    %swap3A_959 = arith.constant 112 : index
    %swap3A_960 = tpu.vector_load %arg13[%swap3A_958, %swap3A_959] {strides = array<i32>} : memref<15x128xi32, #tpu.memory_space<vmem>>, vector<1x16xi32>,
    %swap3A_961 = vector.shape_cast %swap3A_960 : vector<1x16xi32> to vector<16xi32>
    %swap3A_962 = vector.shape_cast %add3A_956 : vector<16xi32> to vector<1x16xi32>
    tpu.vector_store %arg13[%swap3A_958, %swap3A_959], %swap3A_962 {strides = array<i32>} : memref<15x128xi32, #tpu.memory_space<vmem>>, vector<1x16xi32>,
    %get3A_963 = arith.constant 256 : index
    %get3A_964 = tpu.vector_load %arg10[%get3A_963] {strides = array<i32>} : memref<1920xi32, #tpu.memory_space<vmem>>, vector<16xi32>,
    %get3A_965 = vector.shape_cast %get3A_964 : vector<16xi32> to vector<16xi32>
    %mul3A_966 = arith.constant 224 : i32
    %mul3A_967 = vector.broadcast %mul3A_966 : i32 to vector<16xi32>
    %mul3A_968 = arith.muli %get3A_965, %mul3A_967 : vector<16xi32>
    %get3A_969 = arith.constant 256 : index
    %get3A_970 = tpu.vector_load %arg11[%get3A_969] {strides = array<i32>} : memref<1920xi32, #tpu.memory_space<vmem>>, vector<16xi32>,
    %get3A_971 = vector.shape_cast %get3A_970 : vector<16xi32> to vector<16xi32>
    %add3A_972 = arith.addi %mul3A_968, %get3A_971 : vector<16xi32>
    %swap3A_973 = arith.constant 2 : i32
    %swap3A_974 = arith.index_cast %swap3A_973 : i32 to index
    %swap3A_975 = arith.constant 0 : index
    %swap3A_976 = tpu.vector_load %arg13[%swap3A_974, %swap3A_975] {strides = array<i32>} : memref<15x128xi32, #tpu.memory_space<vmem>>, vector<1x16xi32>,
    %swap3A_977 = vector.shape_cast %swap3A_976 : vector<1x16xi32> to vector<16xi32>
    %swap3A_978 = vector.shape_cast %add3A_972 : vector<16xi32> to vector<1x16xi32>
    tpu.vector_store %arg13[%swap3A_974, %swap3A_975], %swap3A_978 {strides = array<i32>} : memref<15x128xi32, #tpu.memory_space<vmem>>, vector<1x16xi32>,
    %get3A_979 = arith.constant 272 : index
    %get3A_980 = tpu.vector_load %arg10[%get3A_979] {strides = array<i32>} : memref<1920xi32, #tpu.memory_space<vmem>>, vector<16xi32>,
    %get3A_981 = vector.shape_cast %get3A_980 : vector<16xi32> to vector<16xi32>
    %mul3A_982 = arith.constant 224 : i32
    %mul3A_983 = vector.broadcast %mul3A_982 : i32 to vector<16xi32>
    %mul3A_984 = arith.muli %get3A_981, %mul3A_983 : vector<16xi32>
    %get3A_985 = arith.constant 272 : index
    %get3A_986 = tpu.vector_load %arg11[%get3A_985] {strides = array<i32>} : memref<1920xi32, #tpu.memory_space<vmem>>, vector<16xi32>,
    %get3A_987 = vector.shape_cast %get3A_986 : vector<16xi32> to vector<16xi32>
    %add3A_988 = arith.addi %mul3A_984, %get3A_987 : vector<16xi32>
    %swap3A_989 = arith.constant 2 : i32
    %swap3A_990 = arith.index_cast %swap3A_989 : i32 to index
    %swap3A_991 = arith.constant 16 : index
    %swap3A_992 = tpu.vector_load %arg13[%swap3A_990, %swap3A_991] {strides = array<i32>} : memref<15x128xi32, #tpu.memory_space<vmem>>, vector<1x16xi32>,
    %swap3A_993 = vector.shape_cast %swap3A_992 : vector<1x16xi32> to vector<16xi32>
    %swap3A_994 = vector.shape_cast %add3A_988 : vector<16xi32> to vector<1x16xi32>
    tpu.vector_store %arg13[%swap3A_990, %swap3A_991], %swap3A_994 {strides = array<i32>} : memref<15x128xi32, #tpu.memory_space<vmem>>, vector<1x16xi32>,
    %get3A_995 = arith.constant 288 : index
    %get3A_996 = tpu.vector_load %arg10[%get3A_995] {strides = array<i32>} : memref<1920xi32, #tpu.memory_space<vmem>>, vector<16xi32>,
    %get3A_997 = vector.shape_cast %get3A_996 : vector<16xi32> to vector<16xi32>
    %mul3A_998 = arith.constant 224 : i32
    %mul3A_999 = vector.broadcast %mul3A_998 : i32 to vector<16xi32>
    %mul3A_1000 = arith.muli %get3A_997, %mul3A_999 : vector<16xi32>
    %get3A_1001 = arith.constant 288 : index
    %get3A_1002 = tpu.vector_load %arg11[%get3A_1001] {strides = array<i32>} : memref<1920xi32, #tpu.memory_space<vmem>>, vector<16xi32>,
    %get3A_1003 = vector.shape_cast %get3A_1002 : vector<16xi32> to vector<16xi32>
    %add3A_1004 = arith.addi %mul3A_1000, %get3A_1003 : vector<16xi32>
    %swap3A_1005 = arith.constant 2 : i32
    %swap3A_1006 = arith.index_cast %swap3A_1005 : i32 to index
    %swap3A_1007 = arith.constant 32 : index
    %swap3A_1008 = tpu.vector_load %arg13[%swap3A_1006, %swap3A_1007] {strides = array<i32>} : memref<15x128xi32, #tpu.memory_space<vmem>>, vector<1x16xi32>,
    %swap3A_1009 = vector.shape_cast %swap3A_1008 : vector<1x16xi32> to vector<16xi32>
    %swap3A_1010 = vector.shape_cast %add3A_1004 : vector<16xi32> to vector<1x16xi32>
    tpu.vector_store %arg13[%swap3A_1006, %swap3A_1007], %swap3A_1010 {strides = array<i32>} : memref<15x128xi32, #tpu.memory_space<vmem>>, vector<1x16xi32>,
    %get3A_1011 = arith.constant 304 : index
    %get3A_1012 = tpu.vector_load %arg10[%get3A_1011] {strides = array<i32>} : memref<1920xi32, #tpu.memory_space<vmem>>, vector<16xi32>,
    %get3A_1013 = vector.shape_cast %get3A_1012 : vector<16xi32> to vector<16xi32>
    %mul3A_1014 = arith.constant 224 : i32
    %mul3A_1015 = vector.broadcast %mul3A_1014 : i32 to vector<16xi32>
    %mul3A_1016 = arith.muli %get3A_1013, %mul3A_1015 : vector<16xi32>
    %get3A_1017 = arith.constant 304 : index
    %get3A_1018 = tpu.vector_load %arg11[%get3A_1017] {strides = array<i32>} : memref<1920xi32, #tpu.memory_space<vmem>>, vector<16xi32>,
    %get3A_1019 = vector.shape_cast %get3A_1018 : vector<16xi32> to vector<16xi32>
    %add3A_1020 = arith.addi %mul3A_1016, %get3A_1019 : vector<16xi32>
    %swap3A_1021 = arith.constant 2 : i32
    %swap3A_1022 = arith.index_cast %swap3A_1021 : i32 to index
    %swap3A_1023 = arith.constant 48 : index
    %swap3A_1024 = tpu.vector_load %arg13[%swap3A_1022, %swap3A_1023] {strides = array<i32>} : memref<15x128xi32, #tpu.memory_space<vmem>>, vector<1x16xi32>,
    %swap3A_1025 = vector.shape_cast %swap3A_1024 : vector<1x16xi32> to vector<16xi32>
    %swap3A_1026 = vector.shape_cast %add3A_1020 : vector<16xi32> to vector<1x16xi32>
    tpu.vector_store %arg13[%swap3A_1022, %swap3A_1023], %swap3A_1026 {strides = array<i32>} : memref<15x128xi32, #tpu.memory_space<vmem>>, vector<1x16xi32>,
    %get3A_1027 = arith.constant 320 : index
    %get3A_1028 = tpu.vector_load %arg10[%get3A_1027] {strides = array<i32>} : memref<1920xi32, #tpu.memory_space<vmem>>, vector<16xi32>,
    %get3A_1029 = vector.shape_cast %get3A_1028 : vector<16xi32> to vector<16xi32>
    %mul3A_1030 = arith.constant 224 : i32
    %mul3A_1031 = vector.broadcast %mul3A_1030 : i32 to vector<16xi32>
    %mul3A_1032 = arith.muli %get3A_1029, %mul3A_1031 : vector<16xi32>
    %get3A_1033 = arith.constant 320 : index
    %get3A_1034 = tpu.vector_load %arg11[%get3A_1033] {strides = array<i32>} : memref<1920xi32, #tpu.memory_space<vmem>>, vector<16xi32>,
    %get3A_1035 = vector.shape_cast %get3A_1034 : vector<16xi32> to vector<16xi32>
    %add3A_1036 = arith.addi %mul3A_1032, %get3A_1035 : vector<16xi32>
    %swap3A_1037 = arith.constant 2 : i32
    %swap3A_1038 = arith.index_cast %swap3A_1037 : i32 to index
    %swap3A_1039 = arith.constant 64 : index
    %swap3A_1040 = tpu.vector_load %arg13[%swap3A_1038, %swap3A_1039] {strides = array<i32>} : memref<15x128xi32, #tpu.memory_space<vmem>>, vector<1x16xi32>,
    %swap3A_1041 = vector.shape_cast %swap3A_1040 : vector<1x16xi32> to vector<16xi32>
    %swap3A_1042 = vector.shape_cast %add3A_1036 : vector<16xi32> to vector<1x16xi32>
    tpu.vector_store %arg13[%swap3A_1038, %swap3A_1039], %swap3A_1042 {strides = array<i32>} : memref<15x128xi32, #tpu.memory_space<vmem>>, vector<1x16xi32>,
    %get3A_1043 = arith.constant 336 : index
    %get3A_1044 = tpu.vector_load %arg10[%get3A_1043] {strides = array<i32>} : memref<1920xi32, #tpu.memory_space<vmem>>, vector<16xi32>,
    %get3A_1045 = vector.shape_cast %get3A_1044 : vector<16xi32> to vector<16xi32>
    %mul3A_1046 = arith.constant 224 : i32
    %mul3A_1047 = vector.broadcast %mul3A_1046 : i32 to vector<16xi32>
    %mul3A_1048 = arith.muli %get3A_1045, %mul3A_1047 : vector<16xi32>
    %get3A_1049 = arith.constant 336 : index
    %get3A_1050 = tpu.vector_load %arg11[%get3A_1049] {strides = array<i32>} : memref<1920xi32, #tpu.memory_space<vmem>>, vector<16xi32>,
    %get3A_1051 = vector.shape_cast %get3A_1050 : vector<16xi32> to vector<16xi32>
    %add3A_1052 = arith.addi %mul3A_1048, %get3A_1051 : vector<16xi32>
    %swap3A_1053 = arith.constant 2 : i32
    %swap3A_1054 = arith.index_cast %swap3A_1053 : i32 to index
    %swap3A_1055 = arith.constant 80 : index
    %swap3A_1056 = tpu.vector_load %arg13[%swap3A_1054, %swap3A_1055] {strides = array<i32>} : memref<15x128xi32, #tpu.memory_space<vmem>>, vector<1x16xi32>,
    %swap3A_1057 = vector.shape_cast %swap3A_1056 : vector<1x16xi32> to vector<16xi32>
    %swap3A_1058 = vector.shape_cast %add3A_1052 : vector<16xi32> to vector<1x16xi32>
    tpu.vector_store %arg13[%swap3A_1054, %swap3A_1055], %swap3A_1058 {strides = array<i32>} : memref<15x128xi32, #tpu.memory_space<vmem>>, vector<1x16xi32>,
    %get3A_1059 = arith.constant 352 : index
    %get3A_1060 = tpu.vector_load %arg10[%get3A_1059] {strides = array<i32>} : memref<1920xi32, #tpu.memory_space<vmem>>, vector<16xi32>,
    %get3A_1061 = vector.shape_cast %get3A_1060 : vector<16xi32> to vector<16xi32>
    %mul3A_1062 = arith.constant 224 : i32
    %mul3A_1063 = vector.broadcast %mul3A_1062 : i32 to vector<16xi32>
    %mul3A_1064 = arith.muli %get3A_1061, %mul3A_1063 : vector<16xi32>
    %get3A_1065 = arith.constant 352 : index
    %get3A_1066 = tpu.vector_load %arg11[%get3A_1065] {strides = array<i32>} : memref<1920xi32, #tpu.memory_space<vmem>>, vector<16xi32>,
    %get3A_1067 = vector.shape_cast %get3A_1066 : vector<16xi32> to vector<16xi32>
    %add3A_1068 = arith.addi %mul3A_1064, %get3A_1067 : vector<16xi32>
    %swap3A_1069 = arith.constant 2 : i32
    %swap3A_1070 = arith.index_cast %swap3A_1069 : i32 to index
    %swap3A_1071 = arith.constant 96 : index
    %swap3A_1072 = tpu.vector_load %arg13[%swap3A_1070, %swap3A_1071] {strides = array<i32>} : memref<15x128xi32, #tpu.memory_space<vmem>>, vector<1x16xi32>,
    %swap3A_1073 = vector.shape_cast %swap3A_1072 : vector<1x16xi32> to vector<16xi32>
    %swap3A_1074 = vector.shape_cast %add3A_1068 : vector<16xi32> to vector<1x16xi32>
    tpu.vector_store %arg13[%swap3A_1070, %swap3A_1071], %swap3A_1074 {strides = array<i32>} : memref<15x128xi32, #tpu.memory_space<vmem>>, vector<1x16xi32>,
    %get3A_1075 = arith.constant 368 : index
    %get3A_1076 = tpu.vector_load %arg10[%get3A_1075] {strides = array<i32>} : memref<1920xi32, #tpu.memory_space<vmem>>, vector<16xi32>,
    %get3A_1077 = vector.shape_cast %get3A_1076 : vector<16xi32> to vector<16xi32>
    %mul3A_1078 = arith.constant 224 : i32
    %mul3A_1079 = vector.broadcast %mul3A_1078 : i32 to vector<16xi32>
    %mul3A_1080 = arith.muli %get3A_1077, %mul3A_1079 : vector<16xi32>
    %get3A_1081 = arith.constant 368 : index
    %get3A_1082 = tpu.vector_load %arg11[%get3A_1081] {strides = array<i32>} : memref<1920xi32, #tpu.memory_space<vmem>>, vector<16xi32>,
    %get3A_1083 = vector.shape_cast %get3A_1082 : vector<16xi32> to vector<16xi32>
    %add3A_1084 = arith.addi %mul3A_1080, %get3A_1083 : vector<16xi32>
    %swap3A_1085 = arith.constant 2 : i32
    %swap3A_1086 = arith.index_cast %swap3A_1085 : i32 to index
    %swap3A_1087 = arith.constant 112 : index
    %swap3A_1088 = tpu.vector_load %arg13[%swap3A_1086, %swap3A_1087] {strides = array<i32>} : memref<15x128xi32, #tpu.memory_space<vmem>>, vector<1x16xi32>,
    %swap3A_1089 = vector.shape_cast %swap3A_1088 : vector<1x16xi32> to vector<16xi32>
    %swap3A_1090 = vector.shape_cast %add3A_1084 : vector<16xi32> to vector<1x16xi32>
    tpu.vector_store %arg13[%swap3A_1086, %swap3A_1087], %swap3A_1090 {strides = array<i32>} : memref<15x128xi32, #tpu.memory_space<vmem>>, vector<1x16xi32>,
    %get3A_1091 = arith.constant 384 : index
    %get3A_1092 = tpu.vector_load %arg10[%get3A_1091] {strides = array<i32>} : memref<1920xi32, #tpu.memory_space<vmem>>, vector<16xi32>,
    %get3A_1093 = vector.shape_cast %get3A_1092 : vector<16xi32> to vector<16xi32>
    %mul3A_1094 = arith.constant 224 : i32
    %mul3A_1095 = vector.broadcast %mul3A_1094 : i32 to vector<16xi32>
    %mul3A_1096 = arith.muli %get3A_1093, %mul3A_1095 : vector<16xi32>
    %get3A_1097 = arith.constant 384 : index
    %get3A_1098 = tpu.vector_load %arg11[%get3A_1097] {strides = array<i32>} : memref<1920xi32, #tpu.memory_space<vmem>>, vector<16xi32>,
    %get3A_1099 = vector.shape_cast %get3A_1098 : vector<16xi32> to vector<16xi32>
    %add3A_1100 = arith.addi %mul3A_1096, %get3A_1099 : vector<16xi32>
    %swap3A_1101 = arith.constant 3 : i32
    %swap3A_1102 = arith.index_cast %swap3A_1101 : i32 to index
    %swap3A_1103 = arith.constant 0 : index
    %swap3A_1104 = tpu.vector_load %arg13[%swap3A_1102, %swap3A_1103] {strides = array<i32>} : memref<15x128xi32, #tpu.memory_space<vmem>>, vector<1x16xi32>,
    %swap3A_1105 = vector.shape_cast %swap3A_1104 : vector<1x16xi32> to vector<16xi32>
    %swap3A_1106 = vector.shape_cast %add3A_1100 : vector<16xi32> to vector<1x16xi32>
    tpu.vector_store %arg13[%swap3A_1102, %swap3A_1103], %swap3A_1106 {strides = array<i32>} : memref<15x128xi32, #tpu.memory_space<vmem>>, vector<1x16xi32>,
    %get3A_1107 = arith.constant 400 : index
    %get3A_1108 = tpu.vector_load %arg10[%get3A_1107] {strides = array<i32>} : memref<1920xi32, #tpu.memory_space<vmem>>, vector<16xi32>,
    %get3A_1109 = vector.shape_cast %get3A_1108 : vector<16xi32> to vector<16xi32>
    %mul3A_1110 = arith.constant 224 : i32
    %mul3A_1111 = vector.broadcast %mul3A_1110 : i32 to vector<16xi32>
    %mul3A_1112 = arith.muli %get3A_1109, %mul3A_1111 : vector<16xi32>
    %get3A_1113 = arith.constant 400 : index
    %get3A_1114 = tpu.vector_load %arg11[%get3A_1113] {strides = array<i32>} : memref<1920xi32, #tpu.memory_space<vmem>>, vector<16xi32>,
    %get3A_1115 = vector.shape_cast %get3A_1114 : vector<16xi32> to vector<16xi32>
    %add3A_1116 = arith.addi %mul3A_1112, %get3A_1115 : vector<16xi32>
    %swap3A_1117 = arith.constant 3 : i32
    %swap3A_1118 = arith.index_cast %swap3A_1117 : i32 to index
    %swap3A_1119 = arith.constant 16 : index
    %swap3A_1120 = tpu.vector_load %arg13[%swap3A_1118, %swap3A_1119] {strides = array<i32>} : memref<15x128xi32, #tpu.memory_space<vmem>>, vector<1x16xi32>,
    %swap3A_1121 = vector.shape_cast %swap3A_1120 : vector<1x16xi32> to vector<16xi32>
    %swap3A_1122 = vector.shape_cast %add3A_1116 : vector<16xi32> to vector<1x16xi32>
    tpu.vector_store %arg13[%swap3A_1118, %swap3A_1119], %swap3A_1122 {strides = array<i32>} : memref<15x128xi32, #tpu.memory_space<vmem>>, vector<1x16xi32>,
    %get3A_1123 = arith.constant 416 : index
    %get3A_1124 = tpu.vector_load %arg10[%get3A_1123] {strides = array<i32>} : memref<1920xi32, #tpu.memory_space<vmem>>, vector<16xi32>,
    %get3A_1125 = vector.shape_cast %get3A_1124 : vector<16xi32> to vector<16xi32>
    %mul3A_1126 = arith.constant 224 : i32
    %mul3A_1127 = vector.broadcast %mul3A_1126 : i32 to vector<16xi32>
    %mul3A_1128 = arith.muli %get3A_1125, %mul3A_1127 : vector<16xi32>
    %get3A_1129 = arith.constant 416 : index
    %get3A_1130 = tpu.vector_load %arg11[%get3A_1129] {strides = array<i32>} : memref<1920xi32, #tpu.memory_space<vmem>>, vector<16xi32>,
    %get3A_1131 = vector.shape_cast %get3A_1130 : vector<16xi32> to vector<16xi32>
    %add3A_1132 = arith.addi %mul3A_1128, %get3A_1131 : vector<16xi32>
    %swap3A_1133 = arith.constant 3 : i32
    %swap3A_1134 = arith.index_cast %swap3A_1133 : i32 to index
    %swap3A_1135 = arith.constant 32 : index
    %swap3A_1136 = tpu.vector_load %arg13[%swap3A_1134, %swap3A_1135] {strides = array<i32>} : memref<15x128xi32, #tpu.memory_space<vmem>>, vector<1x16xi32>,
    %swap3A_1137 = vector.shape_cast %swap3A_1136 : vector<1x16xi32> to vector<16xi32>
    %swap3A_1138 = vector.shape_cast %add3A_1132 : vector<16xi32> to vector<1x16xi32>
    tpu.vector_store %arg13[%swap3A_1134, %swap3A_1135], %swap3A_1138 {strides = array<i32>} : memref<15x128xi32, #tpu.memory_space<vmem>>, vector<1x16xi32>,
    %get3A_1139 = arith.constant 432 : index
    %get3A_1140 = tpu.vector_load %arg10[%get3A_1139] {strides = array<i32>} : memref<1920xi32, #tpu.memory_space<vmem>>, vector<16xi32>,
    %get3A_1141 = vector.shape_cast %get3A_1140 : vector<16xi32> to vector<16xi32>
    %mul3A_1142 = arith.constant 224 : i32
    %mul3A_1143 = vector.broadcast %mul3A_1142 : i32 to vector<16xi32>
    %mul3A_1144 = arith.muli %get3A_1141, %mul3A_1143 : vector<16xi32>
    %get3A_1145 = arith.constant 432 : index
    %get3A_1146 = tpu.vector_load %arg11[%get3A_1145] {strides = array<i32>} : memref<1920xi32, #tpu.memory_space<vmem>>, vector<16xi32>,
    %get3A_1147 = vector.shape_cast %get3A_1146 : vector<16xi32> to vector<16xi32>
    %add3A_1148 = arith.addi %mul3A_1144, %get3A_1147 : vector<16xi32>
    %swap3A_1149 = arith.constant 3 : i32
    %swap3A_1150 = arith.index_cast %swap3A_1149 : i32 to index
    %swap3A_1151 = arith.constant 48 : index
    %swap3A_1152 = tpu.vector_load %arg13[%swap3A_1150, %swap3A_1151] {strides = array<i32>} : memref<15x128xi32, #tpu.memory_space<vmem>>, vector<1x16xi32>,
    %swap3A_1153 = vector.shape_cast %swap3A_1152 : vector<1x16xi32> to vector<16xi32>
    %swap3A_1154 = vector.shape_cast %add3A_1148 : vector<16xi32> to vector<1x16xi32>
    tpu.vector_store %arg13[%swap3A_1150, %swap3A_1151], %swap3A_1154 {strides = array<i32>} : memref<15x128xi32, #tpu.memory_space<vmem>>, vector<1x16xi32>,
    %get3A_1155 = arith.constant 448 : index
    %get3A_1156 = tpu.vector_load %arg10[%get3A_1155] {strides = array<i32>} : memref<1920xi32, #tpu.memory_space<vmem>>, vector<16xi32>,
    %get3A_1157 = vector.shape_cast %get3A_1156 : vector<16xi32> to vector<16xi32>
    %mul3A_1158 = arith.constant 224 : i32
    %mul3A_1159 = vector.broadcast %mul3A_1158 : i32 to vector<16xi32>
    %mul3A_1160 = arith.muli %get3A_1157, %mul3A_1159 : vector<16xi32>
    %get3A_1161 = arith.constant 448 : index
    %get3A_1162 = tpu.vector_load %arg11[%get3A_1161] {strides = array<i32>} : memref<1920xi32, #tpu.memory_space<vmem>>, vector<16xi32>,
    %get3A_1163 = vector.shape_cast %get3A_1162 : vector<16xi32> to vector<16xi32>
    %add3A_1164 = arith.addi %mul3A_1160, %get3A_1163 : vector<16xi32>
    %swap3A_1165 = arith.constant 3 : i32
    %swap3A_1166 = arith.index_cast %swap3A_1165 : i32 to index
    %swap3A_1167 = arith.constant 64 : index
    %swap3A_1168 = tpu.vector_load %arg13[%swap3A_1166, %swap3A_1167] {strides = array<i32>} : memref<15x128xi32, #tpu.memory_space<vmem>>, vector<1x16xi32>,
    %swap3A_1169 = vector.shape_cast %swap3A_1168 : vector<1x16xi32> to vector<16xi32>
    %swap3A_1170 = vector.shape_cast %add3A_1164 : vector<16xi32> to vector<1x16xi32>
    tpu.vector_store %arg13[%swap3A_1166, %swap3A_1167], %swap3A_1170 {strides = array<i32>} : memref<15x128xi32, #tpu.memory_space<vmem>>, vector<1x16xi32>,
    %get3A_1171 = arith.constant 464 : index
    %get3A_1172 = tpu.vector_load %arg10[%get3A_1171] {strides = array<i32>} : memref<1920xi32, #tpu.memory_space<vmem>>, vector<16xi32>,
    %get3A_1173 = vector.shape_cast %get3A_1172 : vector<16xi32> to vector<16xi32>
    %mul3A_1174 = arith.constant 224 : i32
    %mul3A_1175 = vector.broadcast %mul3A_1174 : i32 to vector<16xi32>
    %mul3A_1176 = arith.muli %get3A_1173, %mul3A_1175 : vector<16xi32>
    %get3A_1177 = arith.constant 464 : index
    %get3A_1178 = tpu.vector_load %arg11[%get3A_1177] {strides = array<i32>} : memref<1920xi32, #tpu.memory_space<vmem>>, vector<16xi32>,
    %get3A_1179 = vector.shape_cast %get3A_1178 : vector<16xi32> to vector<16xi32>
    %add3A_1180 = arith.addi %mul3A_1176, %get3A_1179 : vector<16xi32>
    %swap3A_1181 = arith.constant 3 : i32
    %swap3A_1182 = arith.index_cast %swap3A_1181 : i32 to index
    %swap3A_1183 = arith.constant 80 : index
    %swap3A_1184 = tpu.vector_load %arg13[%swap3A_1182, %swap3A_1183] {strides = array<i32>} : memref<15x128xi32, #tpu.memory_space<vmem>>, vector<1x16xi32>,
    %swap3A_1185 = vector.shape_cast %swap3A_1184 : vector<1x16xi32> to vector<16xi32>
    %swap3A_1186 = vector.shape_cast %add3A_1180 : vector<16xi32> to vector<1x16xi32>
    tpu.vector_store %arg13[%swap3A_1182, %swap3A_1183], %swap3A_1186 {strides = array<i32>} : memref<15x128xi32, #tpu.memory_space<vmem>>, vector<1x16xi32>,
    %get3A_1187 = arith.constant 480 : index
    %get3A_1188 = tpu.vector_load %arg10[%get3A_1187] {strides = array<i32>} : memref<1920xi32, #tpu.memory_space<vmem>>, vector<16xi32>,
    %get3A_1189 = vector.shape_cast %get3A_1188 : vector<16xi32> to vector<16xi32>
    %mul3A_1190 = arith.constant 224 : i32
    %mul3A_1191 = vector.broadcast %mul3A_1190 : i32 to vector<16xi32>
    %mul3A_1192 = arith.muli %get3A_1189, %mul3A_1191 : vector<16xi32>
    %get3A_1193 = arith.constant 480 : index
    %get3A_1194 = tpu.vector_load %arg11[%get3A_1193] {strides = array<i32>} : memref<1920xi32, #tpu.memory_space<vmem>>, vector<16xi32>,
    %get3A_1195 = vector.shape_cast %get3A_1194 : vector<16xi32> to vector<16xi32>
    %add3A_1196 = arith.addi %mul3A_1192, %get3A_1195 : vector<16xi32>
    %swap3A_1197 = arith.constant 3 : i32
    %swap3A_1198 = arith.index_cast %swap3A_1197 : i32 to index
    %swap3A_1199 = arith.constant 96 : index
    %swap3A_1200 = tpu.vector_load %arg13[%swap3A_1198, %swap3A_1199] {strides = array<i32>} : memref<15x128xi32, #tpu.memory_space<vmem>>, vector<1x16xi32>,
    %swap3A_1201 = vector.shape_cast %swap3A_1200 : vector<1x16xi32> to vector<16xi32>
    %swap3A_1202 = vector.shape_cast %add3A_1196 : vector<16xi32> to vector<1x16xi32>
    tpu.vector_store %arg13[%swap3A_1198, %swap3A_1199], %swap3A_1202 {strides = array<i32>} : memref<15x128xi32, #tpu.memory_space<vmem>>, vector<1x16xi32>,
    %get3A_1203 = arith.constant 496 : index
    %get3A_1204 = tpu.vector_load %arg10[%get3A_1203] {strides = array<i32>} : memref<1920xi32, #tpu.memory_space<vmem>>, vector<16xi32>,
    %get3A_1205 = vector.shape_cast %get3A_1204 : vector<16xi32> to vector<16xi32>
    %mul3A_1206 = arith.constant 224 : i32
    %mul3A_1207 = vector.broadcast %mul3A_1206 : i32 to vector<16xi32>
    %mul3A_1208 = arith.muli %get3A_1205, %mul3A_1207 : vector<16xi32>
    %get3A_1209 = arith.constant 496 : index
    %get3A_1210 = tpu.vector_load %arg11[%get3A_1209] {strides = array<i32>} : memref<1920xi32, #tpu.memory_space<vmem>>, vector<16xi32>,
    %get3A_1211 = vector.shape_cast %get3A_1210 : vector<16xi32> to vector<16xi32>
    %add3A_1212 = arith.addi %mul3A_1208, %get3A_1211 : vector<16xi32>
    %swap3A_1213 = arith.constant 3 : i32
    %swap3A_1214 = arith.index_cast %swap3A_1213 : i32 to index
    %swap3A_1215 = arith.constant 112 : index
    %swap3A_1216 = tpu.vector_load %arg13[%swap3A_1214, %swap3A_1215] {strides = array<i32>} : memref<15x128xi32, #tpu.memory_space<vmem>>, vector<1x16xi32>,
    %swap3A_1217 = vector.shape_cast %swap3A_1216 : vector<1x16xi32> to vector<16xi32>
    %swap3A_1218 = vector.shape_cast %add3A_1212 : vector<16xi32> to vector<1x16xi32>
    tpu.vector_store %arg13[%swap3A_1214, %swap3A_1215], %swap3A_1218 {strides = array<i32>} : memref<15x128xi32, #tpu.memory_space<vmem>>, vector<1x16xi32>,
    %get3A_1219 = arith.constant 512 : index
    %get3A_1220 = tpu.vector_load %arg10[%get3A_1219] {strides = array<i32>} : memref<1920xi32, #tpu.memory_space<vmem>>, vector<16xi32>,
    %get3A_1221 = vector.shape_cast %get3A_1220 : vector<16xi32> to vector<16xi32>
    %mul3A_1222 = arith.constant 224 : i32
    %mul3A_1223 = vector.broadcast %mul3A_1222 : i32 to vector<16xi32>
    %mul3A_1224 = arith.muli %get3A_1221, %mul3A_1223 : vector<16xi32>
    %get3A_1225 = arith.constant 512 : index
    %get3A_1226 = tpu.vector_load %arg11[%get3A_1225] {strides = array<i32>} : memref<1920xi32, #tpu.memory_space<vmem>>, vector<16xi32>,
    %get3A_1227 = vector.shape_cast %get3A_1226 : vector<16xi32> to vector<16xi32>
    %add3A_1228 = arith.addi %mul3A_1224, %get3A_1227 : vector<16xi32>
    %swap3A_1229 = arith.constant 4 : i32
    %swap3A_1230 = arith.index_cast %swap3A_1229 : i32 to index
    %swap3A_1231 = arith.constant 0 : index
    %swap3A_1232 = tpu.vector_load %arg13[%swap3A_1230, %swap3A_1231] {strides = array<i32>} : memref<15x128xi32, #tpu.memory_space<vmem>>, vector<1x16xi32>,
    %swap3A_1233 = vector.shape_cast %swap3A_1232 : vector<1x16xi32> to vector<16xi32>
    %swap3A_1234 = vector.shape_cast %add3A_1228 : vector<16xi32> to vector<1x16xi32>
    tpu.vector_store %arg13[%swap3A_1230, %swap3A_1231], %swap3A_1234 {strides = array<i32>} : memref<15x128xi32, #tpu.memory_space<vmem>>, vector<1x16xi32>,
    %get3A_1235 = arith.constant 528 : index
    %get3A_1236 = tpu.vector_load %arg10[%get3A_1235] {strides = array<i32>} : memref<1920xi32, #tpu.memory_space<vmem>>, vector<16xi32>,
    %get3A_1237 = vector.shape_cast %get3A_1236 : vector<16xi32> to vector<16xi32>
    %mul3A_1238 = arith.constant 224 : i32
    %mul3A_1239 = vector.broadcast %mul3A_1238 : i32 to vector<16xi32>
    %mul3A_1240 = arith.muli %get3A_1237, %mul3A_1239 : vector<16xi32>
    %get3A_1241 = arith.constant 528 : index
    %get3A_1242 = tpu.vector_load %arg11[%get3A_1241] {strides = array<i32>} : memref<1920xi32, #tpu.memory_space<vmem>>, vector<16xi32>,
    %get3A_1243 = vector.shape_cast %get3A_1242 : vector<16xi32> to vector<16xi32>
    %add3A_1244 = arith.addi %mul3A_1240, %get3A_1243 : vector<16xi32>
    %swap3A_1245 = arith.constant 4 : i32
    %swap3A_1246 = arith.index_cast %swap3A_1245 : i32 to index
    %swap3A_1247 = arith.constant 16 : index
    %swap3A_1248 = tpu.vector_load %arg13[%swap3A_1246, %swap3A_1247] {strides = array<i32>} : memref<15x128xi32, #tpu.memory_space<vmem>>, vector<1x16xi32>,
    %swap3A_1249 = vector.shape_cast %swap3A_1248 : vector<1x16xi32> to vector<16xi32>
    %swap3A_1250 = vector.shape_cast %add3A_1244 : vector<16xi32> to vector<1x16xi32>
    tpu.vector_store %arg13[%swap3A_1246, %swap3A_1247], %swap3A_1250 {strides = array<i32>} : memref<15x128xi32, #tpu.memory_space<vmem>>, vector<1x16xi32>,
    %get3A_1251 = arith.constant 544 : index
    %get3A_1252 = tpu.vector_load %arg10[%get3A_1251] {strides = array<i32>} : memref<1920xi32, #tpu.memory_space<vmem>>, vector<16xi32>,
    %get3A_1253 = vector.shape_cast %get3A_1252 : vector<16xi32> to vector<16xi32>
    %mul3A_1254 = arith.constant 224 : i32
    %mul3A_1255 = vector.broadcast %mul3A_1254 : i32 to vector<16xi32>
    %mul3A_1256 = arith.muli %get3A_1253, %mul3A_1255 : vector<16xi32>
    %get3A_1257 = arith.constant 544 : index
    %get3A_1258 = tpu.vector_load %arg11[%get3A_1257] {strides = array<i32>} : memref<1920xi32, #tpu.memory_space<vmem>>, vector<16xi32>,
    %get3A_1259 = vector.shape_cast %get3A_1258 : vector<16xi32> to vector<16xi32>
    %add3A_1260 = arith.addi %mul3A_1256, %get3A_1259 : vector<16xi32>
    %swap3A_1261 = arith.constant 4 : i32
    %swap3A_1262 = arith.index_cast %swap3A_1261 : i32 to index
    %swap3A_1263 = arith.constant 32 : index
    %swap3A_1264 = tpu.vector_load %arg13[%swap3A_1262, %swap3A_1263] {strides = array<i32>} : memref<15x128xi32, #tpu.memory_space<vmem>>, vector<1x16xi32>,
    %swap3A_1265 = vector.shape_cast %swap3A_1264 : vector<1x16xi32> to vector<16xi32>
    %swap3A_1266 = vector.shape_cast %add3A_1260 : vector<16xi32> to vector<1x16xi32>
    tpu.vector_store %arg13[%swap3A_1262, %swap3A_1263], %swap3A_1266 {strides = array<i32>} : memref<15x128xi32, #tpu.memory_space<vmem>>, vector<1x16xi32>,
    %get3A_1267 = arith.constant 560 : index
    %get3A_1268 = tpu.vector_load %arg10[%get3A_1267] {strides = array<i32>} : memref<1920xi32, #tpu.memory_space<vmem>>, vector<16xi32>,
    %get3A_1269 = vector.shape_cast %get3A_1268 : vector<16xi32> to vector<16xi32>
    %mul3A_1270 = arith.constant 224 : i32
    %mul3A_1271 = vector.broadcast %mul3A_1270 : i32 to vector<16xi32>
    %mul3A_1272 = arith.muli %get3A_1269, %mul3A_1271 : vector<16xi32>
    %get3A_1273 = arith.constant 560 : index
    %get3A_1274 = tpu.vector_load %arg11[%get3A_1273] {strides = array<i32>} : memref<1920xi32, #tpu.memory_space<vmem>>, vector<16xi32>,
    %get3A_1275 = vector.shape_cast %get3A_1274 : vector<16xi32> to vector<16xi32>
    %add3A_1276 = arith.addi %mul3A_1272, %get3A_1275 : vector<16xi32>
    %swap3A_1277 = arith.constant 4 : i32
    %swap3A_1278 = arith.index_cast %swap3A_1277 : i32 to index
    %swap3A_1279 = arith.constant 48 : index
    %swap3A_1280 = tpu.vector_load %arg13[%swap3A_1278, %swap3A_1279] {strides = array<i32>} : memref<15x128xi32, #tpu.memory_space<vmem>>, vector<1x16xi32>,
    %swap3A_1281 = vector.shape_cast %swap3A_1280 : vector<1x16xi32> to vector<16xi32>
    %swap3A_1282 = vector.shape_cast %add3A_1276 : vector<16xi32> to vector<1x16xi32>
    tpu.vector_store %arg13[%swap3A_1278, %swap3A_1279], %swap3A_1282 {strides = array<i32>} : memref<15x128xi32, #tpu.memory_space<vmem>>, vector<1x16xi32>,
    %get3A_1283 = arith.constant 576 : index
    %get3A_1284 = tpu.vector_load %arg10[%get3A_1283] {strides = array<i32>} : memref<1920xi32, #tpu.memory_space<vmem>>, vector<16xi32>,
    %get3A_1285 = vector.shape_cast %get3A_1284 : vector<16xi32> to vector<16xi32>
    %mul3A_1286 = arith.constant 224 : i32
    %mul3A_1287 = vector.broadcast %mul3A_1286 : i32 to vector<16xi32>
    %mul3A_1288 = arith.muli %get3A_1285, %mul3A_1287 : vector<16xi32>
    %get3A_1289 = arith.constant 576 : index
    %get3A_1290 = tpu.vector_load %arg11[%get3A_1289] {strides = array<i32>} : memref<1920xi32, #tpu.memory_space<vmem>>, vector<16xi32>,
    %get3A_1291 = vector.shape_cast %get3A_1290 : vector<16xi32> to vector<16xi32>
    %add3A_1292 = arith.addi %mul3A_1288, %get3A_1291 : vector<16xi32>
    %swap3A_1293 = arith.constant 4 : i32
    %swap3A_1294 = arith.index_cast %swap3A_1293 : i32 to index
    %swap3A_1295 = arith.constant 64 : index
    %swap3A_1296 = tpu.vector_load %arg13[%swap3A_1294, %swap3A_1295] {strides = array<i32>} : memref<15x128xi32, #tpu.memory_space<vmem>>, vector<1x16xi32>,
    %swap3A_1297 = vector.shape_cast %swap3A_1296 : vector<1x16xi32> to vector<16xi32>
    %swap3A_1298 = vector.shape_cast %add3A_1292 : vector<16xi32> to vector<1x16xi32>
    tpu.vector_store %arg13[%swap3A_1294, %swap3A_1295], %swap3A_1298 {strides = array<i32>} : memref<15x128xi32, #tpu.memory_space<vmem>>, vector<1x16xi32>,
    %get3A_1299 = arith.constant 592 : index
    %get3A_1300 = tpu.vector_load %arg10[%get3A_1299] {strides = array<i32>} : memref<1920xi32, #tpu.memory_space<vmem>>, vector<16xi32>,
    %get3A_1301 = vector.shape_cast %get3A_1300 : vector<16xi32> to vector<16xi32>
    %mul3A_1302 = arith.constant 224 : i32
    %mul3A_1303 = vector.broadcast %mul3A_1302 : i32 to vector<16xi32>
    %mul3A_1304 = arith.muli %get3A_1301, %mul3A_1303 : vector<16xi32>
    %get3A_1305 = arith.constant 592 : index
    %get3A_1306 = tpu.vector_load %arg11[%get3A_1305] {strides = array<i32>} : memref<1920xi32, #tpu.memory_space<vmem>>, vector<16xi32>,
    %get3A_1307 = vector.shape_cast %get3A_1306 : vector<16xi32> to vector<16xi32>
    %add3A_1308 = arith.addi %mul3A_1304, %get3A_1307 : vector<16xi32>
    %swap3A_1309 = arith.constant 4 : i32
    %swap3A_1310 = arith.index_cast %swap3A_1309 : i32 to index
    %swap3A_1311 = arith.constant 80 : index
    %swap3A_1312 = tpu.vector_load %arg13[%swap3A_1310, %swap3A_1311] {strides = array<i32>} : memref<15x128xi32, #tpu.memory_space<vmem>>, vector<1x16xi32>,
    %swap3A_1313 = vector.shape_cast %swap3A_1312 : vector<1x16xi32> to vector<16xi32>
    %swap3A_1314 = vector.shape_cast %add3A_1308 : vector<16xi32> to vector<1x16xi32>
    tpu.vector_store %arg13[%swap3A_1310, %swap3A_1311], %swap3A_1314 {strides = array<i32>} : memref<15x128xi32, #tpu.memory_space<vmem>>, vector<1x16xi32>,
    %get3A_1315 = arith.constant 608 : index
    %get3A_1316 = tpu.vector_load %arg10[%get3A_1315] {strides = array<i32>} : memref<1920xi32, #tpu.memory_space<vmem>>, vector<16xi32>,
    %get3A_1317 = vector.shape_cast %get3A_1316 : vector<16xi32> to vector<16xi32>
    %mul3A_1318 = arith.constant 224 : i32
    %mul3A_1319 = vector.broadcast %mul3A_1318 : i32 to vector<16xi32>
    %mul3A_1320 = arith.muli %get3A_1317, %mul3A_1319 : vector<16xi32>
    %get3A_1321 = arith.constant 608 : index
    %get3A_1322 = tpu.vector_load %arg11[%get3A_1321] {strides = array<i32>} : memref<1920xi32, #tpu.memory_space<vmem>>, vector<16xi32>,
    %get3A_1323 = vector.shape_cast %get3A_1322 : vector<16xi32> to vector<16xi32>
    %add3A_1324 = arith.addi %mul3A_1320, %get3A_1323 : vector<16xi32>
    %swap3A_1325 = arith.constant 4 : i32
    %swap3A_1326 = arith.index_cast %swap3A_1325 : i32 to index
    %swap3A_1327 = arith.constant 96 : index
    %swap3A_1328 = tpu.vector_load %arg13[%swap3A_1326, %swap3A_1327] {strides = array<i32>} : memref<15x128xi32, #tpu.memory_space<vmem>>, vector<1x16xi32>,
    %swap3A_1329 = vector.shape_cast %swap3A_1328 : vector<1x16xi32> to vector<16xi32>
    %swap3A_1330 = vector.shape_cast %add3A_1324 : vector<16xi32> to vector<1x16xi32>
    tpu.vector_store %arg13[%swap3A_1326, %swap3A_1327], %swap3A_1330 {strides = array<i32>} : memref<15x128xi32, #tpu.memory_space<vmem>>, vector<1x16xi32>,
    %get3A_1331 = arith.constant 624 : index
    %get3A_1332 = tpu.vector_load %arg10[%get3A_1331] {strides = array<i32>} : memref<1920xi32, #tpu.memory_space<vmem>>, vector<16xi32>,
    %get3A_1333 = vector.shape_cast %get3A_1332 : vector<16xi32> to vector<16xi32>
    %mul3A_1334 = arith.constant 224 : i32
    %mul3A_1335 = vector.broadcast %mul3A_1334 : i32 to vector<16xi32>
    %mul3A_1336 = arith.muli %get3A_1333, %mul3A_1335 : vector<16xi32>
    %get3A_1337 = arith.constant 624 : index
    %get3A_1338 = tpu.vector_load %arg11[%get3A_1337] {strides = array<i32>} : memref<1920xi32, #tpu.memory_space<vmem>>, vector<16xi32>,
    %get3A_1339 = vector.shape_cast %get3A_1338 : vector<16xi32> to vector<16xi32>
    %add3A_1340 = arith.addi %mul3A_1336, %get3A_1339 : vector<16xi32>
    %swap3A_1341 = arith.constant 4 : i32
    %swap3A_1342 = arith.index_cast %swap3A_1341 : i32 to index
    %swap3A_1343 = arith.constant 112 : index
    %swap3A_1344 = tpu.vector_load %arg13[%swap3A_1342, %swap3A_1343] {strides = array<i32>} : memref<15x128xi32, #tpu.memory_space<vmem>>, vector<1x16xi32>,
    %swap3A_1345 = vector.shape_cast %swap3A_1344 : vector<1x16xi32> to vector<16xi32>
    %swap3A_1346 = vector.shape_cast %add3A_1340 : vector<16xi32> to vector<1x16xi32>
    tpu.vector_store %arg13[%swap3A_1342, %swap3A_1343], %swap3A_1346 {strides = array<i32>} : memref<15x128xi32, #tpu.memory_space<vmem>>, vector<1x16xi32>,
    %get3A_1347 = arith.constant 640 : index
    %get3A_1348 = tpu.vector_load %arg10[%get3A_1347] {strides = array<i32>} : memref<1920xi32, #tpu.memory_space<vmem>>, vector<16xi32>,
    %get3A_1349 = vector.shape_cast %get3A_1348 : vector<16xi32> to vector<16xi32>
    %mul3A_1350 = arith.constant 224 : i32
    %mul3A_1351 = vector.broadcast %mul3A_1350 : i32 to vector<16xi32>
    %mul3A_1352 = arith.muli %get3A_1349, %mul3A_1351 : vector<16xi32>
    %get3A_1353 = arith.constant 640 : index
    %get3A_1354 = tpu.vector_load %arg11[%get3A_1353] {strides = array<i32>} : memref<1920xi32, #tpu.memory_space<vmem>>, vector<16xi32>,
    %get3A_1355 = vector.shape_cast %get3A_1354 : vector<16xi32> to vector<16xi32>
    %add3A_1356 = arith.addi %mul3A_1352, %get3A_1355 : vector<16xi32>
    %swap3A_1357 = arith.constant 5 : i32
    %swap3A_1358 = arith.index_cast %swap3A_1357 : i32 to index
    %swap3A_1359 = arith.constant 0 : index
    %swap3A_1360 = tpu.vector_load %arg13[%swap3A_1358, %swap3A_1359] {strides = array<i32>} : memref<15x128xi32, #tpu.memory_space<vmem>>, vector<1x16xi32>,
    %swap3A_1361 = vector.shape_cast %swap3A_1360 : vector<1x16xi32> to vector<16xi32>
    %swap3A_1362 = vector.shape_cast %add3A_1356 : vector<16xi32> to vector<1x16xi32>
    tpu.vector_store %arg13[%swap3A_1358, %swap3A_1359], %swap3A_1362 {strides = array<i32>} : memref<15x128xi32, #tpu.memory_space<vmem>>, vector<1x16xi32>,
    %get3A_1363 = arith.constant 656 : index
    %get3A_1364 = tpu.vector_load %arg10[%get3A_1363] {strides = array<i32>} : memref<1920xi32, #tpu.memory_space<vmem>>, vector<16xi32>,
    %get3A_1365 = vector.shape_cast %get3A_1364 : vector<16xi32> to vector<16xi32>
    %mul3A_1366 = arith.constant 224 : i32
    %mul3A_1367 = vector.broadcast %mul3A_1366 : i32 to vector<16xi32>
    %mul3A_1368 = arith.muli %get3A_1365, %mul3A_1367 : vector<16xi32>
    %get3A_1369 = arith.constant 656 : index
    %get3A_1370 = tpu.vector_load %arg11[%get3A_1369] {strides = array<i32>} : memref<1920xi32, #tpu.memory_space<vmem>>, vector<16xi32>,
    %get3A_1371 = vector.shape_cast %get3A_1370 : vector<16xi32> to vector<16xi32>
    %add3A_1372 = arith.addi %mul3A_1368, %get3A_1371 : vector<16xi32>
    %swap3A_1373 = arith.constant 5 : i32
    %swap3A_1374 = arith.index_cast %swap3A_1373 : i32 to index
    %swap3A_1375 = arith.constant 16 : index
    %swap3A_1376 = tpu.vector_load %arg13[%swap3A_1374, %swap3A_1375] {strides = array<i32>} : memref<15x128xi32, #tpu.memory_space<vmem>>, vector<1x16xi32>,
    %swap3A_1377 = vector.shape_cast %swap3A_1376 : vector<1x16xi32> to vector<16xi32>
    %swap3A_1378 = vector.shape_cast %add3A_1372 : vector<16xi32> to vector<1x16xi32>
    tpu.vector_store %arg13[%swap3A_1374, %swap3A_1375], %swap3A_1378 {strides = array<i32>} : memref<15x128xi32, #tpu.memory_space<vmem>>, vector<1x16xi32>,
    %get3A_1379 = arith.constant 672 : index
    %get3A_1380 = tpu.vector_load %arg10[%get3A_1379] {strides = array<i32>} : memref<1920xi32, #tpu.memory_space<vmem>>, vector<16xi32>,
    %get3A_1381 = vector.shape_cast %get3A_1380 : vector<16xi32> to vector<16xi32>
    %mul3A_1382 = arith.constant 224 : i32
    %mul3A_1383 = vector.broadcast %mul3A_1382 : i32 to vector<16xi32>
    %mul3A_1384 = arith.muli %get3A_1381, %mul3A_1383 : vector<16xi32>
    %get3A_1385 = arith.constant 672 : index
    %get3A_1386 = tpu.vector_load %arg11[%get3A_1385] {strides = array<i32>} : memref<1920xi32, #tpu.memory_space<vmem>>, vector<16xi32>,
    %get3A_1387 = vector.shape_cast %get3A_1386 : vector<16xi32> to vector<16xi32>
    %add3A_1388 = arith.addi %mul3A_1384, %get3A_1387 : vector<16xi32>
    %swap3A_1389 = arith.constant 5 : i32
    %swap3A_1390 = arith.index_cast %swap3A_1389 : i32 to index
    %swap3A_1391 = arith.constant 32 : index
    %swap3A_1392 = tpu.vector_load %arg13[%swap3A_1390, %swap3A_1391] {strides = array<i32>} : memref<15x128xi32, #tpu.memory_space<vmem>>, vector<1x16xi32>,
    %swap3A_1393 = vector.shape_cast %swap3A_1392 : vector<1x16xi32> to vector<16xi32>
    %swap3A_1394 = vector.shape_cast %add3A_1388 : vector<16xi32> to vector<1x16xi32>
    tpu.vector_store %arg13[%swap3A_1390, %swap3A_1391], %swap3A_1394 {strides = array<i32>} : memref<15x128xi32, #tpu.memory_space<vmem>>, vector<1x16xi32>,
    %get3A_1395 = arith.constant 688 : index
    %get3A_1396 = tpu.vector_load %arg10[%get3A_1395] {strides = array<i32>} : memref<1920xi32, #tpu.memory_space<vmem>>, vector<16xi32>,
    %get3A_1397 = vector.shape_cast %get3A_1396 : vector<16xi32> to vector<16xi32>
    %mul3A_1398 = arith.constant 224 : i32
    %mul3A_1399 = vector.broadcast %mul3A_1398 : i32 to vector<16xi32>
    %mul3A_1400 = arith.muli %get3A_1397, %mul3A_1399 : vector<16xi32>
    %get3A_1401 = arith.constant 688 : index
    %get3A_1402 = tpu.vector_load %arg11[%get3A_1401] {strides = array<i32>} : memref<1920xi32, #tpu.memory_space<vmem>>, vector<16xi32>,
    %get3A_1403 = vector.shape_cast %get3A_1402 : vector<16xi32> to vector<16xi32>
    %add3A_1404 = arith.addi %mul3A_1400, %get3A_1403 : vector<16xi32>
    %swap3A_1405 = arith.constant 5 : i32
    %swap3A_1406 = arith.index_cast %swap3A_1405 : i32 to index
    %swap3A_1407 = arith.constant 48 : index
    %swap3A_1408 = tpu.vector_load %arg13[%swap3A_1406, %swap3A_1407] {strides = array<i32>} : memref<15x128xi32, #tpu.memory_space<vmem>>, vector<1x16xi32>,
    %swap3A_1409 = vector.shape_cast %swap3A_1408 : vector<1x16xi32> to vector<16xi32>
    %swap3A_1410 = vector.shape_cast %add3A_1404 : vector<16xi32> to vector<1x16xi32>
    tpu.vector_store %arg13[%swap3A_1406, %swap3A_1407], %swap3A_1410 {strides = array<i32>} : memref<15x128xi32, #tpu.memory_space<vmem>>, vector<1x16xi32>,
    %get3A_1411 = arith.constant 704 : index
    %get3A_1412 = tpu.vector_load %arg10[%get3A_1411] {strides = array<i32>} : memref<1920xi32, #tpu.memory_space<vmem>>, vector<16xi32>,
    %get3A_1413 = vector.shape_cast %get3A_1412 : vector<16xi32> to vector<16xi32>
    %mul3A_1414 = arith.constant 224 : i32
    %mul3A_1415 = vector.broadcast %mul3A_1414 : i32 to vector<16xi32>
    %mul3A_1416 = arith.muli %get3A_1413, %mul3A_1415 : vector<16xi32>
    %get3A_1417 = arith.constant 704 : index
    %get3A_1418 = tpu.vector_load %arg11[%get3A_1417] {strides = array<i32>} : memref<1920xi32, #tpu.memory_space<vmem>>, vector<16xi32>,
    %get3A_1419 = vector.shape_cast %get3A_1418 : vector<16xi32> to vector<16xi32>
    %add3A_1420 = arith.addi %mul3A_1416, %get3A_1419 : vector<16xi32>
    %swap3A_1421 = arith.constant 5 : i32
    %swap3A_1422 = arith.index_cast %swap3A_1421 : i32 to index
    %swap3A_1423 = arith.constant 64 : index
    %swap3A_1424 = tpu.vector_load %arg13[%swap3A_1422, %swap3A_1423] {strides = array<i32>} : memref<15x128xi32, #tpu.memory_space<vmem>>, vector<1x16xi32>,
    %swap3A_1425 = vector.shape_cast %swap3A_1424 : vector<1x16xi32> to vector<16xi32>
    %swap3A_1426 = vector.shape_cast %add3A_1420 : vector<16xi32> to vector<1x16xi32>
    tpu.vector_store %arg13[%swap3A_1422, %swap3A_1423], %swap3A_1426 {strides = array<i32>} : memref<15x128xi32, #tpu.memory_space<vmem>>, vector<1x16xi32>,
    %get3A_1427 = arith.constant 720 : index
    %get3A_1428 = tpu.vector_load %arg10[%get3A_1427] {strides = array<i32>} : memref<1920xi32, #tpu.memory_space<vmem>>, vector<16xi32>,
    %get3A_1429 = vector.shape_cast %get3A_1428 : vector<16xi32> to vector<16xi32>
    %mul3A_1430 = arith.constant 224 : i32
    %mul3A_1431 = vector.broadcast %mul3A_1430 : i32 to vector<16xi32>
    %mul3A_1432 = arith.muli %get3A_1429, %mul3A_1431 : vector<16xi32>
    %get3A_1433 = arith.constant 720 : index
    %get3A_1434 = tpu.vector_load %arg11[%get3A_1433] {strides = array<i32>} : memref<1920xi32, #tpu.memory_space<vmem>>, vector<16xi32>,
    %get3A_1435 = vector.shape_cast %get3A_1434 : vector<16xi32> to vector<16xi32>
    %add3A_1436 = arith.addi %mul3A_1432, %get3A_1435 : vector<16xi32>
    %swap3A_1437 = arith.constant 5 : i32
    %swap3A_1438 = arith.index_cast %swap3A_1437 : i32 to index
    %swap3A_1439 = arith.constant 80 : index
    %swap3A_1440 = tpu.vector_load %arg13[%swap3A_1438, %swap3A_1439] {strides = array<i32>} : memref<15x128xi32, #tpu.memory_space<vmem>>, vector<1x16xi32>,
    %swap3A_1441 = vector.shape_cast %swap3A_1440 : vector<1x16xi32> to vector<16xi32>
    %swap3A_1442 = vector.shape_cast %add3A_1436 : vector<16xi32> to vector<1x16xi32>
    tpu.vector_store %arg13[%swap3A_1438, %swap3A_1439], %swap3A_1442 {strides = array<i32>} : memref<15x128xi32, #tpu.memory_space<vmem>>, vector<1x16xi32>,
    %get3A_1443 = arith.constant 736 : index
    %get3A_1444 = tpu.vector_load %arg10[%get3A_1443] {strides = array<i32>} : memref<1920xi32, #tpu.memory_space<vmem>>, vector<16xi32>,
    %get3A_1445 = vector.shape_cast %get3A_1444 : vector<16xi32> to vector<16xi32>
    %mul3A_1446 = arith.constant 224 : i32
    %mul3A_1447 = vector.broadcast %mul3A_1446 : i32 to vector<16xi32>
    %mul3A_1448 = arith.muli %get3A_1445, %mul3A_1447 : vector<16xi32>
    %get3A_1449 = arith.constant 736 : index
    %get3A_1450 = tpu.vector_load %arg11[%get3A_1449] {strides = array<i32>} : memref<1920xi32, #tpu.memory_space<vmem>>, vector<16xi32>,
    %get3A_1451 = vector.shape_cast %get3A_1450 : vector<16xi32> to vector<16xi32>
    %add3A_1452 = arith.addi %mul3A_1448, %get3A_1451 : vector<16xi32>
    %swap3A_1453 = arith.constant 5 : i32
    %swap3A_1454 = arith.index_cast %swap3A_1453 : i32 to index
    %swap3A_1455 = arith.constant 96 : index
    %swap3A_1456 = tpu.vector_load %arg13[%swap3A_1454, %swap3A_1455] {strides = array<i32>} : memref<15x128xi32, #tpu.memory_space<vmem>>, vector<1x16xi32>,
    %swap3A_1457 = vector.shape_cast %swap3A_1456 : vector<1x16xi32> to vector<16xi32>
    %swap3A_1458 = vector.shape_cast %add3A_1452 : vector<16xi32> to vector<1x16xi32>
    tpu.vector_store %arg13[%swap3A_1454, %swap3A_1455], %swap3A_1458 {strides = array<i32>} : memref<15x128xi32, #tpu.memory_space<vmem>>, vector<1x16xi32>,
    %get3A_1459 = arith.constant 752 : index
    %get3A_1460 = tpu.vector_load %arg10[%get3A_1459] {strides = array<i32>} : memref<1920xi32, #tpu.memory_space<vmem>>, vector<16xi32>,
    %get3A_1461 = vector.shape_cast %get3A_1460 : vector<16xi32> to vector<16xi32>
    %mul3A_1462 = arith.constant 224 : i32
    %mul3A_1463 = vector.broadcast %mul3A_1462 : i32 to vector<16xi32>
    %mul3A_1464 = arith.muli %get3A_1461, %mul3A_1463 : vector<16xi32>
    %get3A_1465 = arith.constant 752 : index
    %get3A_1466 = tpu.vector_load %arg11[%get3A_1465] {strides = array<i32>} : memref<1920xi32, #tpu.memory_space<vmem>>, vector<16xi32>,
    %get3A_1467 = vector.shape_cast %get3A_1466 : vector<16xi32> to vector<16xi32>
    %add3A_1468 = arith.addi %mul3A_1464, %get3A_1467 : vector<16xi32>
    %swap3A_1469 = arith.constant 5 : i32
    %swap3A_1470 = arith.index_cast %swap3A_1469 : i32 to index
    %swap3A_1471 = arith.constant 112 : index
    %swap3A_1472 = tpu.vector_load %arg13[%swap3A_1470, %swap3A_1471] {strides = array<i32>} : memref<15x128xi32, #tpu.memory_space<vmem>>, vector<1x16xi32>,
    %swap3A_1473 = vector.shape_cast %swap3A_1472 : vector<1x16xi32> to vector<16xi32>
    %swap3A_1474 = vector.shape_cast %add3A_1468 : vector<16xi32> to vector<1x16xi32>
    tpu.vector_store %arg13[%swap3A_1470, %swap3A_1471], %swap3A_1474 {strides = array<i32>} : memref<15x128xi32, #tpu.memory_space<vmem>>, vector<1x16xi32>,
    %get3A_1475 = arith.constant 768 : index
    %get3A_1476 = tpu.vector_load %arg10[%get3A_1475] {strides = array<i32>} : memref<1920xi32, #tpu.memory_space<vmem>>, vector<16xi32>,
    %get3A_1477 = vector.shape_cast %get3A_1476 : vector<16xi32> to vector<16xi32>
    %mul3A_1478 = arith.constant 224 : i32
    %mul3A_1479 = vector.broadcast %mul3A_1478 : i32 to vector<16xi32>
    %mul3A_1480 = arith.muli %get3A_1477, %mul3A_1479 : vector<16xi32>
    %get3A_1481 = arith.constant 768 : index
    %get3A_1482 = tpu.vector_load %arg11[%get3A_1481] {strides = array<i32>} : memref<1920xi32, #tpu.memory_space<vmem>>, vector<16xi32>,
    %get3A_1483 = vector.shape_cast %get3A_1482 : vector<16xi32> to vector<16xi32>
    %add3A_1484 = arith.addi %mul3A_1480, %get3A_1483 : vector<16xi32>
    %swap3A_1485 = arith.constant 6 : i32
    %swap3A_1486 = arith.index_cast %swap3A_1485 : i32 to index
    %swap3A_1487 = arith.constant 0 : index
    %swap3A_1488 = tpu.vector_load %arg13[%swap3A_1486, %swap3A_1487] {strides = array<i32>} : memref<15x128xi32, #tpu.memory_space<vmem>>, vector<1x16xi32>,
    %swap3A_1489 = vector.shape_cast %swap3A_1488 : vector<1x16xi32> to vector<16xi32>
    %swap3A_1490 = vector.shape_cast %add3A_1484 : vector<16xi32> to vector<1x16xi32>
    tpu.vector_store %arg13[%swap3A_1486, %swap3A_1487], %swap3A_1490 {strides = array<i32>} : memref<15x128xi32, #tpu.memory_space<vmem>>, vector<1x16xi32>,
    %get3A_1491 = arith.constant 784 : index
    %get3A_1492 = tpu.vector_load %arg10[%get3A_1491] {strides = array<i32>} : memref<1920xi32, #tpu.memory_space<vmem>>, vector<16xi32>,
    %get3A_1493 = vector.shape_cast %get3A_1492 : vector<16xi32> to vector<16xi32>
    %mul3A_1494 = arith.constant 224 : i32
    %mul3A_1495 = vector.broadcast %mul3A_1494 : i32 to vector<16xi32>
    %mul3A_1496 = arith.muli %get3A_1493, %mul3A_1495 : vector<16xi32>
    %get3A_1497 = arith.constant 784 : index
    %get3A_1498 = tpu.vector_load %arg11[%get3A_1497] {strides = array<i32>} : memref<1920xi32, #tpu.memory_space<vmem>>, vector<16xi32>,
    %get3A_1499 = vector.shape_cast %get3A_1498 : vector<16xi32> to vector<16xi32>
    %add3A_1500 = arith.addi %mul3A_1496, %get3A_1499 : vector<16xi32>
    %swap3A_1501 = arith.constant 6 : i32
    %swap3A_1502 = arith.index_cast %swap3A_1501 : i32 to index
    %swap3A_1503 = arith.constant 16 : index
    %swap3A_1504 = tpu.vector_load %arg13[%swap3A_1502, %swap3A_1503] {strides = array<i32>} : memref<15x128xi32, #tpu.memory_space<vmem>>, vector<1x16xi32>,
    %swap3A_1505 = vector.shape_cast %swap3A_1504 : vector<1x16xi32> to vector<16xi32>
    %swap3A_1506 = vector.shape_cast %add3A_1500 : vector<16xi32> to vector<1x16xi32>
    tpu.vector_store %arg13[%swap3A_1502, %swap3A_1503], %swap3A_1506 {strides = array<i32>} : memref<15x128xi32, #tpu.memory_space<vmem>>, vector<1x16xi32>,
    %get3A_1507 = arith.constant 800 : index
    %get3A_1508 = tpu.vector_load %arg10[%get3A_1507] {strides = array<i32>} : memref<1920xi32, #tpu.memory_space<vmem>>, vector<16xi32>,
    %get3A_1509 = vector.shape_cast %get3A_1508 : vector<16xi32> to vector<16xi32>
    %mul3A_1510 = arith.constant 224 : i32
    %mul3A_1511 = vector.broadcast %mul3A_1510 : i32 to vector<16xi32>
    %mul3A_1512 = arith.muli %get3A_1509, %mul3A_1511 : vector<16xi32>
    %get3A_1513 = arith.constant 800 : index
    %get3A_1514 = tpu.vector_load %arg11[%get3A_1513] {strides = array<i32>} : memref<1920xi32, #tpu.memory_space<vmem>>, vector<16xi32>,
    %get3A_1515 = vector.shape_cast %get3A_1514 : vector<16xi32> to vector<16xi32>
    %add3A_1516 = arith.addi %mul3A_1512, %get3A_1515 : vector<16xi32>
    %swap3A_1517 = arith.constant 6 : i32
    %swap3A_1518 = arith.index_cast %swap3A_1517 : i32 to index
    %swap3A_1519 = arith.constant 32 : index
    %swap3A_1520 = tpu.vector_load %arg13[%swap3A_1518, %swap3A_1519] {strides = array<i32>} : memref<15x128xi32, #tpu.memory_space<vmem>>, vector<1x16xi32>,
    %swap3A_1521 = vector.shape_cast %swap3A_1520 : vector<1x16xi32> to vector<16xi32>
    %swap3A_1522 = vector.shape_cast %add3A_1516 : vector<16xi32> to vector<1x16xi32>
    tpu.vector_store %arg13[%swap3A_1518, %swap3A_1519], %swap3A_1522 {strides = array<i32>} : memref<15x128xi32, #tpu.memory_space<vmem>>, vector<1x16xi32>,
    %get3A_1523 = arith.constant 816 : index
    %get3A_1524 = tpu.vector_load %arg10[%get3A_1523] {strides = array<i32>} : memref<1920xi32, #tpu.memory_space<vmem>>, vector<16xi32>,
    %get3A_1525 = vector.shape_cast %get3A_1524 : vector<16xi32> to vector<16xi32>
    %mul3A_1526 = arith.constant 224 : i32
    %mul3A_1527 = vector.broadcast %mul3A_1526 : i32 to vector<16xi32>
    %mul3A_1528 = arith.muli %get3A_1525, %mul3A_1527 : vector<16xi32>
    %get3A_1529 = arith.constant 816 : index
    %get3A_1530 = tpu.vector_load %arg11[%get3A_1529] {strides = array<i32>} : memref<1920xi32, #tpu.memory_space<vmem>>, vector<16xi32>,
    %get3A_1531 = vector.shape_cast %get3A_1530 : vector<16xi32> to vector<16xi32>
    %add3A_1532 = arith.addi %mul3A_1528, %get3A_1531 : vector<16xi32>
    %swap3A_1533 = arith.constant 6 : i32
    %swap3A_1534 = arith.index_cast %swap3A_1533 : i32 to index
    %swap3A_1535 = arith.constant 48 : index
    %swap3A_1536 = tpu.vector_load %arg13[%swap3A_1534, %swap3A_1535] {strides = array<i32>} : memref<15x128xi32, #tpu.memory_space<vmem>>, vector<1x16xi32>,
    %swap3A_1537 = vector.shape_cast %swap3A_1536 : vector<1x16xi32> to vector<16xi32>
    %swap3A_1538 = vector.shape_cast %add3A_1532 : vector<16xi32> to vector<1x16xi32>
    tpu.vector_store %arg13[%swap3A_1534, %swap3A_1535], %swap3A_1538 {strides = array<i32>} : memref<15x128xi32, #tpu.memory_space<vmem>>, vector<1x16xi32>,
    %get3A_1539 = arith.constant 832 : index
    %get3A_1540 = tpu.vector_load %arg10[%get3A_1539] {strides = array<i32>} : memref<1920xi32, #tpu.memory_space<vmem>>, vector<16xi32>,
    %get3A_1541 = vector.shape_cast %get3A_1540 : vector<16xi32> to vector<16xi32>
    %mul3A_1542 = arith.constant 224 : i32
    %mul3A_1543 = vector.broadcast %mul3A_1542 : i32 to vector<16xi32>
    %mul3A_1544 = arith.muli %get3A_1541, %mul3A_1543 : vector<16xi32>
    %get3A_1545 = arith.constant 832 : index
    %get3A_1546 = tpu.vector_load %arg11[%get3A_1545] {strides = array<i32>} : memref<1920xi32, #tpu.memory_space<vmem>>, vector<16xi32>,
    %get3A_1547 = vector.shape_cast %get3A_1546 : vector<16xi32> to vector<16xi32>
    %add3A_1548 = arith.addi %mul3A_1544, %get3A_1547 : vector<16xi32>
    %swap3A_1549 = arith.constant 6 : i32
    %swap3A_1550 = arith.index_cast %swap3A_1549 : i32 to index
    %swap3A_1551 = arith.constant 64 : index
    %swap3A_1552 = tpu.vector_load %arg13[%swap3A_1550, %swap3A_1551] {strides = array<i32>} : memref<15x128xi32, #tpu.memory_space<vmem>>, vector<1x16xi32>,
    %swap3A_1553 = vector.shape_cast %swap3A_1552 : vector<1x16xi32> to vector<16xi32>
    %swap3A_1554 = vector.shape_cast %add3A_1548 : vector<16xi32> to vector<1x16xi32>
    tpu.vector_store %arg13[%swap3A_1550, %swap3A_1551], %swap3A_1554 {strides = array<i32>} : memref<15x128xi32, #tpu.memory_space<vmem>>, vector<1x16xi32>,
    %get3A_1555 = arith.constant 848 : index
    %get3A_1556 = tpu.vector_load %arg10[%get3A_1555] {strides = array<i32>} : memref<1920xi32, #tpu.memory_space<vmem>>, vector<16xi32>,
    %get3A_1557 = vector.shape_cast %get3A_1556 : vector<16xi32> to vector<16xi32>
    %mul3A_1558 = arith.constant 224 : i32
    %mul3A_1559 = vector.broadcast %mul3A_1558 : i32 to vector<16xi32>
    %mul3A_1560 = arith.muli %get3A_1557, %mul3A_1559 : vector<16xi32>
    %get3A_1561 = arith.constant 848 : index
    %get3A_1562 = tpu.vector_load %arg11[%get3A_1561] {strides = array<i32>} : memref<1920xi32, #tpu.memory_space<vmem>>, vector<16xi32>,
    %get3A_1563 = vector.shape_cast %get3A_1562 : vector<16xi32> to vector<16xi32>
    %add3A_1564 = arith.addi %mul3A_1560, %get3A_1563 : vector<16xi32>
    %swap3A_1565 = arith.constant 6 : i32
    %swap3A_1566 = arith.index_cast %swap3A_1565 : i32 to index
    %swap3A_1567 = arith.constant 80 : index
    %swap3A_1568 = tpu.vector_load %arg13[%swap3A_1566, %swap3A_1567] {strides = array<i32>} : memref<15x128xi32, #tpu.memory_space<vmem>>, vector<1x16xi32>,
    %swap3A_1569 = vector.shape_cast %swap3A_1568 : vector<1x16xi32> to vector<16xi32>
    %swap3A_1570 = vector.shape_cast %add3A_1564 : vector<16xi32> to vector<1x16xi32>
    tpu.vector_store %arg13[%swap3A_1566, %swap3A_1567], %swap3A_1570 {strides = array<i32>} : memref<15x128xi32, #tpu.memory_space<vmem>>, vector<1x16xi32>,
    %get3A_1571 = arith.constant 864 : index
    %get3A_1572 = tpu.vector_load %arg10[%get3A_1571] {strides = array<i32>} : memref<1920xi32, #tpu.memory_space<vmem>>, vector<16xi32>,
    %get3A_1573 = vector.shape_cast %get3A_1572 : vector<16xi32> to vector<16xi32>
    %mul3A_1574 = arith.constant 224 : i32
    %mul3A_1575 = vector.broadcast %mul3A_1574 : i32 to vector<16xi32>
    %mul3A_1576 = arith.muli %get3A_1573, %mul3A_1575 : vector<16xi32>
    %get3A_1577 = arith.constant 864 : index
    %get3A_1578 = tpu.vector_load %arg11[%get3A_1577] {strides = array<i32>} : memref<1920xi32, #tpu.memory_space<vmem>>, vector<16xi32>,
    %get3A_1579 = vector.shape_cast %get3A_1578 : vector<16xi32> to vector<16xi32>
    %add3A_1580 = arith.addi %mul3A_1576, %get3A_1579 : vector<16xi32>
    %swap3A_1581 = arith.constant 6 : i32
    %swap3A_1582 = arith.index_cast %swap3A_1581 : i32 to index
    %swap3A_1583 = arith.constant 96 : index
    %swap3A_1584 = tpu.vector_load %arg13[%swap3A_1582, %swap3A_1583] {strides = array<i32>} : memref<15x128xi32, #tpu.memory_space<vmem>>, vector<1x16xi32>,
    %swap3A_1585 = vector.shape_cast %swap3A_1584 : vector<1x16xi32> to vector<16xi32>
    %swap3A_1586 = vector.shape_cast %add3A_1580 : vector<16xi32> to vector<1x16xi32>
    tpu.vector_store %arg13[%swap3A_1582, %swap3A_1583], %swap3A_1586 {strides = array<i32>} : memref<15x128xi32, #tpu.memory_space<vmem>>, vector<1x16xi32>,
    %get3A_1587 = arith.constant 880 : index
    %get3A_1588 = tpu.vector_load %arg10[%get3A_1587] {strides = array<i32>} : memref<1920xi32, #tpu.memory_space<vmem>>, vector<16xi32>,
    %get3A_1589 = vector.shape_cast %get3A_1588 : vector<16xi32> to vector<16xi32>
    %mul3A_1590 = arith.constant 224 : i32
    %mul3A_1591 = vector.broadcast %mul3A_1590 : i32 to vector<16xi32>
    %mul3A_1592 = arith.muli %get3A_1589, %mul3A_1591 : vector<16xi32>
    %get3A_1593 = arith.constant 880 : index
    %get3A_1594 = tpu.vector_load %arg11[%get3A_1593] {strides = array<i32>} : memref<1920xi32, #tpu.memory_space<vmem>>, vector<16xi32>,
    %get3A_1595 = vector.shape_cast %get3A_1594 : vector<16xi32> to vector<16xi32>
    %add3A_1596 = arith.addi %mul3A_1592, %get3A_1595 : vector<16xi32>
    %swap3A_1597 = arith.constant 6 : i32
    %swap3A_1598 = arith.index_cast %swap3A_1597 : i32 to index
    %swap3A_1599 = arith.constant 112 : index
    %swap3A_1600 = tpu.vector_load %arg13[%swap3A_1598, %swap3A_1599] {strides = array<i32>} : memref<15x128xi32, #tpu.memory_space<vmem>>, vector<1x16xi32>,
    %swap3A_1601 = vector.shape_cast %swap3A_1600 : vector<1x16xi32> to vector<16xi32>
    %swap3A_1602 = vector.shape_cast %add3A_1596 : vector<16xi32> to vector<1x16xi32>
    tpu.vector_store %arg13[%swap3A_1598, %swap3A_1599], %swap3A_1602 {strides = array<i32>} : memref<15x128xi32, #tpu.memory_space<vmem>>, vector<1x16xi32>,
    %get3A_1603 = arith.constant 896 : index
    %get3A_1604 = tpu.vector_load %arg10[%get3A_1603] {strides = array<i32>} : memref<1920xi32, #tpu.memory_space<vmem>>, vector<16xi32>,
    %get3A_1605 = vector.shape_cast %get3A_1604 : vector<16xi32> to vector<16xi32>
    %mul3A_1606 = arith.constant 224 : i32
    %mul3A_1607 = vector.broadcast %mul3A_1606 : i32 to vector<16xi32>
    %mul3A_1608 = arith.muli %get3A_1605, %mul3A_1607 : vector<16xi32>
    %get3A_1609 = arith.constant 896 : index
    %get3A_1610 = tpu.vector_load %arg11[%get3A_1609] {strides = array<i32>} : memref<1920xi32, #tpu.memory_space<vmem>>, vector<16xi32>,
    %get3A_1611 = vector.shape_cast %get3A_1610 : vector<16xi32> to vector<16xi32>
    %add3A_1612 = arith.addi %mul3A_1608, %get3A_1611 : vector<16xi32>
    %swap3A_1613 = arith.constant 7 : i32
    %swap3A_1614 = arith.index_cast %swap3A_1613 : i32 to index
    %swap3A_1615 = arith.constant 0 : index
    %swap3A_1616 = tpu.vector_load %arg13[%swap3A_1614, %swap3A_1615] {strides = array<i32>} : memref<15x128xi32, #tpu.memory_space<vmem>>, vector<1x16xi32>,
    %swap3A_1617 = vector.shape_cast %swap3A_1616 : vector<1x16xi32> to vector<16xi32>
    %swap3A_1618 = vector.shape_cast %add3A_1612 : vector<16xi32> to vector<1x16xi32>
    tpu.vector_store %arg13[%swap3A_1614, %swap3A_1615], %swap3A_1618 {strides = array<i32>} : memref<15x128xi32, #tpu.memory_space<vmem>>, vector<1x16xi32>,
    %get3A_1619 = arith.constant 912 : index
    %get3A_1620 = tpu.vector_load %arg10[%get3A_1619] {strides = array<i32>} : memref<1920xi32, #tpu.memory_space<vmem>>, vector<16xi32>,
    %get3A_1621 = vector.shape_cast %get3A_1620 : vector<16xi32> to vector<16xi32>
    %mul3A_1622 = arith.constant 224 : i32
    %mul3A_1623 = vector.broadcast %mul3A_1622 : i32 to vector<16xi32>
    %mul3A_1624 = arith.muli %get3A_1621, %mul3A_1623 : vector<16xi32>
    %get3A_1625 = arith.constant 912 : index
    %get3A_1626 = tpu.vector_load %arg11[%get3A_1625] {strides = array<i32>} : memref<1920xi32, #tpu.memory_space<vmem>>, vector<16xi32>,
    %get3A_1627 = vector.shape_cast %get3A_1626 : vector<16xi32> to vector<16xi32>
    %add3A_1628 = arith.addi %mul3A_1624, %get3A_1627 : vector<16xi32>
    %swap3A_1629 = arith.constant 7 : i32
    %swap3A_1630 = arith.index_cast %swap3A_1629 : i32 to index
    %swap3A_1631 = arith.constant 16 : index
    %swap3A_1632 = tpu.vector_load %arg13[%swap3A_1630, %swap3A_1631] {strides = array<i32>} : memref<15x128xi32, #tpu.memory_space<vmem>>, vector<1x16xi32>,
    %swap3A_1633 = vector.shape_cast %swap3A_1632 : vector<1x16xi32> to vector<16xi32>
    %swap3A_1634 = vector.shape_cast %add3A_1628 : vector<16xi32> to vector<1x16xi32>
    tpu.vector_store %arg13[%swap3A_1630, %swap3A_1631], %swap3A_1634 {strides = array<i32>} : memref<15x128xi32, #tpu.memory_space<vmem>>, vector<1x16xi32>,
    %get3A_1635 = arith.constant 928 : index
    %get3A_1636 = tpu.vector_load %arg10[%get3A_1635] {strides = array<i32>} : memref<1920xi32, #tpu.memory_space<vmem>>, vector<16xi32>,
    %get3A_1637 = vector.shape_cast %get3A_1636 : vector<16xi32> to vector<16xi32>
    %mul3A_1638 = arith.constant 224 : i32
    %mul3A_1639 = vector.broadcast %mul3A_1638 : i32 to vector<16xi32>
    %mul3A_1640 = arith.muli %get3A_1637, %mul3A_1639 : vector<16xi32>
    %get3A_1641 = arith.constant 928 : index
    %get3A_1642 = tpu.vector_load %arg11[%get3A_1641] {strides = array<i32>} : memref<1920xi32, #tpu.memory_space<vmem>>, vector<16xi32>,
    %get3A_1643 = vector.shape_cast %get3A_1642 : vector<16xi32> to vector<16xi32>
    %add3A_1644 = arith.addi %mul3A_1640, %get3A_1643 : vector<16xi32>
    %swap3A_1645 = arith.constant 7 : i32
    %swap3A_1646 = arith.index_cast %swap3A_1645 : i32 to index
    %swap3A_1647 = arith.constant 32 : index
    %swap3A_1648 = tpu.vector_load %arg13[%swap3A_1646, %swap3A_1647] {strides = array<i32>} : memref<15x128xi32, #tpu.memory_space<vmem>>, vector<1x16xi32>,
    %swap3A_1649 = vector.shape_cast %swap3A_1648 : vector<1x16xi32> to vector<16xi32>
    %swap3A_1650 = vector.shape_cast %add3A_1644 : vector<16xi32> to vector<1x16xi32>
    tpu.vector_store %arg13[%swap3A_1646, %swap3A_1647], %swap3A_1650 {strides = array<i32>} : memref<15x128xi32, #tpu.memory_space<vmem>>, vector<1x16xi32>,
    %get3A_1651 = arith.constant 944 : index
    %get3A_1652 = tpu.vector_load %arg10[%get3A_1651] {strides = array<i32>} : memref<1920xi32, #tpu.memory_space<vmem>>, vector<16xi32>,
    %get3A_1653 = vector.shape_cast %get3A_1652 : vector<16xi32> to vector<16xi32>
    %mul3A_1654 = arith.constant 224 : i32
    %mul3A_1655 = vector.broadcast %mul3A_1654 : i32 to vector<16xi32>
    %mul3A_1656 = arith.muli %get3A_1653, %mul3A_1655 : vector<16xi32>
    %get3A_1657 = arith.constant 944 : index
    %get3A_1658 = tpu.vector_load %arg11[%get3A_1657] {strides = array<i32>} : memref<1920xi32, #tpu.memory_space<vmem>>, vector<16xi32>,
    %get3A_1659 = vector.shape_cast %get3A_1658 : vector<16xi32> to vector<16xi32>
    %add3A_1660 = arith.addi %mul3A_1656, %get3A_1659 : vector<16xi32>
    %swap3A_1661 = arith.constant 7 : i32
    %swap3A_1662 = arith.index_cast %swap3A_1661 : i32 to index
    %swap3A_1663 = arith.constant 48 : index
    %swap3A_1664 = tpu.vector_load %arg13[%swap3A_1662, %swap3A_1663] {strides = array<i32>} : memref<15x128xi32, #tpu.memory_space<vmem>>, vector<1x16xi32>,
    %swap3A_1665 = vector.shape_cast %swap3A_1664 : vector<1x16xi32> to vector<16xi32>
    %swap3A_1666 = vector.shape_cast %add3A_1660 : vector<16xi32> to vector<1x16xi32>
    tpu.vector_store %arg13[%swap3A_1662, %swap3A_1663], %swap3A_1666 {strides = array<i32>} : memref<15x128xi32, #tpu.memory_space<vmem>>, vector<1x16xi32>,
    %get3A_1667 = arith.constant 960 : index
    %get3A_1668 = tpu.vector_load %arg10[%get3A_1667] {strides = array<i32>} : memref<1920xi32, #tpu.memory_space<vmem>>, vector<16xi32>,
    %get3A_1669 = vector.shape_cast %get3A_1668 : vector<16xi32> to vector<16xi32>
    %mul3A_1670 = arith.constant 224 : i32
    %mul3A_1671 = vector.broadcast %mul3A_1670 : i32 to vector<16xi32>
    %mul3A_1672 = arith.muli %get3A_1669, %mul3A_1671 : vector<16xi32>
    %get3A_1673 = arith.constant 960 : index
    %get3A_1674 = tpu.vector_load %arg11[%get3A_1673] {strides = array<i32>} : memref<1920xi32, #tpu.memory_space<vmem>>, vector<16xi32>,
    %get3A_1675 = vector.shape_cast %get3A_1674 : vector<16xi32> to vector<16xi32>
    %add3A_1676 = arith.addi %mul3A_1672, %get3A_1675 : vector<16xi32>
    %swap3A_1677 = arith.constant 7 : i32
    %swap3A_1678 = arith.index_cast %swap3A_1677 : i32 to index
    %swap3A_1679 = arith.constant 64 : index
    %swap3A_1680 = tpu.vector_load %arg13[%swap3A_1678, %swap3A_1679] {strides = array<i32>} : memref<15x128xi32, #tpu.memory_space<vmem>>, vector<1x16xi32>,
    %swap3A_1681 = vector.shape_cast %swap3A_1680 : vector<1x16xi32> to vector<16xi32>
    %swap3A_1682 = vector.shape_cast %add3A_1676 : vector<16xi32> to vector<1x16xi32>
    tpu.vector_store %arg13[%swap3A_1678, %swap3A_1679], %swap3A_1682 {strides = array<i32>} : memref<15x128xi32, #tpu.memory_space<vmem>>, vector<1x16xi32>,
    %get3A_1683 = arith.constant 976 : index
    %get3A_1684 = tpu.vector_load %arg10[%get3A_1683] {strides = array<i32>} : memref<1920xi32, #tpu.memory_space<vmem>>, vector<16xi32>,
    %get3A_1685 = vector.shape_cast %get3A_1684 : vector<16xi32> to vector<16xi32>
    %mul3A_1686 = arith.constant 224 : i32
    %mul3A_1687 = vector.broadcast %mul3A_1686 : i32 to vector<16xi32>
    %mul3A_1688 = arith.muli %get3A_1685, %mul3A_1687 : vector<16xi32>
    %get3A_1689 = arith.constant 976 : index
    %get3A_1690 = tpu.vector_load %arg11[%get3A_1689] {strides = array<i32>} : memref<1920xi32, #tpu.memory_space<vmem>>, vector<16xi32>,
    %get3A_1691 = vector.shape_cast %get3A_1690 : vector<16xi32> to vector<16xi32>
    %add3A_1692 = arith.addi %mul3A_1688, %get3A_1691 : vector<16xi32>
    %swap3A_1693 = arith.constant 7 : i32
    %swap3A_1694 = arith.index_cast %swap3A_1693 : i32 to index
    %swap3A_1695 = arith.constant 80 : index
    %swap3A_1696 = tpu.vector_load %arg13[%swap3A_1694, %swap3A_1695] {strides = array<i32>} : memref<15x128xi32, #tpu.memory_space<vmem>>, vector<1x16xi32>,
    %swap3A_1697 = vector.shape_cast %swap3A_1696 : vector<1x16xi32> to vector<16xi32>
    %swap3A_1698 = vector.shape_cast %add3A_1692 : vector<16xi32> to vector<1x16xi32>
    tpu.vector_store %arg13[%swap3A_1694, %swap3A_1695], %swap3A_1698 {strides = array<i32>} : memref<15x128xi32, #tpu.memory_space<vmem>>, vector<1x16xi32>,
    %get3A_1699 = arith.constant 992 : index
    %get3A_1700 = tpu.vector_load %arg10[%get3A_1699] {strides = array<i32>} : memref<1920xi32, #tpu.memory_space<vmem>>, vector<16xi32>,
    %get3A_1701 = vector.shape_cast %get3A_1700 : vector<16xi32> to vector<16xi32>
    %mul3A_1702 = arith.constant 224 : i32
    %mul3A_1703 = vector.broadcast %mul3A_1702 : i32 to vector<16xi32>
    %mul3A_1704 = arith.muli %get3A_1701, %mul3A_1703 : vector<16xi32>
    %get3A_1705 = arith.constant 992 : index
    %get3A_1706 = tpu.vector_load %arg11[%get3A_1705] {strides = array<i32>} : memref<1920xi32, #tpu.memory_space<vmem>>, vector<16xi32>,
    %get3A_1707 = vector.shape_cast %get3A_1706 : vector<16xi32> to vector<16xi32>
    %add3A_1708 = arith.addi %mul3A_1704, %get3A_1707 : vector<16xi32>
    %swap3A_1709 = arith.constant 7 : i32
    %swap3A_1710 = arith.index_cast %swap3A_1709 : i32 to index
    %swap3A_1711 = arith.constant 96 : index
    %swap3A_1712 = tpu.vector_load %arg13[%swap3A_1710, %swap3A_1711] {strides = array<i32>} : memref<15x128xi32, #tpu.memory_space<vmem>>, vector<1x16xi32>,
    %swap3A_1713 = vector.shape_cast %swap3A_1712 : vector<1x16xi32> to vector<16xi32>
    %swap3A_1714 = vector.shape_cast %add3A_1708 : vector<16xi32> to vector<1x16xi32>
    tpu.vector_store %arg13[%swap3A_1710, %swap3A_1711], %swap3A_1714 {strides = array<i32>} : memref<15x128xi32, #tpu.memory_space<vmem>>, vector<1x16xi32>,
    %get3A_1715 = arith.constant 1008 : index
    %get3A_1716 = tpu.vector_load %arg10[%get3A_1715] {strides = array<i32>} : memref<1920xi32, #tpu.memory_space<vmem>>, vector<16xi32>,
    %get3A_1717 = vector.shape_cast %get3A_1716 : vector<16xi32> to vector<16xi32>
    %mul3A_1718 = arith.constant 224 : i32
    %mul3A_1719 = vector.broadcast %mul3A_1718 : i32 to vector<16xi32>
    %mul3A_1720 = arith.muli %get3A_1717, %mul3A_1719 : vector<16xi32>
    %get3A_1721 = arith.constant 1008 : index
    %get3A_1722 = tpu.vector_load %arg11[%get3A_1721] {strides = array<i32>} : memref<1920xi32, #tpu.memory_space<vmem>>, vector<16xi32>,
    %get3A_1723 = vector.shape_cast %get3A_1722 : vector<16xi32> to vector<16xi32>
    %add3A_1724 = arith.addi %mul3A_1720, %get3A_1723 : vector<16xi32>
    %swap3A_1725 = arith.constant 7 : i32
    %swap3A_1726 = arith.index_cast %swap3A_1725 : i32 to index
    %swap3A_1727 = arith.constant 112 : index
    %swap3A_1728 = tpu.vector_load %arg13[%swap3A_1726, %swap3A_1727] {strides = array<i32>} : memref<15x128xi32, #tpu.memory_space<vmem>>, vector<1x16xi32>,
    %swap3A_1729 = vector.shape_cast %swap3A_1728 : vector<1x16xi32> to vector<16xi32>
    %swap3A_1730 = vector.shape_cast %add3A_1724 : vector<16xi32> to vector<1x16xi32>
    tpu.vector_store %arg13[%swap3A_1726, %swap3A_1727], %swap3A_1730 {strides = array<i32>} : memref<15x128xi32, #tpu.memory_space<vmem>>, vector<1x16xi32>,
    %get3A_1731 = arith.constant 1024 : index
    %get3A_1732 = tpu.vector_load %arg10[%get3A_1731] {strides = array<i32>} : memref<1920xi32, #tpu.memory_space<vmem>>, vector<16xi32>,
    %get3A_1733 = vector.shape_cast %get3A_1732 : vector<16xi32> to vector<16xi32>
    %mul3A_1734 = arith.constant 224 : i32
    %mul3A_1735 = vector.broadcast %mul3A_1734 : i32 to vector<16xi32>
    %mul3A_1736 = arith.muli %get3A_1733, %mul3A_1735 : vector<16xi32>
    %get3A_1737 = arith.constant 1024 : index
    %get3A_1738 = tpu.vector_load %arg11[%get3A_1737] {strides = array<i32>} : memref<1920xi32, #tpu.memory_space<vmem>>, vector<16xi32>,
    %get3A_1739 = vector.shape_cast %get3A_1738 : vector<16xi32> to vector<16xi32>
    %add3A_1740 = arith.addi %mul3A_1736, %get3A_1739 : vector<16xi32>
    %swap3A_1741 = arith.constant 8 : i32
    %swap3A_1742 = arith.index_cast %swap3A_1741 : i32 to index
    %swap3A_1743 = arith.constant 0 : index
    %swap3A_1744 = tpu.vector_load %arg13[%swap3A_1742, %swap3A_1743] {strides = array<i32>} : memref<15x128xi32, #tpu.memory_space<vmem>>, vector<1x16xi32>,
    %swap3A_1745 = vector.shape_cast %swap3A_1744 : vector<1x16xi32> to vector<16xi32>
    %swap3A_1746 = vector.shape_cast %add3A_1740 : vector<16xi32> to vector<1x16xi32>
    tpu.vector_store %arg13[%swap3A_1742, %swap3A_1743], %swap3A_1746 {strides = array<i32>} : memref<15x128xi32, #tpu.memory_space<vmem>>, vector<1x16xi32>,
    %get3A_1747 = arith.constant 1040 : index
    %get3A_1748 = tpu.vector_load %arg10[%get3A_1747] {strides = array<i32>} : memref<1920xi32, #tpu.memory_space<vmem>>, vector<16xi32>,
    %get3A_1749 = vector.shape_cast %get3A_1748 : vector<16xi32> to vector<16xi32>
    %mul3A_1750 = arith.constant 224 : i32
    %mul3A_1751 = vector.broadcast %mul3A_1750 : i32 to vector<16xi32>
    %mul3A_1752 = arith.muli %get3A_1749, %mul3A_1751 : vector<16xi32>
    %get3A_1753 = arith.constant 1040 : index
    %get3A_1754 = tpu.vector_load %arg11[%get3A_1753] {strides = array<i32>} : memref<1920xi32, #tpu.memory_space<vmem>>, vector<16xi32>,
    %get3A_1755 = vector.shape_cast %get3A_1754 : vector<16xi32> to vector<16xi32>
    %add3A_1756 = arith.addi %mul3A_1752, %get3A_1755 : vector<16xi32>
    %swap3A_1757 = arith.constant 8 : i32
    %swap3A_1758 = arith.index_cast %swap3A_1757 : i32 to index
    %swap3A_1759 = arith.constant 16 : index
    %swap3A_1760 = tpu.vector_load %arg13[%swap3A_1758, %swap3A_1759] {strides = array<i32>} : memref<15x128xi32, #tpu.memory_space<vmem>>, vector<1x16xi32>,
    %swap3A_1761 = vector.shape_cast %swap3A_1760 : vector<1x16xi32> to vector<16xi32>
    %swap3A_1762 = vector.shape_cast %add3A_1756 : vector<16xi32> to vector<1x16xi32>
    tpu.vector_store %arg13[%swap3A_1758, %swap3A_1759], %swap3A_1762 {strides = array<i32>} : memref<15x128xi32, #tpu.memory_space<vmem>>, vector<1x16xi32>,
    %get3A_1763 = arith.constant 1056 : index
    %get3A_1764 = tpu.vector_load %arg10[%get3A_1763] {strides = array<i32>} : memref<1920xi32, #tpu.memory_space<vmem>>, vector<16xi32>,
    %get3A_1765 = vector.shape_cast %get3A_1764 : vector<16xi32> to vector<16xi32>
    %mul3A_1766 = arith.constant 224 : i32
    %mul3A_1767 = vector.broadcast %mul3A_1766 : i32 to vector<16xi32>
    %mul3A_1768 = arith.muli %get3A_1765, %mul3A_1767 : vector<16xi32>
    %get3A_1769 = arith.constant 1056 : index
    %get3A_1770 = tpu.vector_load %arg11[%get3A_1769] {strides = array<i32>} : memref<1920xi32, #tpu.memory_space<vmem>>, vector<16xi32>,
    %get3A_1771 = vector.shape_cast %get3A_1770 : vector<16xi32> to vector<16xi32>
    %add3A_1772 = arith.addi %mul3A_1768, %get3A_1771 : vector<16xi32>
    %swap3A_1773 = arith.constant 8 : i32
    %swap3A_1774 = arith.index_cast %swap3A_1773 : i32 to index
    %swap3A_1775 = arith.constant 32 : index
    %swap3A_1776 = tpu.vector_load %arg13[%swap3A_1774, %swap3A_1775] {strides = array<i32>} : memref<15x128xi32, #tpu.memory_space<vmem>>, vector<1x16xi32>,
    %swap3A_1777 = vector.shape_cast %swap3A_1776 : vector<1x16xi32> to vector<16xi32>
    %swap3A_1778 = vector.shape_cast %add3A_1772 : vector<16xi32> to vector<1x16xi32>
    tpu.vector_store %arg13[%swap3A_1774, %swap3A_1775], %swap3A_1778 {strides = array<i32>} : memref<15x128xi32, #tpu.memory_space<vmem>>, vector<1x16xi32>,
    %get3A_1779 = arith.constant 1072 : index
    %get3A_1780 = tpu.vector_load %arg10[%get3A_1779] {strides = array<i32>} : memref<1920xi32, #tpu.memory_space<vmem>>, vector<16xi32>,
    %get3A_1781 = vector.shape_cast %get3A_1780 : vector<16xi32> to vector<16xi32>
    %mul3A_1782 = arith.constant 224 : i32
    %mul3A_1783 = vector.broadcast %mul3A_1782 : i32 to vector<16xi32>
    %mul3A_1784 = arith.muli %get3A_1781, %mul3A_1783 : vector<16xi32>
    %get3A_1785 = arith.constant 1072 : index
    %get3A_1786 = tpu.vector_load %arg11[%get3A_1785] {strides = array<i32>} : memref<1920xi32, #tpu.memory_space<vmem>>, vector<16xi32>,
    %get3A_1787 = vector.shape_cast %get3A_1786 : vector<16xi32> to vector<16xi32>
    %add3A_1788 = arith.addi %mul3A_1784, %get3A_1787 : vector<16xi32>
    %swap3A_1789 = arith.constant 8 : i32
    %swap3A_1790 = arith.index_cast %swap3A_1789 : i32 to index
    %swap3A_1791 = arith.constant 48 : index
    %swap3A_1792 = tpu.vector_load %arg13[%swap3A_1790, %swap3A_1791] {strides = array<i32>} : memref<15x128xi32, #tpu.memory_space<vmem>>, vector<1x16xi32>,
    %swap3A_1793 = vector.shape_cast %swap3A_1792 : vector<1x16xi32> to vector<16xi32>
    %swap3A_1794 = vector.shape_cast %add3A_1788 : vector<16xi32> to vector<1x16xi32>
    tpu.vector_store %arg13[%swap3A_1790, %swap3A_1791], %swap3A_1794 {strides = array<i32>} : memref<15x128xi32, #tpu.memory_space<vmem>>, vector<1x16xi32>,
    %get3A_1795 = arith.constant 1088 : index
    %get3A_1796 = tpu.vector_load %arg10[%get3A_1795] {strides = array<i32>} : memref<1920xi32, #tpu.memory_space<vmem>>, vector<16xi32>,
    %get3A_1797 = vector.shape_cast %get3A_1796 : vector<16xi32> to vector<16xi32>
    %mul3A_1798 = arith.constant 224 : i32
    %mul3A_1799 = vector.broadcast %mul3A_1798 : i32 to vector<16xi32>
    %mul3A_1800 = arith.muli %get3A_1797, %mul3A_1799 : vector<16xi32>
    %get3A_1801 = arith.constant 1088 : index
    %get3A_1802 = tpu.vector_load %arg11[%get3A_1801] {strides = array<i32>} : memref<1920xi32, #tpu.memory_space<vmem>>, vector<16xi32>,
    %get3A_1803 = vector.shape_cast %get3A_1802 : vector<16xi32> to vector<16xi32>
    %add3A_1804 = arith.addi %mul3A_1800, %get3A_1803 : vector<16xi32>
    %swap3A_1805 = arith.constant 8 : i32
    %swap3A_1806 = arith.index_cast %swap3A_1805 : i32 to index
    %swap3A_1807 = arith.constant 64 : index
    %swap3A_1808 = tpu.vector_load %arg13[%swap3A_1806, %swap3A_1807] {strides = array<i32>} : memref<15x128xi32, #tpu.memory_space<vmem>>, vector<1x16xi32>,
    %swap3A_1809 = vector.shape_cast %swap3A_1808 : vector<1x16xi32> to vector<16xi32>
    %swap3A_1810 = vector.shape_cast %add3A_1804 : vector<16xi32> to vector<1x16xi32>
    tpu.vector_store %arg13[%swap3A_1806, %swap3A_1807], %swap3A_1810 {strides = array<i32>} : memref<15x128xi32, #tpu.memory_space<vmem>>, vector<1x16xi32>,
    %get3A_1811 = arith.constant 1104 : index
    %get3A_1812 = tpu.vector_load %arg10[%get3A_1811] {strides = array<i32>} : memref<1920xi32, #tpu.memory_space<vmem>>, vector<16xi32>,
    %get3A_1813 = vector.shape_cast %get3A_1812 : vector<16xi32> to vector<16xi32>
    %mul3A_1814 = arith.constant 224 : i32
    %mul3A_1815 = vector.broadcast %mul3A_1814 : i32 to vector<16xi32>
    %mul3A_1816 = arith.muli %get3A_1813, %mul3A_1815 : vector<16xi32>
    %get3A_1817 = arith.constant 1104 : index
    %get3A_1818 = tpu.vector_load %arg11[%get3A_1817] {strides = array<i32>} : memref<1920xi32, #tpu.memory_space<vmem>>, vector<16xi32>,
    %get3A_1819 = vector.shape_cast %get3A_1818 : vector<16xi32> to vector<16xi32>
    %add3A_1820 = arith.addi %mul3A_1816, %get3A_1819 : vector<16xi32>
    %swap3A_1821 = arith.constant 8 : i32
    %swap3A_1822 = arith.index_cast %swap3A_1821 : i32 to index
    %swap3A_1823 = arith.constant 80 : index
    %swap3A_1824 = tpu.vector_load %arg13[%swap3A_1822, %swap3A_1823] {strides = array<i32>} : memref<15x128xi32, #tpu.memory_space<vmem>>, vector<1x16xi32>,
    %swap3A_1825 = vector.shape_cast %swap3A_1824 : vector<1x16xi32> to vector<16xi32>
    %swap3A_1826 = vector.shape_cast %add3A_1820 : vector<16xi32> to vector<1x16xi32>
    tpu.vector_store %arg13[%swap3A_1822, %swap3A_1823], %swap3A_1826 {strides = array<i32>} : memref<15x128xi32, #tpu.memory_space<vmem>>, vector<1x16xi32>,
    %get3A_1827 = arith.constant 1120 : index
    %get3A_1828 = tpu.vector_load %arg10[%get3A_1827] {strides = array<i32>} : memref<1920xi32, #tpu.memory_space<vmem>>, vector<16xi32>,
    %get3A_1829 = vector.shape_cast %get3A_1828 : vector<16xi32> to vector<16xi32>
    %mul3A_1830 = arith.constant 224 : i32
    %mul3A_1831 = vector.broadcast %mul3A_1830 : i32 to vector<16xi32>
    %mul3A_1832 = arith.muli %get3A_1829, %mul3A_1831 : vector<16xi32>
    %get3A_1833 = arith.constant 1120 : index
    %get3A_1834 = tpu.vector_load %arg11[%get3A_1833] {strides = array<i32>} : memref<1920xi32, #tpu.memory_space<vmem>>, vector<16xi32>,
    %get3A_1835 = vector.shape_cast %get3A_1834 : vector<16xi32> to vector<16xi32>
    %add3A_1836 = arith.addi %mul3A_1832, %get3A_1835 : vector<16xi32>
    %swap3A_1837 = arith.constant 8 : i32
    %swap3A_1838 = arith.index_cast %swap3A_1837 : i32 to index
    %swap3A_1839 = arith.constant 96 : index
    %swap3A_1840 = tpu.vector_load %arg13[%swap3A_1838, %swap3A_1839] {strides = array<i32>} : memref<15x128xi32, #tpu.memory_space<vmem>>, vector<1x16xi32>,
    %swap3A_1841 = vector.shape_cast %swap3A_1840 : vector<1x16xi32> to vector<16xi32>
    %swap3A_1842 = vector.shape_cast %add3A_1836 : vector<16xi32> to vector<1x16xi32>
    tpu.vector_store %arg13[%swap3A_1838, %swap3A_1839], %swap3A_1842 {strides = array<i32>} : memref<15x128xi32, #tpu.memory_space<vmem>>, vector<1x16xi32>,
    %get3A_1843 = arith.constant 1136 : index
    %get3A_1844 = tpu.vector_load %arg10[%get3A_1843] {strides = array<i32>} : memref<1920xi32, #tpu.memory_space<vmem>>, vector<16xi32>,
    %get3A_1845 = vector.shape_cast %get3A_1844 : vector<16xi32> to vector<16xi32>
    %mul3A_1846 = arith.constant 224 : i32
    %mul3A_1847 = vector.broadcast %mul3A_1846 : i32 to vector<16xi32>
    %mul3A_1848 = arith.muli %get3A_1845, %mul3A_1847 : vector<16xi32>
    %get3A_1849 = arith.constant 1136 : index
    %get3A_1850 = tpu.vector_load %arg11[%get3A_1849] {strides = array<i32>} : memref<1920xi32, #tpu.memory_space<vmem>>, vector<16xi32>,
    %get3A_1851 = vector.shape_cast %get3A_1850 : vector<16xi32> to vector<16xi32>
    %add3A_1852 = arith.addi %mul3A_1848, %get3A_1851 : vector<16xi32>
    %swap3A_1853 = arith.constant 8 : i32
    %swap3A_1854 = arith.index_cast %swap3A_1853 : i32 to index
    %swap3A_1855 = arith.constant 112 : index
    %swap3A_1856 = tpu.vector_load %arg13[%swap3A_1854, %swap3A_1855] {strides = array<i32>} : memref<15x128xi32, #tpu.memory_space<vmem>>, vector<1x16xi32>,
    %swap3A_1857 = vector.shape_cast %swap3A_1856 : vector<1x16xi32> to vector<16xi32>
    %swap3A_1858 = vector.shape_cast %add3A_1852 : vector<16xi32> to vector<1x16xi32>
    tpu.vector_store %arg13[%swap3A_1854, %swap3A_1855], %swap3A_1858 {strides = array<i32>} : memref<15x128xi32, #tpu.memory_space<vmem>>, vector<1x16xi32>,
    %get3A_1859 = arith.constant 1152 : index
    %get3A_1860 = tpu.vector_load %arg10[%get3A_1859] {strides = array<i32>} : memref<1920xi32, #tpu.memory_space<vmem>>, vector<16xi32>,
    %get3A_1861 = vector.shape_cast %get3A_1860 : vector<16xi32> to vector<16xi32>
    %mul3A_1862 = arith.constant 224 : i32
    %mul3A_1863 = vector.broadcast %mul3A_1862 : i32 to vector<16xi32>
    %mul3A_1864 = arith.muli %get3A_1861, %mul3A_1863 : vector<16xi32>
    %get3A_1865 = arith.constant 1152 : index
    %get3A_1866 = tpu.vector_load %arg11[%get3A_1865] {strides = array<i32>} : memref<1920xi32, #tpu.memory_space<vmem>>, vector<16xi32>,
    %get3A_1867 = vector.shape_cast %get3A_1866 : vector<16xi32> to vector<16xi32>
    %add3A_1868 = arith.addi %mul3A_1864, %get3A_1867 : vector<16xi32>
    %swap3A_1869 = arith.constant 9 : i32
    %swap3A_1870 = arith.index_cast %swap3A_1869 : i32 to index
    %swap3A_1871 = arith.constant 0 : index
    %swap3A_1872 = tpu.vector_load %arg13[%swap3A_1870, %swap3A_1871] {strides = array<i32>} : memref<15x128xi32, #tpu.memory_space<vmem>>, vector<1x16xi32>,
    %swap3A_1873 = vector.shape_cast %swap3A_1872 : vector<1x16xi32> to vector<16xi32>
    %swap3A_1874 = vector.shape_cast %add3A_1868 : vector<16xi32> to vector<1x16xi32>
    tpu.vector_store %arg13[%swap3A_1870, %swap3A_1871], %swap3A_1874 {strides = array<i32>} : memref<15x128xi32, #tpu.memory_space<vmem>>, vector<1x16xi32>,
    %get3A_1875 = arith.constant 1168 : index
    %get3A_1876 = tpu.vector_load %arg10[%get3A_1875] {strides = array<i32>} : memref<1920xi32, #tpu.memory_space<vmem>>, vector<16xi32>,
    %get3A_1877 = vector.shape_cast %get3A_1876 : vector<16xi32> to vector<16xi32>
    %mul3A_1878 = arith.constant 224 : i32
    %mul3A_1879 = vector.broadcast %mul3A_1878 : i32 to vector<16xi32>
    %mul3A_1880 = arith.muli %get3A_1877, %mul3A_1879 : vector<16xi32>
    %get3A_1881 = arith.constant 1168 : index
    %get3A_1882 = tpu.vector_load %arg11[%get3A_1881] {strides = array<i32>} : memref<1920xi32, #tpu.memory_space<vmem>>, vector<16xi32>,
    %get3A_1883 = vector.shape_cast %get3A_1882 : vector<16xi32> to vector<16xi32>
    %add3A_1884 = arith.addi %mul3A_1880, %get3A_1883 : vector<16xi32>
    %swap3A_1885 = arith.constant 9 : i32
    %swap3A_1886 = arith.index_cast %swap3A_1885 : i32 to index
    %swap3A_1887 = arith.constant 16 : index
    %swap3A_1888 = tpu.vector_load %arg13[%swap3A_1886, %swap3A_1887] {strides = array<i32>} : memref<15x128xi32, #tpu.memory_space<vmem>>, vector<1x16xi32>,
    %swap3A_1889 = vector.shape_cast %swap3A_1888 : vector<1x16xi32> to vector<16xi32>
    %swap3A_1890 = vector.shape_cast %add3A_1884 : vector<16xi32> to vector<1x16xi32>
    tpu.vector_store %arg13[%swap3A_1886, %swap3A_1887], %swap3A_1890 {strides = array<i32>} : memref<15x128xi32, #tpu.memory_space<vmem>>, vector<1x16xi32>,
    %get3A_1891 = arith.constant 1184 : index
    %get3A_1892 = tpu.vector_load %arg10[%get3A_1891] {strides = array<i32>} : memref<1920xi32, #tpu.memory_space<vmem>>, vector<16xi32>,
    %get3A_1893 = vector.shape_cast %get3A_1892 : vector<16xi32> to vector<16xi32>
    %mul3A_1894 = arith.constant 224 : i32
    %mul3A_1895 = vector.broadcast %mul3A_1894 : i32 to vector<16xi32>
    %mul3A_1896 = arith.muli %get3A_1893, %mul3A_1895 : vector<16xi32>
    %get3A_1897 = arith.constant 1184 : index
    %get3A_1898 = tpu.vector_load %arg11[%get3A_1897] {strides = array<i32>} : memref<1920xi32, #tpu.memory_space<vmem>>, vector<16xi32>,
    %get3A_1899 = vector.shape_cast %get3A_1898 : vector<16xi32> to vector<16xi32>
    %add3A_1900 = arith.addi %mul3A_1896, %get3A_1899 : vector<16xi32>
    %swap3A_1901 = arith.constant 9 : i32
    %swap3A_1902 = arith.index_cast %swap3A_1901 : i32 to index
    %swap3A_1903 = arith.constant 32 : index
    %swap3A_1904 = tpu.vector_load %arg13[%swap3A_1902, %swap3A_1903] {strides = array<i32>} : memref<15x128xi32, #tpu.memory_space<vmem>>, vector<1x16xi32>,
    %swap3A_1905 = vector.shape_cast %swap3A_1904 : vector<1x16xi32> to vector<16xi32>
    %swap3A_1906 = vector.shape_cast %add3A_1900 : vector<16xi32> to vector<1x16xi32>
    tpu.vector_store %arg13[%swap3A_1902, %swap3A_1903], %swap3A_1906 {strides = array<i32>} : memref<15x128xi32, #tpu.memory_space<vmem>>, vector<1x16xi32>,
    %get3A_1907 = arith.constant 1200 : index
    %get3A_1908 = tpu.vector_load %arg10[%get3A_1907] {strides = array<i32>} : memref<1920xi32, #tpu.memory_space<vmem>>, vector<16xi32>,
    %get3A_1909 = vector.shape_cast %get3A_1908 : vector<16xi32> to vector<16xi32>
    %mul3A_1910 = arith.constant 224 : i32
    %mul3A_1911 = vector.broadcast %mul3A_1910 : i32 to vector<16xi32>
    %mul3A_1912 = arith.muli %get3A_1909, %mul3A_1911 : vector<16xi32>
    %get3A_1913 = arith.constant 1200 : index
    %get3A_1914 = tpu.vector_load %arg11[%get3A_1913] {strides = array<i32>} : memref<1920xi32, #tpu.memory_space<vmem>>, vector<16xi32>,
    %get3A_1915 = vector.shape_cast %get3A_1914 : vector<16xi32> to vector<16xi32>
    %add3A_1916 = arith.addi %mul3A_1912, %get3A_1915 : vector<16xi32>
    %swap3A_1917 = arith.constant 9 : i32
    %swap3A_1918 = arith.index_cast %swap3A_1917 : i32 to index
    %swap3A_1919 = arith.constant 48 : index
    %swap3A_1920 = tpu.vector_load %arg13[%swap3A_1918, %swap3A_1919] {strides = array<i32>} : memref<15x128xi32, #tpu.memory_space<vmem>>, vector<1x16xi32>,
    %swap3A_1921 = vector.shape_cast %swap3A_1920 : vector<1x16xi32> to vector<16xi32>
    %swap3A_1922 = vector.shape_cast %add3A_1916 : vector<16xi32> to vector<1x16xi32>
    tpu.vector_store %arg13[%swap3A_1918, %swap3A_1919], %swap3A_1922 {strides = array<i32>} : memref<15x128xi32, #tpu.memory_space<vmem>>, vector<1x16xi32>,
    %get3A_1923 = arith.constant 1216 : index
    %get3A_1924 = tpu.vector_load %arg10[%get3A_1923] {strides = array<i32>} : memref<1920xi32, #tpu.memory_space<vmem>>, vector<16xi32>,
    %get3A_1925 = vector.shape_cast %get3A_1924 : vector<16xi32> to vector<16xi32>
    %mul3A_1926 = arith.constant 224 : i32
    %mul3A_1927 = vector.broadcast %mul3A_1926 : i32 to vector<16xi32>
    %mul3A_1928 = arith.muli %get3A_1925, %mul3A_1927 : vector<16xi32>
    %get3A_1929 = arith.constant 1216 : index
    %get3A_1930 = tpu.vector_load %arg11[%get3A_1929] {strides = array<i32>} : memref<1920xi32, #tpu.memory_space<vmem>>, vector<16xi32>,
    %get3A_1931 = vector.shape_cast %get3A_1930 : vector<16xi32> to vector<16xi32>
    %add3A_1932 = arith.addi %mul3A_1928, %get3A_1931 : vector<16xi32>
    %swap3A_1933 = arith.constant 9 : i32
    %swap3A_1934 = arith.index_cast %swap3A_1933 : i32 to index
    %swap3A_1935 = arith.constant 64 : index
    %swap3A_1936 = tpu.vector_load %arg13[%swap3A_1934, %swap3A_1935] {strides = array<i32>} : memref<15x128xi32, #tpu.memory_space<vmem>>, vector<1x16xi32>,
    %swap3A_1937 = vector.shape_cast %swap3A_1936 : vector<1x16xi32> to vector<16xi32>
    %swap3A_1938 = vector.shape_cast %add3A_1932 : vector<16xi32> to vector<1x16xi32>
    tpu.vector_store %arg13[%swap3A_1934, %swap3A_1935], %swap3A_1938 {strides = array<i32>} : memref<15x128xi32, #tpu.memory_space<vmem>>, vector<1x16xi32>,
    %get3A_1939 = arith.constant 1232 : index
    %get3A_1940 = tpu.vector_load %arg10[%get3A_1939] {strides = array<i32>} : memref<1920xi32, #tpu.memory_space<vmem>>, vector<16xi32>,
    %get3A_1941 = vector.shape_cast %get3A_1940 : vector<16xi32> to vector<16xi32>
    %mul3A_1942 = arith.constant 224 : i32
    %mul3A_1943 = vector.broadcast %mul3A_1942 : i32 to vector<16xi32>
    %mul3A_1944 = arith.muli %get3A_1941, %mul3A_1943 : vector<16xi32>
    %get3A_1945 = arith.constant 1232 : index
    %get3A_1946 = tpu.vector_load %arg11[%get3A_1945] {strides = array<i32>} : memref<1920xi32, #tpu.memory_space<vmem>>, vector<16xi32>,
    %get3A_1947 = vector.shape_cast %get3A_1946 : vector<16xi32> to vector<16xi32>
    %add3A_1948 = arith.addi %mul3A_1944, %get3A_1947 : vector<16xi32>
    %swap3A_1949 = arith.constant 9 : i32
    %swap3A_1950 = arith.index_cast %swap3A_1949 : i32 to index
    %swap3A_1951 = arith.constant 80 : index
    %swap3A_1952 = tpu.vector_load %arg13[%swap3A_1950, %swap3A_1951] {strides = array<i32>} : memref<15x128xi32, #tpu.memory_space<vmem>>, vector<1x16xi32>,
    %swap3A_1953 = vector.shape_cast %swap3A_1952 : vector<1x16xi32> to vector<16xi32>
    %swap3A_1954 = vector.shape_cast %add3A_1948 : vector<16xi32> to vector<1x16xi32>
    tpu.vector_store %arg13[%swap3A_1950, %swap3A_1951], %swap3A_1954 {strides = array<i32>} : memref<15x128xi32, #tpu.memory_space<vmem>>, vector<1x16xi32>,
    %get3A_1955 = arith.constant 1248 : index
    %get3A_1956 = tpu.vector_load %arg10[%get3A_1955] {strides = array<i32>} : memref<1920xi32, #tpu.memory_space<vmem>>, vector<16xi32>,
    %get3A_1957 = vector.shape_cast %get3A_1956 : vector<16xi32> to vector<16xi32>
    %mul3A_1958 = arith.constant 224 : i32
    %mul3A_1959 = vector.broadcast %mul3A_1958 : i32 to vector<16xi32>
    %mul3A_1960 = arith.muli %get3A_1957, %mul3A_1959 : vector<16xi32>
    %get3A_1961 = arith.constant 1248 : index
    %get3A_1962 = tpu.vector_load %arg11[%get3A_1961] {strides = array<i32>} : memref<1920xi32, #tpu.memory_space<vmem>>, vector<16xi32>,
    %get3A_1963 = vector.shape_cast %get3A_1962 : vector<16xi32> to vector<16xi32>
    %add3A_1964 = arith.addi %mul3A_1960, %get3A_1963 : vector<16xi32>
    %swap3A_1965 = arith.constant 9 : i32
    %swap3A_1966 = arith.index_cast %swap3A_1965 : i32 to index
    %swap3A_1967 = arith.constant 96 : index
    %swap3A_1968 = tpu.vector_load %arg13[%swap3A_1966, %swap3A_1967] {strides = array<i32>} : memref<15x128xi32, #tpu.memory_space<vmem>>, vector<1x16xi32>,
    %swap3A_1969 = vector.shape_cast %swap3A_1968 : vector<1x16xi32> to vector<16xi32>
    %swap3A_1970 = vector.shape_cast %add3A_1964 : vector<16xi32> to vector<1x16xi32>
    tpu.vector_store %arg13[%swap3A_1966, %swap3A_1967], %swap3A_1970 {strides = array<i32>} : memref<15x128xi32, #tpu.memory_space<vmem>>, vector<1x16xi32>,
    %get3A_1971 = arith.constant 1264 : index
    %get3A_1972 = tpu.vector_load %arg10[%get3A_1971] {strides = array<i32>} : memref<1920xi32, #tpu.memory_space<vmem>>, vector<16xi32>,
    %get3A_1973 = vector.shape_cast %get3A_1972 : vector<16xi32> to vector<16xi32>
    %mul3A_1974 = arith.constant 224 : i32
    %mul3A_1975 = vector.broadcast %mul3A_1974 : i32 to vector<16xi32>
    %mul3A_1976 = arith.muli %get3A_1973, %mul3A_1975 : vector<16xi32>
    %get3A_1977 = arith.constant 1264 : index
    %get3A_1978 = tpu.vector_load %arg11[%get3A_1977] {strides = array<i32>} : memref<1920xi32, #tpu.memory_space<vmem>>, vector<16xi32>,
    %get3A_1979 = vector.shape_cast %get3A_1978 : vector<16xi32> to vector<16xi32>
    %add3A_1980 = arith.addi %mul3A_1976, %get3A_1979 : vector<16xi32>
    %swap3A_1981 = arith.constant 9 : i32
    %swap3A_1982 = arith.index_cast %swap3A_1981 : i32 to index
    %swap3A_1983 = arith.constant 112 : index
    %swap3A_1984 = tpu.vector_load %arg13[%swap3A_1982, %swap3A_1983] {strides = array<i32>} : memref<15x128xi32, #tpu.memory_space<vmem>>, vector<1x16xi32>,
    %swap3A_1985 = vector.shape_cast %swap3A_1984 : vector<1x16xi32> to vector<16xi32>
    %swap3A_1986 = vector.shape_cast %add3A_1980 : vector<16xi32> to vector<1x16xi32>
    tpu.vector_store %arg13[%swap3A_1982, %swap3A_1983], %swap3A_1986 {strides = array<i32>} : memref<15x128xi32, #tpu.memory_space<vmem>>, vector<1x16xi32>,
    %get3A_1987 = arith.constant 1280 : index
    %get3A_1988 = tpu.vector_load %arg10[%get3A_1987] {strides = array<i32>} : memref<1920xi32, #tpu.memory_space<vmem>>, vector<16xi32>,
    %get3A_1989 = vector.shape_cast %get3A_1988 : vector<16xi32> to vector<16xi32>
    %mul3A_1990 = arith.constant 224 : i32
    %mul3A_1991 = vector.broadcast %mul3A_1990 : i32 to vector<16xi32>
    %mul3A_1992 = arith.muli %get3A_1989, %mul3A_1991 : vector<16xi32>
    %get3A_1993 = arith.constant 1280 : index
    %get3A_1994 = tpu.vector_load %arg11[%get3A_1993] {strides = array<i32>} : memref<1920xi32, #tpu.memory_space<vmem>>, vector<16xi32>,
    %get3A_1995 = vector.shape_cast %get3A_1994 : vector<16xi32> to vector<16xi32>
    %add3A_1996 = arith.addi %mul3A_1992, %get3A_1995 : vector<16xi32>
    %swap3A_1997 = arith.constant 10 : i32
    %swap3A_1998 = arith.index_cast %swap3A_1997 : i32 to index
    %swap3A_1999 = arith.constant 0 : index
    %swap3A_2000 = tpu.vector_load %arg13[%swap3A_1998, %swap3A_1999] {strides = array<i32>} : memref<15x128xi32, #tpu.memory_space<vmem>>, vector<1x16xi32>,
    %swap3A_2001 = vector.shape_cast %swap3A_2000 : vector<1x16xi32> to vector<16xi32>
    %swap3A_2002 = vector.shape_cast %add3A_1996 : vector<16xi32> to vector<1x16xi32>
    tpu.vector_store %arg13[%swap3A_1998, %swap3A_1999], %swap3A_2002 {strides = array<i32>} : memref<15x128xi32, #tpu.memory_space<vmem>>, vector<1x16xi32>,
    %get3A_2003 = arith.constant 1296 : index
    %get3A_2004 = tpu.vector_load %arg10[%get3A_2003] {strides = array<i32>} : memref<1920xi32, #tpu.memory_space<vmem>>, vector<16xi32>,
    %get3A_2005 = vector.shape_cast %get3A_2004 : vector<16xi32> to vector<16xi32>
    %mul3A_2006 = arith.constant 224 : i32
    %mul3A_2007 = vector.broadcast %mul3A_2006 : i32 to vector<16xi32>
    %mul3A_2008 = arith.muli %get3A_2005, %mul3A_2007 : vector<16xi32>
    %get3A_2009 = arith.constant 1296 : index
    %get3A_2010 = tpu.vector_load %arg11[%get3A_2009] {strides = array<i32>} : memref<1920xi32, #tpu.memory_space<vmem>>, vector<16xi32>,
    %get3A_2011 = vector.shape_cast %get3A_2010 : vector<16xi32> to vector<16xi32>
    %add3A_2012 = arith.addi %mul3A_2008, %get3A_2011 : vector<16xi32>
    %swap3A_2013 = arith.constant 10 : i32
    %swap3A_2014 = arith.index_cast %swap3A_2013 : i32 to index
    %swap3A_2015 = arith.constant 16 : index
    %swap3A_2016 = tpu.vector_load %arg13[%swap3A_2014, %swap3A_2015] {strides = array<i32>} : memref<15x128xi32, #tpu.memory_space<vmem>>, vector<1x16xi32>,
    %swap3A_2017 = vector.shape_cast %swap3A_2016 : vector<1x16xi32> to vector<16xi32>
    %swap3A_2018 = vector.shape_cast %add3A_2012 : vector<16xi32> to vector<1x16xi32>
    tpu.vector_store %arg13[%swap3A_2014, %swap3A_2015], %swap3A_2018 {strides = array<i32>} : memref<15x128xi32, #tpu.memory_space<vmem>>, vector<1x16xi32>,
    %get3A_2019 = arith.constant 1312 : index
    %get3A_2020 = tpu.vector_load %arg10[%get3A_2019] {strides = array<i32>} : memref<1920xi32, #tpu.memory_space<vmem>>, vector<16xi32>,
    %get3A_2021 = vector.shape_cast %get3A_2020 : vector<16xi32> to vector<16xi32>
    %mul3A_2022 = arith.constant 224 : i32
    %mul3A_2023 = vector.broadcast %mul3A_2022 : i32 to vector<16xi32>
    %mul3A_2024 = arith.muli %get3A_2021, %mul3A_2023 : vector<16xi32>
    %get3A_2025 = arith.constant 1312 : index
    %get3A_2026 = tpu.vector_load %arg11[%get3A_2025] {strides = array<i32>} : memref<1920xi32, #tpu.memory_space<vmem>>, vector<16xi32>,
    %get3A_2027 = vector.shape_cast %get3A_2026 : vector<16xi32> to vector<16xi32>
    %add3A_2028 = arith.addi %mul3A_2024, %get3A_2027 : vector<16xi32>
    %swap3A_2029 = arith.constant 10 : i32
    %swap3A_2030 = arith.index_cast %swap3A_2029 : i32 to index
    %swap3A_2031 = arith.constant 32 : index
    %swap3A_2032 = tpu.vector_load %arg13[%swap3A_2030, %swap3A_2031] {strides = array<i32>} : memref<15x128xi32, #tpu.memory_space<vmem>>, vector<1x16xi32>,
    %swap3A_2033 = vector.shape_cast %swap3A_2032 : vector<1x16xi32> to vector<16xi32>
    %swap3A_2034 = vector.shape_cast %add3A_2028 : vector<16xi32> to vector<1x16xi32>
    tpu.vector_store %arg13[%swap3A_2030, %swap3A_2031], %swap3A_2034 {strides = array<i32>} : memref<15x128xi32, #tpu.memory_space<vmem>>, vector<1x16xi32>,
    %get3A_2035 = arith.constant 1328 : index
    %get3A_2036 = tpu.vector_load %arg10[%get3A_2035] {strides = array<i32>} : memref<1920xi32, #tpu.memory_space<vmem>>, vector<16xi32>,
    %get3A_2037 = vector.shape_cast %get3A_2036 : vector<16xi32> to vector<16xi32>
    %mul3A_2038 = arith.constant 224 : i32
    %mul3A_2039 = vector.broadcast %mul3A_2038 : i32 to vector<16xi32>
    %mul3A_2040 = arith.muli %get3A_2037, %mul3A_2039 : vector<16xi32>
    %get3A_2041 = arith.constant 1328 : index
    %get3A_2042 = tpu.vector_load %arg11[%get3A_2041] {strides = array<i32>} : memref<1920xi32, #tpu.memory_space<vmem>>, vector<16xi32>,
    %get3A_2043 = vector.shape_cast %get3A_2042 : vector<16xi32> to vector<16xi32>
    %add3A_2044 = arith.addi %mul3A_2040, %get3A_2043 : vector<16xi32>
    %swap3A_2045 = arith.constant 10 : i32
    %swap3A_2046 = arith.index_cast %swap3A_2045 : i32 to index
    %swap3A_2047 = arith.constant 48 : index
    %swap3A_2048 = tpu.vector_load %arg13[%swap3A_2046, %swap3A_2047] {strides = array<i32>} : memref<15x128xi32, #tpu.memory_space<vmem>>, vector<1x16xi32>,
    %swap3A_2049 = vector.shape_cast %swap3A_2048 : vector<1x16xi32> to vector<16xi32>
    %swap3A_2050 = vector.shape_cast %add3A_2044 : vector<16xi32> to vector<1x16xi32>
    tpu.vector_store %arg13[%swap3A_2046, %swap3A_2047], %swap3A_2050 {strides = array<i32>} : memref<15x128xi32, #tpu.memory_space<vmem>>, vector<1x16xi32>,
    %get3A_2051 = arith.constant 1344 : index
    %get3A_2052 = tpu.vector_load %arg10[%get3A_2051] {strides = array<i32>} : memref<1920xi32, #tpu.memory_space<vmem>>, vector<16xi32>,
    %get3A_2053 = vector.shape_cast %get3A_2052 : vector<16xi32> to vector<16xi32>
    %mul3A_2054 = arith.constant 224 : i32
    %mul3A_2055 = vector.broadcast %mul3A_2054 : i32 to vector<16xi32>
    %mul3A_2056 = arith.muli %get3A_2053, %mul3A_2055 : vector<16xi32>
    %get3A_2057 = arith.constant 1344 : index
    %get3A_2058 = tpu.vector_load %arg11[%get3A_2057] {strides = array<i32>} : memref<1920xi32, #tpu.memory_space<vmem>>, vector<16xi32>,
    %get3A_2059 = vector.shape_cast %get3A_2058 : vector<16xi32> to vector<16xi32>
    %add3A_2060 = arith.addi %mul3A_2056, %get3A_2059 : vector<16xi32>
    %swap3A_2061 = arith.constant 10 : i32
    %swap3A_2062 = arith.index_cast %swap3A_2061 : i32 to index
    %swap3A_2063 = arith.constant 64 : index
    %swap3A_2064 = tpu.vector_load %arg13[%swap3A_2062, %swap3A_2063] {strides = array<i32>} : memref<15x128xi32, #tpu.memory_space<vmem>>, vector<1x16xi32>,
    %swap3A_2065 = vector.shape_cast %swap3A_2064 : vector<1x16xi32> to vector<16xi32>
    %swap3A_2066 = vector.shape_cast %add3A_2060 : vector<16xi32> to vector<1x16xi32>
    tpu.vector_store %arg13[%swap3A_2062, %swap3A_2063], %swap3A_2066 {strides = array<i32>} : memref<15x128xi32, #tpu.memory_space<vmem>>, vector<1x16xi32>,
    %get3A_2067 = arith.constant 1360 : index
    %get3A_2068 = tpu.vector_load %arg10[%get3A_2067] {strides = array<i32>} : memref<1920xi32, #tpu.memory_space<vmem>>, vector<16xi32>,
    %get3A_2069 = vector.shape_cast %get3A_2068 : vector<16xi32> to vector<16xi32>
    %mul3A_2070 = arith.constant 224 : i32
    %mul3A_2071 = vector.broadcast %mul3A_2070 : i32 to vector<16xi32>
    %mul3A_2072 = arith.muli %get3A_2069, %mul3A_2071 : vector<16xi32>
    %get3A_2073 = arith.constant 1360 : index
    %get3A_2074 = tpu.vector_load %arg11[%get3A_2073] {strides = array<i32>} : memref<1920xi32, #tpu.memory_space<vmem>>, vector<16xi32>,
    %get3A_2075 = vector.shape_cast %get3A_2074 : vector<16xi32> to vector<16xi32>
    %add3A_2076 = arith.addi %mul3A_2072, %get3A_2075 : vector<16xi32>
    %swap3A_2077 = arith.constant 10 : i32
    %swap3A_2078 = arith.index_cast %swap3A_2077 : i32 to index
    %swap3A_2079 = arith.constant 80 : index
    %swap3A_2080 = tpu.vector_load %arg13[%swap3A_2078, %swap3A_2079] {strides = array<i32>} : memref<15x128xi32, #tpu.memory_space<vmem>>, vector<1x16xi32>,
    %swap3A_2081 = vector.shape_cast %swap3A_2080 : vector<1x16xi32> to vector<16xi32>
    %swap3A_2082 = vector.shape_cast %add3A_2076 : vector<16xi32> to vector<1x16xi32>
    tpu.vector_store %arg13[%swap3A_2078, %swap3A_2079], %swap3A_2082 {strides = array<i32>} : memref<15x128xi32, #tpu.memory_space<vmem>>, vector<1x16xi32>,
    %get3A_2083 = arith.constant 1376 : index
    %get3A_2084 = tpu.vector_load %arg10[%get3A_2083] {strides = array<i32>} : memref<1920xi32, #tpu.memory_space<vmem>>, vector<16xi32>,
    %get3A_2085 = vector.shape_cast %get3A_2084 : vector<16xi32> to vector<16xi32>
    %mul3A_2086 = arith.constant 224 : i32
    %mul3A_2087 = vector.broadcast %mul3A_2086 : i32 to vector<16xi32>
    %mul3A_2088 = arith.muli %get3A_2085, %mul3A_2087 : vector<16xi32>
    %get3A_2089 = arith.constant 1376 : index
    %get3A_2090 = tpu.vector_load %arg11[%get3A_2089] {strides = array<i32>} : memref<1920xi32, #tpu.memory_space<vmem>>, vector<16xi32>,
    %get3A_2091 = vector.shape_cast %get3A_2090 : vector<16xi32> to vector<16xi32>
    %add3A_2092 = arith.addi %mul3A_2088, %get3A_2091 : vector<16xi32>
    %swap3A_2093 = arith.constant 10 : i32
    %swap3A_2094 = arith.index_cast %swap3A_2093 : i32 to index
    %swap3A_2095 = arith.constant 96 : index
    %swap3A_2096 = tpu.vector_load %arg13[%swap3A_2094, %swap3A_2095] {strides = array<i32>} : memref<15x128xi32, #tpu.memory_space<vmem>>, vector<1x16xi32>,
    %swap3A_2097 = vector.shape_cast %swap3A_2096 : vector<1x16xi32> to vector<16xi32>
    %swap3A_2098 = vector.shape_cast %add3A_2092 : vector<16xi32> to vector<1x16xi32>
    tpu.vector_store %arg13[%swap3A_2094, %swap3A_2095], %swap3A_2098 {strides = array<i32>} : memref<15x128xi32, #tpu.memory_space<vmem>>, vector<1x16xi32>,
    %get3A_2099 = arith.constant 1392 : index
    %get3A_2100 = tpu.vector_load %arg10[%get3A_2099] {strides = array<i32>} : memref<1920xi32, #tpu.memory_space<vmem>>, vector<16xi32>,
    %get3A_2101 = vector.shape_cast %get3A_2100 : vector<16xi32> to vector<16xi32>
    %mul3A_2102 = arith.constant 224 : i32
    %mul3A_2103 = vector.broadcast %mul3A_2102 : i32 to vector<16xi32>
    %mul3A_2104 = arith.muli %get3A_2101, %mul3A_2103 : vector<16xi32>
    %get3A_2105 = arith.constant 1392 : index
    %get3A_2106 = tpu.vector_load %arg11[%get3A_2105] {strides = array<i32>} : memref<1920xi32, #tpu.memory_space<vmem>>, vector<16xi32>,
    %get3A_2107 = vector.shape_cast %get3A_2106 : vector<16xi32> to vector<16xi32>
    %add3A_2108 = arith.addi %mul3A_2104, %get3A_2107 : vector<16xi32>
    %swap3A_2109 = arith.constant 10 : i32
    %swap3A_2110 = arith.index_cast %swap3A_2109 : i32 to index
    %swap3A_2111 = arith.constant 112 : index
    %swap3A_2112 = tpu.vector_load %arg13[%swap3A_2110, %swap3A_2111] {strides = array<i32>} : memref<15x128xi32, #tpu.memory_space<vmem>>, vector<1x16xi32>,
    %swap3A_2113 = vector.shape_cast %swap3A_2112 : vector<1x16xi32> to vector<16xi32>
    %swap3A_2114 = vector.shape_cast %add3A_2108 : vector<16xi32> to vector<1x16xi32>
    tpu.vector_store %arg13[%swap3A_2110, %swap3A_2111], %swap3A_2114 {strides = array<i32>} : memref<15x128xi32, #tpu.memory_space<vmem>>, vector<1x16xi32>,
    %get3A_2115 = arith.constant 1408 : index
    %get3A_2116 = tpu.vector_load %arg10[%get3A_2115] {strides = array<i32>} : memref<1920xi32, #tpu.memory_space<vmem>>, vector<16xi32>,
    %get3A_2117 = vector.shape_cast %get3A_2116 : vector<16xi32> to vector<16xi32>
    %mul3A_2118 = arith.constant 224 : i32
    %mul3A_2119 = vector.broadcast %mul3A_2118 : i32 to vector<16xi32>
    %mul3A_2120 = arith.muli %get3A_2117, %mul3A_2119 : vector<16xi32>
    %get3A_2121 = arith.constant 1408 : index
    %get3A_2122 = tpu.vector_load %arg11[%get3A_2121] {strides = array<i32>} : memref<1920xi32, #tpu.memory_space<vmem>>, vector<16xi32>,
    %get3A_2123 = vector.shape_cast %get3A_2122 : vector<16xi32> to vector<16xi32>
    %add3A_2124 = arith.addi %mul3A_2120, %get3A_2123 : vector<16xi32>
    %swap3A_2125 = arith.constant 11 : i32
    %swap3A_2126 = arith.index_cast %swap3A_2125 : i32 to index
    %swap3A_2127 = arith.constant 0 : index
    %swap3A_2128 = tpu.vector_load %arg13[%swap3A_2126, %swap3A_2127] {strides = array<i32>} : memref<15x128xi32, #tpu.memory_space<vmem>>, vector<1x16xi32>,
    %swap3A_2129 = vector.shape_cast %swap3A_2128 : vector<1x16xi32> to vector<16xi32>
    %swap3A_2130 = vector.shape_cast %add3A_2124 : vector<16xi32> to vector<1x16xi32>
    tpu.vector_store %arg13[%swap3A_2126, %swap3A_2127], %swap3A_2130 {strides = array<i32>} : memref<15x128xi32, #tpu.memory_space<vmem>>, vector<1x16xi32>,
    %get3A_2131 = arith.constant 1424 : index
    %get3A_2132 = tpu.vector_load %arg10[%get3A_2131] {strides = array<i32>} : memref<1920xi32, #tpu.memory_space<vmem>>, vector<16xi32>,
    %get3A_2133 = vector.shape_cast %get3A_2132 : vector<16xi32> to vector<16xi32>
    %mul3A_2134 = arith.constant 224 : i32
    %mul3A_2135 = vector.broadcast %mul3A_2134 : i32 to vector<16xi32>
    %mul3A_2136 = arith.muli %get3A_2133, %mul3A_2135 : vector<16xi32>
    %get3A_2137 = arith.constant 1424 : index
    %get3A_2138 = tpu.vector_load %arg11[%get3A_2137] {strides = array<i32>} : memref<1920xi32, #tpu.memory_space<vmem>>, vector<16xi32>,
    %get3A_2139 = vector.shape_cast %get3A_2138 : vector<16xi32> to vector<16xi32>
    %add3A_2140 = arith.addi %mul3A_2136, %get3A_2139 : vector<16xi32>
    %swap3A_2141 = arith.constant 11 : i32
    %swap3A_2142 = arith.index_cast %swap3A_2141 : i32 to index
    %swap3A_2143 = arith.constant 16 : index
    %swap3A_2144 = tpu.vector_load %arg13[%swap3A_2142, %swap3A_2143] {strides = array<i32>} : memref<15x128xi32, #tpu.memory_space<vmem>>, vector<1x16xi32>,
    %swap3A_2145 = vector.shape_cast %swap3A_2144 : vector<1x16xi32> to vector<16xi32>
    %swap3A_2146 = vector.shape_cast %add3A_2140 : vector<16xi32> to vector<1x16xi32>
    tpu.vector_store %arg13[%swap3A_2142, %swap3A_2143], %swap3A_2146 {strides = array<i32>} : memref<15x128xi32, #tpu.memory_space<vmem>>, vector<1x16xi32>,
    %get3A_2147 = arith.constant 1440 : index
    %get3A_2148 = tpu.vector_load %arg10[%get3A_2147] {strides = array<i32>} : memref<1920xi32, #tpu.memory_space<vmem>>, vector<16xi32>,
    %get3A_2149 = vector.shape_cast %get3A_2148 : vector<16xi32> to vector<16xi32>
    %mul3A_2150 = arith.constant 224 : i32
    %mul3A_2151 = vector.broadcast %mul3A_2150 : i32 to vector<16xi32>
    %mul3A_2152 = arith.muli %get3A_2149, %mul3A_2151 : vector<16xi32>
    %get3A_2153 = arith.constant 1440 : index
    %get3A_2154 = tpu.vector_load %arg11[%get3A_2153] {strides = array<i32>} : memref<1920xi32, #tpu.memory_space<vmem>>, vector<16xi32>,
    %get3A_2155 = vector.shape_cast %get3A_2154 : vector<16xi32> to vector<16xi32>
    %add3A_2156 = arith.addi %mul3A_2152, %get3A_2155 : vector<16xi32>
    %swap3A_2157 = arith.constant 11 : i32
    %swap3A_2158 = arith.index_cast %swap3A_2157 : i32 to index
    %swap3A_2159 = arith.constant 32 : index
    %swap3A_2160 = tpu.vector_load %arg13[%swap3A_2158, %swap3A_2159] {strides = array<i32>} : memref<15x128xi32, #tpu.memory_space<vmem>>, vector<1x16xi32>,
    %swap3A_2161 = vector.shape_cast %swap3A_2160 : vector<1x16xi32> to vector<16xi32>
    %swap3A_2162 = vector.shape_cast %add3A_2156 : vector<16xi32> to vector<1x16xi32>
    tpu.vector_store %arg13[%swap3A_2158, %swap3A_2159], %swap3A_2162 {strides = array<i32>} : memref<15x128xi32, #tpu.memory_space<vmem>>, vector<1x16xi32>,
    %get3A_2163 = arith.constant 1456 : index
    %get3A_2164 = tpu.vector_load %arg10[%get3A_2163] {strides = array<i32>} : memref<1920xi32, #tpu.memory_space<vmem>>, vector<16xi32>,
    %get3A_2165 = vector.shape_cast %get3A_2164 : vector<16xi32> to vector<16xi32>
    %mul3A_2166 = arith.constant 224 : i32
    %mul3A_2167 = vector.broadcast %mul3A_2166 : i32 to vector<16xi32>
    %mul3A_2168 = arith.muli %get3A_2165, %mul3A_2167 : vector<16xi32>
    %get3A_2169 = arith.constant 1456 : index
    %get3A_2170 = tpu.vector_load %arg11[%get3A_2169] {strides = array<i32>} : memref<1920xi32, #tpu.memory_space<vmem>>, vector<16xi32>,
    %get3A_2171 = vector.shape_cast %get3A_2170 : vector<16xi32> to vector<16xi32>
    %add3A_2172 = arith.addi %mul3A_2168, %get3A_2171 : vector<16xi32>
    %swap3A_2173 = arith.constant 11 : i32
    %swap3A_2174 = arith.index_cast %swap3A_2173 : i32 to index
    %swap3A_2175 = arith.constant 48 : index
    %swap3A_2176 = tpu.vector_load %arg13[%swap3A_2174, %swap3A_2175] {strides = array<i32>} : memref<15x128xi32, #tpu.memory_space<vmem>>, vector<1x16xi32>,
    %swap3A_2177 = vector.shape_cast %swap3A_2176 : vector<1x16xi32> to vector<16xi32>
    %swap3A_2178 = vector.shape_cast %add3A_2172 : vector<16xi32> to vector<1x16xi32>
    tpu.vector_store %arg13[%swap3A_2174, %swap3A_2175], %swap3A_2178 {strides = array<i32>} : memref<15x128xi32, #tpu.memory_space<vmem>>, vector<1x16xi32>,
    %get3A_2179 = arith.constant 1472 : index
    %get3A_2180 = tpu.vector_load %arg10[%get3A_2179] {strides = array<i32>} : memref<1920xi32, #tpu.memory_space<vmem>>, vector<16xi32>,
    %get3A_2181 = vector.shape_cast %get3A_2180 : vector<16xi32> to vector<16xi32>
    %mul3A_2182 = arith.constant 224 : i32
    %mul3A_2183 = vector.broadcast %mul3A_2182 : i32 to vector<16xi32>
    %mul3A_2184 = arith.muli %get3A_2181, %mul3A_2183 : vector<16xi32>
    %get3A_2185 = arith.constant 1472 : index
    %get3A_2186 = tpu.vector_load %arg11[%get3A_2185] {strides = array<i32>} : memref<1920xi32, #tpu.memory_space<vmem>>, vector<16xi32>,
    %get3A_2187 = vector.shape_cast %get3A_2186 : vector<16xi32> to vector<16xi32>
    %add3A_2188 = arith.addi %mul3A_2184, %get3A_2187 : vector<16xi32>
    %swap3A_2189 = arith.constant 11 : i32
    %swap3A_2190 = arith.index_cast %swap3A_2189 : i32 to index
    %swap3A_2191 = arith.constant 64 : index
    %swap3A_2192 = tpu.vector_load %arg13[%swap3A_2190, %swap3A_2191] {strides = array<i32>} : memref<15x128xi32, #tpu.memory_space<vmem>>, vector<1x16xi32>,
    %swap3A_2193 = vector.shape_cast %swap3A_2192 : vector<1x16xi32> to vector<16xi32>
    %swap3A_2194 = vector.shape_cast %add3A_2188 : vector<16xi32> to vector<1x16xi32>
    tpu.vector_store %arg13[%swap3A_2190, %swap3A_2191], %swap3A_2194 {strides = array<i32>} : memref<15x128xi32, #tpu.memory_space<vmem>>, vector<1x16xi32>,
    %get3A_2195 = arith.constant 1488 : index
    %get3A_2196 = tpu.vector_load %arg10[%get3A_2195] {strides = array<i32>} : memref<1920xi32, #tpu.memory_space<vmem>>, vector<16xi32>,
    %get3A_2197 = vector.shape_cast %get3A_2196 : vector<16xi32> to vector<16xi32>
    %mul3A_2198 = arith.constant 224 : i32
    %mul3A_2199 = vector.broadcast %mul3A_2198 : i32 to vector<16xi32>
    %mul3A_2200 = arith.muli %get3A_2197, %mul3A_2199 : vector<16xi32>
    %get3A_2201 = arith.constant 1488 : index
    %get3A_2202 = tpu.vector_load %arg11[%get3A_2201] {strides = array<i32>} : memref<1920xi32, #tpu.memory_space<vmem>>, vector<16xi32>,
    %get3A_2203 = vector.shape_cast %get3A_2202 : vector<16xi32> to vector<16xi32>
    %add3A_2204 = arith.addi %mul3A_2200, %get3A_2203 : vector<16xi32>
    %swap3A_2205 = arith.constant 11 : i32
    %swap3A_2206 = arith.index_cast %swap3A_2205 : i32 to index
    %swap3A_2207 = arith.constant 80 : index
    %swap3A_2208 = tpu.vector_load %arg13[%swap3A_2206, %swap3A_2207] {strides = array<i32>} : memref<15x128xi32, #tpu.memory_space<vmem>>, vector<1x16xi32>,
    %swap3A_2209 = vector.shape_cast %swap3A_2208 : vector<1x16xi32> to vector<16xi32>
    %swap3A_2210 = vector.shape_cast %add3A_2204 : vector<16xi32> to vector<1x16xi32>
    tpu.vector_store %arg13[%swap3A_2206, %swap3A_2207], %swap3A_2210 {strides = array<i32>} : memref<15x128xi32, #tpu.memory_space<vmem>>, vector<1x16xi32>,
    %get3A_2211 = arith.constant 1504 : index
    %get3A_2212 = tpu.vector_load %arg10[%get3A_2211] {strides = array<i32>} : memref<1920xi32, #tpu.memory_space<vmem>>, vector<16xi32>,
    %get3A_2213 = vector.shape_cast %get3A_2212 : vector<16xi32> to vector<16xi32>
    %mul3A_2214 = arith.constant 224 : i32
    %mul3A_2215 = vector.broadcast %mul3A_2214 : i32 to vector<16xi32>
    %mul3A_2216 = arith.muli %get3A_2213, %mul3A_2215 : vector<16xi32>
    %get3A_2217 = arith.constant 1504 : index
    %get3A_2218 = tpu.vector_load %arg11[%get3A_2217] {strides = array<i32>} : memref<1920xi32, #tpu.memory_space<vmem>>, vector<16xi32>,
    %get3A_2219 = vector.shape_cast %get3A_2218 : vector<16xi32> to vector<16xi32>
    %add3A_2220 = arith.addi %mul3A_2216, %get3A_2219 : vector<16xi32>
    %swap3A_2221 = arith.constant 11 : i32
    %swap3A_2222 = arith.index_cast %swap3A_2221 : i32 to index
    %swap3A_2223 = arith.constant 96 : index
    %swap3A_2224 = tpu.vector_load %arg13[%swap3A_2222, %swap3A_2223] {strides = array<i32>} : memref<15x128xi32, #tpu.memory_space<vmem>>, vector<1x16xi32>,
    %swap3A_2225 = vector.shape_cast %swap3A_2224 : vector<1x16xi32> to vector<16xi32>
    %swap3A_2226 = vector.shape_cast %add3A_2220 : vector<16xi32> to vector<1x16xi32>
    tpu.vector_store %arg13[%swap3A_2222, %swap3A_2223], %swap3A_2226 {strides = array<i32>} : memref<15x128xi32, #tpu.memory_space<vmem>>, vector<1x16xi32>,
    %get3A_2227 = arith.constant 1520 : index
    %get3A_2228 = tpu.vector_load %arg10[%get3A_2227] {strides = array<i32>} : memref<1920xi32, #tpu.memory_space<vmem>>, vector<16xi32>,
    %get3A_2229 = vector.shape_cast %get3A_2228 : vector<16xi32> to vector<16xi32>
    %mul3A_2230 = arith.constant 224 : i32
    %mul3A_2231 = vector.broadcast %mul3A_2230 : i32 to vector<16xi32>
    %mul3A_2232 = arith.muli %get3A_2229, %mul3A_2231 : vector<16xi32>
    %get3A_2233 = arith.constant 1520 : index
    %get3A_2234 = tpu.vector_load %arg11[%get3A_2233] {strides = array<i32>} : memref<1920xi32, #tpu.memory_space<vmem>>, vector<16xi32>,
    %get3A_2235 = vector.shape_cast %get3A_2234 : vector<16xi32> to vector<16xi32>
    %add3A_2236 = arith.addi %mul3A_2232, %get3A_2235 : vector<16xi32>
    %swap3A_2237 = arith.constant 11 : i32
    %swap3A_2238 = arith.index_cast %swap3A_2237 : i32 to index
    %swap3A_2239 = arith.constant 112 : index
    %swap3A_2240 = tpu.vector_load %arg13[%swap3A_2238, %swap3A_2239] {strides = array<i32>} : memref<15x128xi32, #tpu.memory_space<vmem>>, vector<1x16xi32>,
    %swap3A_2241 = vector.shape_cast %swap3A_2240 : vector<1x16xi32> to vector<16xi32>
    %swap3A_2242 = vector.shape_cast %add3A_2236 : vector<16xi32> to vector<1x16xi32>
    tpu.vector_store %arg13[%swap3A_2238, %swap3A_2239], %swap3A_2242 {strides = array<i32>} : memref<15x128xi32, #tpu.memory_space<vmem>>, vector<1x16xi32>,
    %get3A_2243 = arith.constant 1536 : index
    %get3A_2244 = tpu.vector_load %arg10[%get3A_2243] {strides = array<i32>} : memref<1920xi32, #tpu.memory_space<vmem>>, vector<16xi32>,
    %get3A_2245 = vector.shape_cast %get3A_2244 : vector<16xi32> to vector<16xi32>
    %mul3A_2246 = arith.constant 224 : i32
    %mul3A_2247 = vector.broadcast %mul3A_2246 : i32 to vector<16xi32>
    %mul3A_2248 = arith.muli %get3A_2245, %mul3A_2247 : vector<16xi32>
    %get3A_2249 = arith.constant 1536 : index
    %get3A_2250 = tpu.vector_load %arg11[%get3A_2249] {strides = array<i32>} : memref<1920xi32, #tpu.memory_space<vmem>>, vector<16xi32>,
    %get3A_2251 = vector.shape_cast %get3A_2250 : vector<16xi32> to vector<16xi32>
    %add3A_2252 = arith.addi %mul3A_2248, %get3A_2251 : vector<16xi32>
    %swap3A_2253 = arith.constant 12 : i32
    %swap3A_2254 = arith.index_cast %swap3A_2253 : i32 to index
    %swap3A_2255 = arith.constant 0 : index
    %swap3A_2256 = tpu.vector_load %arg13[%swap3A_2254, %swap3A_2255] {strides = array<i32>} : memref<15x128xi32, #tpu.memory_space<vmem>>, vector<1x16xi32>,
    %swap3A_2257 = vector.shape_cast %swap3A_2256 : vector<1x16xi32> to vector<16xi32>
    %swap3A_2258 = vector.shape_cast %add3A_2252 : vector<16xi32> to vector<1x16xi32>
    tpu.vector_store %arg13[%swap3A_2254, %swap3A_2255], %swap3A_2258 {strides = array<i32>} : memref<15x128xi32, #tpu.memory_space<vmem>>, vector<1x16xi32>,
    %get3A_2259 = arith.constant 1552 : index
    %get3A_2260 = tpu.vector_load %arg10[%get3A_2259] {strides = array<i32>} : memref<1920xi32, #tpu.memory_space<vmem>>, vector<16xi32>,
    %get3A_2261 = vector.shape_cast %get3A_2260 : vector<16xi32> to vector<16xi32>
    %mul3A_2262 = arith.constant 224 : i32
    %mul3A_2263 = vector.broadcast %mul3A_2262 : i32 to vector<16xi32>
    %mul3A_2264 = arith.muli %get3A_2261, %mul3A_2263 : vector<16xi32>
    %get3A_2265 = arith.constant 1552 : index
    %get3A_2266 = tpu.vector_load %arg11[%get3A_2265] {strides = array<i32>} : memref<1920xi32, #tpu.memory_space<vmem>>, vector<16xi32>,
    %get3A_2267 = vector.shape_cast %get3A_2266 : vector<16xi32> to vector<16xi32>
    %add3A_2268 = arith.addi %mul3A_2264, %get3A_2267 : vector<16xi32>
    %swap3A_2269 = arith.constant 12 : i32
    %swap3A_2270 = arith.index_cast %swap3A_2269 : i32 to index
    %swap3A_2271 = arith.constant 16 : index
    %swap3A_2272 = tpu.vector_load %arg13[%swap3A_2270, %swap3A_2271] {strides = array<i32>} : memref<15x128xi32, #tpu.memory_space<vmem>>, vector<1x16xi32>,
    %swap3A_2273 = vector.shape_cast %swap3A_2272 : vector<1x16xi32> to vector<16xi32>
    %swap3A_2274 = vector.shape_cast %add3A_2268 : vector<16xi32> to vector<1x16xi32>
    tpu.vector_store %arg13[%swap3A_2270, %swap3A_2271], %swap3A_2274 {strides = array<i32>} : memref<15x128xi32, #tpu.memory_space<vmem>>, vector<1x16xi32>,
    %get3A_2275 = arith.constant 1568 : index
    %get3A_2276 = tpu.vector_load %arg10[%get3A_2275] {strides = array<i32>} : memref<1920xi32, #tpu.memory_space<vmem>>, vector<16xi32>,
    %get3A_2277 = vector.shape_cast %get3A_2276 : vector<16xi32> to vector<16xi32>
    %mul3A_2278 = arith.constant 224 : i32
    %mul3A_2279 = vector.broadcast %mul3A_2278 : i32 to vector<16xi32>
    %mul3A_2280 = arith.muli %get3A_2277, %mul3A_2279 : vector<16xi32>
    %get3A_2281 = arith.constant 1568 : index
    %get3A_2282 = tpu.vector_load %arg11[%get3A_2281] {strides = array<i32>} : memref<1920xi32, #tpu.memory_space<vmem>>, vector<16xi32>,
    %get3A_2283 = vector.shape_cast %get3A_2282 : vector<16xi32> to vector<16xi32>
    %add3A_2284 = arith.addi %mul3A_2280, %get3A_2283 : vector<16xi32>
    %swap3A_2285 = arith.constant 12 : i32
    %swap3A_2286 = arith.index_cast %swap3A_2285 : i32 to index
    %swap3A_2287 = arith.constant 32 : index
    %swap3A_2288 = tpu.vector_load %arg13[%swap3A_2286, %swap3A_2287] {strides = array<i32>} : memref<15x128xi32, #tpu.memory_space<vmem>>, vector<1x16xi32>,
    %swap3A_2289 = vector.shape_cast %swap3A_2288 : vector<1x16xi32> to vector<16xi32>
    %swap3A_2290 = vector.shape_cast %add3A_2284 : vector<16xi32> to vector<1x16xi32>
    tpu.vector_store %arg13[%swap3A_2286, %swap3A_2287], %swap3A_2290 {strides = array<i32>} : memref<15x128xi32, #tpu.memory_space<vmem>>, vector<1x16xi32>,
    %get3A_2291 = arith.constant 1584 : index
    %get3A_2292 = tpu.vector_load %arg10[%get3A_2291] {strides = array<i32>} : memref<1920xi32, #tpu.memory_space<vmem>>, vector<16xi32>,
    %get3A_2293 = vector.shape_cast %get3A_2292 : vector<16xi32> to vector<16xi32>
    %mul3A_2294 = arith.constant 224 : i32
    %mul3A_2295 = vector.broadcast %mul3A_2294 : i32 to vector<16xi32>
    %mul3A_2296 = arith.muli %get3A_2293, %mul3A_2295 : vector<16xi32>
    %get3A_2297 = arith.constant 1584 : index
    %get3A_2298 = tpu.vector_load %arg11[%get3A_2297] {strides = array<i32>} : memref<1920xi32, #tpu.memory_space<vmem>>, vector<16xi32>,
    %get3A_2299 = vector.shape_cast %get3A_2298 : vector<16xi32> to vector<16xi32>
    %add3A_2300 = arith.addi %mul3A_2296, %get3A_2299 : vector<16xi32>
    %swap3A_2301 = arith.constant 12 : i32
    %swap3A_2302 = arith.index_cast %swap3A_2301 : i32 to index
    %swap3A_2303 = arith.constant 48 : index
    %swap3A_2304 = tpu.vector_load %arg13[%swap3A_2302, %swap3A_2303] {strides = array<i32>} : memref<15x128xi32, #tpu.memory_space<vmem>>, vector<1x16xi32>,
    %swap3A_2305 = vector.shape_cast %swap3A_2304 : vector<1x16xi32> to vector<16xi32>
    %swap3A_2306 = vector.shape_cast %add3A_2300 : vector<16xi32> to vector<1x16xi32>
    tpu.vector_store %arg13[%swap3A_2302, %swap3A_2303], %swap3A_2306 {strides = array<i32>} : memref<15x128xi32, #tpu.memory_space<vmem>>, vector<1x16xi32>,
    %get3A_2307 = arith.constant 1600 : index
    %get3A_2308 = tpu.vector_load %arg10[%get3A_2307] {strides = array<i32>} : memref<1920xi32, #tpu.memory_space<vmem>>, vector<16xi32>,
    %get3A_2309 = vector.shape_cast %get3A_2308 : vector<16xi32> to vector<16xi32>
    %mul3A_2310 = arith.constant 224 : i32
    %mul3A_2311 = vector.broadcast %mul3A_2310 : i32 to vector<16xi32>
    %mul3A_2312 = arith.muli %get3A_2309, %mul3A_2311 : vector<16xi32>
    %get3A_2313 = arith.constant 1600 : index
    %get3A_2314 = tpu.vector_load %arg11[%get3A_2313] {strides = array<i32>} : memref<1920xi32, #tpu.memory_space<vmem>>, vector<16xi32>,
    %get3A_2315 = vector.shape_cast %get3A_2314 : vector<16xi32> to vector<16xi32>
    %add3A_2316 = arith.addi %mul3A_2312, %get3A_2315 : vector<16xi32>
    %swap3A_2317 = arith.constant 12 : i32
    %swap3A_2318 = arith.index_cast %swap3A_2317 : i32 to index
    %swap3A_2319 = arith.constant 64 : index
    %swap3A_2320 = tpu.vector_load %arg13[%swap3A_2318, %swap3A_2319] {strides = array<i32>} : memref<15x128xi32, #tpu.memory_space<vmem>>, vector<1x16xi32>,
    %swap3A_2321 = vector.shape_cast %swap3A_2320 : vector<1x16xi32> to vector<16xi32>
    %swap3A_2322 = vector.shape_cast %add3A_2316 : vector<16xi32> to vector<1x16xi32>
    tpu.vector_store %arg13[%swap3A_2318, %swap3A_2319], %swap3A_2322 {strides = array<i32>} : memref<15x128xi32, #tpu.memory_space<vmem>>, vector<1x16xi32>,
    %get3A_2323 = arith.constant 1616 : index
    %get3A_2324 = tpu.vector_load %arg10[%get3A_2323] {strides = array<i32>} : memref<1920xi32, #tpu.memory_space<vmem>>, vector<16xi32>,
    %get3A_2325 = vector.shape_cast %get3A_2324 : vector<16xi32> to vector<16xi32>
    %mul3A_2326 = arith.constant 224 : i32
    %mul3A_2327 = vector.broadcast %mul3A_2326 : i32 to vector<16xi32>
    %mul3A_2328 = arith.muli %get3A_2325, %mul3A_2327 : vector<16xi32>
    %get3A_2329 = arith.constant 1616 : index
    %get3A_2330 = tpu.vector_load %arg11[%get3A_2329] {strides = array<i32>} : memref<1920xi32, #tpu.memory_space<vmem>>, vector<16xi32>,
    %get3A_2331 = vector.shape_cast %get3A_2330 : vector<16xi32> to vector<16xi32>
    %add3A_2332 = arith.addi %mul3A_2328, %get3A_2331 : vector<16xi32>
    %swap3A_2333 = arith.constant 12 : i32
    %swap3A_2334 = arith.index_cast %swap3A_2333 : i32 to index
    %swap3A_2335 = arith.constant 80 : index
    %swap3A_2336 = tpu.vector_load %arg13[%swap3A_2334, %swap3A_2335] {strides = array<i32>} : memref<15x128xi32, #tpu.memory_space<vmem>>, vector<1x16xi32>,
    %swap3A_2337 = vector.shape_cast %swap3A_2336 : vector<1x16xi32> to vector<16xi32>
    %swap3A_2338 = vector.shape_cast %add3A_2332 : vector<16xi32> to vector<1x16xi32>
    tpu.vector_store %arg13[%swap3A_2334, %swap3A_2335], %swap3A_2338 {strides = array<i32>} : memref<15x128xi32, #tpu.memory_space<vmem>>, vector<1x16xi32>,
    %get3A_2339 = arith.constant 1632 : index
    %get3A_2340 = tpu.vector_load %arg10[%get3A_2339] {strides = array<i32>} : memref<1920xi32, #tpu.memory_space<vmem>>, vector<16xi32>,
    %get3A_2341 = vector.shape_cast %get3A_2340 : vector<16xi32> to vector<16xi32>
    %mul3A_2342 = arith.constant 224 : i32
    %mul3A_2343 = vector.broadcast %mul3A_2342 : i32 to vector<16xi32>
    %mul3A_2344 = arith.muli %get3A_2341, %mul3A_2343 : vector<16xi32>
    %get3A_2345 = arith.constant 1632 : index
    %get3A_2346 = tpu.vector_load %arg11[%get3A_2345] {strides = array<i32>} : memref<1920xi32, #tpu.memory_space<vmem>>, vector<16xi32>,
    %get3A_2347 = vector.shape_cast %get3A_2346 : vector<16xi32> to vector<16xi32>
    %add3A_2348 = arith.addi %mul3A_2344, %get3A_2347 : vector<16xi32>
    %swap3A_2349 = arith.constant 12 : i32
    %swap3A_2350 = arith.index_cast %swap3A_2349 : i32 to index
    %swap3A_2351 = arith.constant 96 : index
    %swap3A_2352 = tpu.vector_load %arg13[%swap3A_2350, %swap3A_2351] {strides = array<i32>} : memref<15x128xi32, #tpu.memory_space<vmem>>, vector<1x16xi32>,
    %swap3A_2353 = vector.shape_cast %swap3A_2352 : vector<1x16xi32> to vector<16xi32>
    %swap3A_2354 = vector.shape_cast %add3A_2348 : vector<16xi32> to vector<1x16xi32>
    tpu.vector_store %arg13[%swap3A_2350, %swap3A_2351], %swap3A_2354 {strides = array<i32>} : memref<15x128xi32, #tpu.memory_space<vmem>>, vector<1x16xi32>,
    %get3A_2355 = arith.constant 1648 : index
    %get3A_2356 = tpu.vector_load %arg10[%get3A_2355] {strides = array<i32>} : memref<1920xi32, #tpu.memory_space<vmem>>, vector<16xi32>,
    %get3A_2357 = vector.shape_cast %get3A_2356 : vector<16xi32> to vector<16xi32>
    %mul3A_2358 = arith.constant 224 : i32
    %mul3A_2359 = vector.broadcast %mul3A_2358 : i32 to vector<16xi32>
    %mul3A_2360 = arith.muli %get3A_2357, %mul3A_2359 : vector<16xi32>
    %get3A_2361 = arith.constant 1648 : index
    %get3A_2362 = tpu.vector_load %arg11[%get3A_2361] {strides = array<i32>} : memref<1920xi32, #tpu.memory_space<vmem>>, vector<16xi32>,
    %get3A_2363 = vector.shape_cast %get3A_2362 : vector<16xi32> to vector<16xi32>
    %add3A_2364 = arith.addi %mul3A_2360, %get3A_2363 : vector<16xi32>
    %swap3A_2365 = arith.constant 12 : i32
    %swap3A_2366 = arith.index_cast %swap3A_2365 : i32 to index
    %swap3A_2367 = arith.constant 112 : index
    %swap3A_2368 = tpu.vector_load %arg13[%swap3A_2366, %swap3A_2367] {strides = array<i32>} : memref<15x128xi32, #tpu.memory_space<vmem>>, vector<1x16xi32>,
    %swap3A_2369 = vector.shape_cast %swap3A_2368 : vector<1x16xi32> to vector<16xi32>
    %swap3A_2370 = vector.shape_cast %add3A_2364 : vector<16xi32> to vector<1x16xi32>
    tpu.vector_store %arg13[%swap3A_2366, %swap3A_2367], %swap3A_2370 {strides = array<i32>} : memref<15x128xi32, #tpu.memory_space<vmem>>, vector<1x16xi32>,
    %get3A_2371 = arith.constant 1664 : index
    %get3A_2372 = tpu.vector_load %arg10[%get3A_2371] {strides = array<i32>} : memref<1920xi32, #tpu.memory_space<vmem>>, vector<16xi32>,
    %get3A_2373 = vector.shape_cast %get3A_2372 : vector<16xi32> to vector<16xi32>
    %mul3A_2374 = arith.constant 224 : i32
    %mul3A_2375 = vector.broadcast %mul3A_2374 : i32 to vector<16xi32>
    %mul3A_2376 = arith.muli %get3A_2373, %mul3A_2375 : vector<16xi32>
    %get3A_2377 = arith.constant 1664 : index
    %get3A_2378 = tpu.vector_load %arg11[%get3A_2377] {strides = array<i32>} : memref<1920xi32, #tpu.memory_space<vmem>>, vector<16xi32>,
    %get3A_2379 = vector.shape_cast %get3A_2378 : vector<16xi32> to vector<16xi32>
    %add3A_2380 = arith.addi %mul3A_2376, %get3A_2379 : vector<16xi32>
    %swap3A_2381 = arith.constant 13 : i32
    %swap3A_2382 = arith.index_cast %swap3A_2381 : i32 to index
    %swap3A_2383 = arith.constant 0 : index
    %swap3A_2384 = tpu.vector_load %arg13[%swap3A_2382, %swap3A_2383] {strides = array<i32>} : memref<15x128xi32, #tpu.memory_space<vmem>>, vector<1x16xi32>,
    %swap3A_2385 = vector.shape_cast %swap3A_2384 : vector<1x16xi32> to vector<16xi32>
    %swap3A_2386 = vector.shape_cast %add3A_2380 : vector<16xi32> to vector<1x16xi32>
    tpu.vector_store %arg13[%swap3A_2382, %swap3A_2383], %swap3A_2386 {strides = array<i32>} : memref<15x128xi32, #tpu.memory_space<vmem>>, vector<1x16xi32>,
    %get3A_2387 = arith.constant 1680 : index
    %get3A_2388 = tpu.vector_load %arg10[%get3A_2387] {strides = array<i32>} : memref<1920xi32, #tpu.memory_space<vmem>>, vector<16xi32>,
    %get3A_2389 = vector.shape_cast %get3A_2388 : vector<16xi32> to vector<16xi32>
    %mul3A_2390 = arith.constant 224 : i32
    %mul3A_2391 = vector.broadcast %mul3A_2390 : i32 to vector<16xi32>
    %mul3A_2392 = arith.muli %get3A_2389, %mul3A_2391 : vector<16xi32>
    %get3A_2393 = arith.constant 1680 : index
    %get3A_2394 = tpu.vector_load %arg11[%get3A_2393] {strides = array<i32>} : memref<1920xi32, #tpu.memory_space<vmem>>, vector<16xi32>,
    %get3A_2395 = vector.shape_cast %get3A_2394 : vector<16xi32> to vector<16xi32>
    %add3A_2396 = arith.addi %mul3A_2392, %get3A_2395 : vector<16xi32>
    %swap3A_2397 = arith.constant 13 : i32
    %swap3A_2398 = arith.index_cast %swap3A_2397 : i32 to index
    %swap3A_2399 = arith.constant 16 : index
    %swap3A_2400 = tpu.vector_load %arg13[%swap3A_2398, %swap3A_2399] {strides = array<i32>} : memref<15x128xi32, #tpu.memory_space<vmem>>, vector<1x16xi32>,
    %swap3A_2401 = vector.shape_cast %swap3A_2400 : vector<1x16xi32> to vector<16xi32>
    %swap3A_2402 = vector.shape_cast %add3A_2396 : vector<16xi32> to vector<1x16xi32>
    tpu.vector_store %arg13[%swap3A_2398, %swap3A_2399], %swap3A_2402 {strides = array<i32>} : memref<15x128xi32, #tpu.memory_space<vmem>>, vector<1x16xi32>,
    %get3A_2403 = arith.constant 1696 : index
    %get3A_2404 = tpu.vector_load %arg10[%get3A_2403] {strides = array<i32>} : memref<1920xi32, #tpu.memory_space<vmem>>, vector<16xi32>,
    %get3A_2405 = vector.shape_cast %get3A_2404 : vector<16xi32> to vector<16xi32>
    %mul3A_2406 = arith.constant 224 : i32
    %mul3A_2407 = vector.broadcast %mul3A_2406 : i32 to vector<16xi32>
    %mul3A_2408 = arith.muli %get3A_2405, %mul3A_2407 : vector<16xi32>
    %get3A_2409 = arith.constant 1696 : index
    %get3A_2410 = tpu.vector_load %arg11[%get3A_2409] {strides = array<i32>} : memref<1920xi32, #tpu.memory_space<vmem>>, vector<16xi32>,
    %get3A_2411 = vector.shape_cast %get3A_2410 : vector<16xi32> to vector<16xi32>
    %add3A_2412 = arith.addi %mul3A_2408, %get3A_2411 : vector<16xi32>
    %swap3A_2413 = arith.constant 13 : i32
    %swap3A_2414 = arith.index_cast %swap3A_2413 : i32 to index
    %swap3A_2415 = arith.constant 32 : index
    %swap3A_2416 = tpu.vector_load %arg13[%swap3A_2414, %swap3A_2415] {strides = array<i32>} : memref<15x128xi32, #tpu.memory_space<vmem>>, vector<1x16xi32>,
    %swap3A_2417 = vector.shape_cast %swap3A_2416 : vector<1x16xi32> to vector<16xi32>
    %swap3A_2418 = vector.shape_cast %add3A_2412 : vector<16xi32> to vector<1x16xi32>
    tpu.vector_store %arg13[%swap3A_2414, %swap3A_2415], %swap3A_2418 {strides = array<i32>} : memref<15x128xi32, #tpu.memory_space<vmem>>, vector<1x16xi32>,
    %get3A_2419 = arith.constant 1712 : index
    %get3A_2420 = tpu.vector_load %arg10[%get3A_2419] {strides = array<i32>} : memref<1920xi32, #tpu.memory_space<vmem>>, vector<16xi32>,
    %get3A_2421 = vector.shape_cast %get3A_2420 : vector<16xi32> to vector<16xi32>
    %mul3A_2422 = arith.constant 224 : i32
    %mul3A_2423 = vector.broadcast %mul3A_2422 : i32 to vector<16xi32>
    %mul3A_2424 = arith.muli %get3A_2421, %mul3A_2423 : vector<16xi32>
    %get3A_2425 = arith.constant 1712 : index
    %get3A_2426 = tpu.vector_load %arg11[%get3A_2425] {strides = array<i32>} : memref<1920xi32, #tpu.memory_space<vmem>>, vector<16xi32>,
    %get3A_2427 = vector.shape_cast %get3A_2426 : vector<16xi32> to vector<16xi32>
    %add3A_2428 = arith.addi %mul3A_2424, %get3A_2427 : vector<16xi32>
    %swap3A_2429 = arith.constant 13 : i32
    %swap3A_2430 = arith.index_cast %swap3A_2429 : i32 to index
    %swap3A_2431 = arith.constant 48 : index
    %swap3A_2432 = tpu.vector_load %arg13[%swap3A_2430, %swap3A_2431] {strides = array<i32>} : memref<15x128xi32, #tpu.memory_space<vmem>>, vector<1x16xi32>,
    %swap3A_2433 = vector.shape_cast %swap3A_2432 : vector<1x16xi32> to vector<16xi32>
    %swap3A_2434 = vector.shape_cast %add3A_2428 : vector<16xi32> to vector<1x16xi32>
    tpu.vector_store %arg13[%swap3A_2430, %swap3A_2431], %swap3A_2434 {strides = array<i32>} : memref<15x128xi32, #tpu.memory_space<vmem>>, vector<1x16xi32>,
    %get3A_2435 = arith.constant 1728 : index
    %get3A_2436 = tpu.vector_load %arg10[%get3A_2435] {strides = array<i32>} : memref<1920xi32, #tpu.memory_space<vmem>>, vector<16xi32>,
    %get3A_2437 = vector.shape_cast %get3A_2436 : vector<16xi32> to vector<16xi32>
    %mul3A_2438 = arith.constant 224 : i32
    %mul3A_2439 = vector.broadcast %mul3A_2438 : i32 to vector<16xi32>
    %mul3A_2440 = arith.muli %get3A_2437, %mul3A_2439 : vector<16xi32>
    %get3A_2441 = arith.constant 1728 : index
    %get3A_2442 = tpu.vector_load %arg11[%get3A_2441] {strides = array<i32>} : memref<1920xi32, #tpu.memory_space<vmem>>, vector<16xi32>,
    %get3A_2443 = vector.shape_cast %get3A_2442 : vector<16xi32> to vector<16xi32>
    %add3A_2444 = arith.addi %mul3A_2440, %get3A_2443 : vector<16xi32>
    %swap3A_2445 = arith.constant 13 : i32
    %swap3A_2446 = arith.index_cast %swap3A_2445 : i32 to index
    %swap3A_2447 = arith.constant 64 : index
    %swap3A_2448 = tpu.vector_load %arg13[%swap3A_2446, %swap3A_2447] {strides = array<i32>} : memref<15x128xi32, #tpu.memory_space<vmem>>, vector<1x16xi32>,
    %swap3A_2449 = vector.shape_cast %swap3A_2448 : vector<1x16xi32> to vector<16xi32>
    %swap3A_2450 = vector.shape_cast %add3A_2444 : vector<16xi32> to vector<1x16xi32>
    tpu.vector_store %arg13[%swap3A_2446, %swap3A_2447], %swap3A_2450 {strides = array<i32>} : memref<15x128xi32, #tpu.memory_space<vmem>>, vector<1x16xi32>,
    %get3A_2451 = arith.constant 1744 : index
    %get3A_2452 = tpu.vector_load %arg10[%get3A_2451] {strides = array<i32>} : memref<1920xi32, #tpu.memory_space<vmem>>, vector<16xi32>,
    %get3A_2453 = vector.shape_cast %get3A_2452 : vector<16xi32> to vector<16xi32>
    %mul3A_2454 = arith.constant 224 : i32
    %mul3A_2455 = vector.broadcast %mul3A_2454 : i32 to vector<16xi32>
    %mul3A_2456 = arith.muli %get3A_2453, %mul3A_2455 : vector<16xi32>
    %get3A_2457 = arith.constant 1744 : index
    %get3A_2458 = tpu.vector_load %arg11[%get3A_2457] {strides = array<i32>} : memref<1920xi32, #tpu.memory_space<vmem>>, vector<16xi32>,
    %get3A_2459 = vector.shape_cast %get3A_2458 : vector<16xi32> to vector<16xi32>
    %add3A_2460 = arith.addi %mul3A_2456, %get3A_2459 : vector<16xi32>
    %swap3A_2461 = arith.constant 13 : i32
    %swap3A_2462 = arith.index_cast %swap3A_2461 : i32 to index
    %swap3A_2463 = arith.constant 80 : index
    %swap3A_2464 = tpu.vector_load %arg13[%swap3A_2462, %swap3A_2463] {strides = array<i32>} : memref<15x128xi32, #tpu.memory_space<vmem>>, vector<1x16xi32>,
    %swap3A_2465 = vector.shape_cast %swap3A_2464 : vector<1x16xi32> to vector<16xi32>
    %swap3A_2466 = vector.shape_cast %add3A_2460 : vector<16xi32> to vector<1x16xi32>
    tpu.vector_store %arg13[%swap3A_2462, %swap3A_2463], %swap3A_2466 {strides = array<i32>} : memref<15x128xi32, #tpu.memory_space<vmem>>, vector<1x16xi32>,
    %get3A_2467 = arith.constant 1760 : index
    %get3A_2468 = tpu.vector_load %arg10[%get3A_2467] {strides = array<i32>} : memref<1920xi32, #tpu.memory_space<vmem>>, vector<16xi32>,
    %get3A_2469 = vector.shape_cast %get3A_2468 : vector<16xi32> to vector<16xi32>
    %mul3A_2470 = arith.constant 224 : i32
    %mul3A_2471 = vector.broadcast %mul3A_2470 : i32 to vector<16xi32>
    %mul3A_2472 = arith.muli %get3A_2469, %mul3A_2471 : vector<16xi32>
    %get3A_2473 = arith.constant 1760 : index
    %get3A_2474 = tpu.vector_load %arg11[%get3A_2473] {strides = array<i32>} : memref<1920xi32, #tpu.memory_space<vmem>>, vector<16xi32>,
    %get3A_2475 = vector.shape_cast %get3A_2474 : vector<16xi32> to vector<16xi32>
    %add3A_2476 = arith.addi %mul3A_2472, %get3A_2475 : vector<16xi32>
    %swap3A_2477 = arith.constant 13 : i32
    %swap3A_2478 = arith.index_cast %swap3A_2477 : i32 to index
    %swap3A_2479 = arith.constant 96 : index
    %swap3A_2480 = tpu.vector_load %arg13[%swap3A_2478, %swap3A_2479] {strides = array<i32>} : memref<15x128xi32, #tpu.memory_space<vmem>>, vector<1x16xi32>,
    %swap3A_2481 = vector.shape_cast %swap3A_2480 : vector<1x16xi32> to vector<16xi32>
    %swap3A_2482 = vector.shape_cast %add3A_2476 : vector<16xi32> to vector<1x16xi32>
    tpu.vector_store %arg13[%swap3A_2478, %swap3A_2479], %swap3A_2482 {strides = array<i32>} : memref<15x128xi32, #tpu.memory_space<vmem>>, vector<1x16xi32>,
    %get3A_2483 = arith.constant 1776 : index
    %get3A_2484 = tpu.vector_load %arg10[%get3A_2483] {strides = array<i32>} : memref<1920xi32, #tpu.memory_space<vmem>>, vector<16xi32>,
    %get3A_2485 = vector.shape_cast %get3A_2484 : vector<16xi32> to vector<16xi32>
    %mul3A_2486 = arith.constant 224 : i32
    %mul3A_2487 = vector.broadcast %mul3A_2486 : i32 to vector<16xi32>
    %mul3A_2488 = arith.muli %get3A_2485, %mul3A_2487 : vector<16xi32>
    %get3A_2489 = arith.constant 1776 : index
    %get3A_2490 = tpu.vector_load %arg11[%get3A_2489] {strides = array<i32>} : memref<1920xi32, #tpu.memory_space<vmem>>, vector<16xi32>,
    %get3A_2491 = vector.shape_cast %get3A_2490 : vector<16xi32> to vector<16xi32>
    %add3A_2492 = arith.addi %mul3A_2488, %get3A_2491 : vector<16xi32>
    %swap3A_2493 = arith.constant 13 : i32
    %swap3A_2494 = arith.index_cast %swap3A_2493 : i32 to index
    %swap3A_2495 = arith.constant 112 : index
    %swap3A_2496 = tpu.vector_load %arg13[%swap3A_2494, %swap3A_2495] {strides = array<i32>} : memref<15x128xi32, #tpu.memory_space<vmem>>, vector<1x16xi32>,
    %swap3A_2497 = vector.shape_cast %swap3A_2496 : vector<1x16xi32> to vector<16xi32>
    %swap3A_2498 = vector.shape_cast %add3A_2492 : vector<16xi32> to vector<1x16xi32>
    tpu.vector_store %arg13[%swap3A_2494, %swap3A_2495], %swap3A_2498 {strides = array<i32>} : memref<15x128xi32, #tpu.memory_space<vmem>>, vector<1x16xi32>,
    %get3A_2499 = arith.constant 1792 : index
    %get3A_2500 = tpu.vector_load %arg10[%get3A_2499] {strides = array<i32>} : memref<1920xi32, #tpu.memory_space<vmem>>, vector<16xi32>,
    %get3A_2501 = vector.shape_cast %get3A_2500 : vector<16xi32> to vector<16xi32>
    %mul3A_2502 = arith.constant 224 : i32
    %mul3A_2503 = vector.broadcast %mul3A_2502 : i32 to vector<16xi32>
    %mul3A_2504 = arith.muli %get3A_2501, %mul3A_2503 : vector<16xi32>
    %get3A_2505 = arith.constant 1792 : index
    %get3A_2506 = tpu.vector_load %arg11[%get3A_2505] {strides = array<i32>} : memref<1920xi32, #tpu.memory_space<vmem>>, vector<16xi32>,
    %get3A_2507 = vector.shape_cast %get3A_2506 : vector<16xi32> to vector<16xi32>
    %add3A_2508 = arith.addi %mul3A_2504, %get3A_2507 : vector<16xi32>
    %swap3A_2509 = arith.constant 14 : i32
    %swap3A_2510 = arith.index_cast %swap3A_2509 : i32 to index
    %swap3A_2511 = arith.constant 0 : index
    %swap3A_2512 = tpu.vector_load %arg13[%swap3A_2510, %swap3A_2511] {strides = array<i32>} : memref<15x128xi32, #tpu.memory_space<vmem>>, vector<1x16xi32>,
    %swap3A_2513 = vector.shape_cast %swap3A_2512 : vector<1x16xi32> to vector<16xi32>
    %swap3A_2514 = vector.shape_cast %add3A_2508 : vector<16xi32> to vector<1x16xi32>
    tpu.vector_store %arg13[%swap3A_2510, %swap3A_2511], %swap3A_2514 {strides = array<i32>} : memref<15x128xi32, #tpu.memory_space<vmem>>, vector<1x16xi32>,
    %get3A_2515 = arith.constant 1808 : index
    %get3A_2516 = tpu.vector_load %arg10[%get3A_2515] {strides = array<i32>} : memref<1920xi32, #tpu.memory_space<vmem>>, vector<16xi32>,
    %get3A_2517 = vector.shape_cast %get3A_2516 : vector<16xi32> to vector<16xi32>
    %mul3A_2518 = arith.constant 224 : i32
    %mul3A_2519 = vector.broadcast %mul3A_2518 : i32 to vector<16xi32>
    %mul3A_2520 = arith.muli %get3A_2517, %mul3A_2519 : vector<16xi32>
    %get3A_2521 = arith.constant 1808 : index
    %get3A_2522 = tpu.vector_load %arg11[%get3A_2521] {strides = array<i32>} : memref<1920xi32, #tpu.memory_space<vmem>>, vector<16xi32>,
    %get3A_2523 = vector.shape_cast %get3A_2522 : vector<16xi32> to vector<16xi32>
    %add3A_2524 = arith.addi %mul3A_2520, %get3A_2523 : vector<16xi32>
    %swap3A_2525 = arith.constant 14 : i32
    %swap3A_2526 = arith.index_cast %swap3A_2525 : i32 to index
    %swap3A_2527 = arith.constant 16 : index
    %swap3A_2528 = tpu.vector_load %arg13[%swap3A_2526, %swap3A_2527] {strides = array<i32>} : memref<15x128xi32, #tpu.memory_space<vmem>>, vector<1x16xi32>,
    %swap3A_2529 = vector.shape_cast %swap3A_2528 : vector<1x16xi32> to vector<16xi32>
    %swap3A_2530 = vector.shape_cast %add3A_2524 : vector<16xi32> to vector<1x16xi32>
    tpu.vector_store %arg13[%swap3A_2526, %swap3A_2527], %swap3A_2530 {strides = array<i32>} : memref<15x128xi32, #tpu.memory_space<vmem>>, vector<1x16xi32>,
    %get3A_2531 = arith.constant 1824 : index
    %get3A_2532 = tpu.vector_load %arg10[%get3A_2531] {strides = array<i32>} : memref<1920xi32, #tpu.memory_space<vmem>>, vector<16xi32>,
    %get3A_2533 = vector.shape_cast %get3A_2532 : vector<16xi32> to vector<16xi32>
    %mul3A_2534 = arith.constant 224 : i32
    %mul3A_2535 = vector.broadcast %mul3A_2534 : i32 to vector<16xi32>
    %mul3A_2536 = arith.muli %get3A_2533, %mul3A_2535 : vector<16xi32>
    %get3A_2537 = arith.constant 1824 : index
    %get3A_2538 = tpu.vector_load %arg11[%get3A_2537] {strides = array<i32>} : memref<1920xi32, #tpu.memory_space<vmem>>, vector<16xi32>,
    %get3A_2539 = vector.shape_cast %get3A_2538 : vector<16xi32> to vector<16xi32>
    %add3A_2540 = arith.addi %mul3A_2536, %get3A_2539 : vector<16xi32>
    %swap3A_2541 = arith.constant 14 : i32
    %swap3A_2542 = arith.index_cast %swap3A_2541 : i32 to index
    %swap3A_2543 = arith.constant 32 : index
    %swap3A_2544 = tpu.vector_load %arg13[%swap3A_2542, %swap3A_2543] {strides = array<i32>} : memref<15x128xi32, #tpu.memory_space<vmem>>, vector<1x16xi32>,
    %swap3A_2545 = vector.shape_cast %swap3A_2544 : vector<1x16xi32> to vector<16xi32>
    %swap3A_2546 = vector.shape_cast %add3A_2540 : vector<16xi32> to vector<1x16xi32>
    tpu.vector_store %arg13[%swap3A_2542, %swap3A_2543], %swap3A_2546 {strides = array<i32>} : memref<15x128xi32, #tpu.memory_space<vmem>>, vector<1x16xi32>,
    %get3A_2547 = arith.constant 1840 : index
    %get3A_2548 = tpu.vector_load %arg10[%get3A_2547] {strides = array<i32>} : memref<1920xi32, #tpu.memory_space<vmem>>, vector<16xi32>,
    %get3A_2549 = vector.shape_cast %get3A_2548 : vector<16xi32> to vector<16xi32>
    %mul3A_2550 = arith.constant 224 : i32
    %mul3A_2551 = vector.broadcast %mul3A_2550 : i32 to vector<16xi32>
    %mul3A_2552 = arith.muli %get3A_2549, %mul3A_2551 : vector<16xi32>
    %get3A_2553 = arith.constant 1840 : index
    %get3A_2554 = tpu.vector_load %arg11[%get3A_2553] {strides = array<i32>} : memref<1920xi32, #tpu.memory_space<vmem>>, vector<16xi32>,
    %get3A_2555 = vector.shape_cast %get3A_2554 : vector<16xi32> to vector<16xi32>
    %add3A_2556 = arith.addi %mul3A_2552, %get3A_2555 : vector<16xi32>
    %swap3A_2557 = arith.constant 14 : i32
    %swap3A_2558 = arith.index_cast %swap3A_2557 : i32 to index
    %swap3A_2559 = arith.constant 48 : index
    %swap3A_2560 = tpu.vector_load %arg13[%swap3A_2558, %swap3A_2559] {strides = array<i32>} : memref<15x128xi32, #tpu.memory_space<vmem>>, vector<1x16xi32>,
    %swap3A_2561 = vector.shape_cast %swap3A_2560 : vector<1x16xi32> to vector<16xi32>
    %swap3A_2562 = vector.shape_cast %add3A_2556 : vector<16xi32> to vector<1x16xi32>
    tpu.vector_store %arg13[%swap3A_2558, %swap3A_2559], %swap3A_2562 {strides = array<i32>} : memref<15x128xi32, #tpu.memory_space<vmem>>, vector<1x16xi32>,
    %get3A_2563 = arith.constant 1856 : index
    %get3A_2564 = tpu.vector_load %arg10[%get3A_2563] {strides = array<i32>} : memref<1920xi32, #tpu.memory_space<vmem>>, vector<16xi32>,
    %get3A_2565 = vector.shape_cast %get3A_2564 : vector<16xi32> to vector<16xi32>
    %mul3A_2566 = arith.constant 224 : i32
    %mul3A_2567 = vector.broadcast %mul3A_2566 : i32 to vector<16xi32>
    %mul3A_2568 = arith.muli %get3A_2565, %mul3A_2567 : vector<16xi32>
    %get3A_2569 = arith.constant 1856 : index
    %get3A_2570 = tpu.vector_load %arg11[%get3A_2569] {strides = array<i32>} : memref<1920xi32, #tpu.memory_space<vmem>>, vector<16xi32>,
    %get3A_2571 = vector.shape_cast %get3A_2570 : vector<16xi32> to vector<16xi32>
    %add3A_2572 = arith.addi %mul3A_2568, %get3A_2571 : vector<16xi32>
    %swap3A_2573 = arith.constant 14 : i32
    %swap3A_2574 = arith.index_cast %swap3A_2573 : i32 to index
    %swap3A_2575 = arith.constant 64 : index
    %swap3A_2576 = tpu.vector_load %arg13[%swap3A_2574, %swap3A_2575] {strides = array<i32>} : memref<15x128xi32, #tpu.memory_space<vmem>>, vector<1x16xi32>,
    %swap3A_2577 = vector.shape_cast %swap3A_2576 : vector<1x16xi32> to vector<16xi32>
    %swap3A_2578 = vector.shape_cast %add3A_2572 : vector<16xi32> to vector<1x16xi32>
    tpu.vector_store %arg13[%swap3A_2574, %swap3A_2575], %swap3A_2578 {strides = array<i32>} : memref<15x128xi32, #tpu.memory_space<vmem>>, vector<1x16xi32>,
    %get3A_2579 = arith.constant 1872 : index
    %get3A_2580 = tpu.vector_load %arg10[%get3A_2579] {strides = array<i32>} : memref<1920xi32, #tpu.memory_space<vmem>>, vector<16xi32>,
    %get3A_2581 = vector.shape_cast %get3A_2580 : vector<16xi32> to vector<16xi32>
    %mul3A_2582 = arith.constant 224 : i32
    %mul3A_2583 = vector.broadcast %mul3A_2582 : i32 to vector<16xi32>
    %mul3A_2584 = arith.muli %get3A_2581, %mul3A_2583 : vector<16xi32>
    %get3A_2585 = arith.constant 1872 : index
    %get3A_2586 = tpu.vector_load %arg11[%get3A_2585] {strides = array<i32>} : memref<1920xi32, #tpu.memory_space<vmem>>, vector<16xi32>,
    %get3A_2587 = vector.shape_cast %get3A_2586 : vector<16xi32> to vector<16xi32>
    %add3A_2588 = arith.addi %mul3A_2584, %get3A_2587 : vector<16xi32>
    %swap3A_2589 = arith.constant 14 : i32
    %swap3A_2590 = arith.index_cast %swap3A_2589 : i32 to index
    %swap3A_2591 = arith.constant 80 : index
    %swap3A_2592 = tpu.vector_load %arg13[%swap3A_2590, %swap3A_2591] {strides = array<i32>} : memref<15x128xi32, #tpu.memory_space<vmem>>, vector<1x16xi32>,
    %swap3A_2593 = vector.shape_cast %swap3A_2592 : vector<1x16xi32> to vector<16xi32>
    %swap3A_2594 = vector.shape_cast %add3A_2588 : vector<16xi32> to vector<1x16xi32>
    tpu.vector_store %arg13[%swap3A_2590, %swap3A_2591], %swap3A_2594 {strides = array<i32>} : memref<15x128xi32, #tpu.memory_space<vmem>>, vector<1x16xi32>,
    %get3A_2595 = arith.constant 1888 : index
    %get3A_2596 = tpu.vector_load %arg10[%get3A_2595] {strides = array<i32>} : memref<1920xi32, #tpu.memory_space<vmem>>, vector<16xi32>,
    %get3A_2597 = vector.shape_cast %get3A_2596 : vector<16xi32> to vector<16xi32>
    %mul3A_2598 = arith.constant 224 : i32
    %mul3A_2599 = vector.broadcast %mul3A_2598 : i32 to vector<16xi32>
    %mul3A_2600 = arith.muli %get3A_2597, %mul3A_2599 : vector<16xi32>
    %get3A_2601 = arith.constant 1888 : index
    %get3A_2602 = tpu.vector_load %arg11[%get3A_2601] {strides = array<i32>} : memref<1920xi32, #tpu.memory_space<vmem>>, vector<16xi32>,
    %get3A_2603 = vector.shape_cast %get3A_2602 : vector<16xi32> to vector<16xi32>
    %add3A_2604 = arith.addi %mul3A_2600, %get3A_2603 : vector<16xi32>
    %swap3A_2605 = arith.constant 14 : i32
    %swap3A_2606 = arith.index_cast %swap3A_2605 : i32 to index
    %swap3A_2607 = arith.constant 96 : index
    %swap3A_2608 = tpu.vector_load %arg13[%swap3A_2606, %swap3A_2607] {strides = array<i32>} : memref<15x128xi32, #tpu.memory_space<vmem>>, vector<1x16xi32>,
    %swap3A_2609 = vector.shape_cast %swap3A_2608 : vector<1x16xi32> to vector<16xi32>
    %swap3A_2610 = vector.shape_cast %add3A_2604 : vector<16xi32> to vector<1x16xi32>
    tpu.vector_store %arg13[%swap3A_2606, %swap3A_2607], %swap3A_2610 {strides = array<i32>} : memref<15x128xi32, #tpu.memory_space<vmem>>, vector<1x16xi32>,
    %get3A_2611 = arith.constant 1904 : index
    %get3A_2612 = tpu.vector_load %arg10[%get3A_2611] {strides = array<i32>} : memref<1920xi32, #tpu.memory_space<vmem>>, vector<16xi32>,
    %get3A_2613 = vector.shape_cast %get3A_2612 : vector<16xi32> to vector<16xi32>
    %mul3A_2614 = arith.constant 224 : i32
    %mul3A_2615 = vector.broadcast %mul3A_2614 : i32 to vector<16xi32>
    %mul3A_2616 = arith.muli %get3A_2613, %mul3A_2615 : vector<16xi32>
    %get3A_2617 = arith.constant 1904 : index
    %get3A_2618 = tpu.vector_load %arg11[%get3A_2617] {strides = array<i32>} : memref<1920xi32, #tpu.memory_space<vmem>>, vector<16xi32>,
    %get3A_2619 = vector.shape_cast %get3A_2618 : vector<16xi32> to vector<16xi32>
    %add3A_2620 = arith.addi %mul3A_2616, %get3A_2619 : vector<16xi32>
    %swap3A_2621 = arith.constant 14 : i32
    %swap3A_2622 = arith.index_cast %swap3A_2621 : i32 to index
    %swap3A_2623 = arith.constant 112 : index
    %swap3A_2624 = tpu.vector_load %arg13[%swap3A_2622, %swap3A_2623] {strides = array<i32>} : memref<15x128xi32, #tpu.memory_space<vmem>>, vector<1x16xi32>,
    %swap3A_2625 = vector.shape_cast %swap3A_2624 : vector<1x16xi32> to vector<16xi32>
    %swap3A_2626 = vector.shape_cast %add3A_2620 : vector<16xi32> to vector<1x16xi32>
    tpu.vector_store %arg13[%swap3A_2622, %swap3A_2623], %swap3A_2626 {strides = array<i32>} : memref<15x128xi32, #tpu.memory_space<vmem>>, vector<1x16xi32>,
    %barrier3A = arith.constant 0 : index
    tpu.barrier barrier_id(%barrier3A)
    %dma_start3A = arith.constant 0 : i32
    %dma_start3A_2627 = arith.constant 0 : i32
    %dma_start3A_2628 = tpu.memref_slice %arg12[%dma_start3A, %dma_start3A_2627] : memref<5x128xi32, #tpu.memory_space<vmem>> -> memref<1x128xi32, #tpu.memory_space<vmem>>
    %dma_start3A_2629 = tpu.memref_squeeze %dma_start3A_2628 : memref<1x128xi32, #tpu.memory_space<vmem>> -> memref<128xi32, #tpu.memory_space<vmem>>
    %dma_start3A_2630 = arith.constant 0 : i32
    %dma_start3A_2631 = tpu.memref_slice %arg17[%dma_start3A_2630] : memref<250368xf32, #tpu.memory_space<vmem_shared>> -> memref<250368xf32, #tpu.memory_space<vmem_shared>>
    tpu.enqueue_indirect_dma source(%arg14 : memref<128xf32, #tpu.memory_space<vmem>>) target(%dma_start3A_2631 : memref<250368xf32, #tpu.memory_space<vmem_shared>>) offsets(%dma_start3A_2629 : memref<128xi32, #tpu.memory_space<vmem>>) semaphore(%arg16 : memref<!tpu.dma_semaphore, #tpu.memory_space<semaphore_mem>>) {add = true}
    %dma_start3A_2632 = arith.constant 1 : i32
    %dma_start3A_2633 = arith.constant 0 : i32
    %dma_start3A_2634 = tpu.memref_slice %arg12[%dma_start3A_2632, %dma_start3A_2633] : memref<5x128xi32, #tpu.memory_space<vmem>> -> memref<1x128xi32, #tpu.memory_space<vmem>>
    %dma_start3A_2635 = tpu.memref_squeeze %dma_start3A_2634 : memref<1x128xi32, #tpu.memory_space<vmem>> -> memref<128xi32, #tpu.memory_space<vmem>>
    %dma_start3A_2636 = arith.constant 0 : i32
    %dma_start3A_2637 = tpu.memref_slice %arg17[%dma_start3A_2636] : memref<250368xf32, #tpu.memory_space<vmem_shared>> -> memref<250368xf32, #tpu.memory_space<vmem_shared>>
    tpu.enqueue_indirect_dma source(%arg14 : memref<128xf32, #tpu.memory_space<vmem>>) target(%dma_start3A_2637 : memref<250368xf32, #tpu.memory_space<vmem_shared>>) offsets(%dma_start3A_2635 : memref<128xi32, #tpu.memory_space<vmem>>) semaphore(%arg16 : memref<!tpu.dma_semaphore, #tpu.memory_space<semaphore_mem>>) {add = true}
    %dma_start3A_2638 = arith.constant 2 : i32
    %dma_start3A_2639 = arith.constant 0 : i32
    %dma_start3A_2640 = tpu.memref_slice %arg12[%dma_start3A_2638, %dma_start3A_2639] : memref<5x128xi32, #tpu.memory_space<vmem>> -> memref<1x128xi32, #tpu.memory_space<vmem>>
    %dma_start3A_2641 = tpu.memref_squeeze %dma_start3A_2640 : memref<1x128xi32, #tpu.memory_space<vmem>> -> memref<128xi32, #tpu.memory_space<vmem>>
    %dma_start3A_2642 = arith.constant 0 : i32
    %dma_start3A_2643 = tpu.memref_slice %arg17[%dma_start3A_2642] : memref<250368xf32, #tpu.memory_space<vmem_shared>> -> memref<250368xf32, #tpu.memory_space<vmem_shared>>
    tpu.enqueue_indirect_dma source(%arg14 : memref<128xf32, #tpu.memory_space<vmem>>) target(%dma_start3A_2643 : memref<250368xf32, #tpu.memory_space<vmem_shared>>) offsets(%dma_start3A_2641 : memref<128xi32, #tpu.memory_space<vmem>>) semaphore(%arg16 : memref<!tpu.dma_semaphore, #tpu.memory_space<semaphore_mem>>) {add = true}
    %dma_start3A_2644 = arith.constant 3 : i32
    %dma_start3A_2645 = arith.constant 0 : i32
    %dma_start3A_2646 = tpu.memref_slice %arg12[%dma_start3A_2644, %dma_start3A_2645] : memref<5x128xi32, #tpu.memory_space<vmem>> -> memref<1x128xi32, #tpu.memory_space<vmem>>
    %dma_start3A_2647 = tpu.memref_squeeze %dma_start3A_2646 : memref<1x128xi32, #tpu.memory_space<vmem>> -> memref<128xi32, #tpu.memory_space<vmem>>
    %dma_start3A_2648 = arith.constant 0 : i32
    %dma_start3A_2649 = tpu.memref_slice %arg17[%dma_start3A_2648] : memref<250368xf32, #tpu.memory_space<vmem_shared>> -> memref<250368xf32, #tpu.memory_space<vmem_shared>>
    tpu.enqueue_indirect_dma source(%arg14 : memref<128xf32, #tpu.memory_space<vmem>>) target(%dma_start3A_2649 : memref<250368xf32, #tpu.memory_space<vmem_shared>>) offsets(%dma_start3A_2647 : memref<128xi32, #tpu.memory_space<vmem>>) semaphore(%arg16 : memref<!tpu.dma_semaphore, #tpu.memory_space<semaphore_mem>>) {add = true}
    %dma_start3A_2650 = arith.constant 4 : i32
    %dma_start3A_2651 = arith.constant 0 : i32
    %dma_start3A_2652 = tpu.memref_slice %arg12[%dma_start3A_2650, %dma_start3A_2651] : memref<5x128xi32, #tpu.memory_space<vmem>> -> memref<1x128xi32, #tpu.memory_space<vmem>>
    %dma_start3A_2653 = tpu.memref_squeeze %dma_start3A_2652 : memref<1x128xi32, #tpu.memory_space<vmem>> -> memref<128xi32, #tpu.memory_space<vmem>>
    %dma_start3A_2654 = arith.constant 0 : i32
    %dma_start3A_2655 = tpu.memref_slice %arg17[%dma_start3A_2654] : memref<250368xf32, #tpu.memory_space<vmem_shared>> -> memref<250368xf32, #tpu.memory_space<vmem_shared>>
    tpu.enqueue_indirect_dma source(%arg14 : memref<128xf32, #tpu.memory_space<vmem>>) target(%dma_start3A_2655 : memref<250368xf32, #tpu.memory_space<vmem_shared>>) offsets(%dma_start3A_2653 : memref<128xi32, #tpu.memory_space<vmem>>) semaphore(%arg16 : memref<!tpu.dma_semaphore, #tpu.memory_space<semaphore_mem>>) {add = true}
    %dma_start3A_2656 = arith.constant 0 : i32
    %dma_start3A_2657 = arith.constant 0 : i32
    %dma_start3A_2658 = tpu.memref_slice %arg13[%dma_start3A_2656, %dma_start3A_2657] : memref<15x128xi32, #tpu.memory_space<vmem>> -> memref<1x128xi32, #tpu.memory_space<vmem>>
    %dma_start3A_2659 = tpu.memref_squeeze %dma_start3A_2658 : memref<1x128xi32, #tpu.memory_space<vmem>> -> memref<128xi32, #tpu.memory_space<vmem>>
    %dma_start3A_2660 = arith.constant 0 : i32
    %dma_start3A_2661 = tpu.memref_slice %arg18[%dma_start3A_2660] : memref<61184xf32, #tpu.memory_space<vmem_shared>> -> memref<61184xf32, #tpu.memory_space<vmem_shared>>
    tpu.enqueue_indirect_dma source(%arg14 : memref<128xf32, #tpu.memory_space<vmem>>) target(%dma_start3A_2661 : memref<61184xf32, #tpu.memory_space<vmem_shared>>) offsets(%dma_start3A_2659 : memref<128xi32, #tpu.memory_space<vmem>>) semaphore(%arg16 : memref<!tpu.dma_semaphore, #tpu.memory_space<semaphore_mem>>) {add = true}
    %dma_start3A_2662 = arith.constant 1 : i32
    %dma_start3A_2663 = arith.constant 0 : i32
    %dma_start3A_2664 = tpu.memref_slice %arg13[%dma_start3A_2662, %dma_start3A_2663] : memref<15x128xi32, #tpu.memory_space<vmem>> -> memref<1x128xi32, #tpu.memory_space<vmem>>
    %dma_start3A_2665 = tpu.memref_squeeze %dma_start3A_2664 : memref<1x128xi32, #tpu.memory_space<vmem>> -> memref<128xi32, #tpu.memory_space<vmem>>
    %dma_start3A_2666 = arith.constant 0 : i32
    %dma_start3A_2667 = tpu.memref_slice %arg18[%dma_start3A_2666] : memref<61184xf32, #tpu.memory_space<vmem_shared>> -> memref<61184xf32, #tpu.memory_space<vmem_shared>>
    tpu.enqueue_indirect_dma source(%arg14 : memref<128xf32, #tpu.memory_space<vmem>>) target(%dma_start3A_2667 : memref<61184xf32, #tpu.memory_space<vmem_shared>>) offsets(%dma_start3A_2665 : memref<128xi32, #tpu.memory_space<vmem>>) semaphore(%arg16 : memref<!tpu.dma_semaphore, #tpu.memory_space<semaphore_mem>>) {add = true}
    %dma_start3A_2668 = arith.constant 2 : i32
    %dma_start3A_2669 = arith.constant 0 : i32
    %dma_start3A_2670 = tpu.memref_slice %arg13[%dma_start3A_2668, %dma_start3A_2669] : memref<15x128xi32, #tpu.memory_space<vmem>> -> memref<1x128xi32, #tpu.memory_space<vmem>>
    %dma_start3A_2671 = tpu.memref_squeeze %dma_start3A_2670 : memref<1x128xi32, #tpu.memory_space<vmem>> -> memref<128xi32, #tpu.memory_space<vmem>>
    %dma_start3A_2672 = arith.constant 0 : i32
    %dma_start3A_2673 = tpu.memref_slice %arg18[%dma_start3A_2672] : memref<61184xf32, #tpu.memory_space<vmem_shared>> -> memref<61184xf32, #tpu.memory_space<vmem_shared>>
    tpu.enqueue_indirect_dma source(%arg14 : memref<128xf32, #tpu.memory_space<vmem>>) target(%dma_start3A_2673 : memref<61184xf32, #tpu.memory_space<vmem_shared>>) offsets(%dma_start3A_2671 : memref<128xi32, #tpu.memory_space<vmem>>) semaphore(%arg16 : memref<!tpu.dma_semaphore, #tpu.memory_space<semaphore_mem>>) {add = true}
    %dma_start3A_2674 = arith.constant 3 : i32
    %dma_start3A_2675 = arith.constant 0 : i32
    %dma_start3A_2676 = tpu.memref_slice %arg13[%dma_start3A_2674, %dma_start3A_2675] : memref<15x128xi32, #tpu.memory_space<vmem>> -> memref<1x128xi32, #tpu.memory_space<vmem>>
    %dma_start3A_2677 = tpu.memref_squeeze %dma_start3A_2676 : memref<1x128xi32, #tpu.memory_space<vmem>> -> memref<128xi32, #tpu.memory_space<vmem>>
    %dma_start3A_2678 = arith.constant 0 : i32
    %dma_start3A_2679 = tpu.memref_slice %arg18[%dma_start3A_2678] : memref<61184xf32, #tpu.memory_space<vmem_shared>> -> memref<61184xf32, #tpu.memory_space<vmem_shared>>
    tpu.enqueue_indirect_dma source(%arg14 : memref<128xf32, #tpu.memory_space<vmem>>) target(%dma_start3A_2679 : memref<61184xf32, #tpu.memory_space<vmem_shared>>) offsets(%dma_start3A_2677 : memref<128xi32, #tpu.memory_space<vmem>>) semaphore(%arg16 : memref<!tpu.dma_semaphore, #tpu.memory_space<semaphore_mem>>) {add = true}
    %dma_start3A_2680 = arith.constant 4 : i32
    %dma_start3A_2681 = arith.constant 0 : i32
    %dma_start3A_2682 = tpu.memref_slice %arg13[%dma_start3A_2680, %dma_start3A_2681] : memref<15x128xi32, #tpu.memory_space<vmem>> -> memref<1x128xi32, #tpu.memory_space<vmem>>
    %dma_start3A_2683 = tpu.memref_squeeze %dma_start3A_2682 : memref<1x128xi32, #tpu.memory_space<vmem>> -> memref<128xi32, #tpu.memory_space<vmem>>
    %dma_start3A_2684 = arith.constant 0 : i32
    %dma_start3A_2685 = tpu.memref_slice %arg18[%dma_start3A_2684] : memref<61184xf32, #tpu.memory_space<vmem_shared>> -> memref<61184xf32, #tpu.memory_space<vmem_shared>>
    tpu.enqueue_indirect_dma source(%arg14 : memref<128xf32, #tpu.memory_space<vmem>>) target(%dma_start3A_2685 : memref<61184xf32, #tpu.memory_space<vmem_shared>>) offsets(%dma_start3A_2683 : memref<128xi32, #tpu.memory_space<vmem>>) semaphore(%arg16 : memref<!tpu.dma_semaphore, #tpu.memory_space<semaphore_mem>>) {add = true}
    %dma_start3A_2686 = arith.constant 5 : i32
    %dma_start3A_2687 = arith.constant 0 : i32
    %dma_start3A_2688 = tpu.memref_slice %arg13[%dma_start3A_2686, %dma_start3A_2687] : memref<15x128xi32, #tpu.memory_space<vmem>> -> memref<1x128xi32, #tpu.memory_space<vmem>>
    %dma_start3A_2689 = tpu.memref_squeeze %dma_start3A_2688 : memref<1x128xi32, #tpu.memory_space<vmem>> -> memref<128xi32, #tpu.memory_space<vmem>>
    %dma_start3A_2690 = arith.constant 0 : i32
    %dma_start3A_2691 = tpu.memref_slice %arg18[%dma_start3A_2690] : memref<61184xf32, #tpu.memory_space<vmem_shared>> -> memref<61184xf32, #tpu.memory_space<vmem_shared>>
    tpu.enqueue_indirect_dma source(%arg14 : memref<128xf32, #tpu.memory_space<vmem>>) target(%dma_start3A_2691 : memref<61184xf32, #tpu.memory_space<vmem_shared>>) offsets(%dma_start3A_2689 : memref<128xi32, #tpu.memory_space<vmem>>) semaphore(%arg16 : memref<!tpu.dma_semaphore, #tpu.memory_space<semaphore_mem>>) {add = true}
    %dma_start3A_2692 = arith.constant 6 : i32
    %dma_start3A_2693 = arith.constant 0 : i32
    %dma_start3A_2694 = tpu.memref_slice %arg13[%dma_start3A_2692, %dma_start3A_2693] : memref<15x128xi32, #tpu.memory_space<vmem>> -> memref<1x128xi32, #tpu.memory_space<vmem>>
    %dma_start3A_2695 = tpu.memref_squeeze %dma_start3A_2694 : memref<1x128xi32, #tpu.memory_space<vmem>> -> memref<128xi32, #tpu.memory_space<vmem>>
    %dma_start3A_2696 = arith.constant 0 : i32
    %dma_start3A_2697 = tpu.memref_slice %arg18[%dma_start3A_2696] : memref<61184xf32, #tpu.memory_space<vmem_shared>> -> memref<61184xf32, #tpu.memory_space<vmem_shared>>
    tpu.enqueue_indirect_dma source(%arg14 : memref<128xf32, #tpu.memory_space<vmem>>) target(%dma_start3A_2697 : memref<61184xf32, #tpu.memory_space<vmem_shared>>) offsets(%dma_start3A_2695 : memref<128xi32, #tpu.memory_space<vmem>>) semaphore(%arg16 : memref<!tpu.dma_semaphore, #tpu.memory_space<semaphore_mem>>) {add = true}
    %dma_start3A_2698 = arith.constant 7 : i32
    %dma_start3A_2699 = arith.constant 0 : i32
    %dma_start3A_2700 = tpu.memref_slice %arg13[%dma_start3A_2698, %dma_start3A_2699] : memref<15x128xi32, #tpu.memory_space<vmem>> -> memref<1x128xi32, #tpu.memory_space<vmem>>
    %dma_start3A_2701 = tpu.memref_squeeze %dma_start3A_2700 : memref<1x128xi32, #tpu.memory_space<vmem>> -> memref<128xi32, #tpu.memory_space<vmem>>
    %dma_start3A_2702 = arith.constant 0 : i32
    %dma_start3A_2703 = tpu.memref_slice %arg18[%dma_start3A_2702] : memref<61184xf32, #tpu.memory_space<vmem_shared>> -> memref<61184xf32, #tpu.memory_space<vmem_shared>>
    tpu.enqueue_indirect_dma source(%arg14 : memref<128xf32, #tpu.memory_space<vmem>>) target(%dma_start3A_2703 : memref<61184xf32, #tpu.memory_space<vmem_shared>>) offsets(%dma_start3A_2701 : memref<128xi32, #tpu.memory_space<vmem>>) semaphore(%arg16 : memref<!tpu.dma_semaphore, #tpu.memory_space<semaphore_mem>>) {add = true}
    %dma_start3A_2704 = arith.constant 8 : i32
    %dma_start3A_2705 = arith.constant 0 : i32
    %dma_start3A_2706 = tpu.memref_slice %arg13[%dma_start3A_2704, %dma_start3A_2705] : memref<15x128xi32, #tpu.memory_space<vmem>> -> memref<1x128xi32, #tpu.memory_space<vmem>>
    %dma_start3A_2707 = tpu.memref_squeeze %dma_start3A_2706 : memref<1x128xi32, #tpu.memory_space<vmem>> -> memref<128xi32, #tpu.memory_space<vmem>>
    %dma_start3A_2708 = arith.constant 0 : i32
    %dma_start3A_2709 = tpu.memref_slice %arg18[%dma_start3A_2708] : memref<61184xf32, #tpu.memory_space<vmem_shared>> -> memref<61184xf32, #tpu.memory_space<vmem_shared>>
    tpu.enqueue_indirect_dma source(%arg14 : memref<128xf32, #tpu.memory_space<vmem>>) target(%dma_start3A_2709 : memref<61184xf32, #tpu.memory_space<vmem_shared>>) offsets(%dma_start3A_2707 : memref<128xi32, #tpu.memory_space<vmem>>) semaphore(%arg16 : memref<!tpu.dma_semaphore, #tpu.memory_space<semaphore_mem>>) {add = true}
    %dma_start3A_2710 = arith.constant 9 : i32
    %dma_start3A_2711 = arith.constant 0 : i32
    %dma_start3A_2712 = tpu.memref_slice %arg13[%dma_start3A_2710, %dma_start3A_2711] : memref<15x128xi32, #tpu.memory_space<vmem>> -> memref<1x128xi32, #tpu.memory_space<vmem>>
    %dma_start3A_2713 = tpu.memref_squeeze %dma_start3A_2712 : memref<1x128xi32, #tpu.memory_space<vmem>> -> memref<128xi32, #tpu.memory_space<vmem>>
    %dma_start3A_2714 = arith.constant 0 : i32
    %dma_start3A_2715 = tpu.memref_slice %arg18[%dma_start3A_2714] : memref<61184xf32, #tpu.memory_space<vmem_shared>> -> memref<61184xf32, #tpu.memory_space<vmem_shared>>
    tpu.enqueue_indirect_dma source(%arg14 : memref<128xf32, #tpu.memory_space<vmem>>) target(%dma_start3A_2715 : memref<61184xf32, #tpu.memory_space<vmem_shared>>) offsets(%dma_start3A_2713 : memref<128xi32, #tpu.memory_space<vmem>>) semaphore(%arg16 : memref<!tpu.dma_semaphore, #tpu.memory_space<semaphore_mem>>) {add = true}
    %dma_start3A_2716 = arith.constant 10 : i32
    %dma_start3A_2717 = arith.constant 0 : i32
    %dma_start3A_2718 = tpu.memref_slice %arg13[%dma_start3A_2716, %dma_start3A_2717] : memref<15x128xi32, #tpu.memory_space<vmem>> -> memref<1x128xi32, #tpu.memory_space<vmem>>
    %dma_start3A_2719 = tpu.memref_squeeze %dma_start3A_2718 : memref<1x128xi32, #tpu.memory_space<vmem>> -> memref<128xi32, #tpu.memory_space<vmem>>
    %dma_start3A_2720 = arith.constant 0 : i32
    %dma_start3A_2721 = tpu.memref_slice %arg18[%dma_start3A_2720] : memref<61184xf32, #tpu.memory_space<vmem_shared>> -> memref<61184xf32, #tpu.memory_space<vmem_shared>>
    tpu.enqueue_indirect_dma source(%arg14 : memref<128xf32, #tpu.memory_space<vmem>>) target(%dma_start3A_2721 : memref<61184xf32, #tpu.memory_space<vmem_shared>>) offsets(%dma_start3A_2719 : memref<128xi32, #tpu.memory_space<vmem>>) semaphore(%arg16 : memref<!tpu.dma_semaphore, #tpu.memory_space<semaphore_mem>>) {add = true}
    %dma_start3A_2722 = arith.constant 11 : i32
    %dma_start3A_2723 = arith.constant 0 : i32
    %dma_start3A_2724 = tpu.memref_slice %arg13[%dma_start3A_2722, %dma_start3A_2723] : memref<15x128xi32, #tpu.memory_space<vmem>> -> memref<1x128xi32, #tpu.memory_space<vmem>>
    %dma_start3A_2725 = tpu.memref_squeeze %dma_start3A_2724 : memref<1x128xi32, #tpu.memory_space<vmem>> -> memref<128xi32, #tpu.memory_space<vmem>>
    %dma_start3A_2726 = arith.constant 0 : i32
    %dma_start3A_2727 = tpu.memref_slice %arg18[%dma_start3A_2726] : memref<61184xf32, #tpu.memory_space<vmem_shared>> -> memref<61184xf32, #tpu.memory_space<vmem_shared>>
    tpu.enqueue_indirect_dma source(%arg14 : memref<128xf32, #tpu.memory_space<vmem>>) target(%dma_start3A_2727 : memref<61184xf32, #tpu.memory_space<vmem_shared>>) offsets(%dma_start3A_2725 : memref<128xi32, #tpu.memory_space<vmem>>) semaphore(%arg16 : memref<!tpu.dma_semaphore, #tpu.memory_space<semaphore_mem>>) {add = true}
    %dma_start3A_2728 = arith.constant 12 : i32
    %dma_start3A_2729 = arith.constant 0 : i32
    %dma_start3A_2730 = tpu.memref_slice %arg13[%dma_start3A_2728, %dma_start3A_2729] : memref<15x128xi32, #tpu.memory_space<vmem>> -> memref<1x128xi32, #tpu.memory_space<vmem>>
    %dma_start3A_2731 = tpu.memref_squeeze %dma_start3A_2730 : memref<1x128xi32, #tpu.memory_space<vmem>> -> memref<128xi32, #tpu.memory_space<vmem>>
    %dma_start3A_2732 = arith.constant 0 : i32
    %dma_start3A_2733 = tpu.memref_slice %arg18[%dma_start3A_2732] : memref<61184xf32, #tpu.memory_space<vmem_shared>> -> memref<61184xf32, #tpu.memory_space<vmem_shared>>
    tpu.enqueue_indirect_dma source(%arg14 : memref<128xf32, #tpu.memory_space<vmem>>) target(%dma_start3A_2733 : memref<61184xf32, #tpu.memory_space<vmem_shared>>) offsets(%dma_start3A_2731 : memref<128xi32, #tpu.memory_space<vmem>>) semaphore(%arg16 : memref<!tpu.dma_semaphore, #tpu.memory_space<semaphore_mem>>) {add = true}
    %dma_start3A_2734 = arith.constant 13 : i32
    %dma_start3A_2735 = arith.constant 0 : i32
    %dma_start3A_2736 = tpu.memref_slice %arg13[%dma_start3A_2734, %dma_start3A_2735] : memref<15x128xi32, #tpu.memory_space<vmem>> -> memref<1x128xi32, #tpu.memory_space<vmem>>
    %dma_start3A_2737 = tpu.memref_squeeze %dma_start3A_2736 : memref<1x128xi32, #tpu.memory_space<vmem>> -> memref<128xi32, #tpu.memory_space<vmem>>
    %dma_start3A_2738 = arith.constant 0 : i32
    %dma_start3A_2739 = tpu.memref_slice %arg18[%dma_start3A_2738] : memref<61184xf32, #tpu.memory_space<vmem_shared>> -> memref<61184xf32, #tpu.memory_space<vmem_shared>>
    tpu.enqueue_indirect_dma source(%arg14 : memref<128xf32, #tpu.memory_space<vmem>>) target(%dma_start3A_2739 : memref<61184xf32, #tpu.memory_space<vmem_shared>>) offsets(%dma_start3A_2737 : memref<128xi32, #tpu.memory_space<vmem>>) semaphore(%arg16 : memref<!tpu.dma_semaphore, #tpu.memory_space<semaphore_mem>>) {add = true}
    %dma_start3A_2740 = arith.constant 14 : i32
    %dma_start3A_2741 = arith.constant 0 : i32
    %dma_start3A_2742 = tpu.memref_slice %arg13[%dma_start3A_2740, %dma_start3A_2741] : memref<15x128xi32, #tpu.memory_space<vmem>> -> memref<1x128xi32, #tpu.memory_space<vmem>>
    %dma_start3A_2743 = tpu.memref_squeeze %dma_start3A_2742 : memref<1x128xi32, #tpu.memory_space<vmem>> -> memref<128xi32, #tpu.memory_space<vmem>>
    %dma_start3A_2744 = arith.constant 0 : i32
    %dma_start3A_2745 = tpu.memref_slice %arg18[%dma_start3A_2744] : memref<61184xf32, #tpu.memory_space<vmem_shared>> -> memref<61184xf32, #tpu.memory_space<vmem_shared>>
    tpu.enqueue_indirect_dma source(%arg14 : memref<128xf32, #tpu.memory_space<vmem>>) target(%dma_start3A_2745 : memref<61184xf32, #tpu.memory_space<vmem_shared>>) offsets(%dma_start3A_2743 : memref<128xi32, #tpu.memory_space<vmem>>) semaphore(%arg16 : memref<!tpu.dma_semaphore, #tpu.memory_space<semaphore_mem>>) {add = true}
    %dma_wait3A = arith.constant 0 : i32
    %dma_wait3A_2746 = arith.constant 0 : i32
    %dma_wait3A_2747 = tpu.memref_slice %arg12[%dma_wait3A, %dma_wait3A_2746] : memref<5x128xi32, #tpu.memory_space<vmem>> -> memref<1x128xi32, #tpu.memory_space<vmem>>
    %dma_wait3A_2748 = tpu.memref_squeeze %dma_wait3A_2747 : memref<1x128xi32, #tpu.memory_space<vmem>> -> memref<128xi32, #tpu.memory_space<vmem>>
    %dma_wait3A_2749 = arith.constant 0 : i32
    %dma_wait3A_2750 = tpu.memref_slice %arg17[%dma_wait3A_2749] : memref<250368xf32, #tpu.memory_space<vmem_shared>> -> memref<250368xf32, #tpu.memory_space<vmem_shared>>
    tpu.wait_indirect_dma semaphore(%arg16 : memref<!tpu.dma_semaphore, #tpu.memory_space<semaphore_mem>>) src(%arg14 : memref<128xf32, #tpu.memory_space<vmem>>) dst(%dma_wait3A_2750 : memref<250368xf32, #tpu.memory_space<vmem_shared>>)
    %dma_wait3A_2751 = arith.constant 1 : i32
    %dma_wait3A_2752 = arith.constant 0 : i32
    %dma_wait3A_2753 = tpu.memref_slice %arg12[%dma_wait3A_2751, %dma_wait3A_2752] : memref<5x128xi32, #tpu.memory_space<vmem>> -> memref<1x128xi32, #tpu.memory_space<vmem>>
    %dma_wait3A_2754 = tpu.memref_squeeze %dma_wait3A_2753 : memref<1x128xi32, #tpu.memory_space<vmem>> -> memref<128xi32, #tpu.memory_space<vmem>>
    %dma_wait3A_2755 = arith.constant 0 : i32
    %dma_wait3A_2756 = tpu.memref_slice %arg17[%dma_wait3A_2755] : memref<250368xf32, #tpu.memory_space<vmem_shared>> -> memref<250368xf32, #tpu.memory_space<vmem_shared>>
    tpu.wait_indirect_dma semaphore(%arg16 : memref<!tpu.dma_semaphore, #tpu.memory_space<semaphore_mem>>) src(%arg14 : memref<128xf32, #tpu.memory_space<vmem>>) dst(%dma_wait3A_2756 : memref<250368xf32, #tpu.memory_space<vmem_shared>>)
    %dma_wait3A_2757 = arith.constant 2 : i32
    %dma_wait3A_2758 = arith.constant 0 : i32
    %dma_wait3A_2759 = tpu.memref_slice %arg12[%dma_wait3A_2757, %dma_wait3A_2758] : memref<5x128xi32, #tpu.memory_space<vmem>> -> memref<1x128xi32, #tpu.memory_space<vmem>>
    %dma_wait3A_2760 = tpu.memref_squeeze %dma_wait3A_2759 : memref<1x128xi32, #tpu.memory_space<vmem>> -> memref<128xi32, #tpu.memory_space<vmem>>
    %dma_wait3A_2761 = arith.constant 0 : i32
    %dma_wait3A_2762 = tpu.memref_slice %arg17[%dma_wait3A_2761] : memref<250368xf32, #tpu.memory_space<vmem_shared>> -> memref<250368xf32, #tpu.memory_space<vmem_shared>>
    tpu.wait_indirect_dma semaphore(%arg16 : memref<!tpu.dma_semaphore, #tpu.memory_space<semaphore_mem>>) src(%arg14 : memref<128xf32, #tpu.memory_space<vmem>>) dst(%dma_wait3A_2762 : memref<250368xf32, #tpu.memory_space<vmem_shared>>)
    %dma_wait3A_2763 = arith.constant 3 : i32
    %dma_wait3A_2764 = arith.constant 0 : i32
    %dma_wait3A_2765 = tpu.memref_slice %arg12[%dma_wait3A_2763, %dma_wait3A_2764] : memref<5x128xi32, #tpu.memory_space<vmem>> -> memref<1x128xi32, #tpu.memory_space<vmem>>
    %dma_wait3A_2766 = tpu.memref_squeeze %dma_wait3A_2765 : memref<1x128xi32, #tpu.memory_space<vmem>> -> memref<128xi32, #tpu.memory_space<vmem>>
    %dma_wait3A_2767 = arith.constant 0 : i32
    %dma_wait3A_2768 = tpu.memref_slice %arg17[%dma_wait3A_2767] : memref<250368xf32, #tpu.memory_space<vmem_shared>> -> memref<250368xf32, #tpu.memory_space<vmem_shared>>
    tpu.wait_indirect_dma semaphore(%arg16 : memref<!tpu.dma_semaphore, #tpu.memory_space<semaphore_mem>>) src(%arg14 : memref<128xf32, #tpu.memory_space<vmem>>) dst(%dma_wait3A_2768 : memref<250368xf32, #tpu.memory_space<vmem_shared>>)
    %dma_wait3A_2769 = arith.constant 4 : i32
    %dma_wait3A_2770 = arith.constant 0 : i32
    %dma_wait3A_2771 = tpu.memref_slice %arg12[%dma_wait3A_2769, %dma_wait3A_2770] : memref<5x128xi32, #tpu.memory_space<vmem>> -> memref<1x128xi32, #tpu.memory_space<vmem>>
    %dma_wait3A_2772 = tpu.memref_squeeze %dma_wait3A_2771 : memref<1x128xi32, #tpu.memory_space<vmem>> -> memref<128xi32, #tpu.memory_space<vmem>>
    %dma_wait3A_2773 = arith.constant 0 : i32
    %dma_wait3A_2774 = tpu.memref_slice %arg17[%dma_wait3A_2773] : memref<250368xf32, #tpu.memory_space<vmem_shared>> -> memref<250368xf32, #tpu.memory_space<vmem_shared>>
    tpu.wait_indirect_dma semaphore(%arg16 : memref<!tpu.dma_semaphore, #tpu.memory_space<semaphore_mem>>) src(%arg14 : memref<128xf32, #tpu.memory_space<vmem>>) dst(%dma_wait3A_2774 : memref<250368xf32, #tpu.memory_space<vmem_shared>>)
    %dma_wait3A_2775 = arith.constant 0 : i32
    %dma_wait3A_2776 = arith.constant 0 : i32
    %dma_wait3A_2777 = tpu.memref_slice %arg13[%dma_wait3A_2775, %dma_wait3A_2776] : memref<15x128xi32, #tpu.memory_space<vmem>> -> memref<1x128xi32, #tpu.memory_space<vmem>>
    %dma_wait3A_2778 = tpu.memref_squeeze %dma_wait3A_2777 : memref<1x128xi32, #tpu.memory_space<vmem>> -> memref<128xi32, #tpu.memory_space<vmem>>
    %dma_wait3A_2779 = arith.constant 0 : i32
    %dma_wait3A_2780 = tpu.memref_slice %arg18[%dma_wait3A_2779] : memref<61184xf32, #tpu.memory_space<vmem_shared>> -> memref<61184xf32, #tpu.memory_space<vmem_shared>>
    tpu.wait_indirect_dma semaphore(%arg16 : memref<!tpu.dma_semaphore, #tpu.memory_space<semaphore_mem>>) src(%arg14 : memref<128xf32, #tpu.memory_space<vmem>>) dst(%dma_wait3A_2780 : memref<61184xf32, #tpu.memory_space<vmem_shared>>)
    %dma_wait3A_2781 = arith.constant 1 : i32
    %dma_wait3A_2782 = arith.constant 0 : i32
    %dma_wait3A_2783 = tpu.memref_slice %arg13[%dma_wait3A_2781, %dma_wait3A_2782] : memref<15x128xi32, #tpu.memory_space<vmem>> -> memref<1x128xi32, #tpu.memory_space<vmem>>
    %dma_wait3A_2784 = tpu.memref_squeeze %dma_wait3A_2783 : memref<1x128xi32, #tpu.memory_space<vmem>> -> memref<128xi32, #tpu.memory_space<vmem>>
    %dma_wait3A_2785 = arith.constant 0 : i32
    %dma_wait3A_2786 = tpu.memref_slice %arg18[%dma_wait3A_2785] : memref<61184xf32, #tpu.memory_space<vmem_shared>> -> memref<61184xf32, #tpu.memory_space<vmem_shared>>
    tpu.wait_indirect_dma semaphore(%arg16 : memref<!tpu.dma_semaphore, #tpu.memory_space<semaphore_mem>>) src(%arg14 : memref<128xf32, #tpu.memory_space<vmem>>) dst(%dma_wait3A_2786 : memref<61184xf32, #tpu.memory_space<vmem_shared>>)
    %dma_wait3A_2787 = arith.constant 2 : i32
    %dma_wait3A_2788 = arith.constant 0 : i32
    %dma_wait3A_2789 = tpu.memref_slice %arg13[%dma_wait3A_2787, %dma_wait3A_2788] : memref<15x128xi32, #tpu.memory_space<vmem>> -> memref<1x128xi32, #tpu.memory_space<vmem>>
    %dma_wait3A_2790 = tpu.memref_squeeze %dma_wait3A_2789 : memref<1x128xi32, #tpu.memory_space<vmem>> -> memref<128xi32, #tpu.memory_space<vmem>>
    %dma_wait3A_2791 = arith.constant 0 : i32
    %dma_wait3A_2792 = tpu.memref_slice %arg18[%dma_wait3A_2791] : memref<61184xf32, #tpu.memory_space<vmem_shared>> -> memref<61184xf32, #tpu.memory_space<vmem_shared>>
    tpu.wait_indirect_dma semaphore(%arg16 : memref<!tpu.dma_semaphore, #tpu.memory_space<semaphore_mem>>) src(%arg14 : memref<128xf32, #tpu.memory_space<vmem>>) dst(%dma_wait3A_2792 : memref<61184xf32, #tpu.memory_space<vmem_shared>>)
    %dma_wait3A_2793 = arith.constant 3 : i32
    %dma_wait3A_2794 = arith.constant 0 : i32
    %dma_wait3A_2795 = tpu.memref_slice %arg13[%dma_wait3A_2793, %dma_wait3A_2794] : memref<15x128xi32, #tpu.memory_space<vmem>> -> memref<1x128xi32, #tpu.memory_space<vmem>>
    %dma_wait3A_2796 = tpu.memref_squeeze %dma_wait3A_2795 : memref<1x128xi32, #tpu.memory_space<vmem>> -> memref<128xi32, #tpu.memory_space<vmem>>
    %dma_wait3A_2797 = arith.constant 0 : i32
    %dma_wait3A_2798 = tpu.memref_slice %arg18[%dma_wait3A_2797] : memref<61184xf32, #tpu.memory_space<vmem_shared>> -> memref<61184xf32, #tpu.memory_space<vmem_shared>>
    tpu.wait_indirect_dma semaphore(%arg16 : memref<!tpu.dma_semaphore, #tpu.memory_space<semaphore_mem>>) src(%arg14 : memref<128xf32, #tpu.memory_space<vmem>>) dst(%dma_wait3A_2798 : memref<61184xf32, #tpu.memory_space<vmem_shared>>)
    %dma_wait3A_2799 = arith.constant 4 : i32
    %dma_wait3A_2800 = arith.constant 0 : i32
    %dma_wait3A_2801 = tpu.memref_slice %arg13[%dma_wait3A_2799, %dma_wait3A_2800] : memref<15x128xi32, #tpu.memory_space<vmem>> -> memref<1x128xi32, #tpu.memory_space<vmem>>
    %dma_wait3A_2802 = tpu.memref_squeeze %dma_wait3A_2801 : memref<1x128xi32, #tpu.memory_space<vmem>> -> memref<128xi32, #tpu.memory_space<vmem>>
    %dma_wait3A_2803 = arith.constant 0 : i32
    %dma_wait3A_2804 = tpu.memref_slice %arg18[%dma_wait3A_2803] : memref<61184xf32, #tpu.memory_space<vmem_shared>> -> memref<61184xf32, #tpu.memory_space<vmem_shared>>
    tpu.wait_indirect_dma semaphore(%arg16 : memref<!tpu.dma_semaphore, #tpu.memory_space<semaphore_mem>>) src(%arg14 : memref<128xf32, #tpu.memory_space<vmem>>) dst(%dma_wait3A_2804 : memref<61184xf32, #tpu.memory_space<vmem_shared>>)
    %dma_wait3A_2805 = arith.constant 5 : i32
    %dma_wait3A_2806 = arith.constant 0 : i32
    %dma_wait3A_2807 = tpu.memref_slice %arg13[%dma_wait3A_2805, %dma_wait3A_2806] : memref<15x128xi32, #tpu.memory_space<vmem>> -> memref<1x128xi32, #tpu.memory_space<vmem>>
    %dma_wait3A_2808 = tpu.memref_squeeze %dma_wait3A_2807 : memref<1x128xi32, #tpu.memory_space<vmem>> -> memref<128xi32, #tpu.memory_space<vmem>>
    %dma_wait3A_2809 = arith.constant 0 : i32
    %dma_wait3A_2810 = tpu.memref_slice %arg18[%dma_wait3A_2809] : memref<61184xf32, #tpu.memory_space<vmem_shared>> -> memref<61184xf32, #tpu.memory_space<vmem_shared>>
    tpu.wait_indirect_dma semaphore(%arg16 : memref<!tpu.dma_semaphore, #tpu.memory_space<semaphore_mem>>) src(%arg14 : memref<128xf32, #tpu.memory_space<vmem>>) dst(%dma_wait3A_2810 : memref<61184xf32, #tpu.memory_space<vmem_shared>>)
    %dma_wait3A_2811 = arith.constant 6 : i32
    %dma_wait3A_2812 = arith.constant 0 : i32
    %dma_wait3A_2813 = tpu.memref_slice %arg13[%dma_wait3A_2811, %dma_wait3A_2812] : memref<15x128xi32, #tpu.memory_space<vmem>> -> memref<1x128xi32, #tpu.memory_space<vmem>>
    %dma_wait3A_2814 = tpu.memref_squeeze %dma_wait3A_2813 : memref<1x128xi32, #tpu.memory_space<vmem>> -> memref<128xi32, #tpu.memory_space<vmem>>
    %dma_wait3A_2815 = arith.constant 0 : i32
    %dma_wait3A_2816 = tpu.memref_slice %arg18[%dma_wait3A_2815] : memref<61184xf32, #tpu.memory_space<vmem_shared>> -> memref<61184xf32, #tpu.memory_space<vmem_shared>>
    tpu.wait_indirect_dma semaphore(%arg16 : memref<!tpu.dma_semaphore, #tpu.memory_space<semaphore_mem>>) src(%arg14 : memref<128xf32, #tpu.memory_space<vmem>>) dst(%dma_wait3A_2816 : memref<61184xf32, #tpu.memory_space<vmem_shared>>)
    %dma_wait3A_2817 = arith.constant 7 : i32
    %dma_wait3A_2818 = arith.constant 0 : i32
    %dma_wait3A_2819 = tpu.memref_slice %arg13[%dma_wait3A_2817, %dma_wait3A_2818] : memref<15x128xi32, #tpu.memory_space<vmem>> -> memref<1x128xi32, #tpu.memory_space<vmem>>
    %dma_wait3A_2820 = tpu.memref_squeeze %dma_wait3A_2819 : memref<1x128xi32, #tpu.memory_space<vmem>> -> memref<128xi32, #tpu.memory_space<vmem>>
    %dma_wait3A_2821 = arith.constant 0 : i32
    %dma_wait3A_2822 = tpu.memref_slice %arg18[%dma_wait3A_2821] : memref<61184xf32, #tpu.memory_space<vmem_shared>> -> memref<61184xf32, #tpu.memory_space<vmem_shared>>
    tpu.wait_indirect_dma semaphore(%arg16 : memref<!tpu.dma_semaphore, #tpu.memory_space<semaphore_mem>>) src(%arg14 : memref<128xf32, #tpu.memory_space<vmem>>) dst(%dma_wait3A_2822 : memref<61184xf32, #tpu.memory_space<vmem_shared>>)
    %dma_wait3A_2823 = arith.constant 8 : i32
    %dma_wait3A_2824 = arith.constant 0 : i32
    %dma_wait3A_2825 = tpu.memref_slice %arg13[%dma_wait3A_2823, %dma_wait3A_2824] : memref<15x128xi32, #tpu.memory_space<vmem>> -> memref<1x128xi32, #tpu.memory_space<vmem>>
    %dma_wait3A_2826 = tpu.memref_squeeze %dma_wait3A_2825 : memref<1x128xi32, #tpu.memory_space<vmem>> -> memref<128xi32, #tpu.memory_space<vmem>>
    %dma_wait3A_2827 = arith.constant 0 : i32
    %dma_wait3A_2828 = tpu.memref_slice %arg18[%dma_wait3A_2827] : memref<61184xf32, #tpu.memory_space<vmem_shared>> -> memref<61184xf32, #tpu.memory_space<vmem_shared>>
    tpu.wait_indirect_dma semaphore(%arg16 : memref<!tpu.dma_semaphore, #tpu.memory_space<semaphore_mem>>) src(%arg14 : memref<128xf32, #tpu.memory_space<vmem>>) dst(%dma_wait3A_2828 : memref<61184xf32, #tpu.memory_space<vmem_shared>>)
    %dma_wait3A_2829 = arith.constant 9 : i32
    %dma_wait3A_2830 = arith.constant 0 : i32
    %dma_wait3A_2831 = tpu.memref_slice %arg13[%dma_wait3A_2829, %dma_wait3A_2830] : memref<15x128xi32, #tpu.memory_space<vmem>> -> memref<1x128xi32, #tpu.memory_space<vmem>>
    %dma_wait3A_2832 = tpu.memref_squeeze %dma_wait3A_2831 : memref<1x128xi32, #tpu.memory_space<vmem>> -> memref<128xi32, #tpu.memory_space<vmem>>
    %dma_wait3A_2833 = arith.constant 0 : i32
    %dma_wait3A_2834 = tpu.memref_slice %arg18[%dma_wait3A_2833] : memref<61184xf32, #tpu.memory_space<vmem_shared>> -> memref<61184xf32, #tpu.memory_space<vmem_shared>>
    tpu.wait_indirect_dma semaphore(%arg16 : memref<!tpu.dma_semaphore, #tpu.memory_space<semaphore_mem>>) src(%arg14 : memref<128xf32, #tpu.memory_space<vmem>>) dst(%dma_wait3A_2834 : memref<61184xf32, #tpu.memory_space<vmem_shared>>)
    %dma_wait3A_2835 = arith.constant 10 : i32
    %dma_wait3A_2836 = arith.constant 0 : i32
    %dma_wait3A_2837 = tpu.memref_slice %arg13[%dma_wait3A_2835, %dma_wait3A_2836] : memref<15x128xi32, #tpu.memory_space<vmem>> -> memref<1x128xi32, #tpu.memory_space<vmem>>
    %dma_wait3A_2838 = tpu.memref_squeeze %dma_wait3A_2837 : memref<1x128xi32, #tpu.memory_space<vmem>> -> memref<128xi32, #tpu.memory_space<vmem>>
    %dma_wait3A_2839 = arith.constant 0 : i32
    %dma_wait3A_2840 = tpu.memref_slice %arg18[%dma_wait3A_2839] : memref<61184xf32, #tpu.memory_space<vmem_shared>> -> memref<61184xf32, #tpu.memory_space<vmem_shared>>
    tpu.wait_indirect_dma semaphore(%arg16 : memref<!tpu.dma_semaphore, #tpu.memory_space<semaphore_mem>>) src(%arg14 : memref<128xf32, #tpu.memory_space<vmem>>) dst(%dma_wait3A_2840 : memref<61184xf32, #tpu.memory_space<vmem_shared>>)
    %dma_wait3A_2841 = arith.constant 11 : i32
    %dma_wait3A_2842 = arith.constant 0 : i32
    %dma_wait3A_2843 = tpu.memref_slice %arg13[%dma_wait3A_2841, %dma_wait3A_2842] : memref<15x128xi32, #tpu.memory_space<vmem>> -> memref<1x128xi32, #tpu.memory_space<vmem>>
    %dma_wait3A_2844 = tpu.memref_squeeze %dma_wait3A_2843 : memref<1x128xi32, #tpu.memory_space<vmem>> -> memref<128xi32, #tpu.memory_space<vmem>>
    %dma_wait3A_2845 = arith.constant 0 : i32
    %dma_wait3A_2846 = tpu.memref_slice %arg18[%dma_wait3A_2845] : memref<61184xf32, #tpu.memory_space<vmem_shared>> -> memref<61184xf32, #tpu.memory_space<vmem_shared>>
    tpu.wait_indirect_dma semaphore(%arg16 : memref<!tpu.dma_semaphore, #tpu.memory_space<semaphore_mem>>) src(%arg14 : memref<128xf32, #tpu.memory_space<vmem>>) dst(%dma_wait3A_2846 : memref<61184xf32, #tpu.memory_space<vmem_shared>>)
    %dma_wait3A_2847 = arith.constant 12 : i32
    %dma_wait3A_2848 = arith.constant 0 : i32
    %dma_wait3A_2849 = tpu.memref_slice %arg13[%dma_wait3A_2847, %dma_wait3A_2848] : memref<15x128xi32, #tpu.memory_space<vmem>> -> memref<1x128xi32, #tpu.memory_space<vmem>>
    %dma_wait3A_2850 = tpu.memref_squeeze %dma_wait3A_2849 : memref<1x128xi32, #tpu.memory_space<vmem>> -> memref<128xi32, #tpu.memory_space<vmem>>
    %dma_wait3A_2851 = arith.constant 0 : i32
    %dma_wait3A_2852 = tpu.memref_slice %arg18[%dma_wait3A_2851] : memref<61184xf32, #tpu.memory_space<vmem_shared>> -> memref<61184xf32, #tpu.memory_space<vmem_shared>>
    tpu.wait_indirect_dma semaphore(%arg16 : memref<!tpu.dma_semaphore, #tpu.memory_space<semaphore_mem>>) src(%arg14 : memref<128xf32, #tpu.memory_space<vmem>>) dst(%dma_wait3A_2852 : memref<61184xf32, #tpu.memory_space<vmem_shared>>)
    %dma_wait3A_2853 = arith.constant 13 : i32
    %dma_wait3A_2854 = arith.constant 0 : i32
    %dma_wait3A_2855 = tpu.memref_slice %arg13[%dma_wait3A_2853, %dma_wait3A_2854] : memref<15x128xi32, #tpu.memory_space<vmem>> -> memref<1x128xi32, #tpu.memory_space<vmem>>
    %dma_wait3A_2856 = tpu.memref_squeeze %dma_wait3A_2855 : memref<1x128xi32, #tpu.memory_space<vmem>> -> memref<128xi32, #tpu.memory_space<vmem>>
    %dma_wait3A_2857 = arith.constant 0 : i32
    %dma_wait3A_2858 = tpu.memref_slice %arg18[%dma_wait3A_2857] : memref<61184xf32, #tpu.memory_space<vmem_shared>> -> memref<61184xf32, #tpu.memory_space<vmem_shared>>
    tpu.wait_indirect_dma semaphore(%arg16 : memref<!tpu.dma_semaphore, #tpu.memory_space<semaphore_mem>>) src(%arg14 : memref<128xf32, #tpu.memory_space<vmem>>) dst(%dma_wait3A_2858 : memref<61184xf32, #tpu.memory_space<vmem_shared>>)
    %dma_wait3A_2859 = arith.constant 14 : i32
    %dma_wait3A_2860 = arith.constant 0 : i32
    %dma_wait3A_2861 = tpu.memref_slice %arg13[%dma_wait3A_2859, %dma_wait3A_2860] : memref<15x128xi32, #tpu.memory_space<vmem>> -> memref<1x128xi32, #tpu.memory_space<vmem>>
    %dma_wait3A_2862 = tpu.memref_squeeze %dma_wait3A_2861 : memref<1x128xi32, #tpu.memory_space<vmem>> -> memref<128xi32, #tpu.memory_space<vmem>>
    %dma_wait3A_2863 = arith.constant 0 : i32
    %dma_wait3A_2864 = tpu.memref_slice %arg18[%dma_wait3A_2863] : memref<61184xf32, #tpu.memory_space<vmem_shared>> -> memref<61184xf32, #tpu.memory_space<vmem_shared>>
    tpu.wait_indirect_dma semaphore(%arg16 : memref<!tpu.dma_semaphore, #tpu.memory_space<semaphore_mem>>) src(%arg14 : memref<128xf32, #tpu.memory_space<vmem>>) dst(%dma_wait3A_2864 : memref<61184xf32, #tpu.memory_space<vmem_shared>>)
    %barrier3A_2865 = arith.constant 0 : index
    tpu.barrier barrier_id(%barrier3A_2865)
    %mul3A_2866 = arith.constant 250368 : i32
    %mul3A_2867 = arith.muli %arg0, %mul3A_2866 : i32
    %mul3A_2868 = arith.constant 15648 : i32
    %mul3A_2869 = arith.muli %arg1, %mul3A_2868 : i32
    %add3A_2870 = arith.addi %mul3A_2867, %mul3A_2869 : i32
    %mul3A_2871 = arith.constant 15648 : i32
    %mul3A_2872 = arith.muli %arg1, %mul3A_2871 : i32
    %add3A_2873 = arith.constant 0 : i32
    %add3A_2874 = arith.addi %mul3A_2872, %add3A_2873 : i32
    "tpu.region"() ({
      %run_scoped3A = tpu.sem_alloc : memref<!tpu.dma_semaphore, #tpu.memory_space<semaphore_mem>>
      %dma_start3A_2890 = tpu.memref_slice %arg17[%add3A_2874] : memref<250368xf32, #tpu.memory_space<vmem_shared>> -> memref<7824xf32, #tpu.memory_space<vmem_shared>>
      %dma_start3A_2891 = tpu.memref_slice %arg17[%add3A_2874] : memref<250368xf32, #tpu.memory_space<vmem_shared>> -> memref<7824xf32, #tpu.memory_space<vmem_shared>>
      tpu.enqueue_dma source(%dma_start3A_2891 : memref<7824xf32, #tpu.memory_space<vmem_shared>>) target(%arg15 : memref<7824xf32, #tpu.memory_space<vmem>>) target_semaphore(%run_scoped3A : memref<!tpu.dma_semaphore, #tpu.memory_space<semaphore_mem>>)
      %dma_wait3A_2892 = tpu.memref_slice %arg17[%add3A_2874] : memref<250368xf32, #tpu.memory_space<vmem_shared>> -> memref<7824xf32, #tpu.memory_space<vmem_shared>>
      %dma_wait3A_2893 = tpu.memref_slice %arg17[%add3A_2874] : memref<250368xf32, #tpu.memory_space<vmem_shared>> -> memref<7824xf32, #tpu.memory_space<vmem_shared>>
      tpu.wait_dma2 semaphore(%run_scoped3A : memref<!tpu.dma_semaphore, #tpu.memory_space<semaphore_mem>>) src(%dma_wait3A_2893 : memref<7824xf32, #tpu.memory_space<vmem_shared>>) dst(%arg15 : memref<7824xf32, #tpu.memory_space<vmem>>)
      tpu.yield
    }) : () -> ()
    %add3A_2875 = arith.constant 0 : i32
    %add3A_2876 = arith.addi %add3A_2870, %add3A_2875 : i32
    "tpu.region"() ({
      %run_scoped3A = tpu.sem_alloc : memref<!tpu.dma_semaphore, #tpu.memory_space<semaphore_mem>>
      %dma_start3A_2890 = tpu.memref_slice %arg6[%add3A_2876] : memref<500736xf32, #tpu.memory_space<hbm>> -> memref<7824xf32, #tpu.memory_space<hbm>>
      %dma_start3A_2891 = tpu.memref_slice %arg6[%add3A_2876] : memref<500736xf32, #tpu.memory_space<hbm>> -> memref<7824xf32, #tpu.memory_space<hbm>>
      tpu.enqueue_dma source(%arg15 : memref<7824xf32, #tpu.memory_space<vmem>>) target(%dma_start3A_2891 : memref<7824xf32, #tpu.memory_space<hbm>>) target_semaphore(%run_scoped3A : memref<!tpu.dma_semaphore, #tpu.memory_space<semaphore_mem>>)
      %dma_wait3A_2892 = tpu.memref_slice %arg6[%add3A_2876] : memref<500736xf32, #tpu.memory_space<hbm>> -> memref<7824xf32, #tpu.memory_space<hbm>>
      %dma_wait3A_2893 = tpu.memref_slice %arg6[%add3A_2876] : memref<500736xf32, #tpu.memory_space<hbm>> -> memref<7824xf32, #tpu.memory_space<hbm>>
      tpu.wait_dma2 semaphore(%run_scoped3A : memref<!tpu.dma_semaphore, #tpu.memory_space<semaphore_mem>>) src(%arg15 : memref<7824xf32, #tpu.memory_space<vmem>>) dst(%dma_wait3A_2893 : memref<7824xf32, #tpu.memory_space<hbm>>)
      tpu.yield
    }) : () -> ()
    %mul3A_2877 = arith.constant 15648 : i32
    %mul3A_2878 = arith.muli %arg1, %mul3A_2877 : i32
    %add3A_2879 = arith.constant 7824 : i32
    %add3A_2880 = arith.addi %mul3A_2878, %add3A_2879 : i32
    "tpu.region"() ({
      %run_scoped3A = tpu.sem_alloc : memref<!tpu.dma_semaphore, #tpu.memory_space<semaphore_mem>>
      %dma_start3A_2890 = tpu.memref_slice %arg17[%add3A_2880] : memref<250368xf32, #tpu.memory_space<vmem_shared>> -> memref<7824xf32, #tpu.memory_space<vmem_shared>>
      %dma_start3A_2891 = tpu.memref_slice %arg17[%add3A_2880] : memref<250368xf32, #tpu.memory_space<vmem_shared>> -> memref<7824xf32, #tpu.memory_space<vmem_shared>>
      tpu.enqueue_dma source(%dma_start3A_2891 : memref<7824xf32, #tpu.memory_space<vmem_shared>>) target(%arg15 : memref<7824xf32, #tpu.memory_space<vmem>>) target_semaphore(%run_scoped3A : memref<!tpu.dma_semaphore, #tpu.memory_space<semaphore_mem>>)
      %dma_wait3A_2892 = tpu.memref_slice %arg17[%add3A_2880] : memref<250368xf32, #tpu.memory_space<vmem_shared>> -> memref<7824xf32, #tpu.memory_space<vmem_shared>>
      %dma_wait3A_2893 = tpu.memref_slice %arg17[%add3A_2880] : memref<250368xf32, #tpu.memory_space<vmem_shared>> -> memref<7824xf32, #tpu.memory_space<vmem_shared>>
      tpu.wait_dma2 semaphore(%run_scoped3A : memref<!tpu.dma_semaphore, #tpu.memory_space<semaphore_mem>>) src(%dma_wait3A_2893 : memref<7824xf32, #tpu.memory_space<vmem_shared>>) dst(%arg15 : memref<7824xf32, #tpu.memory_space<vmem>>)
      tpu.yield
    }) : () -> ()
    %add3A_2881 = arith.constant 7824 : i32
    %add3A_2882 = arith.addi %add3A_2870, %add3A_2881 : i32
    "tpu.region"() ({
      %run_scoped3A = tpu.sem_alloc : memref<!tpu.dma_semaphore, #tpu.memory_space<semaphore_mem>>
      %dma_start3A_2890 = tpu.memref_slice %arg6[%add3A_2882] : memref<500736xf32, #tpu.memory_space<hbm>> -> memref<7824xf32, #tpu.memory_space<hbm>>
      %dma_start3A_2891 = tpu.memref_slice %arg6[%add3A_2882] : memref<500736xf32, #tpu.memory_space<hbm>> -> memref<7824xf32, #tpu.memory_space<hbm>>
      tpu.enqueue_dma source(%arg15 : memref<7824xf32, #tpu.memory_space<vmem>>) target(%dma_start3A_2891 : memref<7824xf32, #tpu.memory_space<hbm>>) target_semaphore(%run_scoped3A : memref<!tpu.dma_semaphore, #tpu.memory_space<semaphore_mem>>)
      %dma_wait3A_2892 = tpu.memref_slice %arg6[%add3A_2882] : memref<500736xf32, #tpu.memory_space<hbm>> -> memref<7824xf32, #tpu.memory_space<hbm>>
      %dma_wait3A_2893 = tpu.memref_slice %arg6[%add3A_2882] : memref<500736xf32, #tpu.memory_space<hbm>> -> memref<7824xf32, #tpu.memory_space<hbm>>
      tpu.wait_dma2 semaphore(%run_scoped3A : memref<!tpu.dma_semaphore, #tpu.memory_space<semaphore_mem>>) src(%arg15 : memref<7824xf32, #tpu.memory_space<vmem>>) dst(%dma_wait3A_2893 : memref<7824xf32, #tpu.memory_space<hbm>>)
      tpu.yield
    }) : () -> ()
    %mul3A_2883 = arith.constant 3824 : i32
    %mul3A_2884 = arith.muli %arg1, %mul3A_2883 : i32
    "tpu.region"() ({
      %run_scoped3A = tpu.sem_alloc : memref<!tpu.dma_semaphore, #tpu.memory_space<semaphore_mem>>
      %dma_start3A_2890 = arith.constant 0 : i32
      %dma_start3A_2891 = tpu.memref_slice %arg15[%dma_start3A_2890] : memref<7824xf32, #tpu.memory_space<vmem>> -> memref<3824xf32, #tpu.memory_space<vmem>>
      %dma_start3A_2892 = tpu.memref_slice %arg18[%mul3A_2884] : memref<61184xf32, #tpu.memory_space<vmem_shared>> -> memref<3824xf32, #tpu.memory_space<vmem_shared>>
      %dma_start3A_2893 = arith.constant 0 : i32
      %dma_start3A_2894 = tpu.memref_slice %arg15[%dma_start3A_2893] : memref<7824xf32, #tpu.memory_space<vmem>> -> memref<3824xf32, #tpu.memory_space<vmem>>
      %dma_start3A_2895 = tpu.memref_slice %arg18[%mul3A_2884] : memref<61184xf32, #tpu.memory_space<vmem_shared>> -> memref<3824xf32, #tpu.memory_space<vmem_shared>>
      tpu.enqueue_dma source(%dma_start3A_2895 : memref<3824xf32, #tpu.memory_space<vmem_shared>>) target(%dma_start3A_2894 : memref<3824xf32, #tpu.memory_space<vmem>>) target_semaphore(%run_scoped3A : memref<!tpu.dma_semaphore, #tpu.memory_space<semaphore_mem>>)
      %dma_wait3A_2896 = arith.constant 0 : i32
      %dma_wait3A_2897 = tpu.memref_slice %arg15[%dma_wait3A_2896] : memref<7824xf32, #tpu.memory_space<vmem>> -> memref<3824xf32, #tpu.memory_space<vmem>>
      %dma_wait3A_2898 = tpu.memref_slice %arg18[%mul3A_2884] : memref<61184xf32, #tpu.memory_space<vmem_shared>> -> memref<3824xf32, #tpu.memory_space<vmem_shared>>
      %dma_wait3A_2899 = arith.constant 0 : i32
      %dma_wait3A_2900 = tpu.memref_slice %arg15[%dma_wait3A_2899] : memref<7824xf32, #tpu.memory_space<vmem>> -> memref<3824xf32, #tpu.memory_space<vmem>>
      %dma_wait3A_2901 = tpu.memref_slice %arg18[%mul3A_2884] : memref<61184xf32, #tpu.memory_space<vmem_shared>> -> memref<3824xf32, #tpu.memory_space<vmem_shared>>
      tpu.wait_dma2 semaphore(%run_scoped3A : memref<!tpu.dma_semaphore, #tpu.memory_space<semaphore_mem>>) src(%dma_wait3A_2901 : memref<3824xf32, #tpu.memory_space<vmem_shared>>) dst(%dma_wait3A_2900 : memref<3824xf32, #tpu.memory_space<vmem>>)
      tpu.yield
    }) : () -> ()
    %mul3A_2885 = arith.constant 61184 : i32
    %mul3A_2886 = arith.muli %arg0, %mul3A_2885 : i32
    %mul3A_2887 = arith.constant 3824 : i32
    %mul3A_2888 = arith.muli %arg1, %mul3A_2887 : i32
    %add3A_2889 = arith.addi %mul3A_2886, %mul3A_2888 : i32
    "tpu.region"() ({
      %run_scoped3A = tpu.sem_alloc : memref<!tpu.dma_semaphore, #tpu.memory_space<semaphore_mem>>
      %dma_start3A_2890 = arith.constant 0 : i32
      %dma_start3A_2891 = tpu.memref_slice %arg15[%dma_start3A_2890] : memref<7824xf32, #tpu.memory_space<vmem>> -> memref<3824xf32, #tpu.memory_space<vmem>>
      %dma_start3A_2892 = tpu.memref_slice %arg7[%add3A_2889] : memref<122368xf32, #tpu.memory_space<hbm>> -> memref<3824xf32, #tpu.memory_space<hbm>>
      %dma_start3A_2893 = tpu.memref_slice %arg7[%add3A_2889] : memref<122368xf32, #tpu.memory_space<hbm>> -> memref<3824xf32, #tpu.memory_space<hbm>>
      %dma_start3A_2894 = arith.constant 0 : i32
      %dma_start3A_2895 = tpu.memref_slice %arg15[%dma_start3A_2894] : memref<7824xf32, #tpu.memory_space<vmem>> -> memref<3824xf32, #tpu.memory_space<vmem>>
      tpu.enqueue_dma source(%dma_start3A_2895 : memref<3824xf32, #tpu.memory_space<vmem>>) target(%dma_start3A_2893 : memref<3824xf32, #tpu.memory_space<hbm>>) target_semaphore(%run_scoped3A : memref<!tpu.dma_semaphore, #tpu.memory_space<semaphore_mem>>)
      %dma_wait3A_2896 = arith.constant 0 : i32
      %dma_wait3A_2897 = tpu.memref_slice %arg15[%dma_wait3A_2896] : memref<7824xf32, #tpu.memory_space<vmem>> -> memref<3824xf32, #tpu.memory_space<vmem>>
      %dma_wait3A_2898 = tpu.memref_slice %arg7[%add3A_2889] : memref<122368xf32, #tpu.memory_space<hbm>> -> memref<3824xf32, #tpu.memory_space<hbm>>
      %dma_wait3A_2899 = tpu.memref_slice %arg7[%add3A_2889] : memref<122368xf32, #tpu.memory_space<hbm>> -> memref<3824xf32, #tpu.memory_space<hbm>>
      %dma_wait3A_2900 = arith.constant 0 : i32
      %dma_wait3A_2901 = tpu.memref_slice %arg15[%dma_wait3A_2900] : memref<7824xf32, #tpu.memory_space<vmem>> -> memref<3824xf32, #tpu.memory_space<vmem>>
      tpu.wait_dma2 semaphore(%run_scoped3A : memref<!tpu.dma_semaphore, #tpu.memory_space<semaphore_mem>>) src(%dma_wait3A_2901 : memref<3824xf32, #tpu.memory_space<vmem>>) dst(%dma_wait3A_2899 : memref<3824xf32, #tpu.memory_space<hbm>>)
      tpu.yield
    }) : () -> ()
    return
  }
}

module attributes {stable_mosaic.version = 14 : i64} {
  func.func @_mega_kernel(%arg0: memref<489x489xf32, #tpu.memory_space<vmem>>, %arg1: memref<2x489x512xf32, #tpu.memory_space<vmem>>, %arg2: memref<2x60928xf32, #tpu.memory_space<vmem>>, %arg3: memref<1x489xf32, #tpu.memory_space<vmem>>, %arg4: memref<1x489xf32, #tpu.memory_space<vmem>>, %arg5: memref<1x489xf32, #tpu.memory_space<vmem>>, %arg6: memref<1x489xf32, #tpu.memory_space<vmem>>, %arg7: memref<489x512xf32, #tpu.memory_space<vmem>>, %arg8: memref<8x64xf32, #tpu.memory_space<vmem>>, %arg9: memref<64x8xf32, #tpu.memory_space<vmem>>, %arg10: memref<1x512xf32, #tpu.memory_space<vmem>>, %arg11: memref<512x256xf32, #tpu.memory_space<vmem>>, %arg12: memref<1x256xf32, #tpu.memory_space<vmem>>, %arg13: memref<256x1xf32, #tpu.memory_space<vmem>>, %arg14: memref<1x256xf32, #tpu.memory_space<vmem>>, %arg15: memref<1x256xf32, #tpu.memory_space<vmem>>, %arg16: memref<1x256xf32, #tpu.memory_space<vmem>>, %arg17: memref<1x256xf32, #tpu.memory_space<vmem>>, %arg18: memref<1x256xf32, #tpu.memory_space<vmem>>, %arg19: memref<256x512xf32, #tpu.memory_space<vmem>>, %arg20: memref<256x512xf32, #tpu.memory_space<vmem>>, %arg21: memref<1x512xf32, #tpu.memory_space<vmem>>, %arg22: memref<512x128xf32, #tpu.memory_space<vmem>>, %arg23: memref<1x128xf32, #tpu.memory_space<vmem>>, %arg24: memref<1x512xf32, #tpu.memory_space<vmem>>, %arg25: memref<1x512xf32, #tpu.memory_space<vmem>>, %arg26: memref<1x128xf32, #tpu.memory_space<vmem>>, %arg27: memref<1x128xf32, #tpu.memory_space<vmem>>, %arg28: memref<1x128xf32, #tpu.memory_space<vmem>>, %arg29: memref<1x1xf32, #tpu.memory_space<vmem>>, %arg30: memref<272x224xf32, #tpu.memory_space<vmem>>, %arg31: memref<272x512xf32, #tpu.memory_space<vmem>>, %arg32: memref<224x512xf32, #tpu.memory_space<vmem>>, %arg33: memref<60928x128xbf16, #tpu.memory_space<vmem>>) attributes {dimension_semantics = [], scalar_prefetch = 0 : i64, scratch_operands = 3 : i64, tpu.core_type = #tpu.core_type<tc>} {
    %get3A = arith.constant 0 : index
    %get3A_0 = arith.constant 0 : index
    %get3A_1 = vector.load %arg0[%get3A, %get3A_0] : memref<489x489xf32, #tpu.memory_space<vmem>>, vector<489x489xf32>
    %reduce_sum3A = arith.constant dense<0.000000e+00> : vector<489xf32>
    %reduce_sum3A_2 = vector.multi_reduction <add>, %get3A_1, %reduce_sum3A [0] : vector<489x489xf32> to vector<489xf32>
    %broadcast_in_dim3A = vector.shape_cast %reduce_sum3A_2 : vector<489xf32> to vector<1x489xf32>
    %div3A = arith.constant 4.890000e+02 : f32
    %div3A_3 = vector.broadcast %div3A : f32 to vector<1x489xf32>
    %div3A_4 = arith.divf %broadcast_in_dim3A, %div3A_3 : vector<1x489xf32>
    %sub3A = vector.broadcast %div3A_4 : vector<1x489xf32> to vector<489x489xf32>
    %sub3A_5 = arith.subf %get3A_1, %sub3A : vector<489x489xf32>
    %mul3A = arith.mulf %sub3A_5, %sub3A_5 : vector<489x489xf32>
    %reduce_sum3A_6 = arith.constant dense<0.000000e+00> : vector<489xf32>
    %reduce_sum3A_7 = vector.multi_reduction <add>, %mul3A, %reduce_sum3A_6 [0] : vector<489x489xf32> to vector<489xf32>
    %broadcast_in_dim3A_8 = vector.shape_cast %reduce_sum3A_7 : vector<489xf32> to vector<1x489xf32>
    %div3A_9 = arith.constant 4.890000e+02 : f32
    %div3A_10 = vector.broadcast %div3A_9 : f32 to vector<1x489xf32>
    %div3A_11 = arith.divf %broadcast_in_dim3A_8, %div3A_10 : vector<1x489xf32>
    %add3A = arith.constant 9.99999974E-6 : f32
    %add3A_12 = vector.broadcast %add3A : f32 to vector<1x489xf32>
    %add3A_13 = arith.addf %div3A_11, %add3A_12 : vector<1x489xf32>
    %sqrt3A = math.sqrt %add3A_13 : vector<1x489xf32>
    %div3A_14 = vector.broadcast %sqrt3A : vector<1x489xf32> to vector<489x489xf32>
    %div3A_15 = arith.divf %sub3A_5, %div3A_14 : vector<489x489xf32>
    %get3A_16 = arith.constant 0 : index
    %get3A_17 = arith.constant 0 : index
    %get3A_18 = vector.load %arg3[%get3A_16, %get3A_17] : memref<1x489xf32, #tpu.memory_space<vmem>>, vector<1x489xf32>
    %mul3A_19 = vector.broadcast %get3A_18 : vector<1x489xf32> to vector<489x489xf32>
    %mul3A_20 = arith.mulf %div3A_15, %mul3A_19 : vector<489x489xf32>
    %get3A_21 = arith.constant 0 : index
    %get3A_22 = arith.constant 0 : index
    %get3A_23 = vector.load %arg4[%get3A_21, %get3A_22] : memref<1x489xf32, #tpu.memory_space<vmem>>, vector<1x489xf32>
    %add3A_24 = vector.broadcast %get3A_23 : vector<1x489xf32> to vector<489x489xf32>
    %add3A_25 = arith.addf %mul3A_20, %add3A_24 : vector<489x489xf32>
    %reduce_sum3A_26 = arith.constant dense<0.000000e+00> : vector<489xf32>
    %reduce_sum3A_27 = vector.multi_reduction <add>, %add3A_25, %reduce_sum3A_26 [1] : vector<489x489xf32> to vector<489xf32>
    %broadcast_in_dim3A_28 = vector.shape_cast %reduce_sum3A_27 : vector<489xf32> to vector<489x1xf32>
    %div3A_29 = arith.constant 4.890000e+02 : f32
    %div3A_30 = vector.broadcast %div3A_29 : f32 to vector<489x1xf32>
    %div3A_31 = arith.divf %broadcast_in_dim3A_28, %div3A_30 : vector<489x1xf32>
    %sub3A_32 = vector.broadcast %div3A_31 : vector<489x1xf32> to vector<489x489xf32>
    %sub3A_33 = arith.subf %add3A_25, %sub3A_32 : vector<489x489xf32>
    %mul3A_34 = arith.mulf %sub3A_33, %sub3A_33 : vector<489x489xf32>
    %reduce_sum3A_35 = arith.constant dense<0.000000e+00> : vector<489xf32>
    %reduce_sum3A_36 = vector.multi_reduction <add>, %mul3A_34, %reduce_sum3A_35 [1] : vector<489x489xf32> to vector<489xf32>
    %broadcast_in_dim3A_37 = vector.shape_cast %reduce_sum3A_36 : vector<489xf32> to vector<489x1xf32>
    %div3A_38 = arith.constant 4.890000e+02 : f32
    %div3A_39 = vector.broadcast %div3A_38 : f32 to vector<489x1xf32>
    %div3A_40 = arith.divf %broadcast_in_dim3A_37, %div3A_39 : vector<489x1xf32>
    %add3A_41 = arith.constant 9.99999974E-6 : f32
    %add3A_42 = vector.broadcast %add3A_41 : f32 to vector<489x1xf32>
    %add3A_43 = arith.addf %div3A_40, %add3A_42 : vector<489x1xf32>
    %sqrt3A_44 = math.sqrt %add3A_43 : vector<489x1xf32>
    %div3A_45 = vector.broadcast %sqrt3A_44 : vector<489x1xf32> to vector<489x489xf32>
    %div3A_46 = arith.divf %sub3A_33, %div3A_45 : vector<489x489xf32>
    %get3A_47 = arith.constant 0 : index
    %get3A_48 = arith.constant 0 : index
    %get3A_49 = vector.load %arg5[%get3A_47, %get3A_48] : memref<1x489xf32, #tpu.memory_space<vmem>>, vector<1x489xf32>
    %mul3A_50 = vector.broadcast %get3A_49 : vector<1x489xf32> to vector<489x489xf32>
    %mul3A_51 = arith.mulf %div3A_46, %mul3A_50 : vector<489x489xf32>
    %get3A_52 = arith.constant 0 : index
    %get3A_53 = arith.constant 0 : index
    %get3A_54 = vector.load %arg6[%get3A_52, %get3A_53] : memref<1x489xf32, #tpu.memory_space<vmem>>, vector<1x489xf32>
    %add3A_55 = vector.broadcast %get3A_54 : vector<1x489xf32> to vector<489x489xf32>
    %add3A_56 = arith.addf %mul3A_51, %add3A_55 : vector<489x489xf32>
    %iota3A = tpu.iota {dimensions = array<i32: 0>} : vector<489x489xi32>
    %iota3A_57 = tpu.iota {dimensions = array<i32: 1>} : vector<489x489xi32>
    %get3A_58 = arith.constant 0 : index
    %get3A_59 = arith.constant 0 : index
    %get3A_60 = arith.constant 0 : index
    %get3A_61 = vector.load %arg1[%get3A_58, %get3A_59, %get3A_60] : memref<2x489x512xf32, #tpu.memory_space<vmem>>, vector<2x489x512xf32>
    %slice3A = vector.extract_strided_slice %get3A_61 {offsets = [0, 0, 0], sizes = [1, 489, 489], strides = [1, 1, 1]} : vector<2x489x512xf32> to vector<1x489x489xf32>
    %squeeze3A = vector.shape_cast %slice3A : vector<1x489x489xf32> to vector<489x489xf32>
    %slice3A_62 = vector.extract_strided_slice %get3A_61 {offsets = [1, 0, 0], sizes = [1, 489, 489], strides = [1, 1, 1]} : vector<2x489x512xf32> to vector<1x489x489xf32>
    %squeeze3A_63 = vector.shape_cast %slice3A_62 : vector<1x489x489xf32> to vector<489x489xf32>
    %add3A_64 = arith.addf %squeeze3A, %squeeze3A_63 : vector<489x489xf32>
    %eq3A = arith.cmpi eq, %iota3A, %iota3A_57 : vector<489x489xi32>
    %convert_element_type3A = arith.extui %eq3A : vector<489x489xi1> to vector<489x489xi32>
    %convert_element_type3A_65 = arith.sitofp %convert_element_type3A : vector<489x489xi32> to vector<489x489xf32>
    %add3A_66 = arith.addf %add3A_64, %convert_element_type3A_65 : vector<489x489xf32>
    %gt3A = arith.constant 0.000000e+00 : f32
    %gt3A_67 = vector.broadcast %gt3A : f32 to vector<489x489xf32>
    %gt3A_68 = arith.cmpf ogt, %add3A_66, %gt3A_67 : vector<489x489xf32>
    %get3A_69 = arith.constant 0 : index
    %get3A_70 = arith.constant 0 : index
    %get3A_71 = vector.load %arg7[%get3A_69, %get3A_70] : memref<489x512xf32, #tpu.memory_space<vmem>>, vector<489x512xf32>
    %dot_general3A = arith.constant dense<0.000000e+00> : vector<489x512xf32>
    %dot_general3A_72 = tpu.matmul %add3A_56, %get3A_71, %dot_general3A {dimension_numbers = #tpu.dot_dimension_numbers<[1], [0], [0], [1], [0, 0, 1, 1], [], []>, transpose_lhs_hint = false} : vector<489x489xf32>, vector<489x512xf32>, vector<489x512xf32> -> vector<489x512xf32>
    %slice3A_73 = vector.extract_strided_slice %dot_general3A_72 {offsets = [0, 0], sizes = [489, 64], strides = [1, 1]} : vector<489x512xf32> to vector<489x64xf32>
    %transpose3A = tpu.transpose %slice3A_73, [1, 0] : vector<489x64xf32> -> vector<64x489xf32>
    %get3A_74 = arith.constant 0 : index
    %get3A_75 = arith.constant 0 : index
    %get3A_76 = vector.load %arg8[%get3A_74, %get3A_75] : memref<8x64xf32, #tpu.memory_space<vmem>>, vector<1x64xf32>
    %dot_general3A_77 = arith.constant dense<0.000000e+00> : vector<1x489xf32>
    %dot_general3A_78 = tpu.matmul %get3A_76, %transpose3A, %dot_general3A_77 {dimension_numbers = #tpu.dot_dimension_numbers<[1], [0], [0], [1], [0, 0, 1, 1], [], []>, transpose_lhs_hint = false} : vector<1x64xf32>, vector<64x489xf32>, vector<1x489xf32> -> vector<1x489xf32>
    %get3A_79 = arith.constant 0 : index
    %get3A_80 = arith.constant 0 : index
    %get3A_81 = vector.load %arg9[%get3A_79, %get3A_80] : memref<64x8xf32, #tpu.memory_space<vmem>>, vector<64x1xf32>
    %dot_general3A_82 = arith.constant dense<0.000000e+00> : vector<489x1xf32>
    %dot_general3A_83 = tpu.matmul %slice3A_73, %get3A_81, %dot_general3A_82 {dimension_numbers = #tpu.dot_dimension_numbers<[1], [0], [0], [1], [0, 0, 1, 1], [], []>, transpose_lhs_hint = false} : vector<489x64xf32>, vector<64x1xf32>, vector<489x1xf32> -> vector<489x1xf32>
    %add3A_84 = vector.broadcast %dot_general3A_83 : vector<489x1xf32> to vector<489x489xf32>
    %add3A_85 = vector.broadcast %dot_general3A_78 : vector<1x489xf32> to vector<489x489xf32>
    %add3A_86 = arith.addf %add3A_84, %add3A_85 : vector<489x489xf32>
    %ge3A = arith.constant 0.000000e+00 : f32
    %ge3A_87 = vector.broadcast %ge3A : f32 to vector<489x489xf32>
    %ge3A_88 = arith.cmpf oge, %add3A_86, %ge3A_87 : vector<489x489xf32>
    %mul3A_89 = arith.constant 2.000000e-01 : f32
    %mul3A_90 = vector.broadcast %mul3A_89 : f32 to vector<489x489xf32>
    %mul3A_91 = arith.mulf %mul3A_90, %add3A_86 : vector<489x489xf32>
    %select_n3A = arith.select %ge3A_88, %add3A_86, %mul3A_91 : vector<489x489xi1>, vector<489x489xf32>
    %jit3A = arith.constant 0xFF800000 : f32
    %broadcast_in_dim3A_92 = vector.broadcast %jit3A : f32 to vector<489x489xf32>
    %select_n3A_93 = arith.select %gt3A_68, %select_n3A, %broadcast_in_dim3A_92 : vector<489x489xi1>, vector<489x489xf32>
    %reduce_max3A = arith.constant dense<0xFF800000> : vector<489xf32>
    %reduce_max3A_94 = vector.multi_reduction <maximumf>, %select_n3A_93, %reduce_max3A [1] : vector<489x489xf32> to vector<489xf32>
    %broadcast_in_dim3A_95 = vector.shape_cast %reduce_max3A_94 : vector<489xf32> to vector<489x1xf32>
    %sub3A_96 = vector.broadcast %broadcast_in_dim3A_95 : vector<489x1xf32> to vector<489x489xf32>
    %sub3A_97 = arith.subf %select_n3A, %sub3A_96 : vector<489x489xf32>
    %exp3A = math.exp %sub3A_97 : vector<489x489xf32>
    %jit3A_98 = arith.constant 0.000000e+00 : f32
    %broadcast_in_dim3A_99 = vector.broadcast %jit3A_98 : f32 to vector<489x489xf32>
    %select_n3A_100 = arith.select %gt3A_68, %exp3A, %broadcast_in_dim3A_99 : vector<489x489xi1>, vector<489x489xf32>
    %mul3A_101 = arith.mulf %add3A_66, %select_n3A_100 : vector<489x489xf32>
    %reduce_sum3A_102 = arith.constant dense<0.000000e+00> : vector<489xf32>
    %reduce_sum3A_103 = vector.multi_reduction <add>, %mul3A_101, %reduce_sum3A_102 [1] : vector<489x489xf32> to vector<489xf32>
    %broadcast_in_dim3A_104 = vector.shape_cast %reduce_sum3A_103 : vector<489xf32> to vector<489x1xf32>
    %add3A_105 = arith.constant 1.000000e-16 : f32
    %add3A_106 = vector.broadcast %add3A_105 : f32 to vector<489x1xf32>
    %add3A_107 = arith.addf %broadcast_in_dim3A_104, %add3A_106 : vector<489x1xf32>
    %div3A_108 = vector.broadcast %add3A_107 : vector<489x1xf32> to vector<489x489xf32>
    %div3A_109 = arith.divf %mul3A_101, %div3A_108 : vector<489x489xf32>
    %dot_general3A_110 = arith.constant dense<0.000000e+00> : vector<489x64xf32>
    %dot_general3A_111 = tpu.matmul %div3A_109, %slice3A_73, %dot_general3A_110 {dimension_numbers = #tpu.dot_dimension_numbers<[1], [0], [0], [1], [0, 0, 1, 1], [], []>, transpose_lhs_hint = false} : vector<489x489xf32>, vector<489x64xf32>, vector<489x64xf32> -> vector<489x64xf32>
    %slice3A_112 = vector.extract_strided_slice %dot_general3A_72 {offsets = [0, 64], sizes = [489, 64], strides = [1, 1]} : vector<489x512xf32> to vector<489x64xf32>
    %transpose3A_113 = tpu.transpose %slice3A_112, [1, 0] : vector<489x64xf32> -> vector<64x489xf32>
    %get3A_114 = arith.constant 1 : index
    %get3A_115 = arith.constant 0 : index
    %get3A_116 = vector.load %arg8[%get3A_114, %get3A_115] : memref<8x64xf32, #tpu.memory_space<vmem>>, vector<1x64xf32>
    %dot_general3A_117 = arith.constant dense<0.000000e+00> : vector<1x489xf32>
    %dot_general3A_118 = tpu.matmul %get3A_116, %transpose3A_113, %dot_general3A_117 {dimension_numbers = #tpu.dot_dimension_numbers<[1], [0], [0], [1], [0, 0, 1, 1], [], []>, transpose_lhs_hint = false} : vector<1x64xf32>, vector<64x489xf32>, vector<1x489xf32> -> vector<1x489xf32>
    %get3A_119 = arith.constant 0 : index
    %get3A_120 = arith.constant 1 : index
    %get3A_121 = vector.load %arg9[%get3A_119, %get3A_120] : memref<64x8xf32, #tpu.memory_space<vmem>>, vector<64x1xf32>
    %dot_general3A_122 = arith.constant dense<0.000000e+00> : vector<489x1xf32>
    %dot_general3A_123 = tpu.matmul %slice3A_112, %get3A_121, %dot_general3A_122 {dimension_numbers = #tpu.dot_dimension_numbers<[1], [0], [0], [1], [0, 0, 1, 1], [], []>, transpose_lhs_hint = false} : vector<489x64xf32>, vector<64x1xf32>, vector<489x1xf32> -> vector<489x1xf32>
    %add3A_124 = vector.broadcast %dot_general3A_123 : vector<489x1xf32> to vector<489x489xf32>
    %add3A_125 = vector.broadcast %dot_general3A_118 : vector<1x489xf32> to vector<489x489xf32>
    %add3A_126 = arith.addf %add3A_124, %add3A_125 : vector<489x489xf32>
    %ge3A_127 = arith.constant 0.000000e+00 : f32
    %ge3A_128 = vector.broadcast %ge3A_127 : f32 to vector<489x489xf32>
    %ge3A_129 = arith.cmpf oge, %add3A_126, %ge3A_128 : vector<489x489xf32>
    %mul3A_130 = arith.constant 2.000000e-01 : f32
    %mul3A_131 = vector.broadcast %mul3A_130 : f32 to vector<489x489xf32>
    %mul3A_132 = arith.mulf %mul3A_131, %add3A_126 : vector<489x489xf32>
    %select_n3A_133 = arith.select %ge3A_129, %add3A_126, %mul3A_132 : vector<489x489xi1>, vector<489x489xf32>
    %jit3A_134 = arith.constant 0xFF800000 : f32
    %broadcast_in_dim3A_135 = vector.broadcast %jit3A_134 : f32 to vector<489x489xf32>
    %select_n3A_136 = arith.select %gt3A_68, %select_n3A_133, %broadcast_in_dim3A_135 : vector<489x489xi1>, vector<489x489xf32>
    %reduce_max3A_137 = arith.constant dense<0xFF800000> : vector<489xf32>
    %reduce_max3A_138 = vector.multi_reduction <maximumf>, %select_n3A_136, %reduce_max3A_137 [1] : vector<489x489xf32> to vector<489xf32>
    %broadcast_in_dim3A_139 = vector.shape_cast %reduce_max3A_138 : vector<489xf32> to vector<489x1xf32>
    %sub3A_140 = vector.broadcast %broadcast_in_dim3A_139 : vector<489x1xf32> to vector<489x489xf32>
    %sub3A_141 = arith.subf %select_n3A_133, %sub3A_140 : vector<489x489xf32>
    %exp3A_142 = math.exp %sub3A_141 : vector<489x489xf32>
    %jit3A_143 = arith.constant 0.000000e+00 : f32
    %broadcast_in_dim3A_144 = vector.broadcast %jit3A_143 : f32 to vector<489x489xf32>
    %select_n3A_145 = arith.select %gt3A_68, %exp3A_142, %broadcast_in_dim3A_144 : vector<489x489xi1>, vector<489x489xf32>
    %mul3A_146 = arith.mulf %add3A_66, %select_n3A_145 : vector<489x489xf32>
    %reduce_sum3A_147 = arith.constant dense<0.000000e+00> : vector<489xf32>
    %reduce_sum3A_148 = vector.multi_reduction <add>, %mul3A_146, %reduce_sum3A_147 [1] : vector<489x489xf32> to vector<489xf32>
    %broadcast_in_dim3A_149 = vector.shape_cast %reduce_sum3A_148 : vector<489xf32> to vector<489x1xf32>
    %add3A_150 = arith.constant 1.000000e-16 : f32
    %add3A_151 = vector.broadcast %add3A_150 : f32 to vector<489x1xf32>
    %add3A_152 = arith.addf %broadcast_in_dim3A_149, %add3A_151 : vector<489x1xf32>
    %div3A_153 = vector.broadcast %add3A_152 : vector<489x1xf32> to vector<489x489xf32>
    %div3A_154 = arith.divf %mul3A_146, %div3A_153 : vector<489x489xf32>
    %dot_general3A_155 = arith.constant dense<0.000000e+00> : vector<489x64xf32>
    %dot_general3A_156 = tpu.matmul %div3A_154, %slice3A_112, %dot_general3A_155 {dimension_numbers = #tpu.dot_dimension_numbers<[1], [0], [0], [1], [0, 0, 1, 1], [], []>, transpose_lhs_hint = false} : vector<489x489xf32>, vector<489x64xf32>, vector<489x64xf32> -> vector<489x64xf32>
    %slice3A_157 = vector.extract_strided_slice %dot_general3A_72 {offsets = [0, 128], sizes = [489, 64], strides = [1, 1]} : vector<489x512xf32> to vector<489x64xf32>
    %transpose3A_158 = tpu.transpose %slice3A_157, [1, 0] : vector<489x64xf32> -> vector<64x489xf32>
    %get3A_159 = arith.constant 2 : index
    %get3A_160 = arith.constant 0 : index
    %get3A_161 = vector.load %arg8[%get3A_159, %get3A_160] : memref<8x64xf32, #tpu.memory_space<vmem>>, vector<1x64xf32>
    %dot_general3A_162 = arith.constant dense<0.000000e+00> : vector<1x489xf32>
    %dot_general3A_163 = tpu.matmul %get3A_161, %transpose3A_158, %dot_general3A_162 {dimension_numbers = #tpu.dot_dimension_numbers<[1], [0], [0], [1], [0, 0, 1, 1], [], []>, transpose_lhs_hint = false} : vector<1x64xf32>, vector<64x489xf32>, vector<1x489xf32> -> vector<1x489xf32>
    %get3A_164 = arith.constant 0 : index
    %get3A_165 = arith.constant 2 : index
    %get3A_166 = vector.load %arg9[%get3A_164, %get3A_165] : memref<64x8xf32, #tpu.memory_space<vmem>>, vector<64x1xf32>
    %dot_general3A_167 = arith.constant dense<0.000000e+00> : vector<489x1xf32>
    %dot_general3A_168 = tpu.matmul %slice3A_157, %get3A_166, %dot_general3A_167 {dimension_numbers = #tpu.dot_dimension_numbers<[1], [0], [0], [1], [0, 0, 1, 1], [], []>, transpose_lhs_hint = false} : vector<489x64xf32>, vector<64x1xf32>, vector<489x1xf32> -> vector<489x1xf32>
    %add3A_169 = vector.broadcast %dot_general3A_168 : vector<489x1xf32> to vector<489x489xf32>
    %add3A_170 = vector.broadcast %dot_general3A_163 : vector<1x489xf32> to vector<489x489xf32>
    %add3A_171 = arith.addf %add3A_169, %add3A_170 : vector<489x489xf32>
    %ge3A_172 = arith.constant 0.000000e+00 : f32
    %ge3A_173 = vector.broadcast %ge3A_172 : f32 to vector<489x489xf32>
    %ge3A_174 = arith.cmpf oge, %add3A_171, %ge3A_173 : vector<489x489xf32>
    %mul3A_175 = arith.constant 2.000000e-01 : f32
    %mul3A_176 = vector.broadcast %mul3A_175 : f32 to vector<489x489xf32>
    %mul3A_177 = arith.mulf %mul3A_176, %add3A_171 : vector<489x489xf32>
    %select_n3A_178 = arith.select %ge3A_174, %add3A_171, %mul3A_177 : vector<489x489xi1>, vector<489x489xf32>
    %jit3A_179 = arith.constant 0xFF800000 : f32
    %broadcast_in_dim3A_180 = vector.broadcast %jit3A_179 : f32 to vector<489x489xf32>
    %select_n3A_181 = arith.select %gt3A_68, %select_n3A_178, %broadcast_in_dim3A_180 : vector<489x489xi1>, vector<489x489xf32>
    %reduce_max3A_182 = arith.constant dense<0xFF800000> : vector<489xf32>
    %reduce_max3A_183 = vector.multi_reduction <maximumf>, %select_n3A_181, %reduce_max3A_182 [1] : vector<489x489xf32> to vector<489xf32>
    %broadcast_in_dim3A_184 = vector.shape_cast %reduce_max3A_183 : vector<489xf32> to vector<489x1xf32>
    %sub3A_185 = vector.broadcast %broadcast_in_dim3A_184 : vector<489x1xf32> to vector<489x489xf32>
    %sub3A_186 = arith.subf %select_n3A_178, %sub3A_185 : vector<489x489xf32>
    %exp3A_187 = math.exp %sub3A_186 : vector<489x489xf32>
    %jit3A_188 = arith.constant 0.000000e+00 : f32
    %broadcast_in_dim3A_189 = vector.broadcast %jit3A_188 : f32 to vector<489x489xf32>
    %select_n3A_190 = arith.select %gt3A_68, %exp3A_187, %broadcast_in_dim3A_189 : vector<489x489xi1>, vector<489x489xf32>
    %mul3A_191 = arith.mulf %add3A_66, %select_n3A_190 : vector<489x489xf32>
    %reduce_sum3A_192 = arith.constant dense<0.000000e+00> : vector<489xf32>
    %reduce_sum3A_193 = vector.multi_reduction <add>, %mul3A_191, %reduce_sum3A_192 [1] : vector<489x489xf32> to vector<489xf32>
    %broadcast_in_dim3A_194 = vector.shape_cast %reduce_sum3A_193 : vector<489xf32> to vector<489x1xf32>
    %add3A_195 = arith.constant 1.000000e-16 : f32
    %add3A_196 = vector.broadcast %add3A_195 : f32 to vector<489x1xf32>
    %add3A_197 = arith.addf %broadcast_in_dim3A_194, %add3A_196 : vector<489x1xf32>
    %div3A_198 = vector.broadcast %add3A_197 : vector<489x1xf32> to vector<489x489xf32>
    %div3A_199 = arith.divf %mul3A_191, %div3A_198 : vector<489x489xf32>
    %dot_general3A_200 = arith.constant dense<0.000000e+00> : vector<489x64xf32>
    %dot_general3A_201 = tpu.matmul %div3A_199, %slice3A_157, %dot_general3A_200 {dimension_numbers = #tpu.dot_dimension_numbers<[1], [0], [0], [1], [0, 0, 1, 1], [], []>, transpose_lhs_hint = false} : vector<489x489xf32>, vector<489x64xf32>, vector<489x64xf32> -> vector<489x64xf32>
    %slice3A_202 = vector.extract_strided_slice %dot_general3A_72 {offsets = [0, 192], sizes = [489, 64], strides = [1, 1]} : vector<489x512xf32> to vector<489x64xf32>
    %transpose3A_203 = tpu.transpose %slice3A_202, [1, 0] : vector<489x64xf32> -> vector<64x489xf32>
    %get3A_204 = arith.constant 3 : index
    %get3A_205 = arith.constant 0 : index
    %get3A_206 = vector.load %arg8[%get3A_204, %get3A_205] : memref<8x64xf32, #tpu.memory_space<vmem>>, vector<1x64xf32>
    %dot_general3A_207 = arith.constant dense<0.000000e+00> : vector<1x489xf32>
    %dot_general3A_208 = tpu.matmul %get3A_206, %transpose3A_203, %dot_general3A_207 {dimension_numbers = #tpu.dot_dimension_numbers<[1], [0], [0], [1], [0, 0, 1, 1], [], []>, transpose_lhs_hint = false} : vector<1x64xf32>, vector<64x489xf32>, vector<1x489xf32> -> vector<1x489xf32>
    %get3A_209 = arith.constant 0 : index
    %get3A_210 = arith.constant 3 : index
    %get3A_211 = vector.load %arg9[%get3A_209, %get3A_210] : memref<64x8xf32, #tpu.memory_space<vmem>>, vector<64x1xf32>
    %dot_general3A_212 = arith.constant dense<0.000000e+00> : vector<489x1xf32>
    %dot_general3A_213 = tpu.matmul %slice3A_202, %get3A_211, %dot_general3A_212 {dimension_numbers = #tpu.dot_dimension_numbers<[1], [0], [0], [1], [0, 0, 1, 1], [], []>, transpose_lhs_hint = false} : vector<489x64xf32>, vector<64x1xf32>, vector<489x1xf32> -> vector<489x1xf32>
    %add3A_214 = vector.broadcast %dot_general3A_213 : vector<489x1xf32> to vector<489x489xf32>
    %add3A_215 = vector.broadcast %dot_general3A_208 : vector<1x489xf32> to vector<489x489xf32>
    %add3A_216 = arith.addf %add3A_214, %add3A_215 : vector<489x489xf32>
    %ge3A_217 = arith.constant 0.000000e+00 : f32
    %ge3A_218 = vector.broadcast %ge3A_217 : f32 to vector<489x489xf32>
    %ge3A_219 = arith.cmpf oge, %add3A_216, %ge3A_218 : vector<489x489xf32>
    %mul3A_220 = arith.constant 2.000000e-01 : f32
    %mul3A_221 = vector.broadcast %mul3A_220 : f32 to vector<489x489xf32>
    %mul3A_222 = arith.mulf %mul3A_221, %add3A_216 : vector<489x489xf32>
    %select_n3A_223 = arith.select %ge3A_219, %add3A_216, %mul3A_222 : vector<489x489xi1>, vector<489x489xf32>
    %jit3A_224 = arith.constant 0xFF800000 : f32
    %broadcast_in_dim3A_225 = vector.broadcast %jit3A_224 : f32 to vector<489x489xf32>
    %select_n3A_226 = arith.select %gt3A_68, %select_n3A_223, %broadcast_in_dim3A_225 : vector<489x489xi1>, vector<489x489xf32>
    %reduce_max3A_227 = arith.constant dense<0xFF800000> : vector<489xf32>
    %reduce_max3A_228 = vector.multi_reduction <maximumf>, %select_n3A_226, %reduce_max3A_227 [1] : vector<489x489xf32> to vector<489xf32>
    %broadcast_in_dim3A_229 = vector.shape_cast %reduce_max3A_228 : vector<489xf32> to vector<489x1xf32>
    %sub3A_230 = vector.broadcast %broadcast_in_dim3A_229 : vector<489x1xf32> to vector<489x489xf32>
    %sub3A_231 = arith.subf %select_n3A_223, %sub3A_230 : vector<489x489xf32>
    %exp3A_232 = math.exp %sub3A_231 : vector<489x489xf32>
    %jit3A_233 = arith.constant 0.000000e+00 : f32
    %broadcast_in_dim3A_234 = vector.broadcast %jit3A_233 : f32 to vector<489x489xf32>
    %select_n3A_235 = arith.select %gt3A_68, %exp3A_232, %broadcast_in_dim3A_234 : vector<489x489xi1>, vector<489x489xf32>
    %mul3A_236 = arith.mulf %add3A_66, %select_n3A_235 : vector<489x489xf32>
    %reduce_sum3A_237 = arith.constant dense<0.000000e+00> : vector<489xf32>
    %reduce_sum3A_238 = vector.multi_reduction <add>, %mul3A_236, %reduce_sum3A_237 [1] : vector<489x489xf32> to vector<489xf32>
    %broadcast_in_dim3A_239 = vector.shape_cast %reduce_sum3A_238 : vector<489xf32> to vector<489x1xf32>
    %add3A_240 = arith.constant 1.000000e-16 : f32
    %add3A_241 = vector.broadcast %add3A_240 : f32 to vector<489x1xf32>
    %add3A_242 = arith.addf %broadcast_in_dim3A_239, %add3A_241 : vector<489x1xf32>
    %div3A_243 = vector.broadcast %add3A_242 : vector<489x1xf32> to vector<489x489xf32>
    %div3A_244 = arith.divf %mul3A_236, %div3A_243 : vector<489x489xf32>
    %dot_general3A_245 = arith.constant dense<0.000000e+00> : vector<489x64xf32>
    %dot_general3A_246 = tpu.matmul %div3A_244, %slice3A_202, %dot_general3A_245 {dimension_numbers = #tpu.dot_dimension_numbers<[1], [0], [0], [1], [0, 0, 1, 1], [], []>, transpose_lhs_hint = false} : vector<489x489xf32>, vector<489x64xf32>, vector<489x64xf32> -> vector<489x64xf32>
    %slice3A_247 = vector.extract_strided_slice %dot_general3A_72 {offsets = [0, 256], sizes = [489, 64], strides = [1, 1]} : vector<489x512xf32> to vector<489x64xf32>
    %transpose3A_248 = tpu.transpose %slice3A_247, [1, 0] : vector<489x64xf32> -> vector<64x489xf32>
    %get3A_249 = arith.constant 4 : index
    %get3A_250 = arith.constant 0 : index
    %get3A_251 = vector.load %arg8[%get3A_249, %get3A_250] : memref<8x64xf32, #tpu.memory_space<vmem>>, vector<1x64xf32>
    %dot_general3A_252 = arith.constant dense<0.000000e+00> : vector<1x489xf32>
    %dot_general3A_253 = tpu.matmul %get3A_251, %transpose3A_248, %dot_general3A_252 {dimension_numbers = #tpu.dot_dimension_numbers<[1], [0], [0], [1], [0, 0, 1, 1], [], []>, transpose_lhs_hint = false} : vector<1x64xf32>, vector<64x489xf32>, vector<1x489xf32> -> vector<1x489xf32>
    %get3A_254 = arith.constant 0 : index
    %get3A_255 = arith.constant 4 : index
    %get3A_256 = vector.load %arg9[%get3A_254, %get3A_255] : memref<64x8xf32, #tpu.memory_space<vmem>>, vector<64x1xf32>
    %dot_general3A_257 = arith.constant dense<0.000000e+00> : vector<489x1xf32>
    %dot_general3A_258 = tpu.matmul %slice3A_247, %get3A_256, %dot_general3A_257 {dimension_numbers = #tpu.dot_dimension_numbers<[1], [0], [0], [1], [0, 0, 1, 1], [], []>, transpose_lhs_hint = false} : vector<489x64xf32>, vector<64x1xf32>, vector<489x1xf32> -> vector<489x1xf32>
    %add3A_259 = vector.broadcast %dot_general3A_258 : vector<489x1xf32> to vector<489x489xf32>
    %add3A_260 = vector.broadcast %dot_general3A_253 : vector<1x489xf32> to vector<489x489xf32>
    %add3A_261 = arith.addf %add3A_259, %add3A_260 : vector<489x489xf32>
    %ge3A_262 = arith.constant 0.000000e+00 : f32
    %ge3A_263 = vector.broadcast %ge3A_262 : f32 to vector<489x489xf32>
    %ge3A_264 = arith.cmpf oge, %add3A_261, %ge3A_263 : vector<489x489xf32>
    %mul3A_265 = arith.constant 2.000000e-01 : f32
    %mul3A_266 = vector.broadcast %mul3A_265 : f32 to vector<489x489xf32>
    %mul3A_267 = arith.mulf %mul3A_266, %add3A_261 : vector<489x489xf32>
    %select_n3A_268 = arith.select %ge3A_264, %add3A_261, %mul3A_267 : vector<489x489xi1>, vector<489x489xf32>
    %jit3A_269 = arith.constant 0xFF800000 : f32
    %broadcast_in_dim3A_270 = vector.broadcast %jit3A_269 : f32 to vector<489x489xf32>
    %select_n3A_271 = arith.select %gt3A_68, %select_n3A_268, %broadcast_in_dim3A_270 : vector<489x489xi1>, vector<489x489xf32>
    %reduce_max3A_272 = arith.constant dense<0xFF800000> : vector<489xf32>
    %reduce_max3A_273 = vector.multi_reduction <maximumf>, %select_n3A_271, %reduce_max3A_272 [1] : vector<489x489xf32> to vector<489xf32>
    %broadcast_in_dim3A_274 = vector.shape_cast %reduce_max3A_273 : vector<489xf32> to vector<489x1xf32>
    %sub3A_275 = vector.broadcast %broadcast_in_dim3A_274 : vector<489x1xf32> to vector<489x489xf32>
    %sub3A_276 = arith.subf %select_n3A_268, %sub3A_275 : vector<489x489xf32>
    %exp3A_277 = math.exp %sub3A_276 : vector<489x489xf32>
    %jit3A_278 = arith.constant 0.000000e+00 : f32
    %broadcast_in_dim3A_279 = vector.broadcast %jit3A_278 : f32 to vector<489x489xf32>
    %select_n3A_280 = arith.select %gt3A_68, %exp3A_277, %broadcast_in_dim3A_279 : vector<489x489xi1>, vector<489x489xf32>
    %mul3A_281 = arith.mulf %add3A_66, %select_n3A_280 : vector<489x489xf32>
    %reduce_sum3A_282 = arith.constant dense<0.000000e+00> : vector<489xf32>
    %reduce_sum3A_283 = vector.multi_reduction <add>, %mul3A_281, %reduce_sum3A_282 [1] : vector<489x489xf32> to vector<489xf32>
    %broadcast_in_dim3A_284 = vector.shape_cast %reduce_sum3A_283 : vector<489xf32> to vector<489x1xf32>
    %add3A_285 = arith.constant 1.000000e-16 : f32
    %add3A_286 = vector.broadcast %add3A_285 : f32 to vector<489x1xf32>
    %add3A_287 = arith.addf %broadcast_in_dim3A_284, %add3A_286 : vector<489x1xf32>
    %div3A_288 = vector.broadcast %add3A_287 : vector<489x1xf32> to vector<489x489xf32>
    %div3A_289 = arith.divf %mul3A_281, %div3A_288 : vector<489x489xf32>
    %dot_general3A_290 = arith.constant dense<0.000000e+00> : vector<489x64xf32>
    %dot_general3A_291 = tpu.matmul %div3A_289, %slice3A_247, %dot_general3A_290 {dimension_numbers = #tpu.dot_dimension_numbers<[1], [0], [0], [1], [0, 0, 1, 1], [], []>, transpose_lhs_hint = false} : vector<489x489xf32>, vector<489x64xf32>, vector<489x64xf32> -> vector<489x64xf32>
    %slice3A_292 = vector.extract_strided_slice %dot_general3A_72 {offsets = [0, 320], sizes = [489, 64], strides = [1, 1]} : vector<489x512xf32> to vector<489x64xf32>
    %transpose3A_293 = tpu.transpose %slice3A_292, [1, 0] : vector<489x64xf32> -> vector<64x489xf32>
    %get3A_294 = arith.constant 5 : index
    %get3A_295 = arith.constant 0 : index
    %get3A_296 = vector.load %arg8[%get3A_294, %get3A_295] : memref<8x64xf32, #tpu.memory_space<vmem>>, vector<1x64xf32>
    %dot_general3A_297 = arith.constant dense<0.000000e+00> : vector<1x489xf32>
    %dot_general3A_298 = tpu.matmul %get3A_296, %transpose3A_293, %dot_general3A_297 {dimension_numbers = #tpu.dot_dimension_numbers<[1], [0], [0], [1], [0, 0, 1, 1], [], []>, transpose_lhs_hint = false} : vector<1x64xf32>, vector<64x489xf32>, vector<1x489xf32> -> vector<1x489xf32>
    %get3A_299 = arith.constant 0 : index
    %get3A_300 = arith.constant 5 : index
    %get3A_301 = vector.load %arg9[%get3A_299, %get3A_300] : memref<64x8xf32, #tpu.memory_space<vmem>>, vector<64x1xf32>
    %dot_general3A_302 = arith.constant dense<0.000000e+00> : vector<489x1xf32>
    %dot_general3A_303 = tpu.matmul %slice3A_292, %get3A_301, %dot_general3A_302 {dimension_numbers = #tpu.dot_dimension_numbers<[1], [0], [0], [1], [0, 0, 1, 1], [], []>, transpose_lhs_hint = false} : vector<489x64xf32>, vector<64x1xf32>, vector<489x1xf32> -> vector<489x1xf32>
    %add3A_304 = vector.broadcast %dot_general3A_303 : vector<489x1xf32> to vector<489x489xf32>
    %add3A_305 = vector.broadcast %dot_general3A_298 : vector<1x489xf32> to vector<489x489xf32>
    %add3A_306 = arith.addf %add3A_304, %add3A_305 : vector<489x489xf32>
    %ge3A_307 = arith.constant 0.000000e+00 : f32
    %ge3A_308 = vector.broadcast %ge3A_307 : f32 to vector<489x489xf32>
    %ge3A_309 = arith.cmpf oge, %add3A_306, %ge3A_308 : vector<489x489xf32>
    %mul3A_310 = arith.constant 2.000000e-01 : f32
    %mul3A_311 = vector.broadcast %mul3A_310 : f32 to vector<489x489xf32>
    %mul3A_312 = arith.mulf %mul3A_311, %add3A_306 : vector<489x489xf32>
    %select_n3A_313 = arith.select %ge3A_309, %add3A_306, %mul3A_312 : vector<489x489xi1>, vector<489x489xf32>
    %jit3A_314 = arith.constant 0xFF800000 : f32
    %broadcast_in_dim3A_315 = vector.broadcast %jit3A_314 : f32 to vector<489x489xf32>
    %select_n3A_316 = arith.select %gt3A_68, %select_n3A_313, %broadcast_in_dim3A_315 : vector<489x489xi1>, vector<489x489xf32>
    %reduce_max3A_317 = arith.constant dense<0xFF800000> : vector<489xf32>
    %reduce_max3A_318 = vector.multi_reduction <maximumf>, %select_n3A_316, %reduce_max3A_317 [1] : vector<489x489xf32> to vector<489xf32>
    %broadcast_in_dim3A_319 = vector.shape_cast %reduce_max3A_318 : vector<489xf32> to vector<489x1xf32>
    %sub3A_320 = vector.broadcast %broadcast_in_dim3A_319 : vector<489x1xf32> to vector<489x489xf32>
    %sub3A_321 = arith.subf %select_n3A_313, %sub3A_320 : vector<489x489xf32>
    %exp3A_322 = math.exp %sub3A_321 : vector<489x489xf32>
    %jit3A_323 = arith.constant 0.000000e+00 : f32
    %broadcast_in_dim3A_324 = vector.broadcast %jit3A_323 : f32 to vector<489x489xf32>
    %select_n3A_325 = arith.select %gt3A_68, %exp3A_322, %broadcast_in_dim3A_324 : vector<489x489xi1>, vector<489x489xf32>
    %mul3A_326 = arith.mulf %add3A_66, %select_n3A_325 : vector<489x489xf32>
    %reduce_sum3A_327 = arith.constant dense<0.000000e+00> : vector<489xf32>
    %reduce_sum3A_328 = vector.multi_reduction <add>, %mul3A_326, %reduce_sum3A_327 [1] : vector<489x489xf32> to vector<489xf32>
    %broadcast_in_dim3A_329 = vector.shape_cast %reduce_sum3A_328 : vector<489xf32> to vector<489x1xf32>
    %add3A_330 = arith.constant 1.000000e-16 : f32
    %add3A_331 = vector.broadcast %add3A_330 : f32 to vector<489x1xf32>
    %add3A_332 = arith.addf %broadcast_in_dim3A_329, %add3A_331 : vector<489x1xf32>
    %div3A_333 = vector.broadcast %add3A_332 : vector<489x1xf32> to vector<489x489xf32>
    %div3A_334 = arith.divf %mul3A_326, %div3A_333 : vector<489x489xf32>
    %dot_general3A_335 = arith.constant dense<0.000000e+00> : vector<489x64xf32>
    %dot_general3A_336 = tpu.matmul %div3A_334, %slice3A_292, %dot_general3A_335 {dimension_numbers = #tpu.dot_dimension_numbers<[1], [0], [0], [1], [0, 0, 1, 1], [], []>, transpose_lhs_hint = false} : vector<489x489xf32>, vector<489x64xf32>, vector<489x64xf32> -> vector<489x64xf32>
    %slice3A_337 = vector.extract_strided_slice %dot_general3A_72 {offsets = [0, 384], sizes = [489, 64], strides = [1, 1]} : vector<489x512xf32> to vector<489x64xf32>
    %transpose3A_338 = tpu.transpose %slice3A_337, [1, 0] : vector<489x64xf32> -> vector<64x489xf32>
    %get3A_339 = arith.constant 6 : index
    %get3A_340 = arith.constant 0 : index
    %get3A_341 = vector.load %arg8[%get3A_339, %get3A_340] : memref<8x64xf32, #tpu.memory_space<vmem>>, vector<1x64xf32>
    %dot_general3A_342 = arith.constant dense<0.000000e+00> : vector<1x489xf32>
    %dot_general3A_343 = tpu.matmul %get3A_341, %transpose3A_338, %dot_general3A_342 {dimension_numbers = #tpu.dot_dimension_numbers<[1], [0], [0], [1], [0, 0, 1, 1], [], []>, transpose_lhs_hint = false} : vector<1x64xf32>, vector<64x489xf32>, vector<1x489xf32> -> vector<1x489xf32>
    %get3A_344 = arith.constant 0 : index
    %get3A_345 = arith.constant 6 : index
    %get3A_346 = vector.load %arg9[%get3A_344, %get3A_345] : memref<64x8xf32, #tpu.memory_space<vmem>>, vector<64x1xf32>
    %dot_general3A_347 = arith.constant dense<0.000000e+00> : vector<489x1xf32>
    %dot_general3A_348 = tpu.matmul %slice3A_337, %get3A_346, %dot_general3A_347 {dimension_numbers = #tpu.dot_dimension_numbers<[1], [0], [0], [1], [0, 0, 1, 1], [], []>, transpose_lhs_hint = false} : vector<489x64xf32>, vector<64x1xf32>, vector<489x1xf32> -> vector<489x1xf32>
    %add3A_349 = vector.broadcast %dot_general3A_348 : vector<489x1xf32> to vector<489x489xf32>
    %add3A_350 = vector.broadcast %dot_general3A_343 : vector<1x489xf32> to vector<489x489xf32>
    %add3A_351 = arith.addf %add3A_349, %add3A_350 : vector<489x489xf32>
    %ge3A_352 = arith.constant 0.000000e+00 : f32
    %ge3A_353 = vector.broadcast %ge3A_352 : f32 to vector<489x489xf32>
    %ge3A_354 = arith.cmpf oge, %add3A_351, %ge3A_353 : vector<489x489xf32>
    %mul3A_355 = arith.constant 2.000000e-01 : f32
    %mul3A_356 = vector.broadcast %mul3A_355 : f32 to vector<489x489xf32>
    %mul3A_357 = arith.mulf %mul3A_356, %add3A_351 : vector<489x489xf32>
    %select_n3A_358 = arith.select %ge3A_354, %add3A_351, %mul3A_357 : vector<489x489xi1>, vector<489x489xf32>
    %jit3A_359 = arith.constant 0xFF800000 : f32
    %broadcast_in_dim3A_360 = vector.broadcast %jit3A_359 : f32 to vector<489x489xf32>
    %select_n3A_361 = arith.select %gt3A_68, %select_n3A_358, %broadcast_in_dim3A_360 : vector<489x489xi1>, vector<489x489xf32>
    %reduce_max3A_362 = arith.constant dense<0xFF800000> : vector<489xf32>
    %reduce_max3A_363 = vector.multi_reduction <maximumf>, %select_n3A_361, %reduce_max3A_362 [1] : vector<489x489xf32> to vector<489xf32>
    %broadcast_in_dim3A_364 = vector.shape_cast %reduce_max3A_363 : vector<489xf32> to vector<489x1xf32>
    %sub3A_365 = vector.broadcast %broadcast_in_dim3A_364 : vector<489x1xf32> to vector<489x489xf32>
    %sub3A_366 = arith.subf %select_n3A_358, %sub3A_365 : vector<489x489xf32>
    %exp3A_367 = math.exp %sub3A_366 : vector<489x489xf32>
    %jit3A_368 = arith.constant 0.000000e+00 : f32
    %broadcast_in_dim3A_369 = vector.broadcast %jit3A_368 : f32 to vector<489x489xf32>
    %select_n3A_370 = arith.select %gt3A_68, %exp3A_367, %broadcast_in_dim3A_369 : vector<489x489xi1>, vector<489x489xf32>
    %mul3A_371 = arith.mulf %add3A_66, %select_n3A_370 : vector<489x489xf32>
    %reduce_sum3A_372 = arith.constant dense<0.000000e+00> : vector<489xf32>
    %reduce_sum3A_373 = vector.multi_reduction <add>, %mul3A_371, %reduce_sum3A_372 [1] : vector<489x489xf32> to vector<489xf32>
    %broadcast_in_dim3A_374 = vector.shape_cast %reduce_sum3A_373 : vector<489xf32> to vector<489x1xf32>
    %add3A_375 = arith.constant 1.000000e-16 : f32
    %add3A_376 = vector.broadcast %add3A_375 : f32 to vector<489x1xf32>
    %add3A_377 = arith.addf %broadcast_in_dim3A_374, %add3A_376 : vector<489x1xf32>
    %div3A_378 = vector.broadcast %add3A_377 : vector<489x1xf32> to vector<489x489xf32>
    %div3A_379 = arith.divf %mul3A_371, %div3A_378 : vector<489x489xf32>
    %dot_general3A_380 = arith.constant dense<0.000000e+00> : vector<489x64xf32>
    %dot_general3A_381 = tpu.matmul %div3A_379, %slice3A_337, %dot_general3A_380 {dimension_numbers = #tpu.dot_dimension_numbers<[1], [0], [0], [1], [0, 0, 1, 1], [], []>, transpose_lhs_hint = false} : vector<489x489xf32>, vector<489x64xf32>, vector<489x64xf32> -> vector<489x64xf32>
    %slice3A_382 = vector.extract_strided_slice %dot_general3A_72 {offsets = [0, 448], sizes = [489, 64], strides = [1, 1]} : vector<489x512xf32> to vector<489x64xf32>
    %transpose3A_383 = tpu.transpose %slice3A_382, [1, 0] : vector<489x64xf32> -> vector<64x489xf32>
    %get3A_384 = arith.constant 7 : index
    %get3A_385 = arith.constant 0 : index
    %get3A_386 = vector.load %arg8[%get3A_384, %get3A_385] : memref<8x64xf32, #tpu.memory_space<vmem>>, vector<1x64xf32>
    %dot_general3A_387 = arith.constant dense<0.000000e+00> : vector<1x489xf32>
    %dot_general3A_388 = tpu.matmul %get3A_386, %transpose3A_383, %dot_general3A_387 {dimension_numbers = #tpu.dot_dimension_numbers<[1], [0], [0], [1], [0, 0, 1, 1], [], []>, transpose_lhs_hint = false} : vector<1x64xf32>, vector<64x489xf32>, vector<1x489xf32> -> vector<1x489xf32>
    %get3A_389 = arith.constant 0 : index
    %get3A_390 = arith.constant 7 : index
    %get3A_391 = vector.load %arg9[%get3A_389, %get3A_390] : memref<64x8xf32, #tpu.memory_space<vmem>>, vector<64x1xf32>
    %dot_general3A_392 = arith.constant dense<0.000000e+00> : vector<489x1xf32>
    %dot_general3A_393 = tpu.matmul %slice3A_382, %get3A_391, %dot_general3A_392 {dimension_numbers = #tpu.dot_dimension_numbers<[1], [0], [0], [1], [0, 0, 1, 1], [], []>, transpose_lhs_hint = false} : vector<489x64xf32>, vector<64x1xf32>, vector<489x1xf32> -> vector<489x1xf32>
    %add3A_394 = vector.broadcast %dot_general3A_393 : vector<489x1xf32> to vector<489x489xf32>
    %add3A_395 = vector.broadcast %dot_general3A_388 : vector<1x489xf32> to vector<489x489xf32>
    %add3A_396 = arith.addf %add3A_394, %add3A_395 : vector<489x489xf32>
    %ge3A_397 = arith.constant 0.000000e+00 : f32
    %ge3A_398 = vector.broadcast %ge3A_397 : f32 to vector<489x489xf32>
    %ge3A_399 = arith.cmpf oge, %add3A_396, %ge3A_398 : vector<489x489xf32>
    %mul3A_400 = arith.constant 2.000000e-01 : f32
    %mul3A_401 = vector.broadcast %mul3A_400 : f32 to vector<489x489xf32>
    %mul3A_402 = arith.mulf %mul3A_401, %add3A_396 : vector<489x489xf32>
    %select_n3A_403 = arith.select %ge3A_399, %add3A_396, %mul3A_402 : vector<489x489xi1>, vector<489x489xf32>
    %jit3A_404 = arith.constant 0xFF800000 : f32
    %broadcast_in_dim3A_405 = vector.broadcast %jit3A_404 : f32 to vector<489x489xf32>
    %select_n3A_406 = arith.select %gt3A_68, %select_n3A_403, %broadcast_in_dim3A_405 : vector<489x489xi1>, vector<489x489xf32>
    %reduce_max3A_407 = arith.constant dense<0xFF800000> : vector<489xf32>
    %reduce_max3A_408 = vector.multi_reduction <maximumf>, %select_n3A_406, %reduce_max3A_407 [1] : vector<489x489xf32> to vector<489xf32>
    %broadcast_in_dim3A_409 = vector.shape_cast %reduce_max3A_408 : vector<489xf32> to vector<489x1xf32>
    %sub3A_410 = vector.broadcast %broadcast_in_dim3A_409 : vector<489x1xf32> to vector<489x489xf32>
    %sub3A_411 = arith.subf %select_n3A_403, %sub3A_410 : vector<489x489xf32>
    %exp3A_412 = math.exp %sub3A_411 : vector<489x489xf32>
    %jit3A_413 = arith.constant 0.000000e+00 : f32
    %broadcast_in_dim3A_414 = vector.broadcast %jit3A_413 : f32 to vector<489x489xf32>
    %select_n3A_415 = arith.select %gt3A_68, %exp3A_412, %broadcast_in_dim3A_414 : vector<489x489xi1>, vector<489x489xf32>
    %mul3A_416 = arith.mulf %add3A_66, %select_n3A_415 : vector<489x489xf32>
    %reduce_sum3A_417 = arith.constant dense<0.000000e+00> : vector<489xf32>
    %reduce_sum3A_418 = vector.multi_reduction <add>, %mul3A_416, %reduce_sum3A_417 [1] : vector<489x489xf32> to vector<489xf32>
    %broadcast_in_dim3A_419 = vector.shape_cast %reduce_sum3A_418 : vector<489xf32> to vector<489x1xf32>
    %add3A_420 = arith.constant 1.000000e-16 : f32
    %add3A_421 = vector.broadcast %add3A_420 : f32 to vector<489x1xf32>
    %add3A_422 = arith.addf %broadcast_in_dim3A_419, %add3A_421 : vector<489x1xf32>
    %div3A_423 = vector.broadcast %add3A_422 : vector<489x1xf32> to vector<489x489xf32>
    %div3A_424 = arith.divf %mul3A_416, %div3A_423 : vector<489x489xf32>
    %dot_general3A_425 = arith.constant dense<0.000000e+00> : vector<489x64xf32>
    %dot_general3A_426 = tpu.matmul %div3A_424, %slice3A_382, %dot_general3A_425 {dimension_numbers = #tpu.dot_dimension_numbers<[1], [0], [0], [1], [0, 0, 1, 1], [], []>, transpose_lhs_hint = false} : vector<489x489xf32>, vector<489x64xf32>, vector<489x64xf32> -> vector<489x64xf32>
    %concatenate3A = tpu.concatenate %dot_general3A_111, %dot_general3A_156, %dot_general3A_201, %dot_general3A_246, %dot_general3A_291, %dot_general3A_336, %dot_general3A_381, %dot_general3A_426 in 1 : vector<489x64xf32>, vector<489x64xf32>, vector<489x64xf32>, vector<489x64xf32>, vector<489x64xf32>, vector<489x64xf32>, vector<489x64xf32>, vector<489x64xf32> -> vector<489x512xf32>
    %get3A_427 = arith.constant 0 : index
    %get3A_428 = arith.constant 0 : index
    %get3A_429 = vector.load %arg10[%get3A_427, %get3A_428] : memref<1x512xf32, #tpu.memory_space<vmem>>, vector<1x512xf32>
    %add3A_430 = vector.broadcast %get3A_429 : vector<1x512xf32> to vector<489x512xf32>
    %add3A_431 = arith.addf %concatenate3A, %add3A_430 : vector<489x512xf32>
    %max3A = arith.constant 0.000000e+00 : f32
    %max3A_432 = vector.broadcast %max3A : f32 to vector<489x512xf32>
    %max3A_433 = arith.maximumf %add3A_431, %max3A_432 : vector<489x512xf32>
    %get3A_434 = arith.constant 0 : index
    %get3A_435 = arith.constant 0 : index
    %get3A_436 = vector.load %arg11[%get3A_434, %get3A_435] : memref<512x256xf32, #tpu.memory_space<vmem>>, vector<512x256xf32>
    %dot_general3A_437 = arith.constant dense<0.000000e+00> : vector<489x256xf32>
    %dot_general3A_438 = tpu.matmul %max3A_433, %get3A_436, %dot_general3A_437 {dimension_numbers = #tpu.dot_dimension_numbers<[1], [0], [0], [1], [0, 0, 1, 1], [], []>, transpose_lhs_hint = false} : vector<489x512xf32>, vector<512x256xf32>, vector<489x256xf32> -> vector<489x256xf32>
    %transpose3A_439 = tpu.transpose %dot_general3A_438, [1, 0] : vector<489x256xf32> -> vector<256x489xf32>
    %get3A_440 = arith.constant 0 : index
    %get3A_441 = arith.constant 0 : index
    %get3A_442 = vector.load %arg12[%get3A_440, %get3A_441] : memref<1x256xf32, #tpu.memory_space<vmem>>, vector<1x256xf32>
    %dot_general3A_443 = arith.constant dense<0.000000e+00> : vector<1x489xf32>
    %dot_general3A_444 = tpu.matmul %get3A_442, %transpose3A_439, %dot_general3A_443 {dimension_numbers = #tpu.dot_dimension_numbers<[1], [0], [0], [1], [0, 0, 1, 1], [], []>, transpose_lhs_hint = false} : vector<1x256xf32>, vector<256x489xf32>, vector<1x489xf32> -> vector<1x489xf32>
    %get3A_445 = arith.constant 0 : index
    %get3A_446 = arith.constant 0 : index
    %get3A_447 = vector.load %arg13[%get3A_445, %get3A_446] : memref<256x1xf32, #tpu.memory_space<vmem>>, vector<256x1xf32>
    %dot_general3A_448 = arith.constant dense<0.000000e+00> : vector<489x1xf32>
    %dot_general3A_449 = tpu.matmul %dot_general3A_438, %get3A_447, %dot_general3A_448 {dimension_numbers = #tpu.dot_dimension_numbers<[1], [0], [0], [1], [0, 0, 1, 1], [], []>, transpose_lhs_hint = false} : vector<489x256xf32>, vector<256x1xf32>, vector<489x1xf32> -> vector<489x1xf32>
    %add3A_450 = vector.broadcast %dot_general3A_449 : vector<489x1xf32> to vector<489x489xf32>
    %add3A_451 = vector.broadcast %dot_general3A_444 : vector<1x489xf32> to vector<489x489xf32>
    %add3A_452 = arith.addf %add3A_450, %add3A_451 : vector<489x489xf32>
    %ge3A_453 = arith.constant 0.000000e+00 : f32
    %ge3A_454 = vector.broadcast %ge3A_453 : f32 to vector<489x489xf32>
    %ge3A_455 = arith.cmpf oge, %add3A_452, %ge3A_454 : vector<489x489xf32>
    %mul3A_456 = arith.constant 2.000000e-01 : f32
    %mul3A_457 = vector.broadcast %mul3A_456 : f32 to vector<489x489xf32>
    %mul3A_458 = arith.mulf %mul3A_457, %add3A_452 : vector<489x489xf32>
    %select_n3A_459 = arith.select %ge3A_455, %add3A_452, %mul3A_458 : vector<489x489xi1>, vector<489x489xf32>
    %jit3A_460 = arith.constant 0xFF800000 : f32
    %broadcast_in_dim3A_461 = vector.broadcast %jit3A_460 : f32 to vector<489x489xf32>
    %select_n3A_462 = arith.select %gt3A_68, %select_n3A_459, %broadcast_in_dim3A_461 : vector<489x489xi1>, vector<489x489xf32>
    %reduce_max3A_463 = arith.constant dense<0xFF800000> : vector<489xf32>
    %reduce_max3A_464 = vector.multi_reduction <maximumf>, %select_n3A_462, %reduce_max3A_463 [1] : vector<489x489xf32> to vector<489xf32>
    %broadcast_in_dim3A_465 = vector.shape_cast %reduce_max3A_464 : vector<489xf32> to vector<489x1xf32>
    %sub3A_466 = vector.broadcast %broadcast_in_dim3A_465 : vector<489x1xf32> to vector<489x489xf32>
    %sub3A_467 = arith.subf %select_n3A_459, %sub3A_466 : vector<489x489xf32>
    %exp3A_468 = math.exp %sub3A_467 : vector<489x489xf32>
    %jit3A_469 = arith.constant 0.000000e+00 : f32
    %broadcast_in_dim3A_470 = vector.broadcast %jit3A_469 : f32 to vector<489x489xf32>
    %select_n3A_471 = arith.select %gt3A_68, %exp3A_468, %broadcast_in_dim3A_470 : vector<489x489xi1>, vector<489x489xf32>
    %mul3A_472 = arith.mulf %add3A_66, %select_n3A_471 : vector<489x489xf32>
    %reduce_sum3A_473 = arith.constant dense<0.000000e+00> : vector<489xf32>
    %reduce_sum3A_474 = vector.multi_reduction <add>, %mul3A_472, %reduce_sum3A_473 [1] : vector<489x489xf32> to vector<489xf32>
    %broadcast_in_dim3A_475 = vector.shape_cast %reduce_sum3A_474 : vector<489xf32> to vector<489x1xf32>
    %add3A_476 = arith.constant 1.000000e-16 : f32
    %add3A_477 = vector.broadcast %add3A_476 : f32 to vector<489x1xf32>
    %add3A_478 = arith.addf %broadcast_in_dim3A_475, %add3A_477 : vector<489x1xf32>
    %div3A_479 = vector.broadcast %add3A_478 : vector<489x1xf32> to vector<489x489xf32>
    %div3A_480 = arith.divf %mul3A_472, %div3A_479 : vector<489x489xf32>
    %dot_general3A_481 = arith.constant dense<0.000000e+00> : vector<489x256xf32>
    %dot_general3A_482 = tpu.matmul %div3A_480, %dot_general3A_438, %dot_general3A_481 {dimension_numbers = #tpu.dot_dimension_numbers<[1], [0], [0], [1], [0, 0, 1, 1], [], []>, transpose_lhs_hint = false} : vector<489x489xf32>, vector<489x256xf32>, vector<489x256xf32> -> vector<489x256xf32>
    %get3A_483 = arith.constant 0 : index
    %get3A_484 = arith.constant 0 : index
    %get3A_485 = vector.load %arg14[%get3A_483, %get3A_484] : memref<1x256xf32, #tpu.memory_space<vmem>>, vector<1x256xf32>
    %add3A_486 = vector.broadcast %get3A_485 : vector<1x256xf32> to vector<489x256xf32>
    %add3A_487 = arith.addf %dot_general3A_482, %add3A_486 : vector<489x256xf32>
    %max3A_488 = arith.constant 0.000000e+00 : f32
    %max3A_489 = vector.broadcast %max3A_488 : f32 to vector<489x256xf32>
    %max3A_490 = arith.maximumf %add3A_487, %max3A_489 : vector<489x256xf32>
    %reduce_sum3A_491 = arith.constant dense<0.000000e+00> : vector<256xf32>
    %reduce_sum3A_492 = vector.multi_reduction <add>, %max3A_490, %reduce_sum3A_491 [0] : vector<489x256xf32> to vector<256xf32>
    %broadcast_in_dim3A_493 = vector.shape_cast %reduce_sum3A_492 : vector<256xf32> to vector<1x256xf32>
    %div3A_494 = arith.constant 4.890000e+02 : f32
    %div3A_495 = vector.broadcast %div3A_494 : f32 to vector<1x256xf32>
    %div3A_496 = arith.divf %broadcast_in_dim3A_493, %div3A_495 : vector<1x256xf32>
    %sub3A_497 = vector.broadcast %div3A_496 : vector<1x256xf32> to vector<489x256xf32>
    %sub3A_498 = arith.subf %max3A_490, %sub3A_497 : vector<489x256xf32>
    %mul3A_499 = arith.mulf %sub3A_498, %sub3A_498 : vector<489x256xf32>
    %reduce_sum3A_500 = arith.constant dense<0.000000e+00> : vector<256xf32>
    %reduce_sum3A_501 = vector.multi_reduction <add>, %mul3A_499, %reduce_sum3A_500 [0] : vector<489x256xf32> to vector<256xf32>
    %broadcast_in_dim3A_502 = vector.shape_cast %reduce_sum3A_501 : vector<256xf32> to vector<1x256xf32>
    %div3A_503 = arith.constant 4.890000e+02 : f32
    %div3A_504 = vector.broadcast %div3A_503 : f32 to vector<1x256xf32>
    %div3A_505 = arith.divf %broadcast_in_dim3A_502, %div3A_504 : vector<1x256xf32>
    %add3A_506 = arith.constant 9.99999974E-6 : f32
    %add3A_507 = vector.broadcast %add3A_506 : f32 to vector<1x256xf32>
    %add3A_508 = arith.addf %div3A_505, %add3A_507 : vector<1x256xf32>
    %sqrt3A_509 = math.sqrt %add3A_508 : vector<1x256xf32>
    %div3A_510 = vector.broadcast %sqrt3A_509 : vector<1x256xf32> to vector<489x256xf32>
    %div3A_511 = arith.divf %sub3A_498, %div3A_510 : vector<489x256xf32>
    %get3A_512 = arith.constant 0 : index
    %get3A_513 = arith.constant 0 : index
    %get3A_514 = vector.load %arg15[%get3A_512, %get3A_513] : memref<1x256xf32, #tpu.memory_space<vmem>>, vector<1x256xf32>
    %mul3A_515 = vector.broadcast %get3A_514 : vector<1x256xf32> to vector<489x256xf32>
    %mul3A_516 = arith.mulf %div3A_511, %mul3A_515 : vector<489x256xf32>
    %get3A_517 = arith.constant 0 : index
    %get3A_518 = arith.constant 0 : index
    %get3A_519 = vector.load %arg16[%get3A_517, %get3A_518] : memref<1x256xf32, #tpu.memory_space<vmem>>, vector<1x256xf32>
    %add3A_520 = vector.broadcast %get3A_519 : vector<1x256xf32> to vector<489x256xf32>
    %add3A_521 = arith.addf %mul3A_516, %add3A_520 : vector<489x256xf32>
    %reduce_sum3A_522 = arith.constant dense<0.000000e+00> : vector<489xf32>
    %reduce_sum3A_523 = vector.multi_reduction <add>, %add3A_521, %reduce_sum3A_522 [1] : vector<489x256xf32> to vector<489xf32>
    %broadcast_in_dim3A_524 = vector.shape_cast %reduce_sum3A_523 : vector<489xf32> to vector<489x1xf32>
    %div3A_525 = arith.constant 2.560000e+02 : f32
    %div3A_526 = vector.broadcast %div3A_525 : f32 to vector<489x1xf32>
    %div3A_527 = arith.divf %broadcast_in_dim3A_524, %div3A_526 : vector<489x1xf32>
    %sub3A_528 = vector.broadcast %div3A_527 : vector<489x1xf32> to vector<489x256xf32>
    %sub3A_529 = arith.subf %add3A_521, %sub3A_528 : vector<489x256xf32>
    %mul3A_530 = arith.mulf %sub3A_529, %sub3A_529 : vector<489x256xf32>
    %reduce_sum3A_531 = arith.constant dense<0.000000e+00> : vector<489xf32>
    %reduce_sum3A_532 = vector.multi_reduction <add>, %mul3A_530, %reduce_sum3A_531 [1] : vector<489x256xf32> to vector<489xf32>
    %broadcast_in_dim3A_533 = vector.shape_cast %reduce_sum3A_532 : vector<489xf32> to vector<489x1xf32>
    %div3A_534 = arith.constant 2.560000e+02 : f32
    %div3A_535 = vector.broadcast %div3A_534 : f32 to vector<489x1xf32>
    %div3A_536 = arith.divf %broadcast_in_dim3A_533, %div3A_535 : vector<489x1xf32>
    %add3A_537 = arith.constant 9.99999974E-6 : f32
    %add3A_538 = vector.broadcast %add3A_537 : f32 to vector<489x1xf32>
    %add3A_539 = arith.addf %div3A_536, %add3A_538 : vector<489x1xf32>
    %sqrt3A_540 = math.sqrt %add3A_539 : vector<489x1xf32>
    %div3A_541 = vector.broadcast %sqrt3A_540 : vector<489x1xf32> to vector<489x256xf32>
    %div3A_542 = arith.divf %sub3A_529, %div3A_541 : vector<489x256xf32>
    %get3A_543 = arith.constant 0 : index
    %get3A_544 = arith.constant 0 : index
    %get3A_545 = vector.load %arg17[%get3A_543, %get3A_544] : memref<1x256xf32, #tpu.memory_space<vmem>>, vector<1x256xf32>
    %mul3A_546 = vector.broadcast %get3A_545 : vector<1x256xf32> to vector<489x256xf32>
    %mul3A_547 = arith.mulf %div3A_542, %mul3A_546 : vector<489x256xf32>
    %get3A_548 = arith.constant 0 : index
    %get3A_549 = arith.constant 0 : index
    %get3A_550 = vector.load %arg18[%get3A_548, %get3A_549] : memref<1x256xf32, #tpu.memory_space<vmem>>, vector<1x256xf32>
    %add3A_551 = vector.broadcast %get3A_550 : vector<1x256xf32> to vector<489x256xf32>
    %add3A_552 = arith.addf %mul3A_547, %add3A_551 : vector<489x256xf32>
    %broadcast_in_dim3A_553 = arith.constant 0.000000e+00 : f32
    %broadcast_in_dim3A_554 = vector.broadcast %broadcast_in_dim3A_553 : f32 to vector<1x256xf32>
    %broadcast_in_dim3A_555 = arith.constant 0.000000e+00 : f32
    %broadcast_in_dim3A_556 = vector.broadcast %broadcast_in_dim3A_555 : f32 to vector<6x256xf32>
    %slice3A_557 = vector.extract_strided_slice %add3A_552 {offsets = [0, 0], sizes = [271, 256], strides = [1, 1]} : vector<489x256xf32> to vector<271x256xf32>
    %concatenate3A_558 = tpu.concatenate %slice3A_557, %broadcast_in_dim3A_554 in 0 : vector<271x256xf32>, vector<1x256xf32> -> vector<272x256xf32>
    %slice3A_559 = vector.extract_strided_slice %add3A_552 {offsets = [271, 0], sizes = [218, 256], strides = [1, 1]} : vector<489x256xf32> to vector<218x256xf32>
    %concatenate3A_560 = tpu.concatenate %slice3A_559, %broadcast_in_dim3A_556 in 0 : vector<218x256xf32>, vector<6x256xf32> -> vector<224x256xf32>
    %get3A_561 = arith.constant 0 : index
    %get3A_562 = arith.constant 0 : index
    %get3A_563 = vector.load %arg19[%get3A_561, %get3A_562] : memref<256x512xf32, #tpu.memory_space<vmem>>, vector<256x512xf32>
    %dot_general3A_564 = arith.constant dense<0.000000e+00> : vector<272x512xf32>
    %dot_general3A_565 = tpu.matmul %concatenate3A_558, %get3A_563, %dot_general3A_564 {dimension_numbers = #tpu.dot_dimension_numbers<[1], [0], [0], [1], [0, 0, 1, 1], [], []>, transpose_lhs_hint = false} : vector<272x256xf32>, vector<256x512xf32>, vector<272x512xf32> -> vector<272x512xf32>
    %get3A_566 = arith.constant 0 : index
    %get3A_567 = arith.constant 0 : index
    %get3A_568 = vector.load %arg21[%get3A_566, %get3A_567] : memref<1x512xf32, #tpu.memory_space<vmem>>, vector<1x512xf32>
    %add3A_569 = vector.broadcast %get3A_568 : vector<1x512xf32> to vector<272x512xf32>
    %add3A_570 = arith.addf %dot_general3A_565, %add3A_569 : vector<272x512xf32>
    %swap3A = arith.constant 0 : index
    %swap3A_571 = arith.constant 0 : index
    %swap3A_572 = vector.load %arg31[%swap3A, %swap3A_571] : memref<272x512xf32, #tpu.memory_space<vmem>>, vector<272x512xf32>
    tpu.vector_store %arg31[%swap3A, %swap3A_571], %add3A_570 {strides = array<i32>} : memref<272x512xf32, #tpu.memory_space<vmem>>, vector<272x512xf32>,
    %get3A_573 = arith.constant 0 : index
    %get3A_574 = arith.constant 0 : index
    %get3A_575 = vector.load %arg20[%get3A_573, %get3A_574] : memref<256x512xf32, #tpu.memory_space<vmem>>, vector<256x512xf32>
    %dot_general3A_576 = arith.constant dense<0.000000e+00> : vector<224x512xf32>
    %dot_general3A_577 = tpu.matmul %concatenate3A_560, %get3A_575, %dot_general3A_576 {dimension_numbers = #tpu.dot_dimension_numbers<[1], [0], [0], [1], [0, 0, 1, 1], [], []>, transpose_lhs_hint = false} : vector<224x256xf32>, vector<256x512xf32>, vector<224x512xf32> -> vector<224x512xf32>
    %swap3A_578 = arith.constant 0 : index
    %swap3A_579 = arith.constant 0 : index
    %swap3A_580 = vector.load %arg32[%swap3A_578, %swap3A_579] : memref<224x512xf32, #tpu.memory_space<vmem>>, vector<224x512xf32>
    tpu.vector_store %arg32[%swap3A_578, %swap3A_579], %dot_general3A_577 {strides = array<i32>} : memref<224x512xf32, #tpu.memory_space<vmem>>, vector<224x512xf32>,
    %broadcast_in_dim3A_581 = arith.constant 0.000000e+00 : f32
    %broadcast_in_dim3A_582 = vector.broadcast %broadcast_in_dim3A_581 : f32 to vector<1x512xf32>
    %scan3A = arith.constant 0 : i32
    %scan3A_583 = arith.constant 34 : i32
    %scan3A_584 = arith.addi %scan3A, %scan3A_583 : i32
    %scan3A_585 = arith.constant 1 : i32
    %scan3A_586:2 = scf.for %scan3A_676 = %scan3A to %scan3A_584 step %scan3A_585 iter_args(%scan3A_677 = %broadcast_in_dim3A_582, %scan3A_678 = %broadcast_in_dim3A_582) -> (vector<1x512xf32>, vector<1x512xf32>)  : i32 {
      %mul3A_679 = arith.constant 8 : i32
      %mul3A_680 = arith.muli %scan3A_676, %mul3A_679 : i32
      %multiple_of3A = tpu.assume_multiple %mul3A_680, 8 : i32
      %mul3A_681 = arith.constant 1792 : i32
      %mul3A_682 = arith.muli %scan3A_676, %mul3A_681 : i32
      %multiple_of3A_683 = tpu.assume_multiple %mul3A_682, 1792 : i32
      %get3A_684 = arith.index_cast %multiple_of3A : i32 to index
      %get3A_685 = arith.constant 0 : index
      %get3A_686 = vector.load %arg31[%get3A_684, %get3A_685] : memref<272x512xf32, #tpu.memory_space<vmem>>, vector<8x512xf32>
      %broadcast_in_dim3A_687 = vector.shape_cast %get3A_686 : vector<8x512xf32> to vector<8x1x512xf32>
      %get3A_688 = arith.constant 0 : index
      %get3A_689 = arith.constant 0 : index
      %get3A_690 = vector.load %arg32[%get3A_688, %get3A_689] : memref<224x512xf32, #tpu.memory_space<vmem>>, vector<224x512xf32>
      %broadcast_in_dim3A_691 = vector.shape_cast %get3A_690 : vector<224x512xf32> to vector<1x224x512xf32>
      %add3A_692 = vector.broadcast %broadcast_in_dim3A_687 : vector<8x1x512xf32> to vector<8x224x512xf32>
      %add3A_693 = vector.broadcast %broadcast_in_dim3A_691 : vector<1x224x512xf32> to vector<8x224x512xf32>
      %add3A_694 = arith.addf %add3A_692, %add3A_693 : vector<8x224x512xf32>
      %get3A_695 = arith.constant 0 : index
      %get3A_696 = arith.index_cast %multiple_of3A_683 : i32 to index
      %get3A_697 = vector.load %arg2[%get3A_695, %get3A_696] : memref<2x60928xf32, #tpu.memory_space<vmem>>, vector<1x1792xf32>
      %get3A_698 = arith.constant 1 : index
      %get3A_699 = arith.index_cast %multiple_of3A_683 : i32 to index
      %get3A_700 = vector.load %arg2[%get3A_698, %get3A_699] : memref<2x60928xf32, #tpu.memory_space<vmem>>, vector<1x1792xf32>
      %add3A_701 = arith.addf %get3A_697, %get3A_700 : vector<1x1792xf32>
      %max3A_702 = arith.constant 0.000000e+00 : f32
      %max3A_703 = vector.broadcast %max3A_702 : f32 to vector<8x224x512xf32>
      %max3A_704 = arith.maximumf %add3A_694, %max3A_703 : vector<8x224x512xf32>
      %reshape3A = vector.shape_cast %max3A_704 : vector<8x224x512xf32> to vector<1792x512xf32>
      %dot_general3A_705 = arith.constant dense<0.000000e+00> : vector<1x512xf32>
      %dot_general3A_706 = tpu.matmul %add3A_701, %reshape3A, %dot_general3A_705 {dimension_numbers = #tpu.dot_dimension_numbers<[1], [0], [0], [1], [0, 0, 1, 1], [], []>, transpose_lhs_hint = false} : vector<1x1792xf32>, vector<1792x512xf32>, vector<1x512xf32> -> vector<1x512xf32>
      %add3A_707 = arith.addf %scan3A_677, %dot_general3A_706 : vector<1x512xf32>
      %mul3A_708 = arith.mulf %reshape3A, %reshape3A : vector<1792x512xf32>
      %dot_general3A_709 = arith.constant dense<0.000000e+00> : vector<1x512xf32>
      %dot_general3A_710 = tpu.matmul %add3A_701, %mul3A_708, %dot_general3A_709 {dimension_numbers = #tpu.dot_dimension_numbers<[1], [0], [0], [1], [0, 0, 1, 1], [], []>, transpose_lhs_hint = false} : vector<1x1792xf32>, vector<1792x512xf32>, vector<1x512xf32> -> vector<1x512xf32>
      %add3A_711 = arith.addf %scan3A_678, %dot_general3A_710 : vector<1x512xf32>
      scf.yield %add3A_707, %add3A_711 : vector<1x512xf32>, vector<1x512xf32>
    }
    %scan3A_587 = arith.constant 34 : i32
    %div3A_588 = arith.constant 5.907800e+04 : f32
    %div3A_589 = vector.broadcast %div3A_588 : f32 to vector<1x512xf32>
    %div3A_590 = arith.divf %scan3A_586#0, %div3A_589 : vector<1x512xf32>
    %div3A_591 = arith.constant 5.907800e+04 : f32
    %div3A_592 = vector.broadcast %div3A_591 : f32 to vector<1x512xf32>
    %div3A_593 = arith.divf %scan3A_586#1, %div3A_592 : vector<1x512xf32>
    %mul3A_594 = arith.mulf %div3A_590, %div3A_590 : vector<1x512xf32>
    %sub3A_595 = arith.subf %div3A_593, %mul3A_594 : vector<1x512xf32>
    %get3A_596 = arith.constant 0 : index
    %get3A_597 = arith.constant 0 : index
    %get3A_598 = vector.load %arg24[%get3A_596, %get3A_597] : memref<1x512xf32, #tpu.memory_space<vmem>>, vector<1x512xf32>
    %add3A_599 = arith.constant 9.99999974E-6 : f32
    %add3A_600 = vector.broadcast %add3A_599 : f32 to vector<1x512xf32>
    %add3A_601 = arith.addf %sub3A_595, %add3A_600 : vector<1x512xf32>
    %sqrt3A_602 = math.sqrt %add3A_601 : vector<1x512xf32>
    %div3A_603 = arith.divf %get3A_598, %sqrt3A_602 : vector<1x512xf32>
    %get3A_604 = arith.constant 0 : index
    %get3A_605 = arith.constant 0 : index
    %get3A_606 = vector.load %arg25[%get3A_604, %get3A_605] : memref<1x512xf32, #tpu.memory_space<vmem>>, vector<1x512xf32>
    %mul3A_607 = arith.mulf %div3A_590, %div3A_603 : vector<1x512xf32>
    %sub3A_608 = arith.subf %get3A_606, %mul3A_607 : vector<1x512xf32>
    %concatenate3A_609 = tpu.concatenate %div3A_603, %sub3A_608, %div3A_603, %div3A_603, %div3A_603, %div3A_603, %div3A_603, %div3A_603 in 0 : vector<1x512xf32>, vector<1x512xf32>, vector<1x512xf32>, vector<1x512xf32>, vector<1x512xf32>, vector<1x512xf32>, vector<1x512xf32>, vector<1x512xf32> -> vector<8x512xf32>
    %transpose3A_610 = tpu.transpose %concatenate3A_609, [1, 0] : vector<8x512xf32> -> vector<512x8xf32>
    %slice3A_611 = vector.extract_strided_slice %transpose3A_610 {offsets = [0, 0], sizes = [512, 1], strides = [1, 1]} : vector<512x8xf32> to vector<512x1xf32>
    %get3A_612 = arith.constant 0 : index
    %get3A_613 = arith.constant 0 : index
    %get3A_614 = vector.load %arg22[%get3A_612, %get3A_613] : memref<512x128xf32, #tpu.memory_space<vmem>>, vector<512x128xf32>
    %mul3A_615 = vector.broadcast %slice3A_611 : vector<512x1xf32> to vector<512x128xf32>
    %mul3A_616 = arith.mulf %mul3A_615, %get3A_614 : vector<512x128xf32>
    %convert_element_type3A_617 = arith.truncf %mul3A_616 : vector<512x128xf32> to vector<512x128xbf16>
    %get3A_618 = arith.constant 0 : index
    %get3A_619 = arith.constant 0 : index
    %get3A_620 = vector.load %arg22[%get3A_618, %get3A_619] : memref<512x128xf32, #tpu.memory_space<vmem>>, vector<512x128xf32>
    %dot_general3A_621 = arith.constant dense<0.000000e+00> : vector<1x128xf32>
    %dot_general3A_622 = tpu.matmul %sub3A_608, %get3A_620, %dot_general3A_621 {dimension_numbers = #tpu.dot_dimension_numbers<[1], [0], [0], [1], [0, 0, 1, 1], [], []>, transpose_lhs_hint = false} : vector<1x512xf32>, vector<512x128xf32>, vector<1x128xf32> -> vector<1x128xf32>
    %get3A_623 = arith.constant 0 : index
    %get3A_624 = arith.constant 0 : index
    %get3A_625 = vector.load %arg23[%get3A_623, %get3A_624] : memref<1x128xf32, #tpu.memory_space<vmem>>, vector<1x128xf32>
    %add3A_626 = arith.addf %dot_general3A_622, %get3A_625 : vector<1x128xf32>
    %broadcast_in_dim3A_627 = arith.constant 0.000000e+00 : f32
    %broadcast_in_dim3A_628 = vector.broadcast %broadcast_in_dim3A_627 : f32 to vector<1x128xf32>
    %scan3A_629 = arith.constant 0 : i32
    %scan3A_630 = arith.constant 34 : i32
    %scan3A_631 = arith.addi %scan3A_629, %scan3A_630 : i32
    %scan3A_632 = arith.constant 1 : i32
    %scan3A_633:2 = scf.for %scan3A_676 = %scan3A_629 to %scan3A_631 step %scan3A_632 iter_args(%scan3A_677 = %broadcast_in_dim3A_628, %scan3A_678 = %broadcast_in_dim3A_628) -> (vector<1x128xf32>, vector<1x128xf32>)  : i32 {
      %mul3A_679 = arith.constant 8 : i32
      %mul3A_680 = arith.muli %scan3A_676, %mul3A_679 : i32
      %multiple_of3A = tpu.assume_multiple %mul3A_680, 8 : i32
      %mul3A_681 = arith.constant 1792 : i32
      %mul3A_682 = arith.muli %scan3A_676, %mul3A_681 : i32
      %multiple_of3A_683 = tpu.assume_multiple %mul3A_682, 1792 : i32
      %get3A_684 = arith.index_cast %multiple_of3A : i32 to index
      %get3A_685 = arith.constant 0 : index
      %get3A_686 = vector.load %arg31[%get3A_684, %get3A_685] : memref<272x512xf32, #tpu.memory_space<vmem>>, vector<8x512xf32>
      %broadcast_in_dim3A_687 = vector.shape_cast %get3A_686 : vector<8x512xf32> to vector<8x1x512xf32>
      %get3A_688 = arith.constant 0 : index
      %get3A_689 = arith.constant 0 : index
      %get3A_690 = vector.load %arg32[%get3A_688, %get3A_689] : memref<224x512xf32, #tpu.memory_space<vmem>>, vector<224x512xf32>
      %broadcast_in_dim3A_691 = vector.shape_cast %get3A_690 : vector<224x512xf32> to vector<1x224x512xf32>
      %add3A_692 = vector.broadcast %broadcast_in_dim3A_687 : vector<8x1x512xf32> to vector<8x224x512xf32>
      %add3A_693 = vector.broadcast %broadcast_in_dim3A_691 : vector<1x224x512xf32> to vector<8x224x512xf32>
      %add3A_694 = arith.addf %add3A_692, %add3A_693 : vector<8x224x512xf32>
      %get3A_695 = arith.constant 0 : index
      %get3A_696 = arith.index_cast %multiple_of3A_683 : i32 to index
      %get3A_697 = vector.load %arg2[%get3A_695, %get3A_696] : memref<2x60928xf32, #tpu.memory_space<vmem>>, vector<1x1792xf32>
      %get3A_698 = arith.constant 1 : index
      %get3A_699 = arith.index_cast %multiple_of3A_683 : i32 to index
      %get3A_700 = vector.load %arg2[%get3A_698, %get3A_699] : memref<2x60928xf32, #tpu.memory_space<vmem>>, vector<1x1792xf32>
      %add3A_701 = arith.addf %get3A_697, %get3A_700 : vector<1x1792xf32>
      %max3A_702 = arith.constant 0.000000e+00 : f32
      %max3A_703 = vector.broadcast %max3A_702 : f32 to vector<8x224x512xf32>
      %max3A_704 = arith.maximumf %add3A_694, %max3A_703 : vector<8x224x512xf32>
      %convert_element_type3A_705 = arith.truncf %max3A_704 : vector<8x224x512xf32> to vector<8x224x512xbf16>
      %reshape3A = vector.shape_cast %convert_element_type3A_705 : vector<8x224x512xbf16> to vector<1792x512xbf16>
      %dot_general3A_706 = arith.constant dense<0.000000e+00> : vector<1792x128xf32>
      %dot_general3A_707 = tpu.matmul %reshape3A, %convert_element_type3A_617, %dot_general3A_706 {dimension_numbers = #tpu.dot_dimension_numbers<[1], [0], [0], [1], [0, 0, 1, 1], [], []>, transpose_lhs_hint = false} : vector<1792x512xbf16>, vector<512x128xbf16>, vector<1792x128xf32> -> vector<1792x128xf32>
      %add3A_708 = vector.broadcast %add3A_626 : vector<1x128xf32> to vector<1792x128xf32>
      %add3A_709 = arith.addf %dot_general3A_707, %add3A_708 : vector<1792x128xf32>
      %max3A_710 = arith.constant 0.000000e+00 : f32
      %max3A_711 = vector.broadcast %max3A_710 : f32 to vector<1792x128xf32>
      %max3A_712 = arith.maximumf %add3A_709, %max3A_711 : vector<1792x128xf32>
      %convert_element_type3A_713 = arith.truncf %max3A_712 : vector<1792x128xf32> to vector<1792x128xbf16>
      %swap3A_714 = arith.index_cast %multiple_of3A_683 : i32 to index
      %swap3A_715 = arith.constant 0 : index
      %swap3A_716 = vector.load %arg33[%swap3A_714, %swap3A_715] : memref<60928x128xbf16, #tpu.memory_space<vmem>>, vector<1792x128xbf16>
      tpu.vector_store %arg33[%swap3A_714, %swap3A_715], %convert_element_type3A_713 {strides = array<i32>} : memref<60928x128xbf16, #tpu.memory_space<vmem>>, vector<1792x128xbf16>,
      %dot_general3A_717 = arith.constant dense<0.000000e+00> : vector<1x128xf32>
      %dot_general3A_718 = tpu.matmul %add3A_701, %max3A_712, %dot_general3A_717 {dimension_numbers = #tpu.dot_dimension_numbers<[1], [0], [0], [1], [0, 0, 1, 1], [], []>, transpose_lhs_hint = false} : vector<1x1792xf32>, vector<1792x128xf32>, vector<1x128xf32> -> vector<1x128xf32>
      %add3A_719 = arith.addf %scan3A_677, %dot_general3A_718 : vector<1x128xf32>
      %mul3A_720 = arith.mulf %max3A_712, %max3A_712 : vector<1792x128xf32>
      %dot_general3A_721 = arith.constant dense<0.000000e+00> : vector<1x128xf32>
      %dot_general3A_722 = tpu.matmul %add3A_701, %mul3A_720, %dot_general3A_721 {dimension_numbers = #tpu.dot_dimension_numbers<[1], [0], [0], [1], [0, 0, 1, 1], [], []>, transpose_lhs_hint = false} : vector<1x1792xf32>, vector<1792x128xf32>, vector<1x128xf32> -> vector<1x128xf32>
      %add3A_723 = arith.addf %scan3A_678, %dot_general3A_722 : vector<1x128xf32>
      scf.yield %add3A_719, %add3A_723 : vector<1x128xf32>, vector<1x128xf32>
    }
    %scan3A_634 = arith.constant 34 : i32
    %div3A_635 = arith.constant 5.907800e+04 : f32
    %div3A_636 = vector.broadcast %div3A_635 : f32 to vector<1x128xf32>
    %div3A_637 = arith.divf %scan3A_633#0, %div3A_636 : vector<1x128xf32>
    %div3A_638 = arith.constant 5.907800e+04 : f32
    %div3A_639 = vector.broadcast %div3A_638 : f32 to vector<1x128xf32>
    %div3A_640 = arith.divf %scan3A_633#1, %div3A_639 : vector<1x128xf32>
    %mul3A_641 = arith.mulf %div3A_637, %div3A_637 : vector<1x128xf32>
    %sub3A_642 = arith.subf %div3A_640, %mul3A_641 : vector<1x128xf32>
    %get3A_643 = arith.constant 0 : index
    %get3A_644 = arith.constant 0 : index
    %get3A_645 = vector.load %arg26[%get3A_643, %get3A_644] : memref<1x128xf32, #tpu.memory_space<vmem>>, vector<1x128xf32>
    %add3A_646 = arith.constant 9.99999974E-6 : f32
    %add3A_647 = vector.broadcast %add3A_646 : f32 to vector<1x128xf32>
    %add3A_648 = arith.addf %sub3A_642, %add3A_647 : vector<1x128xf32>
    %sqrt3A_649 = math.sqrt %add3A_648 : vector<1x128xf32>
    %div3A_650 = arith.divf %get3A_645, %sqrt3A_649 : vector<1x128xf32>
    %get3A_651 = arith.constant 0 : index
    %get3A_652 = arith.constant 0 : index
    %get3A_653 = vector.load %arg27[%get3A_651, %get3A_652] : memref<1x128xf32, #tpu.memory_space<vmem>>, vector<1x128xf32>
    %mul3A_654 = arith.mulf %div3A_637, %div3A_650 : vector<1x128xf32>
    %sub3A_655 = arith.subf %get3A_653, %mul3A_654 : vector<1x128xf32>
    %get3A_656 = arith.constant 0 : index
    %get3A_657 = arith.constant 0 : index
    %get3A_658 = vector.load %arg28[%get3A_656, %get3A_657] : memref<1x128xf32, #tpu.memory_space<vmem>>, vector<1x128xf32>
    %mul3A_659 = arith.mulf %div3A_650, %get3A_658 : vector<1x128xf32>
    %get3A_660 = arith.constant 0 : index
    %get3A_661 = arith.constant 0 : index
    %get3A_662 = vector.load %arg28[%get3A_660, %get3A_661] : memref<1x128xf32, #tpu.memory_space<vmem>>, vector<1x128xf32>
    %mul3A_663 = arith.mulf %sub3A_655, %get3A_662 : vector<1x128xf32>
    %reduce_sum3A_664 = arith.constant dense<0.000000e+00> : vector<1xf32>
    %reduce_sum3A_665 = vector.multi_reduction <add>, %mul3A_663, %reduce_sum3A_664 [1] : vector<1x128xf32> to vector<1xf32>
    %broadcast_in_dim3A_666 = vector.shape_cast %reduce_sum3A_665 : vector<1xf32> to vector<1x1xf32>
    %get3A_667 = arith.constant 0 : index
    %get3A_668 = arith.constant 0 : index
    %get3A_669 = vector.load %arg29[%get3A_667, %get3A_668] : memref<1x1xf32, #tpu.memory_space<vmem>>, vector<1x1xf32>
    %add3A_670 = arith.addf %broadcast_in_dim3A_666, %get3A_669 : vector<1x1xf32>
    %scan3A_671 = arith.constant 0 : i32
    %scan3A_672 = arith.constant 34 : i32
    %scan3A_673 = arith.addi %scan3A_671, %scan3A_672 : i32
    %scan3A_674 = arith.constant 1 : i32
    scf.for %scan3A_676 = %scan3A_671 to %scan3A_673 step %scan3A_674  : i32 {
      %mul3A_677 = arith.constant 8 : i32
      %mul3A_678 = arith.muli %scan3A_676, %mul3A_677 : i32
      %multiple_of3A = tpu.assume_multiple %mul3A_678, 8 : i32
      %mul3A_679 = arith.constant 1792 : i32
      %mul3A_680 = arith.muli %scan3A_676, %mul3A_679 : i32
      %multiple_of3A_681 = tpu.assume_multiple %mul3A_680, 1792 : i32
      %get3A_682 = arith.index_cast %multiple_of3A_681 : i32 to index
      %get3A_683 = arith.constant 0 : index
      %get3A_684 = vector.load %arg33[%get3A_682, %get3A_683] : memref<60928x128xbf16, #tpu.memory_space<vmem>>, vector<1792x128xbf16>
      %convert_element_type3A_685 = arith.extf %get3A_684 : vector<1792x128xbf16> to vector<1792x128xf32>
      %reshape3A = vector.shape_cast %convert_element_type3A_685 : vector<1792x128xf32> to vector<8x224x128xf32>
      %broadcast_in_dim3A_686 = vector.shape_cast %mul3A_659 : vector<1x128xf32> to vector<1x1x128xf32>
      %mul3A_687 = vector.broadcast %broadcast_in_dim3A_686 : vector<1x1x128xf32> to vector<8x224x128xf32>
      %mul3A_688 = arith.mulf %reshape3A, %mul3A_687 : vector<8x224x128xf32>
      %reduce_sum3A_689 = arith.constant dense<0.000000e+00> : vector<8x224xf32>
      %reduce_sum3A_690 = vector.multi_reduction <add>, %mul3A_688, %reduce_sum3A_689 [2] : vector<8x224x128xf32> to vector<8x224xf32>
      %add3A_691 = vector.broadcast %add3A_670 : vector<1x1xf32> to vector<8x224xf32>
      %add3A_692 = arith.addf %reduce_sum3A_690, %add3A_691 : vector<8x224xf32>
      %neg3A = arith.constant 0.000000e+00 : f32
      %neg3A_693 = vector.broadcast %neg3A : f32 to vector<8x224xf32>
      %neg3A_694 = arith.subf %neg3A_693, %add3A_692 : vector<8x224xf32>
      %exp3A_695 = math.exp %neg3A_694 : vector<8x224xf32>
      %add3A_696 = arith.constant 1.000000e+00 : f32
      %add3A_697 = vector.broadcast %add3A_696 : f32 to vector<8x224xf32>
      %add3A_698 = arith.addf %add3A_697, %exp3A_695 : vector<8x224xf32>
      %div3A_699 = arith.constant 1.000000e+00 : f32
      %div3A_700 = vector.broadcast %div3A_699 : f32 to vector<8x224xf32>
      %div3A_701 = arith.divf %div3A_700, %add3A_698 : vector<8x224xf32>
      %swap3A_702 = arith.index_cast %multiple_of3A : i32 to index
      %swap3A_703 = arith.constant 0 : index
      %swap3A_704 = vector.load %arg30[%swap3A_702, %swap3A_703] : memref<272x224xf32, #tpu.memory_space<vmem>>, vector<8x224xf32>
      tpu.vector_store %arg30[%swap3A_702, %swap3A_703], %div3A_701 {strides = array<i32>} : memref<272x224xf32, #tpu.memory_space<vmem>>, vector<8x224xf32>,
    }
    %scan3A_675 = arith.constant 34 : i32
    return
  }
}

</mosaic_0001>

<sc_bundles>
// kernel: kernel.5.cloned.1.call-start
scs
__scs_entry_jumppad:
0x0: {  	(pc) =	sbr.rel $0x88, $3  }
0x1: {  	(tag) =	ssettag $0x0;
	lr =	simm.s32 $0x1  }
0x2: {  	[smem:$0x3F82] =	sst lr;
	_ =	strace $0xD0000000  }
0x3: {  	_ = 	snop  }
0x4: {  	_ = 	snop  }
0x5: {  	_ = 	snop  }
0x6: {  	_ = 	snop  }
0x7: {  	_ = 	snop  }
__scs_overlays_trampoline_lowered:
0x8: {  	[smem:$0x3F91] =	sst s0  }
0x9: {  	[smem:$0x3F92] =	sst s1  }
0xa: {  	[smem:$0x3F93] =	sst s2  }
0xb: {  	[smem:$0x3F94] =	sst s3  }
0xc: {  	[smem:$0x3F95] =	sst s4  }
0xd: {  	[smem:$0x3F96] =	sst s5  }
0xe: {  	[smem:$0x3F97] =	sst s6  }
0xf: {  	[smem:$0x3F98] =	sst s7  }
0x10: {  	[smem:$0x3F99] =	sst s8  }
0x11: {  	[smem:$0x3F9A] =	sst s9;
	s0 =	simm.s32 @!p0 $0x0  }
0x12: {  	s1 =	sld [smem:$0x3F80];
	s0 =	simm.s32 @p0 $0x1  }
0x13: {  	[smem:$0x3F9B] =	sst s0;
	s0 =	simm.s32 @!p1 $0x0  }
0x14: {  	s2 =	sld [smem:$0x3F7F];
	s0 =	simm.s32 @p1 $0x1  }
0x15: {  	[smem:$0x3F9C] =	sst s0;
	s0 =	simm.s32 @!p2 $0x0  }
0x16: {  	s3 =	sld [smem:$0x3FDB];
	s0 =	simm.s32 @p2 $0x1  }
0x17: {  	s4 =	simm.s32 $0x1BF5;
	[smem:$0x3F9E] =	sst s0  }
0x18: {  	s0 =	sld [smem:$0x3F81];
	_ =	swait.ge [sflag:s4], $0x0  }
0x19: {  	s7 =	sld [smem:$0x3F82]  }
0x1a: {  	s8 =	sadd.s32 $0xFFFFE003, lr  }
0x1b: {  	s9 =	sadd.s32 $0xFFFFFEF7, lr;
	s5 =	simm.s32 $0xFFFFFFFF;
	p2 =	slt.u32 s8, $0xFFFFF086  }
0x1c: {  	p1 =	slt.u32 s9, $0xF7A;
	s5 =	simm.s32 @!p2 $0x0  }
0x1d: {  	s5 =	simm.s32 @p1 $0x1;
	p0 =	seq.s32 s7, s2  }
0x1e: {  	s7 =	smul.u32 @!p0 $0xF7A, s2;
	p2 =	seq.s32 @!p0 s5, $0x0  }
0x1f: {  	s9 =	smul.u32 $0xF7A, s1;
	s8 =	simm.s32 @!p0 $0x1BF5;
	p2 =	por !p2, p0  }
0x20: {  	[sflag:s8] =	ssyncset.s32 @!p0 $0xFFFFF086;
	s6 =	sadd.s32 @!p0 s3, s7;
	s7 =	simm.s32 @!p0 $0x108  }
0x21: {  	s3 =	sadd.s32 s3, s9;
	s6 =	sadd.s32 @!p0 $0x88, s6;
	s7 =	simm.s32 @p2 $0x1082  }
0x22: {  	[simem:s7], [sflag:s8] =	dma.local @!p0 [hbm:s6], $0xF7A  }
0x23: {  	s9 =	sor.u32 $0xD0000000, s2;
	s6 =	simm.s32 $0x108;
	_ =	swait.ge @!p0 [sflag:s8], $0x0  }
0x24: {  	s3 =	sadd.s32 $0x88, s3;
	s6 =	simm.s32 @!p1 $0x1082;
	[sflag:s4] =	ssyncset.s32 $0xFFFFF086  }
0x25: {  	[simem:s6], [sflag:s4] =	dma.local [hbm:s3], $0xF7A  }
0x26: {  	[smem:$0x3F82] =	sst s1;
	(tag) =	ssettag s2;
	_ =	strace s9  }
0x27: {  	s1 =	sld [smem:$0x3F92]  }
0x28: {  	s2 =	sld [smem:$0x3F93]  }
0x29: {  	s4 =	sld [smem:$0x3F95]  }
0x2a: {  	p0 =	seq.s32 s5, $0x0;
	s5 =	sld [smem:$0x3F96]  }
0x2b: {  	s6 =	sld [smem:$0x3F97]  }
0x2c: {  	s7 =	sld [smem:$0x3F98]  }
0x2d: {  	s3 =	simm.s32 $0x108;
	s8 =	sld [smem:$0x3F99]  }
0x2e: {  	s3 =	simm.s32 @!p0 $0x1082;
	s9 =	sld [smem:$0x3F9A]  }
0x2f: {  	lr =	sadd.s32 s0, s3;
	s0 =	sld [smem:$0x3F91]  }
0x30: {  	s3 =	sld [smem:$0x3F94]  }
0x31: {  	[smem:$0x3F9D] =	sst s10  }
0x32: {  	s10 =	sld [smem:$0x3F9B];
	_ =	sdelay $0x3  }
0x33: {  	p0 =	seq.s32 s10, $0x1;
	s10 =	sld [smem:$0x3F9D];
	_ =	sdelay $0x3  }
0x34: {  	[smem:$0x3F9D] =	sst s10  }
0x35: {  	s10 =	sld [smem:$0x3F9C];
	_ =	sdelay $0x3  }
0x36: {  	p1 =	seq.s32 s10, $0x1;
	s10 =	sld [smem:$0x3F9D];
	_ =	sdelay $0x3  }
0x37: {  	[smem:$0x3F9D] =	sst s10  }
0x38: {  	s10 =	sld [smem:$0x3F9E]  }
0x39: {  	_ = 	snop;
	(pc) =	sbr.ind lr, $3  }
0x3a: {  	_ = 	snop  }
0x3b: {  	_ = 	snop  }
0x3c: {  	p2 =	seq.s32 s10, $0x1;
	s10 =	sld [smem:$0x3F9D]  }
0x3d: {  	_ =	shalt  }
0x3e: {  	_ =	shalt  }
0x3f: {  	_ =	shalt  }
0x40: {  	_ =	shalt  }
0x41: {  	_ =	shalt  }
0x42: {  	_ =	shalt  }
0x43: {  	_ =	shalt  }
0x44: {  	_ =	shalt  }
0x45: {  	_ =	shalt  }
0x46: {  	_ =	shalt  }
0x47: {  	_ =	shalt  }
0x48: {  	_ =	shalt  }
0x49: {  	_ =	shalt  }
0x4a: {  	_ =	shalt  }
0x4b: {  	_ =	shalt  }
0x4c: {  	_ =	shalt  }
0x4d: {  	_ =	shalt  }
0x4e: {  	_ =	shalt  }
0x4f: {  	_ =	shalt  }
0x50: {  	_ =	shalt  }
0x51: {  	_ =	shalt  }
0x52: {  	_ =	shalt  }
0x53: {  	_ =	shalt  }
0x54: {  	_ =	shalt  }
0x55: {  	_ =	shalt  }
0x56: {  	_ =	shalt  }
0x57: {  	_ =	shalt  }
0x58: {  	_ =	shalt  }
0x59: {  	_ =	shalt  }
0x5a: {  	_ =	shalt  }
0x5b: {  	_ =	shalt  }
0x5c: {  	_ =	shalt  }
0x5d: {  	_ =	shalt  }
0x5e: {  	_ =	shalt  }
0x5f: {  	_ =	shalt  }
0x60: {  	_ =	shalt  }
0x61: {  	_ =	shalt  }
0x62: {  	_ =	shalt  }
0x63: {  	_ =	shalt  }
0x64: {  	_ =	shalt  }
0x65: {  	_ =	shalt  }
0x66: {  	_ =	shalt  }
0x67: {  	_ =	shalt  }
0x68: {  	_ =	shalt  }
0x69: {  	_ =	shalt  }
0x6a: {  	_ =	shalt  }
0x6b: {  	_ =	shalt  }
0x6c: {  	_ =	shalt  }
0x6d: {  	_ =	shalt  }
0x6e: {  	_ =	shalt  }
0x6f: {  	_ =	shalt  }
0x70: {  	_ =	shalt  }
0x71: {  	_ =	shalt  }
0x72: {  	_ =	shalt  }
0x73: {  	_ =	shalt  }
0x74: {  	_ =	shalt  }
0x75: {  	_ =	shalt  }
0x76: {  	_ =	shalt  }
0x77: {  	_ =	shalt  }
0x78: {  	_ =	shalt  }
0x79: {  	_ =	shalt  }
0x7a: {  	_ =	shalt  }
0x7b: {  	_ =	shalt  }
0x7c: {  	_ =	shalt  }
0x7d: {  	_ =	shalt  }
0x7e: {  	_ =	shalt  }
0x7f: {  	_ =	shalt  }
0x80: {  	_ =	shalt  }
0x81: {  	_ =	shalt  }
0x82: {  	_ =	shalt  }
0x83: {  	_ =	shalt  }
0x84: {  	_ =	shalt  }
0x85: {  	_ =	shalt  }
0x86: {  	_ =	shalt  }
0x87: {  	_ =	shalt  }
.Lfunc_end0:
.L_simem_size_0:
called_computation_lowered:
.L_overlay_start_0:
0x88: {  	s2 =	sld [smem:$0x3FD9]  }
0x89: {  	s3 =	sld [smem:$0x3FFE];
	_ =	sdelay $0x1  }
0x8a: {  	s1 =	srdreg.scid  }
0x8b: {  	s0 =	sand.u32 $0x1, s1  }
0x8c: {  	s17 =	sshll.u32 s0, $0xA;
	s2 =	sadd.s32 s3, s2  }
0x8d: {  	s2 =	sadd.s32 s2, s17  }
0x8e: {  	[smem:$0x3FA9] =	sst s2  }
0x8f: {  	_ = 	snop  }
0x90: {  	s2 =	sld [smem:$0x3FD0];
	(tm) =	ssettm $0x1  }
0x91: {  	s18 =	sld [smem:$0x3FFB];
	_ =	sdelay $0x3  }
0x92: {  	_ =	strace s18  }
0x93: {  	s3 =	sld [smem:$0x3FFC];
	_ =	sdelay $0x3  }
0x94: {  	_ =	strace s3  }
0x95: {  	s3 =	sld [smem:$0x3FFD];
	_ =	sdelay $0x3  }
0x96: {  	_ =	strace s3  }
0x97: {  	_ =	strace $0x8FFFFFFF  }
0x98: {  	s19 =	sld [smem:$0x3FDB];
	_ =	sdelay $0x1  }
0x99: {  	s4 =	simm.s32 $_scs_section_size  }
0x9a: {  	s5 =	simm.s32 $_size__tile_overlayer_lowered;
	s6 =	simm.s32 $_tile_overlayer_lowered  }
0x9b: {  	s22 =	simm.s32 $0x1BFF;
	s21 =	sshll.u32 s6, $0x1;
	s3 =	sadd.s32 s4, s19  }
0x9c: {  	s7 =	simm.s32 $0x0;
	s20 =	sshll.u32 s5, $0x1;
	s5 =	sadd.s32 s21, s3  }
0x9d: {  	[timem:s7], [sflag:s22] =	dma.local [hbm:s5], s20  }
0x9e: {  	_ =	swait.ge [sflag:s22], s20  }
0x9f: {  	s4 =	ssub.s32 $0x0, s20;
	[sflag:s22] =	ssyncset.done $0x0  }
0xa0: {  	[sflag:s22] =	ssyncadd.s32 s4;
	_ =	sdelay $0x1  }
0xa1: {  	s23 =	simm.s32 $0x1B8B  }
0xa2: {  	_ =	swait.ge [sflag:s23], $0x1  }
0xa3: {  	[sflag:s23] =	ssyncset.done $0x0  }
0xa4: {  	s25 =	simm.s32 $0x1B8E;
	s24 =	sld [smem:$0x3FFE];
	[sflag:s23] =	ssyncadd.s32 $0xFFFFFFFF  }
0xa5: {  	s26 =	simm.s32 $execute0_lowered;
	[smem:$0x3FD2] =	sst s25  }
0xa6: {  	s5 =	sshll.u32 s26, $0x1;
	_ =	strace $0x80000046;
	[dreg:$0x1] =	wrdreg $0xFFFFFFFF  }
0xa7: {  	s28 =	simm.s32 $_size_execute0_lowered;
	s3 =	sadd.s32 s3, s5;
	[dreg:$0x0] =	wrdreg $0x0  }
0xa8: {  	s5 =	sshll.u32 s28, $0x1;
	[dreg:$0x2] =	wrdreg s3  }
0xa9: {  	[dreg:$0x3] =	wrdreg s5  }
0xaa: {  	[dreg:$0x4] =	wrdreg $0xC0  }
0xab: {  	_ =	task [dreg:s7], $0x5FFFF  }
0xac: {  	[dreg:$0x1] =	wrdreg $0xFFFFFFFF  }
0xad: {  	[dreg:$0x0] =	wrdreg $0x60  }
0xae: {  	[dreg:$0x2] =	wrdreg s2  }
0xaf: {  	[dreg:$0x3] =	wrdreg s24  }
0xb0: {  	[dreg:$0x4] =	wrdreg $0x3F800  }
0xb1: {  	[dreg:$0x5] =	wrdreg $0x7CA00  }
0xb2: {  	[dreg:$0x6] =	wrdreg $0x9  }
0xb3: {  	_ =	task.clear_ibuf [dreg:s7], $0x7FFFF;
	_ =	strace $0x90000046  }
0xb4: {  	s29 =	simm.s32 $0x9;
	_ =	strace $0x80000048  }
0xb5: {  	_ =	swait.ge [sflag:s29], $0x1  }
0xb6: {  	[sflag:s29] =	ssyncadd.s32 $0xFFFFFFFF  }
0xb7: {  	_ =	strace $0x90000048  }
0xb8: {  	_ =	sfence  }
0xb9: {  	s30 =	sld [smem:$0x0];
	_ =	sdelay $0x2  }
0xba: {  	s31 =	sshll.u32 s1, $0xD;
	s1 =	sshrl.u32 s1, $0x2  }
0xbb: {  	s3 =	sand.u32 $0x4000, s31;
	s1 =	sadd.s32 s1, s30  }
0xbc: {  	s0 =	sor.u32 s3, s0;
	s1 =	sshll.u32 s1, $0x11  }
0xbd: {  	s0 =	sor.u32 s1, s0  }
0xbe: {  	s0 =	sadd.s32 $0x8F2B, s0  }
0xbf: {  	[sflag:s0] =	ssyncadd.remote.s32 $0x1  }
0xc0: {  	_ =	sfence.sel $0xFFFF  }
0xc1: {  	[dreg:$0x0] =	wrdreg $0xFFFFFFFF;
	(pc) =	sbr.abs _section_cstart, $3  }
0xc2: {  	[dreg:$0x1] =	wrdreg $0xFFFFFFFF  }
0xc3: {  	_ =	task.clear_ibuf [dreg:s7], $0x2FFFF;
	_ =	strace $0x9FFFFFFF  }
0xc4: {  	(tm) =	ssettm $0x7FFFFFFF  }
0xc5: {  	_ =	shalt  }
tec
execute0_lowered:
.L_overlay_start_1:
0x0: {  	(tag) =	ssettag $0x1  }
0x1: {  	s5 =	rddreg [dreg:$0x0]  }
0x2: {  	s6 =	rddreg [dreg:$0x1]  }
0x3: {  	s0 =	srdreg.scid;
	s2 =	rddreg [dreg:$0x2]  }
0x4: {  	s10 =	stileid.u32;
	s3 =	rddreg [dreg:$0x3];
	s4 =	simm.s32 $0x0  }
0x5: {  	s16 =	simm.s32 $0x2;
	s20 =	simm.s32 $0x2080;
	s21 =	simm.s32 $0x80  }
0x6: {  	s23 =	simm.s32 $0x2000;
	s18 =	simm.s32 $0x1B00;
	s19 =	simm.s32 $0x1B80  }
0x7: {  	s22 =	simm.s32 $0x1C00;
	s28 =	simm.s32 $0x1E00;
	s8 =	smul.u32 $0x3D20, s10  }
0x8: {  	s29 =	simm.s32 $0x1E80;
	s0 =	sand.u32 $0x1, s0;
	s11 =	smul.u32 $0xEF0, s10  }
0x9: {  	s30 =	simm.s32 $0x1F00;
	s1 =	sshll.u32 s10, $0x1;
	s9 =	smul.u32 $0x3D200, s0  }
0xa: {  	s31 =	simm.s32 $0x1;
	s1 =	sor.u32 s0, s1;
	s24 =	smul.u32 $0xEF00, s0  }
0xb: {  	[smem:$0x7FF] =	sst s4;
	s0 =	ssub.s32 $0x2, s0;
	s7 =	smul.u32 $0x50, s1  }
0xc: {  	_ =	strace $0x80000047;
	s1 =	smul.u32 $0xF0, s1;
	s26 =	sshrl.u32 s0, $0x1  }
0xd: {  	s9 =	sadd.s32 s8, s9;
	s10 =	sadd.s32 s11, s24;
	s0 =	ssub.s32 s0, s26  }
0xe: {  	s8 =	sadd.s32 s8, s2;
	s11 =	sadd.s32 s11, s3;
	s24 =	simm.s32 $0x1C80  }
0xf: {  	s26 =	simm.s32 $0x1D80;
	s12 =	sadd.s32 s7, s6;
	s1 =	sadd.s32 s1, s6  }
0x10: {  	s9 =	sshrl.u32 s9, $0x3;
	s25 =	sshrl.u32 s10, $0x3;
	s5 =	sadd.s32 s5, s7  }
0x11: {  	s10 =	sadd.s32 $0x1E90, s8;
	s15 =	smax.u32 s0, $0x1;
	s13 =	sadd.s32 s9, s6  }
0x12: {  	s14 =	sadd.s32 s25, s6;
	s6 =	sadd.s32 $0x4200, s12;
	s7 =	sadd.s32 $0x6A00, s1  }
0x13: {  	s9 =	sadd.s32 $0x4C00, s1;
	s25 =	simm.s32 $0x1D00;
	s1 =	simm.s32 $0x0  }
0x14: {  	v1 =	vimm.f32 $0.0e+00;
	s12 =	sadd.s32 $0xC400, s13;
	s13 =	sadd.s32 $0xC7D2, s13;
	s14 =	sadd.s32 $0x8800, s14  }
.LBB2_1:
0x15: {  	[tilespmem:s4], [sflag:$0x2] =	stream.linear.gather [hbm4b:s5+s4], $0x280, $0x38;
	[tilespmem:$0x8B90] =	vst v63  }
0x16: {  	_ =	swait.ge [sflag:s16], $0x280  }
0x17: {  	[sflag:s16] =	ssyncset.done $0x0  }
0x18: {  	s0 =	simm.s32 $0x280;
	[sflag:s16] =	ssyncadd.s32 $0xFFFFFD80  }
0x19: {  	[tilespmem:s0], [sflag:$0x2] =	stream.linear.gather [hbm4b:s6+s4], $0x280, $0x38;
	[tilespmem:$0x8B90] =	vst v63  }
0x1a: {  	_ =	swait.ge [sflag:s16], $0x280  }
0x1b: {  	[sflag:s16] =	ssyncset.done $0x0  }
0x1c: {  	s17 =	simm.s32 $0x500;
	[sflag:s16] =	ssyncadd.s32 $0xFFFFFD80  }
0x1d: {  	[tilespmem:s17], [sflag:$0x2] =	stream.linear.gather [hbm4b:s7+s4], $0x780, $0x38;
	[tilespmem:$0x8B90] =	vst v63  }
0x1e: {  	_ =	swait.ge [sflag:s16], $0x780  }
0x1f: {  	[sflag:s16] =	ssyncset.done $0x0  }
0x20: {  	s17 =	simm.s32 $0xC80;
	[sflag:s16] =	ssyncadd.s32 $0xFFFFF880  }
0x21: {  	[tilespmem:s17], [sflag:$0x2] =	stream.linear.gather [hbm4b:s9+s4], $0x780, $0x38;
	[tilespmem:$0x8B90] =	vst v63  }
0x22: {  	_ =	swait.ge [sflag:s16], $0x780  }
0x23: {  	[sflag:s16] =	ssyncset.done $0x0  }
0x24: {  	v0 =	vimm.f32 $1.000000000e+00;
	[sflag:s16] =	ssyncadd.s32 $0xFFFFF880  }
0x25: {  	[tilespmem:$0x2000] =	vst v0  }
0x26: {  	[tilespmem:$0x2010] =	vst v0  }
0x27: {  	[tilespmem:$0x2020] =	vst v0  }
0x28: {  	[tilespmem:$0x2030] =	vst v0  }
0x29: {  	[tilespmem:$0x2040] =	vst v0  }
0x2a: {  	[tilespmem:$0x2050] =	vst v0  }
0x2b: {  	[tilespmem:$0x2060] =	vst v0  }
0x2c: {  	s0 =	simm.s32 $0x40;
	s17 =	simm.s32 $0x0;
	[tilespmem:$0x2070] =	vst v0  }
.LBB2_2:
0x2d: {  	p0 =	sne.s32 s0, $0x7A00;
	[tilespmem:s17+$0x2080] =	vst v1;
	s17 =	smov.u32 s0;
	s0 =	sadd.s32 $0x40, s0  }
.Ltmp0:
0x2e: {  	(pc) =	sbr.rel @p0 .LBB2_2-.Ltmp0, $2  }
0x2f: {  	_ =	sdelay $0x2  }
0x30: {  	s17 =	sshra.s32 s17, $0x2  }
0x31: {  	[tilespmem:s17+$0x2080] =	vst v1  }
0x32: {  	[spmem:s8] =	stream.linear.scatter [tilespmem:s20], [sflag:$0x2], $0x1E90, $0x38;
	[tilespmem:$0x8B90] =	vst v63  }
0x33: {  	_ =	swait.ge [sflag:s16], $0x1E90  }
0x34: {  	[sflag:s16] =	ssyncset.done $0x0  }
0x35: {  	[sflag:s16] =	ssyncadd.s32 $0xFFFFE170  }
0x36: {  	[spmem:s10] =	stream.linear.scatter [tilespmem:s20], [sflag:$0x2], $0x1E90, $0x38;
	[tilespmem:$0x8B90] =	vst v63  }
0x37: {  	_ =	swait.ge [sflag:s16], $0x1E90  }
0x38: {  	[sflag:s16] =	ssyncset.done $0x0  }
0x39: {  	[sflag:s16] =	ssyncadd.s32 $0xFFFFE170  }
0x3a: {  	[spmem:s11] =	stream.linear.scatter [tilespmem:s20], [sflag:$0x2], $0xEF0, $0x38;
	[tilespmem:$0x8B90] =	vst v63  }
0x3b: {  	_ =	swait.ge [sflag:s16], $0xEF0  }
0x3c: {  	[sflag:s16] =	ssyncset.done $0x0  }
0x3d: {  	[sflag:s16] =	ssyncadd.s32 $0xFFFFF110  }
0x3e: {  	v0 =	vld [tilespmem:$0x280]  }
0x3f: {  	v2 =	vld [tilespmem:$0x0]  }
0x40: {  	v3 =	vld [tilespmem:$0x290]  }
0x41: {  	v4 =	vld [tilespmem:$0x10]  }
0x42: {  	v5 =	vld [tilespmem:$0x2A0]  }
0x43: {  	v6 =	vld [tilespmem:$0x20]  }
0x44: {  	v7 =	vld [tilespmem:$0x2B0]  }
0x45: {  	v8 =	vld [tilespmem:$0x30]  }
0x46: {  	v9 =	vld [tilespmem:$0x2C0]  }
0x47: {  	v10 =	vld [tilespmem:$0x40]  }
0x48: {  	v11 =	vld [tilespmem:$0x2D0]  }
0x49: {  	v12 =	vld [tilespmem:$0x50]  }
0x4a: {  	v13 =	vld [tilespmem:$0x2E0]  }
0x4b: {  	v14 =	vld [tilespmem:$0x60]  }
0x4c: {  	v15 =	vld [tilespmem:$0x2F0]  }
0x4d: {  	v16 =	vld [tilespmem:$0x70]  }
0x4e: {  	v17 =	vld [tilespmem:$0x300]  }
0x4f: {  	v18 =	vld [tilespmem:$0x80]  }
0x50: {  	v19 =	vld [tilespmem:$0x310]  }
0x51: {  	v20 =	vld [tilespmem:$0x90]  }
0x52: {  	v21 =	vld [tilespmem:$0x320]  }
0x53: {  	v22 =	vld [tilespmem:$0xA0]  }
0x54: {  	v23 =	vld [tilespmem:$0x330]  }
0x55: {  	v24 =	vld [tilespmem:$0xB0];
	v0 =	vshll.u32 v0, $0x9  }
0x56: {  	v52 =	vld [tilespmem:$0xC0];
	v0 =	vadd.s32 v2, v0;
	v2 =	vshll.u32 v3, $0x9  }
0x57: {  	v53 =	vld [tilespmem:$0x350];
	[tilespmem:$0x1400] =	vst v0;
	v0 =	vadd.s32 v4, v2;
	v2 =	vshll.u32 v5, $0x9  }
0x58: {  	v54 =	vld [tilespmem:$0xD0];
	[tilespmem:$0x1410] =	vst v0;
	v0 =	vadd.s32 v6, v2;
	v2 =	vshll.u32 v7, $0x9  }
0x59: {  	v55 =	vld [tilespmem:$0x360];
	[tilespmem:$0x1420] =	vst v0;
	v0 =	vadd.s32 v8, v2;
	v2 =	vshll.u32 v9, $0x9  }
0x5a: {  	v56 =	vld [tilespmem:$0xE0];
	[tilespmem:$0x1430] =	vst v0;
	v0 =	vadd.s32 v10, v2;
	v2 =	vshll.u32 v11, $0x9  }
0x5b: {  	v57 =	vld [tilespmem:$0x370];
	[tilespmem:$0x1440] =	vst v0;
	v0 =	vadd.s32 v12, v2;
	v2 =	vshll.u32 v13, $0x9  }
0x5c: {  	v3 =	vld [tilespmem:$0x340];
	[tilespmem:$0x1450] =	vst v0;
	v0 =	vadd.s32 v14, v2;
	v2 =	vshll.u32 v15, $0x9  }
0x5d: {  	v58 =	vld [tilespmem:$0xF0];
	[tilespmem:$0x1460] =	vst v0;
	v0 =	vadd.s32 v16, v2;
	v2 =	vshll.u32 v17, $0x9  }
0x5e: {  	v59 =	vld [tilespmem:$0x380];
	[tilespmem:$0x1470] =	vst v0;
	v0 =	vadd.s32 v18, v2;
	v2 =	vshll.u32 v19, $0x9  }
0x5f: {  	v60 =	vld [tilespmem:$0x100];
	[tilespmem:$0x1480] =	vst v0;
	v0 =	vadd.s32 v20, v2;
	v2 =	vshll.u32 v21, $0x9  }
0x60: {  	v61 =	vld [tilespmem:$0x390];
	[tilespmem:$0x1490] =	vst v0;
	v0 =	vadd.s32 v22, v2;
	v2 =	vshll.u32 v23, $0x9  }
0x61: {  	v62 =	vld [tilespmem:$0x3A0];
	[tilespmem:$0x14A0] =	vst v0;
	v0 =	vadd.s32 v24, v2;
	v2 =	vshll.u32 v3, $0x9  }
0x62: {  	v3 =	vld [tilespmem:$0x110];
	[tilespmem:$0x14B0] =	vst v0;
	v0 =	vadd.s32 v52, v2;
	v2 =	vshll.u32 v53, $0x9  }
0x63: {  	[tilespmem:$0x14C0] =	vst v0;
	v0 =	vadd.s32 v54, v2;
	v2 =	vshll.u32 v55, $0x9  }
0x64: {  	[tilespmem:$0x14D0] =	vst v0;
	v0 =	vadd.s32 v56, v2;
	v2 =	vshll.u32 v57, $0x9  }
0x65: {  	[tilespmem:$0x14E0] =	vst v0;
	v0 =	vadd.s32 v58, v2;
	v2 =	vshll.u32 v59, $0x9  }
0x66: {  	[tilespmem:$0x14F0] =	vst v0;
	v0 =	vadd.s32 v60, v2;
	v2 =	vshll.u32 v61, $0x9  }
0x67: {  	[tilespmem:$0x1500] =	vst v0;
	v0 =	vadd.s32 v3, v2;
	v2 =	vshll.u32 v62, $0x9;
	v62 =	vld [tilespmem:$0xD20];
	_ =	sdelay $0x4  }
0x68: {  	[tilespmem:$0x1F990] =	vst v62;
	v62 =	vld [tilespmem:$0xD30];
	_ =	sdelay $0x4  }
0x69: {  	[tilespmem:$0x1F9B0] =	vst v62;
	v62 =	vld [tilespmem:$0x5C0];
	_ =	sdelay $0x4  }
0x6a: {  	[tilespmem:$0x1F9A0] =	vst v62;
	v62 =	vld [tilespmem:$0xD40];
	_ =	sdelay $0x4  }
0x6b: {  	[tilespmem:$0x1F9D0] =	vst v62;
	v62 =	vld [tilespmem:$0x5D0];
	_ =	sdelay $0x4  }
0x6c: {  	[tilespmem:$0x1F9C0] =	vst v62;
	v62 =	vld [tilespmem:$0xD50];
	_ =	sdelay $0x4  }
0x6d: {  	[tilespmem:$0x1F9F0] =	vst v62;
	v62 =	vld [tilespmem:$0x5E0];
	_ =	sdelay $0x4  }
0x6e: {  	[tilespmem:$0x1F9E0] =	vst v62;
	v62 =	vld [tilespmem:$0xD60];
	_ =	sdelay $0x4  }
0x6f: {  	[tilespmem:$0x1FA10] =	vst v62;
	v62 =	vld [tilespmem:$0x5F0];
	_ =	sdelay $0x4  }
0x70: {  	[tilespmem:$0x1FA00] =	vst v62;
	v62 =	vld [tilespmem:$0xD70];
	_ =	sdelay $0x4  }
0x71: {  	[tilespmem:$0x1FA30] =	vst v62;
	v62 =	vld [tilespmem:$0x600];
	_ =	sdelay $0x4  }
0x72: {  	[tilespmem:$0x1FA20] =	vst v62;
	v62 =	vld [tilespmem:$0xD80];
	_ =	sdelay $0x4  }
0x73: {  	[tilespmem:$0x1FA50] =	vst v62;
	v62 =	vld [tilespmem:$0x610];
	_ =	sdelay $0x4  }
0x74: {  	[tilespmem:$0x1FA40] =	vst v62;
	v62 =	vld [tilespmem:$0xD90];
	_ =	sdelay $0x4  }
0x75: {  	[tilespmem:$0x1FA70] =	vst v62;
	v62 =	vld [tilespmem:$0x620];
	_ =	sdelay $0x4  }
0x76: {  	[tilespmem:$0x1FA60] =	vst v62;
	v62 =	vld [tilespmem:$0xDA0];
	_ =	sdelay $0x4  }
0x77: {  	[tilespmem:$0x1FA90] =	vst v62;
	v62 =	vld [tilespmem:$0x630];
	_ =	sdelay $0x4  }
0x78: {  	[tilespmem:$0x1FA80] =	vst v62;
	v62 =	vld [tilespmem:$0xDB0];
	_ =	sdelay $0x4  }
0x79: {  	[tilespmem:$0x1FAB0] =	vst v62;
	v62 =	vld [tilespmem:$0x640];
	_ =	sdelay $0x4  }
0x7a: {  	[tilespmem:$0x1FAA0] =	vst v62;
	v62 =	vld [tilespmem:$0xDC0];
	_ =	sdelay $0x4  }
0x7b: {  	[tilespmem:$0x1FAD0] =	vst v62;
	v62 =	vld [tilespmem:$0x650];
	_ =	sdelay $0x4  }
0x7c: {  	[tilespmem:$0x1FAC0] =	vst v62;
	v62 =	vld [tilespmem:$0xDD0];
	_ =	sdelay $0x4  }
0x7d: {  	[tilespmem:$0x1FAF0] =	vst v62;
	v62 =	vld [tilespmem:$0x660];
	_ =	sdelay $0x4  }
0x7e: {  	[tilespmem:$0x1FAE0] =	vst v62;
	v62 =	vld [tilespmem:$0xDE0];
	_ =	sdelay $0x4  }
0x7f: {  	[tilespmem:$0x1FB10] =	vst v62;
	v62 =	vld [tilespmem:$0x670];
	_ =	sdelay $0x4  }
0x80: {  	[tilespmem:$0x1FB00] =	vst v62;
	v62 =	vld [tilespmem:$0xDF0];
	_ =	sdelay $0x4  }
0x81: {  	[tilespmem:$0x1FB30] =	vst v62;
	v62 =	vld [tilespmem:$0x680];
	_ =	sdelay $0x4  }
0x82: {  	[tilespmem:$0x1FB20] =	vst v62;
	v62 =	vld [tilespmem:$0xE00];
	_ =	sdelay $0x4  }
0x83: {  	[tilespmem:$0x1FB50] =	vst v62;
	v62 =	vld [tilespmem:$0x690];
	_ =	sdelay $0x4  }
0x84: {  	[tilespmem:$0x1FB40] =	vst v62;
	v62 =	vld [tilespmem:$0xE10];
	_ =	sdelay $0x4  }
0x85: {  	[tilespmem:$0x1FB70] =	vst v62;
	v62 =	vld [tilespmem:$0x6A0];
	_ =	sdelay $0x4  }
0x86: {  	[tilespmem:$0x1FB60] =	vst v62;
	v62 =	vld [tilespmem:$0xE20];
	_ =	sdelay $0x4  }
0x87: {  	[tilespmem:$0x1FB90] =	vst v62;
	v62 =	vld [tilespmem:$0x6B0];
	_ =	sdelay $0x4  }
0x88: {  	[tilespmem:$0x1FB80] =	vst v62;
	v62 =	vld [tilespmem:$0xE30];
	_ =	sdelay $0x4  }
0x89: {  	[tilespmem:$0x1FBB0] =	vst v62;
	v62 =	vld [tilespmem:$0x6C0];
	_ =	sdelay $0x4  }
0x8a: {  	[tilespmem:$0x1FBA0] =	vst v62;
	v62 =	vld [tilespmem:$0xE40];
	_ =	sdelay $0x4  }
0x8b: {  	[tilespmem:$0x1FBD0] =	vst v62;
	v62 =	vld [tilespmem:$0x6D0];
	_ =	sdelay $0x4  }
0x8c: {  	[tilespmem:$0x1FBC0] =	vst v62;
	v62 =	vld [tilespmem:$0xE50];
	_ =	sdelay $0x4  }
0x8d: {  	[tilespmem:$0x1FBF0] =	vst v62;
	v62 =	vld [tilespmem:$0x6E0];
	_ =	sdelay $0x4  }
0x8e: {  	[tilespmem:$0x1FBE0] =	vst v62;
	v62 =	vld [tilespmem:$0xE60];
	_ =	sdelay $0x4  }
0x8f: {  	[tilespmem:$0x1FC10] =	vst v62;
	v62 =	vld [tilespmem:$0x6F0];
	_ =	sdelay $0x4  }
0x90: {  	[tilespmem:$0x1FC00] =	vst v62;
	v62 =	vld [tilespmem:$0xE70];
	_ =	sdelay $0x4  }
0x91: {  	[tilespmem:$0x1FC30] =	vst v62;
	v62 =	vld [tilespmem:$0x700];
	_ =	sdelay $0x4  }
0x92: {  	[tilespmem:$0x1FC20] =	vst v62;
	v62 =	vld [tilespmem:$0xE80];
	_ =	sdelay $0x4  }
0x93: {  	[tilespmem:$0x1FC50] =	vst v62;
	v62 =	vld [tilespmem:$0x710];
	_ =	sdelay $0x4  }
0x94: {  	[tilespmem:$0x1FC40] =	vst v62;
	v62 =	vld [tilespmem:$0xE90];
	_ =	sdelay $0x4  }
0x95: {  	[tilespmem:$0x1FC70] =	vst v62;
	v62 =	vld [tilespmem:$0x720];
	_ =	sdelay $0x4  }
0x96: {  	[tilespmem:$0x1FC60] =	vst v62;
	v62 =	vld [tilespmem:$0xEA0];
	_ =	sdelay $0x4  }
0x97: {  	[tilespmem:$0x1FC90] =	vst v62;
	v62 =	vld [tilespmem:$0x730];
	_ =	sdelay $0x4  }
0x98: {  	[tilespmem:$0x1FC80] =	vst v62;
	v62 =	vld [tilespmem:$0xEB0];
	_ =	sdelay $0x4  }
0x99: {  	[tilespmem:$0x1FCB0] =	vst v62;
	v62 =	vld [tilespmem:$0x740];
	_ =	sdelay $0x4  }
0x9a: {  	[tilespmem:$0x1FCA0] =	vst v62;
	v62 =	vld [tilespmem:$0xEC0];
	_ =	sdelay $0x4  }
0x9b: {  	[tilespmem:$0x1FCD0] =	vst v62;
	v62 =	vld [tilespmem:$0x750];
	_ =	sdelay $0x4  }
0x9c: {  	[tilespmem:$0x1FCC0] =	vst v62;
	v62 =	vld [tilespmem:$0xED0];
	_ =	sdelay $0x4  }
0x9d: {  	[tilespmem:$0x1FCF0] =	vst v62;
	v62 =	vld [tilespmem:$0x760];
	_ =	sdelay $0x4  }
0x9e: {  	[tilespmem:$0x1FCE0] =	vst v62;
	v62 =	vld [tilespmem:$0xEE0];
	_ =	sdelay $0x4  }
0x9f: {  	[tilespmem:$0x1FD10] =	vst v62;
	v62 =	vld [tilespmem:$0x770];
	_ =	sdelay $0x4  }
0xa0: {  	[tilespmem:$0x1FD00] =	vst v62;
	v62 =	vld [tilespmem:$0xEF0]  }
0xa1: {  	v63 =	vld [tilespmem:$0x120]  }
0xa2: {  	v25 =	vld [tilespmem:$0x1E0]  }
0xa3: {  	v27 =	vld [tilespmem:$0x1F0]  }
0xa4: {  	v26 =	vld [tilespmem:$0x480]  }
0xa5: {  	[tilespmem:$0x1FD30] =	vst v62;
	v62 =	vld [tilespmem:$0x780]  }
0xa6: {  	v29 =	vld [tilespmem:$0x200]  }
0xa7: {  	v28 =	vld [tilespmem:$0x490]  }
0xa8: {  	v31 =	vld [tilespmem:$0x210]  }
0xa9: {  	v30 =	vld [tilespmem:$0x4A0]  }
0xaa: {  	[tilespmem:$0x1FD20] =	vst v62;
	v62 =	vld [tilespmem:$0xF00]  }
0xab: {  	v33 =	vld [tilespmem:$0x220]  }
0xac: {  	v32 =	vld [tilespmem:$0x4B0]  }
0xad: {  	v35 =	vld [tilespmem:$0x230]  }
0xae: {  	v34 =	vld [tilespmem:$0x4C0]  }
0xaf: {  	[tilespmem:$0x1FD50] =	vst v62;
	v62 =	vld [tilespmem:$0x790]  }
0xb0: {  	v37 =	vld [tilespmem:$0x240]  }
0xb1: {  	v36 =	vld [tilespmem:$0x4D0]  }
0xb2: {  	v39 =	vld [tilespmem:$0x250]  }
0xb3: {  	v38 =	vld [tilespmem:$0x4E0]  }
0xb4: {  	[tilespmem:$0x1FD40] =	vst v62;
	v62 =	vld [tilespmem:$0xF10]  }
0xb5: {  	v41 =	vld [tilespmem:$0x260]  }
0xb6: {  	v42 =	vld [tilespmem:$0x4F0]  }
0xb7: {  	v40 =	vld [tilespmem:$0x500]  }
0xb8: {  	v43 =	vld [tilespmem:$0x510]  }
0xb9: {  	[tilespmem:$0x1FD70] =	vst v62;
	v62 =	vld [tilespmem:$0x7A0]  }
0xba: {  	v48 =	vld [tilespmem:$0xC90]  }
0xbb: {  	v44 =	vld [tilespmem:$0x520]  }
0xbc: {  	v50 =	vld [tilespmem:$0xCA0]  }
0xbd: {  	v45 =	vld [tilespmem:$0x530]  }
0xbe: {  	[tilespmem:$0x1FD60] =	vst v62;
	v62 =	vld [tilespmem:$0xF20]  }
0xbf: {  	v51 =	vld [tilespmem:$0xCB0]  }
0xc0: {  	v46 =	vld [tilespmem:$0x540]  }
0xc1: {  	v47 =	vld [tilespmem:$0x550]  }
0xc2: {  	v49 =	vld [tilespmem:$0x560]  }
0xc3: {  	[tilespmem:$0x1FD90] =	vst v62;
	v62 =	vld [tilespmem:$0x7B0]  }
0xc4: {  	v5 =	vld [tilespmem:$0x140]  }
0xc5: {  	v4 =	vld [tilespmem:$0x3D0]  }
0xc6: {  	v7 =	vld [tilespmem:$0x150]  }
0xc7: {  	v6 =	vld [tilespmem:$0x3E0]  }
0xc8: {  	[tilespmem:$0x1FD80] =	vst v62;
	v62 =	vld [tilespmem:$0xF30]  }
0xc9: {  	v9 =	vld [tilespmem:$0x160]  }
0xca: {  	v8 =	vld [tilespmem:$0x3F0]  }
0xcb: {  	v11 =	vld [tilespmem:$0x170]  }
0xcc: {  	v10 =	vld [tilespmem:$0x400]  }
0xcd: {  	[tilespmem:$0x1FDB0] =	vst v62;
	v62 =	vld [tilespmem:$0x7C0]  }
0xce: {  	v13 =	vld [tilespmem:$0x180]  }
0xcf: {  	v12 =	vld [tilespmem:$0x410]  }
0xd0: {  	v15 =	vld [tilespmem:$0x190]  }
0xd1: {  	v14 =	vld [tilespmem:$0x420]  }
0xd2: {  	[tilespmem:$0x1FDA0] =	vst v62;
	v62 =	vld [tilespmem:$0xF40]  }
0xd3: {  	v17 =	vld [tilespmem:$0x1A0]  }
0xd4: {  	v16 =	vld [tilespmem:$0x430]  }
0xd5: {  	v19 =	vld [tilespmem:$0x1B0]  }
0xd6: {  	v18 =	vld [tilespmem:$0x440]  }
0xd7: {  	[tilespmem:$0x1FDD0] =	vst v62;
	v62 =	vld [tilespmem:$0x7D0]  }
0xd8: {  	v21 =	vld [tilespmem:$0x1C0]  }
0xd9: {  	v20 =	vld [tilespmem:$0x450]  }
0xda: {  	v23 =	vld [tilespmem:$0x1D0]  }
0xdb: {  	v22 =	vld [tilespmem:$0x460]  }
0xdc: {  	[tilespmem:$0x1FDC0] =	vst v62;
	v62 =	vld [tilespmem:$0xF50]  }
0xdd: {  	v24 =	vld [tilespmem:$0x470]  }
0xde: {  	v52 =	vld [tilespmem:$0xCC0]  }
0xdf: {  	v53 =	vld [tilespmem:$0x570]  }
0xe0: {  	v54 =	vld [tilespmem:$0x270]  }
0xe1: {  	[tilespmem:$0x1FDF0] =	vst v62;
	v62 =	vld [tilespmem:$0x7E0]  }
0xe2: {  	v55 =	vld [tilespmem:$0xCD0]  }
0xe3: {  	v57 =	vld [tilespmem:$0xCE0]  }
0xe4: {  	v56 =	vld [tilespmem:$0x580]  }
0xe5: {  	v58 =	vld [tilespmem:$0xC80]  }
0xe6: {  	[tilespmem:$0x1FDE0] =	vst v62;
	v62 =	vld [tilespmem:$0xF60]  }
0xe7: {  	v59 =	vld [tilespmem:$0xD00]  }
0xe8: {  	v60 =	vld [tilespmem:$0xCF0]  }
0xe9: {  	v61 =	vld [tilespmem:$0xD10];
	[tilespmem:$0x1510] =	vst v0;
	v0 =	vadd.s32 v63, v2  }
0xea: {  	[tilespmem:$0x1520] =	vst v0;
	v0 =	vld [tilespmem:$0x3B0]  }
0xeb: {  	[tilespmem:$0x1FE10] =	vst v62;
	v62 =	vld [tilespmem:$0x7F0]  }
0xec: {  	v3 =	vld [tilespmem:$0x130]  }
0xed: {  	v2 =	vld [tilespmem:$0x3C0]  }
0xee: {  	v63 =	vld [tilespmem:$0x5B0];
	[tilespmem:$0x1F970] =	vst v59  }
0xef: {  	v59 =	vld [tilespmem:$0x590];
	[tilespmem:$0x1F980] =	vst v61  }
0xf0: {  	v61 =	vld [tilespmem:$0x5A0];
	v0 =	vshll.u32 v0, $0x9;
	[tilespmem:$0x1FE00] =	vst v62  }
0xf1: {  	v0 =	vadd.s32 v3, v0;
	v3 =	vld [tilespmem:$0x840];
	_ =	sdelay $0x4  }
0xf2: {  	[tilespmem:$0x1FEA0] =	vst v3;
	v3 =	vld [tilespmem:$0x850];
	_ =	sdelay $0x4  }
0xf3: {  	[tilespmem:$0x1FEC0] =	vst v3;
	v3 =	vld [tilespmem:$0xFD0];
	_ =	sdelay $0x4  }
0xf4: {  	[tilespmem:$0x1FEE0] =	vst v3;
	v3 =	vld [tilespmem:$0x860];
	_ =	sdelay $0x4  }
0xf5: {  	[tilespmem:$0x1FED0] =	vst v3;
	v3 =	vld [tilespmem:$0xFE0];
	_ =	sdelay $0x4  }
0xf6: {  	[tilespmem:$0x1FF00] =	vst v3;
	v3 =	vld [tilespmem:$0x870];
	_ =	sdelay $0x4  }
0xf7: {  	[tilespmem:$0x1FEF0] =	vst v3;
	v3 =	vld [tilespmem:$0xFF0];
	_ =	sdelay $0x4  }
0xf8: {  	[tilespmem:$0x1FF20] =	vst v3;
	v3 =	vld [tilespmem:$0x880];
	_ =	sdelay $0x4  }
0xf9: {  	[tilespmem:$0x1FF10] =	vst v3;
	v3 =	vld [tilespmem:$0x1000];
	_ =	sdelay $0x4  }
0xfa: {  	[tilespmem:$0x1FF40] =	vst v3;
	v3 =	vld [tilespmem:$0x890];
	_ =	sdelay $0x4  }
0xfb: {  	[tilespmem:$0x1FF30] =	vst v3;
	v3 =	vld [tilespmem:$0x1010];
	_ =	sdelay $0x4  }
0xfc: {  	[tilespmem:$0x1FF60] =	vst v3;
	v3 =	vld [tilespmem:$0x8A0];
	_ =	sdelay $0x4  }
0xfd: {  	[tilespmem:$0x1FF50] =	vst v3;
	v3 =	vld [tilespmem:$0x1020];
	_ =	sdelay $0x4  }
0xfe: {  	[tilespmem:$0x1FF80] =	vst v3;
	v3 =	vld [tilespmem:$0x8B0]  }
0xff: {  	v2 =	vshll.u32 v2, $0x9  }
0x100: {  	[tilespmem:$0x1530] =	vst v0;
	v0 =	vadd.s32 v5, v2;
	v2 =	vshll.u32 v4, $0x9  }
0x101: {  	[tilespmem:$0x1540] =	vst v0;
	v0 =	vadd.s32 v7, v2  }
0x102: {  	v2 =	vshll.u32 v6, $0x9;
	[tilespmem:$0x1550] =	vst v0  }
0x103: {  	v0 =	vadd.s32 v9, v2;
	v2 =	vshll.u32 v8, $0x9;
	[tilespmem:$0x1FF70] =	vst v3;
	v3 =	vld [tilespmem:$0x1030]  }
0x104: {  	[tilespmem:$0x1560] =	vst v0;
	v0 =	vadd.s32 v11, v2;
	v2 =	vshll.u32 v10, $0x9  }
0x105: {  	[tilespmem:$0x1570] =	vst v0;
	v0 =	vadd.s32 v13, v2;
	v2 =	vshll.u32 v12, $0x9  }
0x106: {  	[tilespmem:$0x1580] =	vst v0;
	v0 =	vadd.s32 v15, v2  }
0x107: {  	v2 =	vshll.u32 v14, $0x9;
	[tilespmem:$0x1590] =	vst v0  }
0x108: {  	v0 =	vadd.s32 v17, v2;
	v2 =	vshll.u32 v16, $0x9;
	[tilespmem:$0x1FFA0] =	vst v3;
	v3 =	vld [tilespmem:$0x8C0]  }
0x109: {  	[tilespmem:$0x15A0] =	vst v0;
	v0 =	vadd.s32 v19, v2;
	v2 =	vshll.u32 v18, $0x9  }
0x10a: {  	[tilespmem:$0x15B0] =	vst v0;
	v0 =	vadd.s32 v21, v2;
	v2 =	vshll.u32 v20, $0x9  }
0x10b: {  	[tilespmem:$0x15C0] =	vst v0;
	v0 =	vadd.s32 v23, v2  }
0x10c: {  	v2 =	vshll.u32 v22, $0x9;
	[tilespmem:$0x15D0] =	vst v0  }
0x10d: {  	v0 =	vadd.s32 v25, v2;
	v2 =	vshll.u32 v24, $0x9;
	[tilespmem:$0x1FF90] =	vst v3;
	v3 =	vld [tilespmem:$0x1040]  }
0x10e: {  	[tilespmem:$0x15E0] =	vst v0;
	v0 =	vadd.s32 v27, v2;
	v2 =	vshll.u32 v26, $0x9  }
0x10f: {  	[tilespmem:$0x15F0] =	vst v0;
	v0 =	vadd.s32 v29, v2;
	v2 =	vshll.u32 v28, $0x9  }
0x110: {  	[tilespmem:$0x1600] =	vst v0;
	v0 =	vadd.s32 v31, v2  }
0x111: {  	v2 =	vshll.u32 v30, $0x9;
	[tilespmem:$0x1610] =	vst v0  }
0x112: {  	v0 =	vadd.s32 v33, v2;
	v2 =	vshll.u32 v32, $0x9;
	[tilespmem:$0x1FFC0] =	vst v3;
	v3 =	vld [tilespmem:$0x8D0]  }
0x113: {  	[tilespmem:$0x1620] =	vst v0;
	v0 =	vadd.s32 v35, v2;
	v2 =	vshll.u32 v34, $0x9  }
0x114: {  	[tilespmem:$0x1630] =	vst v0;
	v0 =	vadd.s32 v37, v2;
	v2 =	vshll.u32 v36, $0x9  }
0x115: {  	[tilespmem:$0x1640] =	vst v0;
	v0 =	vadd.s32 v39, v2  }
0x116: {  	v2 =	vshll.u32 v38, $0x9;
	[tilespmem:$0x1650] =	vst v0  }
0x117: {  	v0 =	vadd.s32 v41, v2;
	v2 =	vshll.u32 v42, $0x9;
	[tilespmem:$0x1FFB0] =	vst v3;
	v3 =	vmul.u32 $0xE0, v40  }
0x118: {  	[tilespmem:$0x1660] =	vst v0;
	v0 =	vadd.s32 v54, v2;
	v2 =	vmul.u32 $0xE0, v43  }
0x119: {  	[tilespmem:$0x1670] =	vst v0;
	v0 =	vadd.s32 v58, v3;
	v3 =	vmul.u32 $0xE0, v44  }
0x11a: {  	[tilespmem:$0x1800] =	vst v0;
	v0 =	vadd.s32 v48, v2;
	v2 =	vmul.u32 $0xE0, v45  }
0x11b: {  	[tilespmem:$0x1810] =	vst v0;
	v0 =	vadd.s32 v50, v3;
	v3 =	vmul.u32 $0xE0, v46  }
0x11c: {  	[tilespmem:$0x1820] =	vst v0;
	v0 =	vadd.s32 v51, v2;
	v2 =	vmul.u32 $0xE0, v47  }
0x11d: {  	[tilespmem:$0x1830] =	vst v0;
	v0 =	vadd.s32 v52, v3;
	v3 =	vmul.u32 $0xE0, v49  }
0x11e: {  	[tilespmem:$0x1840] =	vst v0;
	v0 =	vadd.s32 v55, v2;
	v2 =	vmul.u32 $0xE0, v53  }
0x11f: {  	[tilespmem:$0x1850] =	vst v0;
	v0 =	vadd.s32 v57, v3  }
0x120: {  	[tilespmem:$0x1860] =	vst v0;
	v0 =	vadd.s32 v60, v2  }
0x121: {  	[tilespmem:$0x1870] =	vst v0;
	v0 =	vld [tilespmem:$0x1F970];
	_ =	sdelay $0x2  }
0x122: {  	v3 =	vmul.u32 $0xE0, v56;
	_ =	sdelay $0x1  }
0x123: {  	v0 =	vadd.s32 v0, v3  }
0x124: {  	[tilespmem:$0x1880] =	vst v0;
	v0 =	vld [tilespmem:$0x1F980];
	_ =	sdelay $0x2  }
0x125: {  	v2 =	vmul.u32 $0xE0, v59;
	_ =	sdelay $0x1  }
0x126: {  	v0 =	vadd.s32 v0, v2  }
0x127: {  	[tilespmem:$0x1890] =	vst v0;
	v0 =	vld [tilespmem:$0x1F990];
	_ =	sdelay $0x2  }
0x128: {  	v3 =	vmul.u32 $0xE0, v61;
	_ =	sdelay $0x1  }
0x129: {  	v0 =	vadd.s32 v0, v3  }
0x12a: {  	[tilespmem:$0x18A0] =	vst v0;
	v0 =	vld [tilespmem:$0x1F9B0];
	_ =	sdelay $0x2  }
0x12b: {  	v2 =	vmul.u32 $0xE0, v63  }
0x12c: {  	v3 =	vld [tilespmem:$0x1F9A0]  }
0x12d: {  	v0 =	vadd.s32 v0, v2  }
0x12e: {  	[tilespmem:$0x18B0] =	vst v0;
	v0 =	vld [tilespmem:$0x1F9D0];
	_ =	sdelay $0x2  }
0x12f: {  	v3 =	vmul.u32 $0xE0, v3  }
0x130: {  	v2 =	vld [tilespmem:$0x1F9C0]  }
0x131: {  	v0 =	vadd.s32 v0, v3  }
0x132: {  	[tilespmem:$0x18C0] =	vst v0;
	v0 =	vld [tilespmem:$0x1F9F0];
	_ =	sdelay $0x2  }
0x133: {  	v2 =	vmul.u32 $0xE0, v2;
	_ =	sdelay $0x1  }
0x134: {  	v2 =	vadd.s32 v0, v2;
	v0 =	vld [tilespmem:$0x1FA00];
	_ =	sdelay $0x2  }
0x135: {  	v3 =	vld [tilespmem:$0x1F9E0];
	_ =	sdelay $0x1  }
0x136: {  	v17 =	vmul.u32 $0xE0, v0;
	v0 =	vld [tilespmem:$0x1FA10];
	_ =	sdelay $0x2  }
0x137: {  	v3 =	vmul.u32 $0xE0, v3;
	_ =	sdelay $0x1  }
0x138: {  	v3 =	vadd.s32 v0, v3;
	v0 =	vld [tilespmem:$0x1FA20];
	_ =	sdelay $0x4  }
0x139: {  	v19 =	vmul.u32 $0xE0, v0;
	v0 =	vld [tilespmem:$0x1FA30];
	_ =	sdelay $0x4  }
0x13a: {  	[tilespmem:$0x18E0] =	vst v3;
	v3 =	vadd.s32 v0, v17;
	v0 =	vld [tilespmem:$0x1FA40];
	_ =	sdelay $0x4  }
0x13b: {  	v20 =	vmul.u32 $0xE0, v0;
	v0 =	vld [tilespmem:$0x1FA50];
	_ =	sdelay $0x4  }
0x13c: {  	v5 =	vadd.s32 v0, v19;
	v0 =	vld [tilespmem:$0x1FA60];
	_ =	sdelay $0x4  }
0x13d: {  	v21 =	vmul.u32 $0xE0, v0;
	v0 =	vld [tilespmem:$0x1FA70];
	_ =	sdelay $0x4  }
0x13e: {  	v22 =	vadd.s32 v0, v20;
	v0 =	vld [tilespmem:$0x1FA80];
	_ =	sdelay $0x4  }
0x13f: {  	v23 =	vmul.u32 $0xE0, v0;
	v0 =	vld [tilespmem:$0x1FA90];
	_ =	sdelay $0x4  }
0x140: {  	v8 =	vadd.s32 v0, v21;
	v0 =	vld [tilespmem:$0x1FAA0];
	_ =	sdelay $0x4  }
0x141: {  	v25 =	vmul.u32 $0xE0, v0;
	v0 =	vld [tilespmem:$0x1FAB0];
	_ =	sdelay $0x4  }
0x142: {  	v27 =	vadd.s32 v0, v23;
	v0 =	vld [tilespmem:$0x1FAC0];
	_ =	sdelay $0x4  }
0x143: {  	v28 =	vmul.u32 $0xE0, v0;
	v0 =	vld [tilespmem:$0x1FAD0];
	_ =	sdelay $0x4  }
0x144: {  	v11 =	vadd.s32 v0, v25;
	v0 =	vld [tilespmem:$0x1FAE0];
	_ =	sdelay $0x4  }
0x145: {  	v29 =	vmul.u32 $0xE0, v0;
	v0 =	vld [tilespmem:$0x1FAF0];
	_ =	sdelay $0x4  }
0x146: {  	v31 =	vadd.s32 v0, v28;
	v0 =	vld [tilespmem:$0x1FB00];
	_ =	sdelay $0x4  }
0x147: {  	v32 =	vmul.u32 $0xE0, v0;
	v0 =	vld [tilespmem:$0x1FB10];
	_ =	sdelay $0x4  }
0x148: {  	v13 =	vadd.s32 v0, v29;
	v0 =	vld [tilespmem:$0x1FB20];
	_ =	sdelay $0x4  }
0x149: {  	v33 =	vmul.u32 $0xE0, v0;
	v0 =	vld [tilespmem:$0x1FB30];
	_ =	sdelay $0x4  }
0x14a: {  	v35 =	vadd.s32 v0, v32;
	v0 =	vld [tilespmem:$0x1FB40];
	_ =	sdelay $0x3  }
0x14b: {  	v16 =	vld [tilespmem:$0x1060]  }
0x14c: {  	v36 =	vmul.u32 $0xE0, v0;
	v0 =	vld [tilespmem:$0x1FB50];
	_ =	sdelay $0x4  }
0x14d: {  	[tilespmem:$0x1FFF0] =	vst v16;
	v16 =	vadd.s32 v0, v33;
	v0 =	vld [tilespmem:$0x1FB60];
	_ =	sdelay $0x4  }
0x14e: {  	v37 =	vmul.u32 $0xE0, v0;
	v0 =	vld [tilespmem:$0x1FB70];
	_ =	sdelay $0x4  }
0x14f: {  	v38 =	vadd.s32 v0, v36;
	v0 =	vld [tilespmem:$0x1FB80];
	_ =	sdelay $0x4  }
0x150: {  	v40 =	vmul.u32 $0xE0, v0;
	v0 =	vld [tilespmem:$0x1FB90];
	_ =	sdelay $0x4  }
0x151: {  	v19 =	vadd.s32 v0, v37;
	v0 =	vld [tilespmem:$0x1FBA0];
	_ =	sdelay $0x4  }
0x152: {  	v41 =	vmul.u32 $0xE0, v0;
	v0 =	vld [tilespmem:$0x1FBB0];
	_ =	sdelay $0x4  }
0x153: {  	v43 =	vadd.s32 v0, v40;
	v0 =	vld [tilespmem:$0x1FBC0];
	_ =	sdelay $0x4  }
0x154: {  	v44 =	vmul.u32 $0xE0, v0;
	v0 =	vld [tilespmem:$0x1FBD0];
	_ =	sdelay $0x4  }
0x155: {  	v21 =	vadd.s32 v0, v41;
	v0 =	vld [tilespmem:$0x1FBE0];
	_ =	sdelay $0x4  }
0x156: {  	v45 =	vmul.u32 $0xE0, v0;
	v0 =	vld [tilespmem:$0x1FBF0];
	_ =	sdelay $0x4  }
0x157: {  	v46 =	vadd.s32 v0, v44;
	v0 =	vld [tilespmem:$0x1FC00];
	_ =	sdelay $0x4  }
0x158: {  	v47 =	vmul.u32 $0xE0, v0;
	v0 =	vld [tilespmem:$0x1FC10];
	_ =	sdelay $0x4  }
0x159: {  	v23 =	vadd.s32 v0, v45;
	v0 =	vld [tilespmem:$0x1FC20];
	_ =	sdelay $0x4  }
0x15a: {  	v49 =	vmul.u32 $0xE0, v0;
	v0 =	vld [tilespmem:$0x1FC30];
	_ =	sdelay $0x4  }
0x15b: {  	v51 =	vadd.s32 v0, v47;
	v0 =	vld [tilespmem:$0x1FC40];
	_ =	sdelay $0x4  }
0x15c: {  	v52 =	vmul.u32 $0xE0, v0;
	v0 =	vld [tilespmem:$0x1FC50];
	_ =	sdelay $0x4  }
0x15d: {  	[tilespmem:$0x1930] =	vst v27;
	v27 =	vadd.s32 v0, v49;
	v0 =	vld [tilespmem:$0x1FC60];
	_ =	sdelay $0x4  }
0x15e: {  	v53 =	vmul.u32 $0xE0, v0;
	v0 =	vld [tilespmem:$0x1FC70];
	_ =	sdelay $0x4  }
0x15f: {  	v55 =	vadd.s32 v0, v52;
	v0 =	vld [tilespmem:$0x1FC80];
	_ =	sdelay $0x4  }
0x160: {  	v56 =	vmul.u32 $0xE0, v0;
	v0 =	vld [tilespmem:$0x1FC90];
	_ =	sdelay $0x4  }
0x161: {  	v29 =	vadd.s32 v0, v53;
	v0 =	vld [tilespmem:$0x1FCA0];
	_ =	sdelay $0x4  }
0x162: {  	v57 =	vmul.u32 $0xE0, v0;
	v0 =	vld [tilespmem:$0x1FCB0];
	_ =	sdelay $0x4  }
0x163: {  	v59 =	vadd.s32 v0, v56;
	v0 =	vld [tilespmem:$0x1FCC0];
	_ =	sdelay $0x4  }
0x164: {  	v60 =	vmul.u32 $0xE0, v0;
	v0 =	vld [tilespmem:$0x1FCD0];
	_ =	sdelay $0x4  }
0x165: {  	v32 =	vadd.s32 v0, v57;
	v0 =	vld [tilespmem:$0x1FCE0];
	_ =	sdelay $0x4  }
0x166: {  	v61 =	vmul.u32 $0xE0, v0;
	v0 =	vld [tilespmem:$0x1FCF0];
	_ =	sdelay $0x4  }
0x167: {  	v63 =	vadd.s32 v0, v60;
	v0 =	vld [tilespmem:$0x1FD00];
	_ =	sdelay $0x4  }
0x168: {  	v40 =	vmul.u32 $0xE0, v0;
	v0 =	vld [tilespmem:$0x1FD10];
	_ =	sdelay $0x4  }
0x169: {  	[tilespmem:$0x1970] =	vst v35;
	v35 =	vadd.s32 v0, v61;
	v0 =	vld [tilespmem:$0x1FD20];
	_ =	sdelay $0x4  }
0x16a: {  	v41 =	vmul.u32 $0xE0, v0;
	v0 =	vld [tilespmem:$0x1FD30];
	_ =	sdelay $0x4  }
0x16b: {  	[tilespmem:$0x19B0] =	vst v43;
	v43 =	vadd.s32 v0, v40;
	v0 =	vld [tilespmem:$0x1FD40];
	_ =	sdelay $0x4  }
0x16c: {  	v44 =	vmul.u32 $0xE0, v0;
	v0 =	vld [tilespmem:$0x1FD50];
	_ =	sdelay $0x4  }
0x16d: {  	v37 =	vadd.s32 v0, v41;
	v0 =	vld [tilespmem:$0x1FD60];
	_ =	sdelay $0x4  }
0x16e: {  	v45 =	vmul.u32 $0xE0, v0;
	v0 =	vld [tilespmem:$0x1FD70];
	_ =	sdelay $0x4  }
0x16f: {  	[tilespmem:$0x19D0] =	vst v46;
	v46 =	vadd.s32 v0, v44;
	v0 =	vld [tilespmem:$0x1FD80];
	_ =	sdelay $0x4  }
0x170: {  	v47 =	vmul.u32 $0xE0, v0;
	v0 =	vld [tilespmem:$0x1FD90];
	_ =	sdelay $0x4  }
0x171: {  	v40 =	vadd.s32 v0, v45;
	v0 =	vld [tilespmem:$0x1FDA0];
	_ =	sdelay $0x4  }
0x172: {  	v49 =	vmul.u32 $0xE0, v0;
	v0 =	vld [tilespmem:$0x1FDB0];
	_ =	sdelay $0x4  }
0x173: {  	[tilespmem:$0x19F0] =	vst v51;
	v51 =	vadd.s32 v0, v47;
	v0 =	vld [tilespmem:$0x1FDC0];
	_ =	sdelay $0x4  }
0x174: {  	v52 =	vmul.u32 $0xE0, v0;
	v0 =	vld [tilespmem:$0x1FDD0];
	_ =	sdelay $0x4  }
0x175: {  	[tilespmem:$0x1A70] =	vst v43;
	v43 =	vadd.s32 v0, v49;
	v0 =	vld [tilespmem:$0x1FDE0];
	_ =	sdelay $0x4  }
0x176: {  	v53 =	vmul.u32 $0xE0, v0;
	v0 =	vld [tilespmem:$0x1FDF0];
	_ =	sdelay $0x3  }
0x177: {  	v62 =	vld [tilespmem:$0xF70]  }
0x178: {  	[tilespmem:$0x1A10] =	vst v55;
	v55 =	vadd.s32 v0, v52;
	v0 =	vld [tilespmem:$0x1FE00];
	_ =	sdelay $0x3  }
0x179: {  	[tilespmem:$0x1FE30] =	vst v62;
	v62 =	vld [tilespmem:$0x800]  }
0x17a: {  	v56 =	vmul.u32 $0xE0, v0;
	v0 =	vld [tilespmem:$0x1FE10];
	_ =	sdelay $0x3  }
0x17b: {  	[tilespmem:$0x1FE20] =	vst v62;
	v62 =	vld [tilespmem:$0xF80]  }
0x17c: {  	v45 =	vadd.s32 v0, v53;
	v0 =	vld [tilespmem:$0x1FE20];
	_ =	sdelay $0x3  }
0x17d: {  	[tilespmem:$0x1FE50] =	vst v62;
	v62 =	vld [tilespmem:$0x810]  }
0x17e: {  	v57 =	vmul.u32 $0xE0, v0;
	v0 =	vld [tilespmem:$0x1FE30];
	_ =	sdelay $0x3  }
0x17f: {  	[tilespmem:$0x1FE40] =	vst v62;
	v62 =	vld [tilespmem:$0xF90]  }
0x180: {  	[tilespmem:$0x1A30] =	vst v59;
	v59 =	vadd.s32 v0, v56;
	v0 =	vld [tilespmem:$0x1FE40];
	_ =	sdelay $0x3  }
0x181: {  	[tilespmem:$0x1FE70] =	vst v62;
	v62 =	vld [tilespmem:$0x820]  }
0x182: {  	v60 =	vmul.u32 $0xE0, v0;
	v0 =	vld [tilespmem:$0x1FE50];
	_ =	sdelay $0x3  }
0x183: {  	[tilespmem:$0x1FE60] =	vst v62;
	v62 =	vld [tilespmem:$0xFA0]  }
0x184: {  	v47 =	vadd.s32 v0, v57;
	v0 =	vld [tilespmem:$0x1FE60]  }
0x185: {  	v6 =	vld [tilespmem:$0x950]  }
0x186: {  	v4 =	vld [tilespmem:$0x960]  }
0x187: {  	v7 =	vld [tilespmem:$0x970]  }
0x188: {  	[tilespmem:$0x1FE90] =	vst v62;
	v62 =	vld [tilespmem:$0x830]  }
0x189: {  	v61 =	vmul.u32 $0xE0, v0;
	v0 =	vld [tilespmem:$0x1FE70]  }
0x18a: {  	v9 =	vld [tilespmem:$0x980]  }
0x18b: {  	v10 =	vld [tilespmem:$0x10D0]  }
0x18c: {  	v12 =	vld [tilespmem:$0x990]  }
0x18d: {  	v14 =	vld [tilespmem:$0x1050];
	[tilespmem:$0x1FE80] =	vst v62  }
0x18e: {  	[tilespmem:$0x1A50] =	vst v63;
	v63 =	vadd.s32 v0, v60;
	v0 =	vld [tilespmem:$0x1FE80]  }
0x18f: {  	v15 =	vld [tilespmem:$0x8E0];
	v6 =	vmul.u32 $0xE0, v6  }
0x190: {  	v18 =	vld [tilespmem:$0x10C0]  }
0x191: {  	v6 =	vadd.s32 v10, v6;
	v10 =	vld [tilespmem:$0xB10]  }
0x192: {  	[tilespmem:$0x1C50] =	vst v6;
	v6 =	vld [tilespmem:$0x1290]  }
0x193: {  	v56 =	vmul.u32 $0xE0, v0;
	v0 =	vld [tilespmem:$0x1FE90]  }
0x194: {  	v24 =	vld [tilespmem:$0x930]  }
0x195: {  	[tilespmem:$0x1FFD0] =	vst v15;
	v15 =	vld [tilespmem:$0x940]  }
0x196: {  	[tilespmem:$0x1FFE0] =	vst v14;
	v14 =	vld [tilespmem:$0x9A0]  }
0x197: {  	v62 =	vld [tilespmem:$0xFB0]  }
0x198: {  	[tilespmem:$0x1AB0] =	vst v51;
	v51 =	vadd.s32 v0, v61;
	v0 =	vld [tilespmem:$0x1FEA0]  }
0x199: {  	v26 =	vld [tilespmem:$0x10B0]  }
0x19a: {  	v30 =	vld [tilespmem:$0x920]  }
0x19b: {  	v34 =	vld [tilespmem:$0x10A0]  }
0x19c: {  	v24 =	vmul.u32 $0xE0, v24;
	v39 =	vld [tilespmem:$0x910];
	[tilespmem:$0x1FEB0] =	vst v62  }
0x19d: {  	v15 =	vmul.u32 $0xE0, v15;
	v57 =	vmul.u32 $0xE0, v0;
	v0 =	vld [tilespmem:$0x1FEB0]  }
0x19e: {  	v24 =	vadd.s32 v26, v24;
	v26 =	vld [tilespmem:$0xB00]  }
0x19f: {  	v15 =	vadd.s32 v18, v15;
	v18 =	vld [tilespmem:$0x1280]  }
0x1a0: {  	v42 =	vld [tilespmem:$0x1090]  }
0x1a1: {  	[tilespmem:$0x1C40] =	vst v15;
	v15 =	vmul.u32 $0xE0, v14;
	v14 =	vld [tilespmem:$0xB50]  }
0x1a2: {  	v30 =	vmul.u32 $0xE0, v30;
	[tilespmem:$0x1AF0] =	vst v59;
	v59 =	vadd.s32 v0, v56;
	v0 =	vld [tilespmem:$0x1FEC0]  }
0x1a3: {  	v54 =	vld [tilespmem:$0x8F0]  }
0x1a4: {  	v30 =	vadd.s32 v34, v30;
	v34 =	vld [tilespmem:$0x1270]  }
0x1a5: {  	v58 =	vld [tilespmem:$0x1070]  }
0x1a6: {  	v48 =	vld [tilespmem:$0x900]  }
0x1a7: {  	v39 =	vmul.u32 $0xE0, v39;
	v60 =	vmul.u32 $0xE0, v0;
	v0 =	vld [tilespmem:$0x1FED0]  }
0x1a8: {  	v50 =	vld [tilespmem:$0x1080]  }
0x1a9: {  	v54 =	vmul.u32 $0xE0, v54;
	v39 =	vadd.s32 v42, v39;
	v42 =	vld [tilespmem:$0xAF0]  }
0x1aa: {  	v62 =	vld [tilespmem:$0xFC0]  }
0x1ab: {  	v54 =	vadd.s32 v58, v54;
	v58 =	vld [tilespmem:$0xAE0];
	v48 =	vmul.u32 $0xE0, v48  }
0x1ac: {  	v61 =	vmul.u32 $0xE0, v0;
	v0 =	vld [tilespmem:$0x1FEE0]  }
0x1ad: {  	v48 =	vadd.s32 v50, v48;
	v50 =	vld [tilespmem:$0x1260]  }
0x1ae: {  	[tilespmem:$0x18F0] =	vst v3;
	v3 =	vld [tilespmem:$0x10E0]  }
0x1af: {  	[tilespmem:$0x1900] =	vst v5;
	v5 =	vld [tilespmem:$0x10F0]  }
0x1b0: {  	[tilespmem:$0x18D0] =	vst v2;
	v2 =	vld [tilespmem:$0x1FFC0]  }
0x1b1: {  	v4 =	vmul.u32 $0xE0, v4;
	v53 =	vadd.s32 v62, v57;
	v62 =	vadd.s32 v0, v60;
	v0 =	vld [tilespmem:$0x1FEF0]  }
0x1b2: {  	v7 =	vmul.u32 $0xE0, v7;
	v17 =	vld [tilespmem:$0x9B0]  }
0x1b3: {  	v3 =	vadd.s32 v3, v4;
	[tilespmem:$0x1910] =	vst v22;
	v22 =	vld [tilespmem:$0x9D0]  }
0x1b4: {  	[tilespmem:$0x1C60] =	vst v3;
	v3 =	vadd.s32 v5, v7;
	v7 =	vld [tilespmem:$0xB20]  }
0x1b5: {  	[tilespmem:$0x1920] =	vst v8;
	v8 =	vld [tilespmem:$0x1100]  }
0x1b6: {  	[tilespmem:$0x1B10] =	vst v63;
	v63 =	vmul.u32 $0xE0, v0;
	v0 =	vld [tilespmem:$0x1FF00]  }
0x1b7: {  	v20 =	vld [tilespmem:$0x9C0]  }
0x1b8: {  	v9 =	vmul.u32 $0xE0, v9;
	[tilespmem:$0x1C30] =	vst v24;
	v24 =	vmul.u32 $0xE0, v22;
	v22 =	vld [tilespmem:$0x1300]  }
0x1b9: {  	[tilespmem:$0x1940] =	vst v11;
	v11 =	vld [tilespmem:$0x1110]  }
0x1ba: {  	[tilespmem:$0x1C70] =	vst v3;
	v3 =	vadd.s32 v8, v9;
	v8 =	vld [tilespmem:$0x12A0]  }
0x1bb: {  	v56 =	vadd.s32 v0, v61;
	v0 =	vld [tilespmem:$0x1FF10]  }
0x1bc: {  	v12 =	vmul.u32 $0xE0, v12;
	v9 =	vld [tilespmem:$0xB30]  }
0x1bd: {  	v25 =	vld [tilespmem:$0x9E0]  }
0x1be: {  	[tilespmem:$0x1C80] =	vst v3;
	v3 =	vadd.s32 v11, v12;
	v11 =	vld [tilespmem:$0x12B0]  }
0x1bf: {  	v12 =	vld [tilespmem:$0xB40]  }
0x1c0: {  	[tilespmem:$0x1B30] =	vst v59;
	v59 =	vmul.u32 $0xE0, v0;
	v0 =	vld [tilespmem:$0x1FF20]  }
0x1c1: {  	[tilespmem:$0x1960] =	vst v13;
	v13 =	vld [tilespmem:$0x1120]  }
0x1c2: {  	v28 =	vld [tilespmem:$0x9F0]  }
0x1c3: {  	[tilespmem:$0x1950] =	vst v31;
	v31 =	vld [tilespmem:$0xA00]  }
0x1c4: {  	[tilespmem:$0x1980] =	vst v16;
	v16 =	vld [tilespmem:$0x1130]  }
0x1c5: {  	[tilespmem:$0x1B60] =	vst v56;
	v56 =	vadd.s32 v0, v63;
	v0 =	vld [tilespmem:$0x1FF30]  }
0x1c6: {  	[tilespmem:$0x1C90] =	vst v3;
	v3 =	vadd.s32 v13, v15;
	v13 =	vld [tilespmem:$0x12C0]  }
0x1c7: {  	v17 =	vmul.u32 $0xE0, v17;
	v15 =	vld [tilespmem:$0x12D0]  }
0x1c8: {  	v33 =	vld [tilespmem:$0xA10]  }
0x1c9: {  	[tilespmem:$0x1CA0] =	vst v3;
	v3 =	vadd.s32 v16, v17;
	v16 =	vld [tilespmem:$0xB60]  }
0x1ca: {  	v60 =	vmul.u32 $0xE0, v0;
	v0 =	vld [tilespmem:$0x1FF40]  }
0x1cb: {  	v17 =	vld [tilespmem:$0x12E0]  }
0x1cc: {  	[tilespmem:$0x19A0] =	vst v19;
	v19 =	vld [tilespmem:$0x1140]  }
0x1cd: {  	v36 =	vld [tilespmem:$0xA20]  }
0x1ce: {  	[tilespmem:$0x19C0] =	vst v21;
	v21 =	vld [tilespmem:$0x1150]  }
0x1cf: {  	[tilespmem:$0x1C20] =	vst v30;
	v20 =	vmul.u32 $0xE0, v20;
	v59 =	vadd.s32 v0, v59;
	v0 =	vld [tilespmem:$0x1FF50]  }
0x1d0: {  	[tilespmem:$0x1990] =	vst v38;
	v38 =	vld [tilespmem:$0xA30]  }
0x1d1: {  	[tilespmem:$0x1CB0] =	vst v3;
	v3 =	vadd.s32 v19, v20;
	v19 =	vld [tilespmem:$0xB70]  }
0x1d2: {  	v20 =	vld [tilespmem:$0x12F0];
	[tilespmem:$0x1CC0] =	vst v3  }
0x1d3: {  	v3 =	vadd.s32 v21, v24;
	[tilespmem:$0x19E0] =	vst v23;
	v23 =	vld [tilespmem:$0x1160]  }
0x1d4: {  	[tilespmem:$0x1CD0] =	vst v3;
	v61 =	vmul.u32 $0xE0, v0;
	v0 =	vld [tilespmem:$0x1FF60]  }
0x1d5: {  	[tilespmem:$0x1A00] =	vst v27;
	v27 =	vld [tilespmem:$0x1170]  }
0x1d6: {  	[tilespmem:$0x1A20] =	vst v29;
	v29 =	vld [tilespmem:$0x1180]  }
0x1d7: {  	v25 =	vmul.u32 $0xE0, v25;
	[tilespmem:$0x1A40] =	vst v32;
	v32 =	vld [tilespmem:$0x1190]  }
0x1d8: {  	v28 =	vmul.u32 $0xE0, v28;
	[tilespmem:$0x1A60] =	vst v35;
	v35 =	vld [tilespmem:$0x11A0]  }
0x1d9: {  	v30 =	vmul.u32 $0xE0, v31;
	v3 =	vadd.s32 v23, v25;
	[tilespmem:$0x1B80] =	vst v59;
	v59 =	vadd.s32 v0, v60;
	v0 =	vld [tilespmem:$0x1FF70]  }
0x1da: {  	v31 =	vmul.u32 $0xE0, v33;
	v21 =	vld [tilespmem:$0xB80];
	[tilespmem:$0x1CE0] =	vst v3;
	v3 =	vadd.s32 v27, v28  }
0x1db: {  	v33 =	vmul.u32 $0xE0, v36;
	v24 =	vld [tilespmem:$0x1310];
	[tilespmem:$0x1CF0] =	vst v3;
	v3 =	vadd.s32 v29, v30  }
0x1dc: {  	v23 =	vld [tilespmem:$0xB90];
	[tilespmem:$0x1D00] =	vst v3;
	v3 =	vadd.s32 v32, v31  }
0x1dd: {  	[tilespmem:$0x1D10] =	vst v3;
	v3 =	vadd.s32 v35, v33;
	v33 =	vld [tilespmem:$0x1350]  }
0x1de: {  	v60 =	vmul.u32 $0xE0, v0;
	v0 =	vld [tilespmem:$0x1FF80]  }
0x1df: {  	v35 =	vld [tilespmem:$0xBE0]  }
0x1e0: {  	v41 =	vld [tilespmem:$0xA40]  }
0x1e1: {  	[tilespmem:$0x1A80] =	vst v37;
	v37 =	vld [tilespmem:$0x11B0]  }
0x1e2: {  	[tilespmem:$0x1C10] =	vst v39;
	v44 =	vld [tilespmem:$0xA50]  }
0x1e3: {  	[tilespmem:$0x1BF0] =	vst v54;
	v61 =	vadd.s32 v0, v61;
	v0 =	vld [tilespmem:$0x1FF90]  }
0x1e4: {  	[tilespmem:$0x1A90] =	vst v46;
	v46 =	vld [tilespmem:$0xA60]  }
0x1e5: {  	[tilespmem:$0x1AA0] =	vst v40;
	v40 =	vld [tilespmem:$0x11C0]  }
0x1e6: {  	[tilespmem:$0x1C00] =	vst v48;
	v36 =	vmul.u32 $0xE0, v38;
	v49 =	vld [tilespmem:$0xA70]  }
0x1e7: {  	[tilespmem:$0x1AC0] =	vst v43;
	v43 =	vld [tilespmem:$0x11D0]  }
0x1e8: {  	[tilespmem:$0x1D20] =	vst v3;
	v3 =	vadd.s32 v37, v36;
	v63 =	vmul.u32 $0xE0, v0;
	v0 =	vld [tilespmem:$0x1FFA0]  }
0x1e9: {  	[tilespmem:$0x1D30] =	vst v3;
	v52 =	vld [tilespmem:$0xA80]  }
0x1ea: {  	[tilespmem:$0x1AD0] =	vst v55;
	v55 =	vld [tilespmem:$0xA90]  }
0x1eb: {  	[tilespmem:$0x1AE0] =	vst v45;
	v45 =	vld [tilespmem:$0x11E0]  }
0x1ec: {  	[tilespmem:$0x1B00] =	vst v47;
	v47 =	vld [tilespmem:$0x11F0]  }
0x1ed: {  	[tilespmem:$0x1B20] =	vst v51;
	v60 =	vadd.s32 v0, v60;
	v0 =	vld [tilespmem:$0x1FFB0]  }
0x1ee: {  	v51 =	vld [tilespmem:$0x1200];
	[tilespmem:$0x1BB0] =	vst v60;
	v60 =	vadd.s32 v2, v63  }
0x1ef: {  	[tilespmem:$0x1BC0] =	vst v60;
	v60 =	vld [tilespmem:$0x1FFE0]  }
0x1f0: {  	v38 =	vmul.u32 $0xE0, v41;
	v57 =	vld [tilespmem:$0xAA0];
	[tilespmem:$0x1B40] =	vst v53  }
0x1f1: {  	v53 =	vld [tilespmem:$0x1210];
	[tilespmem:$0x1B50] =	vst v62  }
0x1f2: {  	v3 =	vadd.s32 v40, v38;
	v62 =	vld [tilespmem:$0xAB0];
	[tilespmem:$0x1BA0] =	vst v61;
	v61 =	vmul.u32 $0xE0, v0  }
0x1f3: {  	[tilespmem:$0x1D40] =	vst v3;
	v2 =	vld [tilespmem:$0x1FFD0]  }
0x1f4: {  	v39 =	vmul.u32 $0xE0, v44;
	[tilespmem:$0x1B70] =	vst v56;
	v56 =	vld [tilespmem:$0x1220];
	v60 =	vadd.s32 v60, v61  }
0x1f5: {  	v41 =	vmul.u32 $0xE0, v46;
	[tilespmem:$0x1BD0] =	vst v60;
	v60 =	vld [tilespmem:$0x1FFF0]  }
0x1f6: {  	v44 =	vmul.u32 $0xE0, v49;
	v3 =	vadd.s32 v43, v39;
	[tilespmem:$0x1B90] =	vst v59;
	v59 =	vld [tilespmem:$0x1230]  }
0x1f7: {  	[tilespmem:$0x1D50] =	vst v3;
	v46 =	vmul.u32 $0xE0, v52;
	v3 =	vadd.s32 v45, v41;
	v0 =	vld [tilespmem:$0xAC0]  }
0x1f8: {  	v48 =	vmul.u32 $0xE0, v55;
	[tilespmem:$0x1D60] =	vst v3;
	v3 =	vadd.s32 v47, v44;
	v63 =	vmul.u32 $0xE0, v2;
	v61 =	vld [tilespmem:$0xAD0]  }
0x1f9: {  	[tilespmem:$0x1D70] =	vst v3;
	v3 =	vadd.s32 v51, v46;
	v51 =	vmul.u32 $0xE0, v57;
	v2 =	vld [tilespmem:$0x1240]  }
0x1fa: {  	[tilespmem:$0x1D80] =	vst v3;
	v3 =	vadd.s32 v53, v48;
	v60 =	vadd.s32 v60, v63;
	v63 =	vld [tilespmem:$0x1250]  }
0x1fb: {  	v36 =	vld [tilespmem:$0x1360];
	[tilespmem:$0x1D90] =	vst v3;
	v54 =	vmul.u32 $0xE0, v62;
	v3 =	vadd.s32 v56, v51  }
0x1fc: {  	v38 =	vld [tilespmem:$0xBF0];
	[tilespmem:$0x1DA0] =	vst v3;
	v0 =	vmul.u32 $0xE0, v0  }
0x1fd: {  	v49 =	vld [tilespmem:$0xBA0];
	v3 =	vadd.s32 v59, v54;
	[tilespmem:$0x1BE0] =	vst v60;
	v60 =	vmul.u32 $0xE0, v61  }
0x1fe: {  	v39 =	vld [tilespmem:$0x1370];
	[tilespmem:$0x1DB0] =	vst v3;
	v0 =	vadd.s32 v2, v0;
	v2 =	vmul.u32 $0xE0, v58  }
0x1ff: {  	v52 =	vld [tilespmem:$0x1320];
	v62 =	vmul.u32 $0xE0, v42;
	[tilespmem:$0x1DC0] =	vst v0;
	v0 =	vadd.s32 v63, v60  }
0x200: {  	v55 =	vld [tilespmem:$0xBB0];
	[tilespmem:$0x1DD0] =	vst v0;
	v0 =	vadd.s32 v50, v2;
	v2 =	vmul.u32 $0xE0, v26  }
0x201: {  	v41 =	vld [tilespmem:$0xC00];
	[tilespmem:$0x1DE0] =	vst v0;
	v0 =	vadd.s32 v34, v62;
	v34 =	vmul.u32 $0xE0, v10  }
0x202: {  	v45 =	vld [tilespmem:$0x1390];
	[tilespmem:$0x1DF0] =	vst v0;
	v0 =	vadd.s32 v18, v2;
	v2 =	vmul.u32 $0xE0, v7  }
0x203: {  	v37 =	vmul.u32 $0xE0, v9;
	v44 =	vld [tilespmem:$0xC10];
	[tilespmem:$0x1E00] =	vst v0;
	v0 =	vadd.s32 v6, v34  }
0x204: {  	v47 =	vld [tilespmem:$0xC20];
	[tilespmem:$0x1E10] =	vst v0;
	v0 =	vadd.s32 v8, v2;
	v2 =	vmul.u32 $0xE0, v12  }
0x205: {  	v40 =	vmul.u32 $0xE0, v14;
	v57 =	vld [tilespmem:$0x1330];
	[tilespmem:$0x1E20] =	vst v0;
	v0 =	vadd.s32 v11, v37  }
0x206: {  	v48 =	vld [tilespmem:$0x13A0];
	[tilespmem:$0x1E30] =	vst v0;
	v0 =	vadd.s32 v13, v2;
	v2 =	vmul.u32 $0xE0, v16  }
0x207: {  	v43 =	vmul.u32 $0xE0, v19;
	v61 =	vld [tilespmem:$0xBC0];
	[tilespmem:$0x1E40] =	vst v0;
	v0 =	vadd.s32 v15, v40  }
0x208: {  	v63 =	vld [tilespmem:$0xBD0];
	[tilespmem:$0x1E50] =	vst v0;
	v0 =	vadd.s32 v17, v2;
	v2 =	vmul.u32 $0xE0, v21  }
0x209: {  	v46 =	vmul.u32 $0xE0, v23;
	v3 =	vld [tilespmem:$0x1340];
	[tilespmem:$0x1E60] =	vst v0;
	v0 =	vadd.s32 v20, v43  }
0x20a: {  	v53 =	vld [tilespmem:$0xC40];
	[tilespmem:$0x1E70] =	vst v0;
	v0 =	vadd.s32 v22, v2;
	v2 =	vmul.u32 $0xE0, v49  }
0x20b: {  	v42 =	vld [tilespmem:$0x1380];
	v49 =	vmul.u32 $0xE0, v55;
	[tilespmem:$0x1E80] =	vst v0;
	v0 =	vadd.s32 v24, v46  }
0x20c: {  	v51 =	vld [tilespmem:$0x13B0];
	[tilespmem:$0x1E90] =	vst v0;
	v0 =	vadd.s32 v52, v2;
	v2 =	vmul.u32 $0xE0, v61  }
0x20d: {  	v56 =	vld [tilespmem:$0x13D0];
	v52 =	vmul.u32 $0xE0, v63;
	[tilespmem:$0x1EA0] =	vst v0;
	v0 =	vadd.s32 v57, v49  }
0x20e: {  	v50 =	vld [tilespmem:$0xC30];
	[tilespmem:$0x1EB0] =	vst v0;
	v0 =	vadd.s32 v3, v2;
	v2 =	vmul.u32 $0xE0, v35  }
0x20f: {  	v54 =	vmul.u32 $0xE0, v38;
	v58 =	vld [tilespmem:$0xC60];
	[tilespmem:$0x1EC0] =	vst v0;
	v0 =	vadd.s32 v33, v52  }
0x210: {  	v55 =	vld [tilespmem:$0xC50];
	[tilespmem:$0x1ED0] =	vst v0;
	v0 =	vadd.s32 v36, v2;
	v2 =	vmul.u32 $0xE0, v41  }
0x211: {  	v57 =	vmul.u32 $0xE0, v44;
	v3 =	vld [tilespmem:$0x13C0];
	[tilespmem:$0x1EE0] =	vst v0;
	v0 =	vadd.s32 v39, v54  }
0x212: {  	v59 =	vld [tilespmem:$0xC70];
	[tilespmem:$0x1EF0] =	vst v0;
	v0 =	vadd.s32 v42, v2;
	v2 =	vmul.u32 $0xE0, v47  }
0x213: {  	v60 =	vmul.u32 $0xE0, v50;
	v61 =	vld [tilespmem:$0x13E0];
	[tilespmem:$0x1F00] =	vst v0;
	v0 =	vadd.s32 v45, v57  }
0x214: {  	v62 =	vld [tilespmem:$0x13F0];
	[tilespmem:$0x1F10] =	vst v0;
	v0 =	vadd.s32 v48, v2;
	v2 =	vmul.u32 $0xE0, v53  }
0x215: {  	v63 =	vmul.u32 $0xE0, v55;
	[tilespmem:$0x1F20] =	vst v0;
	v0 =	vadd.s32 v51, v60  }
0x216: {  	[tilespmem:$0x1F30] =	vst v0;
	v0 =	vadd.s32 v3, v2;
	v2 =	vmul.u32 $0xE0, v58  }
0x217: {  	v3 =	vmul.u32 $0xE0, v59;
	[tilespmem:$0x1F40] =	vst v0;
	v0 =	vadd.s32 v56, v63  }
0x218: {  	[tilespmem:$0x1F50] =	vst v0;
	v0 =	vadd.s32 v61, v2  }
0x219: {  	[tilespmem:$0x1F60] =	vst v0;
	v0 =	vadd.s32 v62, v3  }
0x21a: {  	[tilespmem:$0x1F70] =	vst v0  }
0x21b: {  	s0 =	simm.s32 $0x1400;
	[bflag:$0x0] =	sbarrier.arrive $0xFFFF  }
0x21c: {  	[spmem:s2] =	stream.indirect.scatter.add.f32 [tilespmem:s23], [sflag:$0x1], $0x1, s0, s21, $0xb8;
	[tilespmem:$0x8B90] =	vst v63  }
0x21d: {  	s17 =	simm.s32 $0x1480  }
0x21e: {  	[spmem:s2] =	stream.indirect.scatter.add.f32 [tilespmem:s23], [sflag:$0x1], $0x1, s17, s21, $0xb8;
	[tilespmem:$0x8B90] =	vst v63  }
0x21f: {  	s17 =	simm.s32 $0x1500  }
0x220: {  	[spmem:s2] =	stream.indirect.scatter.add.f32 [tilespmem:s23], [sflag:$0x1], $0x1, s17, s21, $0xb8;
	[tilespmem:$0x8B90] =	vst v63  }
0x221: {  	s17 =	simm.s32 $0x1580  }
0x222: {  	[spmem:s2] =	stream.indirect.scatter.add.f32 [tilespmem:s23], [sflag:$0x1], $0x1, s17, s21, $0xb8;
	[tilespmem:$0x8B90] =	vst v63  }
0x223: {  	s17 =	simm.s32 $0x1600  }
0x224: {  	[spmem:s2] =	stream.indirect.scatter.add.f32 [tilespmem:s23], [sflag:$0x1], $0x1, s17, s21, $0xb8;
	[tilespmem:$0x8B90] =	vst v63  }
0x225: {  	s17 =	simm.s32 $0x1800  }
0x226: {  	[spmem:s3] =	stream.indirect.scatter.add.f32 [tilespmem:s23], [sflag:$0x1], $0x1, s17, s21, $0xb8;
	[tilespmem:$0x8B90] =	vst v63  }
0x227: {  	s17 =	simm.s32 $0x1880  }
0x228: {  	[spmem:s3] =	stream.indirect.scatter.add.f32 [tilespmem:s23], [sflag:$0x1], $0x1, s17, s21, $0xb8;
	[tilespmem:$0x8B90] =	vst v63  }
0x229: {  	s17 =	simm.s32 $0x1900  }
0x22a: {  	[spmem:s3] =	stream.indirect.scatter.add.f32 [tilespmem:s23], [sflag:$0x1], $0x1, s17, s21, $0xb8;
	[tilespmem:$0x8B90] =	vst v63  }
0x22b: {  	s17 =	simm.s32 $0x1980  }
0x22c: {  	[spmem:s3] =	stream.indirect.scatter.add.f32 [tilespmem:s23], [sflag:$0x1], $0x1, s17, s21, $0xb8;
	[tilespmem:$0x8B90] =	vst v63  }
0x22d: {  	s17 =	simm.s32 $0x1A00  }
0x22e: {  	[spmem:s3] =	stream.indirect.scatter.add.f32 [tilespmem:s23], [sflag:$0x1], $0x1, s17, s21, $0xb8;
	[tilespmem:$0x8B90] =	vst v63  }
0x22f: {  	s17 =	simm.s32 $0x1A80  }
0x230: {  	[spmem:s3] =	stream.indirect.scatter.add.f32 [tilespmem:s23], [sflag:$0x1], $0x1, s17, s21, $0xb8;
	[tilespmem:$0x8B90] =	vst v63  }
0x231: {  	_ = 	snop  }
0x232: {  	[spmem:s3] =	stream.indirect.scatter.add.f32 [tilespmem:s23], [sflag:$0x1], $0x1, s18, s21, $0xb8;
	[tilespmem:$0x8B90] =	vst v63  }
0x233: {  	_ = 	snop  }
0x234: {  	[spmem:s3] =	stream.indirect.scatter.add.f32 [tilespmem:s23], [sflag:$0x1], $0x1, s19, s21, $0xb8;
	[tilespmem:$0x8B90] =	vst v63  }
0x235: {  	_ = 	snop  }
0x236: {  	[spmem:s3] =	stream.indirect.scatter.add.f32 [tilespmem:s23], [sflag:$0x1], $0x1, s22, s21, $0xb8;
	[tilespmem:$0x8B90] =	vst v63  }
0x237: {  	_ = 	snop  }
0x238: {  	[spmem:s3] =	stream.indirect.scatter.add.f32 [tilespmem:s23], [sflag:$0x1], $0x1, s24, s21, $0xb8;
	[tilespmem:$0x8B90] =	vst v63  }
0x239: {  	_ = 	snop  }
0x23a: {  	[spmem:s3] =	stream.indirect.scatter.add.f32 [tilespmem:s23], [sflag:$0x1], $0x1, s25, s21, $0xb8;
	[tilespmem:$0x8B90] =	vst v63  }
0x23b: {  	_ = 	snop  }
0x23c: {  	[spmem:s3] =	stream.indirect.scatter.add.f32 [tilespmem:s23], [sflag:$0x1], $0x1, s26, s21, $0xb8;
	[tilespmem:$0x8B90] =	vst v63  }
0x23d: {  	_ = 	snop  }
0x23e: {  	[spmem:s3] =	stream.indirect.scatter.add.f32 [tilespmem:s23], [sflag:$0x1], $0x1, s28, s21, $0xb8;
	[tilespmem:$0x8B90] =	vst v63  }
0x23f: {  	_ = 	snop  }
0x240: {  	[spmem:s3] =	stream.indirect.scatter.add.f32 [tilespmem:s23], [sflag:$0x1], $0x1, s29, s21, $0xb8;
	[tilespmem:$0x8B90] =	vst v63  }
0x241: {  	_ = 	snop  }
0x242: {  	[spmem:s3] =	stream.indirect.scatter.add.f32 [tilespmem:s23], [sflag:$0x1], $0x1, s30, s21, $0xb8;
	[tilespmem:$0x8B90] =	vst v63  }
0x243: {  	_ =	swait.ge [sflag:s31], $0x80  }
0x244: {  	[sflag:s31] =	ssyncset.done $0x0  }
0x245: {  	[sflag:s31] =	ssyncadd.s32 $0xFFFFFF80  }
0x246: {  	_ =	swait.ge [sflag:s31], $0x80  }
0x247: {  	[sflag:s31] =	ssyncset.done $0x0  }
0x248: {  	[sflag:s31] =	ssyncadd.s32 $0xFFFFFF80  }
0x249: {  	_ =	swait.ge [sflag:s31], $0x80  }
0x24a: {  	[sflag:s31] =	ssyncset.done $0x0  }
0x24b: {  	[sflag:s31] =	ssyncadd.s32 $0xFFFFFF80  }
0x24c: {  	_ =	swait.ge [sflag:s31], $0x80  }
0x24d: {  	[sflag:s31] =	ssyncset.done $0x0  }
0x24e: {  	[sflag:s31] =	ssyncadd.s32 $0xFFFFFF80  }
0x24f: {  	_ =	swait.ge [sflag:s31], $0x80  }
0x250: {  	[sflag:s31] =	ssyncset.done $0x0  }
0x251: {  	[sflag:s31] =	ssyncadd.s32 $0xFFFFFF80  }
0x252: {  	_ =	swait.ge [sflag:s31], $0x80  }
0x253: {  	[sflag:s31] =	ssyncset.done $0x0  }
0x254: {  	[sflag:s31] =	ssyncadd.s32 $0xFFFFFF80  }
0x255: {  	_ =	swait.ge [sflag:s31], $0x80  }
0x256: {  	[sflag:s31] =	ssyncset.done $0x0  }
0x257: {  	[sflag:s31] =	ssyncadd.s32 $0xFFFFFF80  }
0x258: {  	_ =	swait.ge [sflag:s31], $0x80  }
0x259: {  	[sflag:s31] =	ssyncset.done $0x0  }
0x25a: {  	[sflag:s31] =	ssyncadd.s32 $0xFFFFFF80  }
0x25b: {  	_ =	swait.ge [sflag:s31], $0x80  }
0x25c: {  	[sflag:s31] =	ssyncset.done $0x0  }
0x25d: {  	[sflag:s31] =	ssyncadd.s32 $0xFFFFFF80  }
0x25e: {  	_ =	swait.ge [sflag:s31], $0x80  }
0x25f: {  	[sflag:s31] =	ssyncset.done $0x0  }
0x260: {  	[sflag:s31] =	ssyncadd.s32 $0xFFFFFF80  }
0x261: {  	_ =	swait.ge [sflag:s31], $0x80  }
0x262: {  	[sflag:s31] =	ssyncset.done $0x0  }
0x263: {  	[sflag:s31] =	ssyncadd.s32 $0xFFFFFF80  }
0x264: {  	_ =	swait.ge [sflag:s31], $0x80  }
0x265: {  	[sflag:s31] =	ssyncset.done $0x0  }
0x266: {  	[sflag:s31] =	ssyncadd.s32 $0xFFFFFF80  }
0x267: {  	_ =	swait.ge [sflag:s31], $0x80  }
0x268: {  	[sflag:s31] =	ssyncset.done $0x0  }
0x269: {  	[sflag:s31] =	ssyncadd.s32 $0xFFFFFF80  }
0x26a: {  	_ =	swait.ge [sflag:s31], $0x80  }
0x26b: {  	[sflag:s31] =	ssyncset.done $0x0  }
0x26c: {  	[sflag:s31] =	ssyncadd.s32 $0xFFFFFF80  }
0x26d: {  	_ =	swait.ge [sflag:s31], $0x80  }
0x26e: {  	[sflag:s31] =	ssyncset.done $0x0  }
0x26f: {  	[sflag:s31] =	ssyncadd.s32 $0xFFFFFF80  }
0x270: {  	_ =	swait.ge [sflag:s31], $0x80  }
0x271: {  	[sflag:s31] =	ssyncset.done $0x0  }
0x272: {  	[sflag:s31] =	ssyncadd.s32 $0xFFFFFF80  }
0x273: {  	_ =	swait.ge [sflag:s31], $0x80  }
0x274: {  	[sflag:s31] =	ssyncset.done $0x0  }
0x275: {  	[sflag:s31] =	ssyncadd.s32 $0xFFFFFF80  }
0x276: {  	_ =	swait.ge [sflag:s31], $0x80  }
0x277: {  	[sflag:s31] =	ssyncset.done $0x0  }
0x278: {  	[sflag:s31] =	ssyncadd.s32 $0xFFFFFF80  }
0x279: {  	_ =	swait.ge [sflag:s31], $0x80  }
0x27a: {  	[sflag:s31] =	ssyncset.done $0x0  }
0x27b: {  	[sflag:s31] =	ssyncadd.s32 $0xFFFFFF80  }
0x27c: {  	_ =	swait.ge [sflag:s31], $0x80  }
0x27d: {  	[sflag:s31] =	ssyncset.done $0x0  }
0x27e: {  	[sflag:s31] =	ssyncadd.s32 $0xFFFFFF80  }
0x27f: {  	[bflag:$0x0] =	sbarrier.arrive $0xFFFF  }
0x280: {  	[tilespmem:s20], [sflag:$0x2] =	stream.linear.gather [spmem:s8], $0x1E90, $0x38;
	[tilespmem:$0x8B90] =	vst v63  }
0x281: {  	_ =	swait.ge [sflag:s16], $0x1E90  }
0x282: {  	[sflag:s16] =	ssyncset.done $0x0  }
0x283: {  	[sflag:s16] =	ssyncadd.s32 $0xFFFFE170  }
0x284: {  	[hbm4b:s12+s4] =	stream.linear.scatter [tilespmem:s20], [sflag:$0x2], $0x1E90, $0x38;
	[tilespmem:$0x8B90] =	vst v63  }
0x285: {  	_ =	swait.ge [sflag:s16], $0x1E90  }
0x286: {  	[sflag:s16] =	ssyncset.done $0x0  }
0x287: {  	[sflag:s16] =	ssyncadd.s32 $0xFFFFE170  }
0x288: {  	[tilespmem:s20], [sflag:$0x2] =	stream.linear.gather [spmem:s10], $0x1E90, $0x38;
	[tilespmem:$0x8B90] =	vst v63  }
0x289: {  	_ =	swait.ge [sflag:s16], $0x1E90  }
0x28a: {  	[sflag:s16] =	ssyncset.done $0x0  }
0x28b: {  	[sflag:s16] =	ssyncadd.s32 $0xFFFFE170  }
0x28c: {  	[hbm4b:s13+s4] =	stream.linear.scatter [tilespmem:s20], [sflag:$0x2], $0x1E90, $0x38;
	[tilespmem:$0x8B90] =	vst v63  }
0x28d: {  	_ =	swait.ge [sflag:s16], $0x1E90  }
0x28e: {  	[sflag:s16] =	ssyncset.done $0x0  }
0x28f: {  	[sflag:s16] =	ssyncadd.s32 $0xFFFFE170  }
0x290: {  	[tilespmem:s20], [sflag:$0x2] =	stream.linear.gather [spmem:s11], $0xEF0, $0x38;
	[tilespmem:$0x8B90] =	vst v63  }
0x291: {  	s1 =	sadd.s32 $0x1, s1;
	_ =	swait.ge [sflag:s16], $0xEF0  }
0x292: {  	p0 =	sne.s32 s1, s15;
	[sflag:s16] =	ssyncset.done $0x0  }
.Ltmp1:
0x293: {  	[sflag:s16] =	ssyncadd.s32 $0xFFFFF110;
	(pc) =	sbr.rel @p0 .LBB2_1-.Ltmp1, $4  }
0x294: {  	[hbm4b:s14+s4] =	stream.linear.scatter [tilespmem:s20], [sflag:$0x2], $0xEF0, $0x38;
	[tilespmem:$0x8B90] =	vst v63  }
0x295: {  	_ =	swait.ge [sflag:s16], $0xEF0  }
0x296: {  	[sflag:s16] =	ssyncset.done $0x0  }
0x297: {  	[sflag:s16] =	ssyncadd.s32 $0xFFFFF110  }
0x298: {  	_ =	sfence.sel $0x180000  }
0x299: {  	[bflag:$0x0] =	sbarrier.arrive $0xFFFF  }
0x29a: {  	_ =	strace $0x90000047  }
0x29b: {  	s0 =	stileid.u32;
	[bflag:$0x2] =	sbarrier.arrive $0xFFFF  }
0x29c: {  	p0 =	sne.s32 s0, $0x0;
	s0 =	rddreg [dreg:$0x4]  }
0x29d: {  	s0 =	sadd.s32 @!p0 $0x100000, s0  }
0x29e: {  	[sflag:s0] =	ssyncadd.tile.s32 @!p0 $0x1;
	_ =	shalt  }
.Lfunc_end2:
_tile_overlayer_lowered:
.L_overlay_start_2:
0x29f: {  	(tag) =	ssettag $0x2  }
0x2a0: {  	s0 =	rddreg [dreg:$0x0];
	s2 =	stileid.u32  }
0x2a1: {  	s1 =	rddreg [dreg:$0x1];
	p0 =	sne.s32 s2, $0x0  }
0x2a2: {  	s3 =	rddreg [dreg:$0x2];
	[bflag:$0x3] =	sbarrier.arrive $0xFFFF;
	s2 =	simm.s32 @!p0 $0x1C02  }
0x2a3: {  	[timem:s3], [sflag:s2] =	dma.local @!p0 [hbm:s0], s1  }
0x2a4: {  	s0 =	simm.s32 @!p0 $0x2  }
0x2a5: {  	_ =	swait.ge @!p0 [sflag:s0], s1  }
0x2a6: {  	s1 =	ssub.s32 @!p0 $0x0, s1;
	[sflag:s0] =	ssyncset.done @!p0 $0x0  }
0x2a7: {  	[sflag:s0] =	ssyncadd.s32 @!p0 s1  }
0x2a8: {  	[bflag:$0x3] =	sbarrier.arrive $0xFFFF  }
0x2a9: {  	_ =	shalt  }

// kernel: kernel.8.cloned.1.call-start
scs
__scs_entry_jumppad:
0x0: {  	(pc) =	sbr.rel $0x88, $3  }
0x1: {  	(tag) =	ssettag $0x0;
	lr =	simm.s32 $0x1  }
0x2: {  	[smem:$0x3F82] =	sst lr;
	_ =	strace $0xD0000000  }
0x3: {  	_ = 	snop  }
0x4: {  	_ = 	snop  }
0x5: {  	_ = 	snop  }
0x6: {  	_ = 	snop  }
0x7: {  	_ = 	snop  }
__scs_overlays_trampoline_lowered:
0x8: {  	[smem:$0x3F91] =	sst s0  }
0x9: {  	[smem:$0x3F92] =	sst s1  }
0xa: {  	[smem:$0x3F93] =	sst s2  }
0xb: {  	[smem:$0x3F94] =	sst s3  }
0xc: {  	[smem:$0x3F95] =	sst s4  }
0xd: {  	[smem:$0x3F96] =	sst s5  }
0xe: {  	[smem:$0x3F97] =	sst s6  }
0xf: {  	[smem:$0x3F98] =	sst s7  }
0x10: {  	[smem:$0x3F99] =	sst s8  }
0x11: {  	[smem:$0x3F9A] =	sst s9;
	s0 =	simm.s32 @!p0 $0x0  }
0x12: {  	s1 =	sld [smem:$0x3F80];
	s0 =	simm.s32 @p0 $0x1  }
0x13: {  	[smem:$0x3F9B] =	sst s0;
	s0 =	simm.s32 @!p1 $0x0  }
0x14: {  	s2 =	sld [smem:$0x3F7F];
	s0 =	simm.s32 @p1 $0x1  }
0x15: {  	[smem:$0x3F9C] =	sst s0;
	s0 =	simm.s32 @!p2 $0x0  }
0x16: {  	s3 =	sld [smem:$0x3FDB];
	s0 =	simm.s32 @p2 $0x1  }
0x17: {  	s4 =	simm.s32 $0x1BF5;
	[smem:$0x3F9E] =	sst s0  }
0x18: {  	s0 =	sld [smem:$0x3F81];
	_ =	swait.ge [sflag:s4], $0x0  }
0x19: {  	s7 =	sld [smem:$0x3F82]  }
0x1a: {  	s8 =	sadd.s32 $0xFFFFE003, lr  }
0x1b: {  	s9 =	sadd.s32 $0xFFFFFEF7, lr;
	s5 =	simm.s32 $0xFFFFFFFF;
	p2 =	slt.u32 s8, $0xFFFFF086  }
0x1c: {  	p1 =	slt.u32 s9, $0xF7A;
	s5 =	simm.s32 @!p2 $0x0  }
0x1d: {  	s5 =	simm.s32 @p1 $0x1;
	p0 =	seq.s32 s7, s2  }
0x1e: {  	s7 =	smul.u32 @!p0 $0xF7A, s2;
	p2 =	seq.s32 @!p0 s5, $0x0  }
0x1f: {  	s9 =	smul.u32 $0xF7A, s1;
	s8 =	simm.s32 @!p0 $0x1BF5;
	p2 =	por !p2, p0  }
0x20: {  	[sflag:s8] =	ssyncset.s32 @!p0 $0xFFFFF086;
	s6 =	sadd.s32 @!p0 s3, s7;
	s7 =	simm.s32 @!p0 $0x108  }
0x21: {  	s3 =	sadd.s32 s3, s9;
	s6 =	sadd.s32 @!p0 $0x88, s6;
	s7 =	simm.s32 @p2 $0x1082  }
0x22: {  	[simem:s7], [sflag:s8] =	dma.local @!p0 [hbm:s6], $0xF7A  }
0x23: {  	s9 =	sor.u32 $0xD0000000, s2;
	s6 =	simm.s32 $0x108;
	_ =	swait.ge @!p0 [sflag:s8], $0x0  }
0x24: {  	s3 =	sadd.s32 $0x88, s3;
	s6 =	simm.s32 @!p1 $0x1082;
	[sflag:s4] =	ssyncset.s32 $0xFFFFF086  }
0x25: {  	[simem:s6], [sflag:s4] =	dma.local [hbm:s3], $0xF7A  }
0x26: {  	[smem:$0x3F82] =	sst s1;
	(tag) =	ssettag s2;
	_ =	strace s9  }
0x27: {  	s1 =	sld [smem:$0x3F92]  }
0x28: {  	s2 =	sld [smem:$0x3F93]  }
0x29: {  	s4 =	sld [smem:$0x3F95]  }
0x2a: {  	p0 =	seq.s32 s5, $0x0;
	s5 =	sld [smem:$0x3F96]  }
0x2b: {  	s6 =	sld [smem:$0x3F97]  }
0x2c: {  	s7 =	sld [smem:$0x3F98]  }
0x2d: {  	s3 =	simm.s32 $0x108;
	s8 =	sld [smem:$0x3F99]  }
0x2e: {  	s3 =	simm.s32 @!p0 $0x1082;
	s9 =	sld [smem:$0x3F9A]  }
0x2f: {  	lr =	sadd.s32 s0, s3;
	s0 =	sld [smem:$0x3F91]  }
0x30: {  	s3 =	sld [smem:$0x3F94]  }
0x31: {  	[smem:$0x3F9D] =	sst s10  }
0x32: {  	s10 =	sld [smem:$0x3F9B];
	_ =	sdelay $0x3  }
0x33: {  	p0 =	seq.s32 s10, $0x1;
	s10 =	sld [smem:$0x3F9D];
	_ =	sdelay $0x3  }
0x34: {  	[smem:$0x3F9D] =	sst s10  }
0x35: {  	s10 =	sld [smem:$0x3F9C];
	_ =	sdelay $0x3  }
0x36: {  	p1 =	seq.s32 s10, $0x1;
	s10 =	sld [smem:$0x3F9D];
	_ =	sdelay $0x3  }
0x37: {  	[smem:$0x3F9D] =	sst s10  }
0x38: {  	s10 =	sld [smem:$0x3F9E]  }
0x39: {  	_ = 	snop;
	(pc) =	sbr.ind lr, $3  }
0x3a: {  	_ = 	snop  }
0x3b: {  	_ = 	snop  }
0x3c: {  	p2 =	seq.s32 s10, $0x1;
	s10 =	sld [smem:$0x3F9D]  }
0x3d: {  	_ =	shalt  }
0x3e: {  	_ =	shalt  }
0x3f: {  	_ =	shalt  }
0x40: {  	_ =	shalt  }
0x41: {  	_ =	shalt  }
0x42: {  	_ =	shalt  }
0x43: {  	_ =	shalt  }
0x44: {  	_ =	shalt  }
0x45: {  	_ =	shalt  }
0x46: {  	_ =	shalt  }
0x47: {  	_ =	shalt  }
0x48: {  	_ =	shalt  }
0x49: {  	_ =	shalt  }
0x4a: {  	_ =	shalt  }
0x4b: {  	_ =	shalt  }
0x4c: {  	_ =	shalt  }
0x4d: {  	_ =	shalt  }
0x4e: {  	_ =	shalt  }
0x4f: {  	_ =	shalt  }
0x50: {  	_ =	shalt  }
0x51: {  	_ =	shalt  }
0x52: {  	_ =	shalt  }
0x53: {  	_ =	shalt  }
0x54: {  	_ =	shalt  }
0x55: {  	_ =	shalt  }
0x56: {  	_ =	shalt  }
0x57: {  	_ =	shalt  }
0x58: {  	_ =	shalt  }
0x59: {  	_ =	shalt  }
0x5a: {  	_ =	shalt  }
0x5b: {  	_ =	shalt  }
0x5c: {  	_ =	shalt  }
0x5d: {  	_ =	shalt  }
0x5e: {  	_ =	shalt  }
0x5f: {  	_ =	shalt  }
0x60: {  	_ =	shalt  }
0x61: {  	_ =	shalt  }
0x62: {  	_ =	shalt  }
0x63: {  	_ =	shalt  }
0x64: {  	_ =	shalt  }
0x65: {  	_ =	shalt  }
0x66: {  	_ =	shalt  }
0x67: {  	_ =	shalt  }
0x68: {  	_ =	shalt  }
0x69: {  	_ =	shalt  }
0x6a: {  	_ =	shalt  }
0x6b: {  	_ =	shalt  }
0x6c: {  	_ =	shalt  }
0x6d: {  	_ =	shalt  }
0x6e: {  	_ =	shalt  }
0x6f: {  	_ =	shalt  }
0x70: {  	_ =	shalt  }
0x71: {  	_ =	shalt  }
0x72: {  	_ =	shalt  }
0x73: {  	_ =	shalt  }
0x74: {  	_ =	shalt  }
0x75: {  	_ =	shalt  }
0x76: {  	_ =	shalt  }
0x77: {  	_ =	shalt  }
0x78: {  	_ =	shalt  }
0x79: {  	_ =	shalt  }
0x7a: {  	_ =	shalt  }
0x7b: {  	_ =	shalt  }
0x7c: {  	_ =	shalt  }
0x7d: {  	_ =	shalt  }
0x7e: {  	_ =	shalt  }
0x7f: {  	_ =	shalt  }
0x80: {  	_ =	shalt  }
0x81: {  	_ =	shalt  }
0x82: {  	_ =	shalt  }
0x83: {  	_ =	shalt  }
0x84: {  	_ =	shalt  }
0x85: {  	_ =	shalt  }
0x86: {  	_ =	shalt  }
0x87: {  	_ =	shalt  }
.Lfunc_end0:
.L_simem_size_0:
called_computation.1_lowered:
.L_overlay_start_0:
0x88: {  	s2 =	sld [smem:$0x3FD9]  }
0x89: {  	s3 =	sld [smem:$0x3FFE];
	_ =	sdelay $0x1  }
0x8a: {  	s1 =	srdreg.scid  }
0x8b: {  	s0 =	sand.u32 $0x1, s1  }
0x8c: {  	s17 =	sshll.u32 s0, $0xA;
	s2 =	sadd.s32 s3, s2  }
0x8d: {  	s2 =	sadd.s32 s2, s17  }
0x8e: {  	[smem:$0x3FA9] =	sst s2  }
0x8f: {  	_ = 	snop  }
0x90: {  	s2 =	sld [smem:$0x3FD0];
	(tm) =	ssettm $0x1  }
0x91: {  	s18 =	sld [smem:$0x3FFB];
	_ =	sdelay $0x3  }
0x92: {  	_ =	strace s18  }
0x93: {  	s3 =	sld [smem:$0x3FFC];
	_ =	sdelay $0x3  }
0x94: {  	_ =	strace s3  }
0x95: {  	s3 =	sld [smem:$0x3FFD];
	_ =	sdelay $0x3  }
0x96: {  	_ =	strace s3  }
0x97: {  	_ =	strace $0x8FFFFFFF  }
0x98: {  	s19 =	sld [smem:$0x3FDB];
	_ =	sdelay $0x1  }
0x99: {  	s4 =	simm.s32 $_scs_section_size  }
0x9a: {  	s5 =	simm.s32 $_size__tile_overlayer_lowered;
	s6 =	simm.s32 $_tile_overlayer_lowered  }
0x9b: {  	s22 =	simm.s32 $0x1BFF;
	s21 =	sshll.u32 s6, $0x1;
	s3 =	sadd.s32 s4, s19  }
0x9c: {  	s7 =	simm.s32 $0x0;
	s20 =	sshll.u32 s5, $0x1;
	s5 =	sadd.s32 s21, s3  }
0x9d: {  	[timem:s7], [sflag:s22] =	dma.local [hbm:s5], s20  }
0x9e: {  	_ =	swait.ge [sflag:s22], s20  }
0x9f: {  	s4 =	ssub.s32 $0x0, s20;
	[sflag:s22] =	ssyncset.done $0x0  }
0xa0: {  	[sflag:s22] =	ssyncadd.s32 s4;
	_ =	sdelay $0x1  }
0xa1: {  	s23 =	simm.s32 $0x1B8B  }
0xa2: {  	_ =	swait.ge [sflag:s23], $0x1  }
0xa3: {  	[sflag:s23] =	ssyncset.done $0x0  }
0xa4: {  	s25 =	simm.s32 $0x1B8E;
	s24 =	sld [smem:$0x3FFE];
	[sflag:s23] =	ssyncadd.s32 $0xFFFFFFFF  }
0xa5: {  	s26 =	simm.s32 $execute0_lowered;
	[smem:$0x3FD2] =	sst s25  }
0xa6: {  	s5 =	sshll.u32 s26, $0x1;
	_ =	strace $0x80000049;
	[dreg:$0x1] =	wrdreg $0xFFFFFFFF  }
0xa7: {  	s28 =	simm.s32 $_size_execute0_lowered;
	s3 =	sadd.s32 s3, s5;
	[dreg:$0x0] =	wrdreg $0x0  }
0xa8: {  	s5 =	sshll.u32 s28, $0x1;
	[dreg:$0x2] =	wrdreg s3  }
0xa9: {  	[dreg:$0x3] =	wrdreg s5  }
0xaa: {  	[dreg:$0x4] =	wrdreg $0xC0  }
0xab: {  	_ =	task [dreg:s7], $0x5FFFF  }
0xac: {  	[dreg:$0x1] =	wrdreg $0xFFFFFFFF  }
0xad: {  	[dreg:$0x0] =	wrdreg $0x60  }
0xae: {  	[dreg:$0x2] =	wrdreg s24  }
0xaf: {  	[dreg:$0x3] =	wrdreg s2  }
0xb0: {  	[dreg:$0x4] =	wrdreg $0x9  }
0xb1: {  	_ =	task.clear_ibuf [dreg:s7], $0x5FFFF;
	_ =	strace $0x90000049  }
0xb2: {  	s29 =	simm.s32 $0x9;
	_ =	strace $0x8000004B  }
0xb3: {  	_ =	swait.ge [sflag:s29], $0x1  }
0xb4: {  	[sflag:s29] =	ssyncadd.s32 $0xFFFFFFFF  }
0xb5: {  	_ =	strace $0x9000004B  }
0xb6: {  	_ =	sfence  }
0xb7: {  	s30 =	sld [smem:$0x0];
	_ =	sdelay $0x2  }
0xb8: {  	s31 =	sshll.u32 s1, $0xD;
	s1 =	sshrl.u32 s1, $0x2  }
0xb9: {  	s3 =	sand.u32 $0x4000, s31;
	s1 =	sadd.s32 s1, s30  }
0xba: {  	s0 =	sor.u32 s3, s0;
	s1 =	sshll.u32 s1, $0x11  }
0xbb: {  	s0 =	sor.u32 s1, s0  }
0xbc: {  	s0 =	sadd.s32 $0x8F2B, s0  }
0xbd: {  	[sflag:s0] =	ssyncadd.remote.s32 $0x1  }
0xbe: {  	_ =	sfence.sel $0xFFFF  }
0xbf: {  	[dreg:$0x0] =	wrdreg $0xFFFFFFFF;
	(pc) =	sbr.abs _section_cstart, $3  }
0xc0: {  	[dreg:$0x1] =	wrdreg $0xFFFFFFFF  }
0xc1: {  	_ =	task.clear_ibuf [dreg:s7], $0x2FFFF;
	_ =	strace $0x9FFFFFFF  }
0xc2: {  	(tm) =	ssettm $0x7FFFFFFF  }
0xc3: {  	_ =	shalt  }
tec
execute0_lowered:
.L_overlay_start_1:
0x0: {  	(tag) =	ssettag $0x1  }
0x1: {  	s1 =	srdreg.scid  }
0x2: {  	s0 =	stileid.u32;
	s3 =	rddreg [dreg:$0x0]  }
0x3: {  	s6 =	rddreg [dreg:$0x1];
	s2 =	simm.s32 $0x0;
	s9 =	simm.s32 $0x780  }
0x4: {  	s10 =	simm.s32 $0x740;
	s4 =	sand.u32 $0x1, s1;
	s31 =	sshll.u32 s0, $0x1  }
0x5: {  	s11 =	simm.s32 $0xF00;
	s12 =	simm.s32 $0x1;
	s5 =	sor.u32 s4, s31  }
0x6: {  	s1 =	rddreg [dreg:$0x2];
	s4 =	ssub.s32 $0x2, s4;
	s7 =	smul.u32 $0xE8, s5  }
0x7: {  	s13 =	simm.s32 $0x0;
	[smem:$0x7FF] =	sst s2;
	s8 =	sshrl.u32 s4, $0x1  }
0x8: {  	_ =	strace $0x8000004A;
	s8 =	ssub.s32 s4, s8;
	s5 =	sadd.s32 s7, s3  }
0x9: {  	s3 =	sadd.s32 $0x4200, s3;
	s6 =	sadd.s32 s6, s7;
	s7 =	smax.u32 s8, $0x1  }
0xa: {  	s8 =	simm.s32 $0x2;
	s4 =	sadd.s32 $0x1BA00, s5;
	s5 =	sadd.s32 $0x1DA00, s5  }
.LBB2_1:
0xb: {  	[tilespmem:s2], [sflag:$0x2] =	stream.linear.gather [hbm4b:s4+s2], $0x740, $0x38;
	[tilespmem:$0x1680] =	vst v63  }
0xc: {  	_ =	swait.ge [sflag:s8], $0x740  }
0xd: {  	[sflag:s8] =	ssyncset.done $0x0  }
0xe: {  	[sflag:s8] =	ssyncadd.s32 $0xFFFFF8C0  }
0xf: {  	[tilespmem:s9], [sflag:$0x2] =	stream.linear.gather [hbm4b:s5+s2], $0x740, $0x38;
	[tilespmem:$0x1680] =	vst v63  }
0x10: {  	_ =	swait.ge [sflag:s8], $0x740  }
0x11: {  	[sflag:s8] =	ssyncset.done $0x0  }
0x12: {  	s14 =	simm.s32 $0x0;
	s15 =	simm.s32 $0x40;
	[sflag:s8] =	ssyncadd.s32 $0xFFFFF8C0  }
.LBB2_2:
0x13: {  	p0 =	sne.s32 s15, $0x1CC0;
	v0 =	vld [tilespmem:s14+$0x0];
	_ =	sdelay $0x1  }
0x14: {  	v1 =	vld [tilespmem:s14+$0x780];
	_ =	sdelay $0x1  }
.Ltmp0:
0x15: {  	(pc) =	sbr.rel @p0 .LBB2_2-.Ltmp0, $3  }
0x16: {  	v0 =	vmul.u32 $0xE0, v0;
	_ =	sdelay $0x1  }
0x17: {  	v0 =	vadd.s32 v1, v0  }
0x18: {  	[tilespmem:s14+$0x0] =	vst v0;
	s14 =	sshra.s32 s15, $0x2;
	s15 =	sadd.s32 $0x40, s15  }
0x19: {  	v0 =	vld [tilespmem:s14+$0x0];
	_ =	sdelay $0x1  }
0x1a: {  	v1 =	vld [tilespmem:s14+$0x780];
	_ =	sdelay $0x2  }
0x1b: {  	v0 =	vmul.u32 $0xE0, v0;
	_ =	sdelay $0x1  }
0x1c: {  	v0 =	vadd.s32 v1, v0  }
0x1d: {  	[tilespmem:s14+$0x0] =	vst v0  }
0x1e: {  	[tilespmem:s11], [sflag:$0x1] =	stream.indirect.gather [hbm4b:s3+s10], $0x1, s2, s10, $0xb8;
	[tilespmem:$0x1680] =	vst v63  }
0x1f: {  	s13 =	sadd.s32 $0x1, s13;
	_ =	swait.ge [sflag:s12], $0x740  }
0x20: {  	p0 =	sne.s32 s13, s7;
	[sflag:s12] =	ssyncset.done $0x0  }
.Ltmp1:
0x21: {  	[sflag:s12] =	ssyncadd.s32 $0xFFFFF8C0;
	(pc) =	sbr.rel @p0 .LBB2_1-.Ltmp1, $4  }
0x22: {  	[hbm4b:s6+s2] =	stream.linear.scatter [tilespmem:s11], [sflag:$0x2], $0x740, $0x38;
	[tilespmem:$0x1680] =	vst v63  }
0x23: {  	_ =	swait.ge [sflag:s8], $0x740  }
0x24: {  	[sflag:s8] =	ssyncset.done $0x0  }
0x25: {  	[sflag:s8] =	ssyncadd.s32 $0xFFFFF8C0  }
0x26: {  	_ =	sfence.sel $0x180000  }
0x27: {  	[bflag:$0x0] =	sbarrier.arrive $0xFFFF  }
0x28: {  	p0 =	sne.s32 s0, $0x0;
	_ =	strace $0x9000004A  }
0x29: {  	s0 =	sadd.s32 @!p0 $0x100000, s1;
	[bflag:$0x2] =	sbarrier.arrive $0xFFFF  }
0x2a: {  	[sflag:s0] =	ssyncadd.tile.s32 @!p0 $0x1;
	_ =	shalt  }
.Lfunc_end2:
_tile_overlayer_lowered:
.L_overlay_start_2:
0x2b: {  	(tag) =	ssettag $0x2  }
0x2c: {  	s0 =	rddreg [dreg:$0x0];
	s2 =	stileid.u32  }
0x2d: {  	s1 =	rddreg [dreg:$0x1];
	p0 =	sne.s32 s2, $0x0  }
0x2e: {  	s3 =	rddreg [dreg:$0x2];
	[bflag:$0x3] =	sbarrier.arrive $0xFFFF;
	s2 =	simm.s32 @!p0 $0x1C02  }
0x2f: {  	[timem:s3], [sflag:s2] =	dma.local @!p0 [hbm:s0], s1  }
0x30: {  	s0 =	simm.s32 @!p0 $0x2  }
0x31: {  	_ =	swait.ge @!p0 [sflag:s0], s1  }
0x32: {  	s1 =	ssub.s32 @!p0 $0x0, s1;
	[sflag:s0] =	ssyncset.done @!p0 $0x0  }
0x33: {  	[sflag:s0] =	ssyncadd.s32 @!p0 s1  }
0x34: {  	[bflag:$0x3] =	sbarrier.arrive $0xFFFF  }
0x35: {  	_ =	shalt  }

</sc_bundles>
